<compile_context>
chip_gen: v7x
topology: tpu7x:2x2x1
jax: 0.10.2.dev20260603
libtpu: 0.0.44.dev20260713+nightly
codegen_flags: <defaults>
</compile_context>

<pallas_src>
import functools

import jax
import jax.numpy as jnp
from jax import lax
from jax.experimental import pallas as pl
from jax.experimental.pallas import tpu as pltpu
from jax.experimental.pallas import tpu_sc as plsc

N = 10000
E = 320000
F = 128
A = 16
OUT = 256
LANES = 128
EPS = 1e-5

NCHUNK = 2
EC = E // NCHUNK
EC_PAD = 163840
SLABS_C = EC_PAD // LANES
NW = 32
WSLABS = SLABS_C // NW
GB = 2
NGB = WSLABS // GB
NSC = WSLABS
N_ACC = N + 16
T2 = 3200
T3 = 2560

_MESH = plsc.VectorSubcoreMesh(core_axis_name="c", subcore_axis_name="s")



def _gather_body(x_hbm, gsrc_hbm, gdst_hbm, xi_hbm, xj_hbm, idx_v, rows_v,
                 gsem0, gsem1, wsem0, wsem1):
    wid = lax.axis_index("s") * 2 + lax.axis_index("c")
    gsems = (gsem0, gsem1)
    wsems = (wsem0, wsem1)

    def do_one(idx2d, out_hbm):
        base = wid * WSLABS

        def load_fire(g, b):
            pltpu.sync_copy(idx2d.at[pl.ds(base + g * GB, GB)], idx_v.at[b])
            for j in range(GB):
                pltpu.async_copy(
                    x_hbm.at[idx_v.at[b, j]],
                    rows_v.at[b, pl.ds(j * LANES, LANES)],
                    gsems[b],
                )

        def wait_gather(b):
            for j in range(GB):
                pltpu.make_async_copy(
                    x_hbm.at[idx_v.at[b, j]],
                    rows_v.at[b, pl.ds(j * LANES, LANES)],
                    gsems[b],
                ).wait()

        def out_slice(g):
            return out_hbm.at[pl.ds((base + g * GB) * LANES, GB * LANES)]

        load_fire(0, 0)

        def body(k, carry):
            for b in range(2):
                g = k * 2 + b
                wait_gather(b)

                @pl.when(g >= 1)
                def _():
                    pltpu.make_async_copy(
                        rows_v.at[1 - b], out_slice(g - 1), wsems[1 - b]
                    ).wait()

                @pl.when(g + 1 < NGB)
                def _():
                    load_fire(g + 1, 1 - b)

                pltpu.async_copy(rows_v.at[b], out_slice(g), wsems[b])
            return carry

        lax.fori_loop(0, NGB // 2, body, 0)
        pltpu.make_async_copy(
            rows_v.at[1], out_slice(NGB - 1), wsems[1]).wait()

    do_one(gsrc_hbm, xi_hbm)
    do_one(gdst_hbm, xj_hbm)


_gather_call = functools.partial(
    pl.kernel,
    out_type=(
        jax.ShapeDtypeStruct((EC_PAD, F), jnp.float32),
        jax.ShapeDtypeStruct((EC_PAD, F), jnp.float32),
    ),
    mesh=_MESH,
    scratch_types=[
        pltpu.VMEM((2, GB, LANES), jnp.int32),
        pltpu.VMEM((2, GB * LANES, F), jnp.float32),
        pltpu.SemaphoreType.DMA,
        pltpu.SemaphoreType.DMA,
        pltpu.SemaphoreType.DMA,
        pltpu.SemaphoreType.DMA,
    ],
)(_gather_body)



def _z_block(xi_ref, xj_ref, ea_ref, w1_ref, w2_ref, w3_ref, b_ref, rows):
    del rows
    f32 = jnp.float32
    return (
        jnp.dot(xi_ref[...], w1_ref[...], preferred_element_type=f32)
        + jnp.dot(xj_ref[...], w2_ref[...], preferred_element_type=f32)
        + jnp.dot(ea_ref[...], w3_ref[...], preferred_element_type=f32)
        + b_ref[0:1, :]
    )


def _stats_body(xi_ref, xj_ref, ea_ref, w1_ref, w2_ref, w3_ref, b_ref,
                s_ref, ss_ref):
    z = _z_block(xi_ref, xj_ref, ea_ref, w1_ref, w2_ref, w3_ref, b_ref, T2)
    ones8 = jnp.ones((8, T2), jnp.float32)
    s8 = jnp.dot(ones8, z, preferred_element_type=jnp.float32)
    ss8 = jnp.dot(ones8, z * z, preferred_element_type=jnp.float32)

    @pl.when(pl.program_id(0) == 0)
    def _():
        s_ref[...] = jnp.zeros_like(s_ref)
        ss_ref[...] = jnp.zeros_like(ss_ref)

    s_ref[...] += s8
    ss_ref[...] += ss8


def _stats_call(xi, xj, ea, w1, w2, w3, bb):
    return pl.pallas_call(
        _stats_body,
        grid=(EC // T2,),
        in_specs=[
            pl.BlockSpec((T2, F), lambda i: (i, 0)),
            pl.BlockSpec((T2, F), lambda i: (i, 0)),
            pl.BlockSpec((T2, A), lambda i: (i, 0)),
            pl.BlockSpec((F, OUT), lambda i: (0, 0)),
            pl.BlockSpec((F, OUT), lambda i: (0, 0)),
            pl.BlockSpec((A, OUT), lambda i: (0, 0)),
            pl.BlockSpec((8, OUT), lambda i: (0, 0)),
        ],
        out_specs=[
            pl.BlockSpec((8, OUT), lambda i: (0, 0)),
            pl.BlockSpec((8, OUT), lambda i: (0, 0)),
        ],
        out_shape=[
            jax.ShapeDtypeStruct((8, OUT), jnp.float32),
            jax.ShapeDtypeStruct((8, OUT), jnp.float32),
        ],
        compiler_params=pltpu.CompilerParams(
            dimension_semantics=("arbitrary",)),
    )(xi, xj, ea, w1, w2, w3, bb)



def _msg_body(xi_ref, xj_ref, ea_ref, w1_ref, w2_ref, w3_ref, b_ref, msg_ref):
    z = _z_block(xi_ref, xj_ref, ea_ref, w1_ref, w2_ref, w3_ref, b_ref, T3)
    filt = jax.nn.sigmoid(z[:, :F])
    core = jax.nn.softplus(z[:, F:])
    msg_ref[...] = filt * core


def _msg_call(xi, xj, ea, w1f, w2f, w3f, bbf):
    return pl.pallas_call(
        _msg_body,
        grid=(EC_PAD // T3,),
        in_specs=[
            pl.BlockSpec((T3, F), lambda i: (i, 0)),
            pl.BlockSpec((T3, F), lambda i: (i, 0)),
            pl.BlockSpec((T3, A), lambda i: (i, 0)),
            pl.BlockSpec((F, OUT), lambda i: (0, 0)),
            pl.BlockSpec((F, OUT), lambda i: (0, 0)),
            pl.BlockSpec((A, OUT), lambda i: (0, 0)),
            pl.BlockSpec((8, OUT), lambda i: (0, 0)),
        ],
        out_specs=pl.BlockSpec((T3, F), lambda i: (i, 0)),
        out_shape=jax.ShapeDtypeStruct((EC_PAD, F), jnp.float32),
        compiler_params=pltpu.CompilerParams(
            dimension_semantics=("parallel",)),
    )(xi, xj, ea, w1f, w2f, w3f, bbf)



def _scatter_body(msg_hbm, ssrc_hbm, zero_hbm, out_hbm, idx_v, rows_v, acc,
                  lsem0, lsem1):
    cid = lax.axis_index("c")
    sid = lax.axis_index("s")
    wid = sid * 2 + cid
    lsems = (lsem0, lsem1)
    base = wid * WSLABS

    @pl.when(sid == 0)
    def _():
        pltpu.sync_copy(zero_hbm, acc)

    plsc.subcore_barrier()

    def load_fire(g, b):
        pltpu.sync_copy(ssrc_hbm.at[pl.ds(base + g, 1)], idx_v.at[b])
        pltpu.async_copy(
            msg_hbm.at[pl.ds((base + g) * LANES, LANES)],
            rows_v.at[b],
            lsems[b],
        )

    load_fire(0, 0)

    def body(k, carry):
        for b in range(2):
            g = k * 2 + b
            pltpu.make_async_copy(
                msg_hbm.at[pl.ds((base + g) * LANES, LANES)],
                rows_v.at[b],
                lsems[b],
            ).wait()

            @pl.when(g + 1 < NSC)
            def _():
                load_fire(g + 1, 1 - b)

            pltpu.sync_copy(rows_v.at[b], acc.at[idx_v.at[b, 0]], add=True)
        return carry

    lax.fori_loop(0, NSC // 2, body, 0)
    plsc.subcore_barrier()

    @pl.when(sid == 0)
    def _():
        pltpu.sync_copy(acc.at[pl.ds(0, N)], out_hbm.at[cid])


_scatter_call = functools.partial(
    pl.kernel,
    out_type=jax.ShapeDtypeStruct((2, N, F), jnp.float32),
    mesh=_MESH,
    scratch_types=[
        pltpu.VMEM((2, 1, LANES), jnp.int32),
        pltpu.VMEM((2, LANES, F), jnp.float32),
        pltpu.VMEM_SHARED((N_ACC, F), jnp.float32),
        pltpu.SemaphoreType.DMA,
        pltpu.SemaphoreType.DMA,
    ],
)(_scatter_body)



def _bn2_body(pa_ref, pb_ref, g2_ref, b2_ref, out_ref):
    zsum = (pa_ref[0] + pa_ref[1]) + (pb_ref[0] + pb_ref[1])
    mu = jnp.mean(zsum, axis=0, keepdims=True)
    var = jnp.mean((zsum - mu) ** 2, axis=0, keepdims=True)
    out_ref[...] = (zsum - mu) * lax.rsqrt(var + EPS) * g2_ref[0:1, :] + b2_ref[0:1, :]


def _bn2_call(parts, g2, b2):
    return pl.pallas_call(
        _bn2_body,
        out_shape=jax.ShapeDtypeStruct((N, F), jnp.float32),
    )(*parts, g2, b2)



def _chunk_indices(src_c, dst_c):
    npad = EC_PAD - EC
    pad_g = jnp.arange(npad, dtype=jnp.int32) % N
    gsrc = jnp.concatenate([src_c, pad_g]).reshape(SLABS_C, LANES)
    gdst = jnp.concatenate([dst_c, pad_g]).reshape(SLABS_C, LANES)
    pad_s = N + (jnp.arange(npad, dtype=jnp.int32) % 16)
    ssrc = jnp.concatenate([src_c, pad_s]).reshape(SLABS_C, LANES)
    return gsrc, gdst, ssrc


def kernel(x, edge_index, edge_attr, W, b, gamma1, beta1, gamma2, beta2):
    src = edge_index[0].astype(jnp.int32)
    dst = edge_index[1].astype(jnp.int32)
    npad = EC_PAD - EC

    w1 = W[:F]
    w2 = W[F:2 * F]
    w3 = W[2 * F:]
    bb = jnp.broadcast_to(b, (8, OUT))
    zero_pad_ea = jnp.zeros((npad, A), jnp.float32)

    chunks = []
    for ci in range(NCHUNK):
        lo = ci * EC
        gsrc, gdst, ssrc = _chunk_indices(
            lax.dynamic_slice_in_dim(src, lo, EC),
            lax.dynamic_slice_in_dim(dst, lo, EC))
        ea_c = jnp.concatenate(
            [lax.dynamic_slice_in_dim(edge_attr, lo, EC), zero_pad_ea], axis=0)
        xi, xj = _gather_call(x, gsrc, gdst)
        s8, ss8 = _stats_call(xi, xj, ea_c, w1, w2, w3, bb)
        chunks.append((xi, xj, ea_c, ssrc, s8[0], ss8[0]))

    s = sum(c[4] for c in chunks[1:]) + chunks[0][4]
    ss = sum(c[5] for c in chunks[1:]) + chunks[0][5]
    mu = s / E
    var = ss / E - mu * mu
    scale1 = gamma1 * lax.rsqrt(var + EPS)
    shift1 = beta1 - mu * scale1
    w1f = w1 * scale1
    w2f = w2 * scale1
    w3f = w3 * scale1
    bbf = jnp.broadcast_to(b * scale1 + shift1, (8, OUT))

    zero = jnp.zeros((N_ACC, F), jnp.float32)
    parts = []
    for (xi, xj, ea_c, ssrc, _, _) in chunks:
        msg = _msg_call(xi, xj, ea_c, w1f, w2f, w3f, bbf)
        parts.append(_scatter_call(msg, ssrc, zero))

    g2 = jnp.broadcast_to(gamma2, (8, F))
    b2 = jnp.broadcast_to(beta2, (8, F))
    return _bn2_call(parts, g2, b2)

# --- scband reference (transcript-rebuilt; emitter-appended) ---
"""Pipeline reference for scband-cgconv-17918603558964 (READ-ONLY COPY).

The authoritative reference and input builder live on the scoring server;
editing this copy changes nothing except your own understanding.
"""

import jax, jax.numpy as jnp
import numpy as np

N_NODES = 10000
N_EDGES = 320000
ATOM_FEA = 128
NBR_FEA = 16


def setup_inputs(seed: int = 0) -> dict:
    key = jax.random.key(seed)
    k = jax.random.split(key, 10)
    x = jax.random.normal(k[0], (N_NODES, ATOM_FEA), dtype=jnp.float32)
    edge_index = jax.random.randint(k[1], (2, N_EDGES), 0, N_NODES, dtype=jnp.int64 if jax.config.jax_enable_x64 else jnp.int32)
    edge_attr = jax.random.normal(k[2], (N_EDGES, NBR_FEA), dtype=jnp.float32)
    in_dim = 2 * ATOM_FEA + NBR_FEA
    out_dim = 2 * ATOM_FEA
    bound = 1.0 / np.sqrt(in_dim)
    W = jax.random.uniform(k[3], (in_dim, out_dim), minval=-bound, maxval=bound, dtype=jnp.float32)
    b = jax.random.uniform(k[4], (out_dim,), minval=-bound, maxval=bound, dtype=jnp.float32)
    gamma1 = jnp.ones((out_dim,), dtype=jnp.float32)
    beta1 = jnp.zeros((out_dim,), dtype=jnp.float32)
    gamma2 = jnp.ones((ATOM_FEA,), dtype=jnp.float32)
    beta2 = jnp.zeros((ATOM_FEA,), dtype=jnp.float32)
    return {"x": x, "edge_index": edge_index, "edge_attr": edge_attr, "W": W, "b": b,
            "gamma1": gamma1, "beta1": beta1, "gamma2": gamma2, "beta2": beta2}


def _batchnorm(z, gamma, beta, eps=1e-5):
    mu = jnp.mean(z, axis=0)
    var = jnp.var(z, axis=0)
    return (z - mu) / jnp.sqrt(var + eps) * gamma + beta


def reference(x, edge_index, edge_attr, W, b, gamma1, beta1, gamma2, beta2):
    xi = jnp.take(x, edge_index[0], axis=0)
    xj = jnp.take(x, edge_index[1], axis=0)
    total_nbr_fea = jnp.concatenate([xi, xj, edge_attr], axis=-1)
    total_gated_fea = total_nbr_fea @ W + b
    total_gated_fea = _batchnorm(total_gated_fea, gamma1, beta1)
    nbr_filter, nbr_core = jnp.split(total_gated_fea, 2, axis=-1)
    nbr_filter = jax.nn.sigmoid(nbr_filter)
    nbr_core = jax.nn.softplus(nbr_core)
    nbr_message = nbr_filter * nbr_core
    nbr_sumed = jax.ops.segment_sum(nbr_message, edge_index[0], num_segments=x.shape[0])
    nbr_sumed = _batchnorm(nbr_sumed, gamma2, beta2)
    return nbr_sumed

if __name__ == "__main__":
    import jax
    _d = setup_inputs()
    print(jax.jit(kernel)(*tuple(_d.values())))

</pallas_src>

<mosaic_0001>
#map = affine_map<(d0, d1) -> (0, 0)>
module attributes {stable_mosaic.version = 14 : i64} {
  func.func @_gather_body(%arg0: i32, %arg1: i32, %arg2: memref<10000x128xf32, #tpu.memory_space<hbm>>, %arg3: memref<1280x128xi32, #tpu.memory_space<hbm>>, %arg4: memref<1280x128xi32, #tpu.memory_space<hbm>>, %arg5: memref<163840x128xf32, #tpu.memory_space<hbm>>, %arg6: memref<163840x128xf32, #tpu.memory_space<hbm>>, %arg7: memref<2x2x128xi32, #tpu.memory_space<vmem>>, %arg8: memref<2x256x128xf32, #tpu.memory_space<vmem>>, %arg9: memref<!tpu.dma_semaphore, #tpu.memory_space<semaphore_mem>>, %arg10: memref<!tpu.dma_semaphore, #tpu.memory_space<semaphore_mem>>, %arg11: memref<!tpu.dma_semaphore, #tpu.memory_space<semaphore_mem>>, %arg12: memref<!tpu.dma_semaphore, #tpu.memory_space<semaphore_mem>>) attributes {dimension_semantics = [#tpu.dimension_semantics<core_parallel>, #tpu.dimension_semantics<subcore_parallel>], iteration_bounds = array<i64: 2, 16>, scalar_prefetch = 0 : i64, scratch_operands = 6 : i64, tpu.core_type = #tpu.core_type<sc_vector_subcore>, window_params = [{transform_indices = #map}, {transform_indices = #map}, {transform_indices = #map}, {transform_indices = #map}, {transform_indices = #map}]} {
    %mul3A = arith.constant 2 : i32
    %mul3A_0 = arith.muli %arg1, %mul3A : i32
    %add3A = arith.addi %mul3A_0, %arg0 : i32
    %mul3A_1 = arith.constant 40 : i32
    %mul3A_2 = arith.muli %add3A, %mul3A_1 : i32
    %add3A_3 = arith.constant 0 : i32
    %add3A_4 = arith.addi %mul3A_2, %add3A_3 : i32
    %run_scoped3A = arith.constant 0 : i32
    "tpu.region"() ({
      %run_scoped3A_105 = tpu.sem_alloc : memref<!tpu.dma_semaphore, #tpu.memory_space<semaphore_mem>>
      %dma_start3A_106 = arith.constant 0 : i32
      %dma_start3A_107 = arith.constant 0 : i32
      %dma_start3A_108 = tpu.memref_slice %arg7[%run_scoped3A, %dma_start3A_106, %dma_start3A_107] : memref<2x2x128xi32, #tpu.memory_space<vmem>> -> memref<1x2x128xi32, #tpu.memory_space<vmem>>
      %dma_start3A_109 = tpu.memref_squeeze %dma_start3A_108 : memref<1x2x128xi32, #tpu.memory_space<vmem>> -> memref<2x128xi32, #tpu.memory_space<vmem>>
      %dma_start3A_110 = arith.constant 0 : i32
      %dma_start3A_111 = tpu.memref_slice %arg3[%add3A_4, %dma_start3A_110] : memref<1280x128xi32, #tpu.memory_space<hbm>> -> memref<2x128xi32, #tpu.memory_space<hbm>>
      %dma_start3A_112 = arith.constant 0 : i32
      %dma_start3A_113 = arith.constant 0 : i32
      %dma_start3A_114 = tpu.memref_slice %arg7[%run_scoped3A, %dma_start3A_112, %dma_start3A_113] : memref<2x2x128xi32, #tpu.memory_space<vmem>> -> memref<1x2x128xi32, #tpu.memory_space<vmem>>
      %dma_start3A_115 = tpu.memref_squeeze %dma_start3A_114 : memref<1x2x128xi32, #tpu.memory_space<vmem>> -> memref<2x128xi32, #tpu.memory_space<vmem>>
      %dma_start3A_116 = arith.constant 0 : i32
      %dma_start3A_117 = tpu.memref_slice %arg3[%add3A_4, %dma_start3A_116] : memref<1280x128xi32, #tpu.memory_space<hbm>> -> memref<2x128xi32, #tpu.memory_space<hbm>>
      tpu.enqueue_dma source(%dma_start3A_117 : memref<2x128xi32, #tpu.memory_space<hbm>>) target(%dma_start3A_115 : memref<2x128xi32, #tpu.memory_space<vmem>>) target_semaphore(%run_scoped3A_105 : memref<!tpu.dma_semaphore, #tpu.memory_space<semaphore_mem>>)
      %dma_wait3A_118 = arith.constant 0 : i32
      %dma_wait3A_119 = arith.constant 0 : i32
      %dma_wait3A_120 = tpu.memref_slice %arg7[%run_scoped3A, %dma_wait3A_118, %dma_wait3A_119] : memref<2x2x128xi32, #tpu.memory_space<vmem>> -> memref<1x2x128xi32, #tpu.memory_space<vmem>>
      %dma_wait3A_121 = tpu.memref_squeeze %dma_wait3A_120 : memref<1x2x128xi32, #tpu.memory_space<vmem>> -> memref<2x128xi32, #tpu.memory_space<vmem>>
      %dma_wait3A_122 = arith.constant 0 : i32
      %dma_wait3A_123 = tpu.memref_slice %arg3[%add3A_4, %dma_wait3A_122] : memref<1280x128xi32, #tpu.memory_space<hbm>> -> memref<2x128xi32, #tpu.memory_space<hbm>>
      %dma_wait3A_124 = arith.constant 0 : i32
      %dma_wait3A_125 = arith.constant 0 : i32
      %dma_wait3A_126 = tpu.memref_slice %arg7[%run_scoped3A, %dma_wait3A_124, %dma_wait3A_125] : memref<2x2x128xi32, #tpu.memory_space<vmem>> -> memref<1x2x128xi32, #tpu.memory_space<vmem>>
      %dma_wait3A_127 = tpu.memref_squeeze %dma_wait3A_126 : memref<1x2x128xi32, #tpu.memory_space<vmem>> -> memref<2x128xi32, #tpu.memory_space<vmem>>
      %dma_wait3A_128 = arith.constant 0 : i32
      %dma_wait3A_129 = tpu.memref_slice %arg3[%add3A_4, %dma_wait3A_128] : memref<1280x128xi32, #tpu.memory_space<hbm>> -> memref<2x128xi32, #tpu.memory_space<hbm>>
      tpu.wait_dma2 semaphore(%run_scoped3A_105 : memref<!tpu.dma_semaphore, #tpu.memory_space<semaphore_mem>>) src(%dma_wait3A_129 : memref<2x128xi32, #tpu.memory_space<hbm>>) dst(%dma_wait3A_127 : memref<2x128xi32, #tpu.memory_space<vmem>>)
      tpu.yield
    }) : () -> ()
    %dma_start3A = arith.constant 0 : i32
    %dma_start3A_5 = arith.constant 0 : i32
    %dma_start3A_6 = arith.constant 0 : i32
    %dma_start3A_7 = arith.constant 0 : i32
    %dma_start3A_8 = arith.constant 0 : i32
    %dma_start3A_9 = tpu.memref_slice %arg8[%dma_start3A_6, %dma_start3A_7, %dma_start3A_8] : memref<2x256x128xf32, #tpu.memory_space<vmem>> -> memref<1x128x128xf32, #tpu.memory_space<vmem>>
    %dma_start3A_10 = tpu.memref_squeeze %dma_start3A_9 : memref<1x128x128xf32, #tpu.memory_space<vmem>> -> memref<128x128xf32, #tpu.memory_space<vmem>>
    %dma_start3A_11 = arith.constant 0 : i32
    %dma_start3A_12 = tpu.memref_slice %arg7[%dma_start3A, %dma_start3A_5, %dma_start3A_11] : memref<2x2x128xi32, #tpu.memory_space<vmem>> -> memref<1x1x128xi32, #tpu.memory_space<vmem>>
    %dma_start3A_13 = tpu.memref_squeeze %dma_start3A_12 : memref<1x1x128xi32, #tpu.memory_space<vmem>> -> memref<128xi32, #tpu.memory_space<vmem>>
    %dma_start3A_14 = arith.constant 0 : i32
    %dma_start3A_15 = arith.constant 0 : i32
    %dma_start3A_16 = tpu.memref_slice %arg2[%dma_start3A_14, %dma_start3A_15] : memref<10000x128xf32, #tpu.memory_space<hbm>> -> memref<10000x128xf32, #tpu.memory_space<hbm>>
    tpu.enqueue_indirect_dma source(%dma_start3A_16 : memref<10000x128xf32, #tpu.memory_space<hbm>>) target(%dma_start3A_10 : memref<128x128xf32, #tpu.memory_space<vmem>>) offsets(%dma_start3A_13 : memref<128xi32, #tpu.memory_space<vmem>>) semaphore(%arg9 : memref<!tpu.dma_semaphore, #tpu.memory_space<semaphore_mem>>)
    %dma_start3A_17 = arith.constant 0 : i32
    %dma_start3A_18 = arith.constant 1 : i32
    %dma_start3A_19 = arith.constant 0 : i32
    %dma_start3A_20 = arith.constant 128 : i32
    %dma_start3A_21 = arith.constant 0 : i32
    %dma_start3A_22 = tpu.memref_slice %arg8[%dma_start3A_19, %dma_start3A_20, %dma_start3A_21] : memref<2x256x128xf32, #tpu.memory_space<vmem>> -> memref<1x128x128xf32, #tpu.memory_space<vmem>>
    %dma_start3A_23 = tpu.memref_squeeze %dma_start3A_22 : memref<1x128x128xf32, #tpu.memory_space<vmem>> -> memref<128x128xf32, #tpu.memory_space<vmem>>
    %dma_start3A_24 = arith.constant 0 : i32
    %dma_start3A_25 = tpu.memref_slice %arg7[%dma_start3A_17, %dma_start3A_18, %dma_start3A_24] : memref<2x2x128xi32, #tpu.memory_space<vmem>> -> memref<1x1x128xi32, #tpu.memory_space<vmem>>
    %dma_start3A_26 = tpu.memref_squeeze %dma_start3A_25 : memref<1x1x128xi32, #tpu.memory_space<vmem>> -> memref<128xi32, #tpu.memory_space<vmem>>
    %dma_start3A_27 = arith.constant 0 : i32
    %dma_start3A_28 = arith.constant 0 : i32
    %dma_start3A_29 = tpu.memref_slice %arg2[%dma_start3A_27, %dma_start3A_28] : memref<10000x128xf32, #tpu.memory_space<hbm>> -> memref<10000x128xf32, #tpu.memory_space<hbm>>
    tpu.enqueue_indirect_dma source(%dma_start3A_29 : memref<10000x128xf32, #tpu.memory_space<hbm>>) target(%dma_start3A_23 : memref<128x128xf32, #tpu.memory_space<vmem>>) offsets(%dma_start3A_26 : memref<128xi32, #tpu.memory_space<vmem>>) semaphore(%arg9 : memref<!tpu.dma_semaphore, #tpu.memory_space<semaphore_mem>>)
    %scan3A = arith.constant 0 : i32
    %scan3A_30 = arith.constant 0 : i32
    %scan3A_31 = arith.constant 10 : i32
    %scan3A_32 = arith.addi %scan3A_30, %scan3A_31 : i32
    %scan3A_33 = arith.constant 1 : i32
    scf.for %scan3A_105 = %scan3A_30 to %scan3A_32 step %scan3A_33  : i32 {
      %mul3A_106 = arith.constant 2 : i32
      %mul3A_107 = arith.muli %scan3A_105, %mul3A_106 : i32
      %add3A_108 = arith.constant 0 : i32
      %add3A_109 = arith.addi %mul3A_107, %add3A_108 : i32
      %dma_wait3A_110 = arith.constant 0 : i32
      %dma_wait3A_111 = arith.constant 0 : i32
      %dma_wait3A_112 = arith.constant 0 : i32
      %dma_wait3A_113 = arith.constant 0 : i32
      %dma_wait3A_114 = arith.constant 0 : i32
      %dma_wait3A_115 = tpu.memref_slice %arg8[%dma_wait3A_112, %dma_wait3A_113, %dma_wait3A_114] : memref<2x256x128xf32, #tpu.memory_space<vmem>> -> memref<1x128x128xf32, #tpu.memory_space<vmem>>
      %dma_wait3A_116 = tpu.memref_squeeze %dma_wait3A_115 : memref<1x128x128xf32, #tpu.memory_space<vmem>> -> memref<128x128xf32, #tpu.memory_space<vmem>>
      %dma_wait3A_117 = arith.constant 0 : i32
      %dma_wait3A_118 = tpu.memref_slice %arg7[%dma_wait3A_110, %dma_wait3A_111, %dma_wait3A_117] : memref<2x2x128xi32, #tpu.memory_space<vmem>> -> memref<1x1x128xi32, #tpu.memory_space<vmem>>
      %dma_wait3A_119 = tpu.memref_squeeze %dma_wait3A_118 : memref<1x1x128xi32, #tpu.memory_space<vmem>> -> memref<128xi32, #tpu.memory_space<vmem>>
      %dma_wait3A_120 = arith.constant 0 : i32
      %dma_wait3A_121 = arith.constant 0 : i32
      %dma_wait3A_122 = tpu.memref_slice %arg2[%dma_wait3A_120, %dma_wait3A_121] : memref<10000x128xf32, #tpu.memory_space<hbm>> -> memref<10000x128xf32, #tpu.memory_space<hbm>>
      tpu.wait_indirect_dma semaphore(%arg9 : memref<!tpu.dma_semaphore, #tpu.memory_space<semaphore_mem>>) src(%dma_wait3A_122 : memref<10000x128xf32, #tpu.memory_space<hbm>>) dst(%dma_wait3A_116 : memref<128x128xf32, #tpu.memory_space<vmem>>)
      %dma_wait3A_123 = arith.constant 0 : i32
      %dma_wait3A_124 = arith.constant 1 : i32
      %dma_wait3A_125 = arith.constant 0 : i32
      %dma_wait3A_126 = arith.constant 128 : i32
      %dma_wait3A_127 = arith.constant 0 : i32
      %dma_wait3A_128 = tpu.memref_slice %arg8[%dma_wait3A_125, %dma_wait3A_126, %dma_wait3A_127] : memref<2x256x128xf32, #tpu.memory_space<vmem>> -> memref<1x128x128xf32, #tpu.memory_space<vmem>>
      %dma_wait3A_129 = tpu.memref_squeeze %dma_wait3A_128 : memref<1x128x128xf32, #tpu.memory_space<vmem>> -> memref<128x128xf32, #tpu.memory_space<vmem>>
      %dma_wait3A_130 = arith.constant 0 : i32
      %dma_wait3A_131 = tpu.memref_slice %arg7[%dma_wait3A_123, %dma_wait3A_124, %dma_wait3A_130] : memref<2x2x128xi32, #tpu.memory_space<vmem>> -> memref<1x1x128xi32, #tpu.memory_space<vmem>>
      %dma_wait3A_132 = tpu.memref_squeeze %dma_wait3A_131 : memref<1x1x128xi32, #tpu.memory_space<vmem>> -> memref<128xi32, #tpu.memory_space<vmem>>
      %dma_wait3A_133 = arith.constant 0 : i32
      %dma_wait3A_134 = arith.constant 0 : i32
      %dma_wait3A_135 = tpu.memref_slice %arg2[%dma_wait3A_133, %dma_wait3A_134] : memref<10000x128xf32, #tpu.memory_space<hbm>> -> memref<10000x128xf32, #tpu.memory_space<hbm>>
      tpu.wait_indirect_dma semaphore(%arg9 : memref<!tpu.dma_semaphore, #tpu.memory_space<semaphore_mem>>) src(%dma_wait3A_135 : memref<10000x128xf32, #tpu.memory_space<hbm>>) dst(%dma_wait3A_129 : memref<128x128xf32, #tpu.memory_space<vmem>>)
      %ge3A = arith.constant 1 : i32
      %ge3A_136 = arith.cmpi sge, %add3A_109, %ge3A : i32
      %convert_element_type3A = arith.extui %ge3A_136 : i1 to i32
      %cond3A = arith.constant 0 : i32
      %cond3A_137 = arith.cmpi ne, %convert_element_type3A, %cond3A : i32
      scf.if %cond3A_137 {
        %sub3A = arith.constant 1 : i32
        %sub3A_222 = arith.subi %add3A_109, %sub3A : i32
        %mul3A_223 = arith.constant 2 : i32
        %mul3A_224 = arith.muli %sub3A_222, %mul3A_223 : i32
        %add3A_225 = arith.addi %mul3A_2, %mul3A_224 : i32
        %mul3A_226 = arith.constant 128 : i32
        %mul3A_227 = arith.muli %add3A_225, %mul3A_226 : i32
        %dma_wait3A_228 = arith.constant 1 : i32
        %dma_wait3A_229 = arith.constant 0 : i32
        %dma_wait3A_230 = arith.constant 0 : i32
        %dma_wait3A_231 = tpu.memref_slice %arg8[%dma_wait3A_228, %dma_wait3A_229, %dma_wait3A_230] : memref<2x256x128xf32, #tpu.memory_space<vmem>> -> memref<1x256x128xf32, #tpu.memory_space<vmem>>
        %dma_wait3A_232 = tpu.memref_squeeze %dma_wait3A_231 : memref<1x256x128xf32, #tpu.memory_space<vmem>> -> memref<256x128xf32, #tpu.memory_space<vmem>>
        %dma_wait3A_233 = arith.constant 0 : i32
        %dma_wait3A_234 = tpu.memref_slice %arg5[%mul3A_227, %dma_wait3A_233] : memref<163840x128xf32, #tpu.memory_space<hbm>> -> memref<256x128xf32, #tpu.memory_space<hbm>>
        %dma_wait3A_235 = arith.constant 0 : i32
        %dma_wait3A_236 = tpu.memref_slice %arg5[%mul3A_227, %dma_wait3A_235] : memref<163840x128xf32, #tpu.memory_space<hbm>> -> memref<256x128xf32, #tpu.memory_space<hbm>>
        %dma_wait3A_237 = arith.constant 0 : i32
        %dma_wait3A_238 = arith.constant 0 : i32
        %dma_wait3A_239 = tpu.memref_slice %arg8[%dma_wait3A_228, %dma_wait3A_237, %dma_wait3A_238] : memref<2x256x128xf32, #tpu.memory_space<vmem>> -> memref<1x256x128xf32, #tpu.memory_space<vmem>>
        %dma_wait3A_240 = tpu.memref_squeeze %dma_wait3A_239 : memref<1x256x128xf32, #tpu.memory_space<vmem>> -> memref<256x128xf32, #tpu.memory_space<vmem>>
        tpu.wait_dma2 semaphore(%arg12 : memref<!tpu.dma_semaphore, #tpu.memory_space<semaphore_mem>>) src(%dma_wait3A_240 : memref<256x128xf32, #tpu.memory_space<vmem>>) dst(%dma_wait3A_236 : memref<256x128xf32, #tpu.memory_space<hbm>>)
      } else {
      }
      %add3A_138 = arith.constant 1 : i32
      %add3A_139 = arith.addi %add3A_109, %add3A_138 : i32
      %lt3A = arith.constant 20 : i32
      %lt3A_140 = arith.cmpi slt, %add3A_139, %lt3A : i32
      %convert_element_type3A_141 = arith.extui %lt3A_140 : i1 to i32
      %cond3A_142 = arith.constant 0 : i32
      %cond3A_143 = arith.cmpi ne, %convert_element_type3A_141, %cond3A_142 : i32
      scf.if %cond3A_143 {
        %add3A_222 = arith.constant 1 : i32
        %add3A_223 = arith.addi %add3A_109, %add3A_222 : i32
        %mul3A_224 = arith.constant 2 : i32
        %mul3A_225 = arith.muli %add3A_223, %mul3A_224 : i32
        %add3A_226 = arith.addi %mul3A_2, %mul3A_225 : i32
        %run_scoped3A_227 = arith.constant 1 : i32
        "tpu.region"() ({
          %run_scoped3A_254 = tpu.sem_alloc : memref<!tpu.dma_semaphore, #tpu.memory_space<semaphore_mem>>
          %dma_start3A_255 = arith.constant 0 : i32
          %dma_start3A_256 = arith.constant 0 : i32
          %dma_start3A_257 = tpu.memref_slice %arg7[%run_scoped3A_227, %dma_start3A_255, %dma_start3A_256] : memref<2x2x128xi32, #tpu.memory_space<vmem>> -> memref<1x2x128xi32, #tpu.memory_space<vmem>>
          %dma_start3A_258 = tpu.memref_squeeze %dma_start3A_257 : memref<1x2x128xi32, #tpu.memory_space<vmem>> -> memref<2x128xi32, #tpu.memory_space<vmem>>
          %dma_start3A_259 = arith.constant 0 : i32
          %dma_start3A_260 = tpu.memref_slice %arg3[%add3A_226, %dma_start3A_259] : memref<1280x128xi32, #tpu.memory_space<hbm>> -> memref<2x128xi32, #tpu.memory_space<hbm>>
          %dma_start3A_261 = arith.constant 0 : i32
          %dma_start3A_262 = arith.constant 0 : i32
          %dma_start3A_263 = tpu.memref_slice %arg7[%run_scoped3A_227, %dma_start3A_261, %dma_start3A_262] : memref<2x2x128xi32, #tpu.memory_space<vmem>> -> memref<1x2x128xi32, #tpu.memory_space<vmem>>
          %dma_start3A_264 = tpu.memref_squeeze %dma_start3A_263 : memref<1x2x128xi32, #tpu.memory_space<vmem>> -> memref<2x128xi32, #tpu.memory_space<vmem>>
          %dma_start3A_265 = arith.constant 0 : i32
          %dma_start3A_266 = tpu.memref_slice %arg3[%add3A_226, %dma_start3A_265] : memref<1280x128xi32, #tpu.memory_space<hbm>> -> memref<2x128xi32, #tpu.memory_space<hbm>>
          tpu.enqueue_dma source(%dma_start3A_266 : memref<2x128xi32, #tpu.memory_space<hbm>>) target(%dma_start3A_264 : memref<2x128xi32, #tpu.memory_space<vmem>>) target_semaphore(%run_scoped3A_254 : memref<!tpu.dma_semaphore, #tpu.memory_space<semaphore_mem>>)
          %dma_wait3A_267 = arith.constant 0 : i32
          %dma_wait3A_268 = arith.constant 0 : i32
          %dma_wait3A_269 = tpu.memref_slice %arg7[%run_scoped3A_227, %dma_wait3A_267, %dma_wait3A_268] : memref<2x2x128xi32, #tpu.memory_space<vmem>> -> memref<1x2x128xi32, #tpu.memory_space<vmem>>
          %dma_wait3A_270 = tpu.memref_squeeze %dma_wait3A_269 : memref<1x2x128xi32, #tpu.memory_space<vmem>> -> memref<2x128xi32, #tpu.memory_space<vmem>>
          %dma_wait3A_271 = arith.constant 0 : i32
          %dma_wait3A_272 = tpu.memref_slice %arg3[%add3A_226, %dma_wait3A_271] : memref<1280x128xi32, #tpu.memory_space<hbm>> -> memref<2x128xi32, #tpu.memory_space<hbm>>
          %dma_wait3A_273 = arith.constant 0 : i32
          %dma_wait3A_274 = arith.constant 0 : i32
          %dma_wait3A_275 = tpu.memref_slice %arg7[%run_scoped3A_227, %dma_wait3A_273, %dma_wait3A_274] : memref<2x2x128xi32, #tpu.memory_space<vmem>> -> memref<1x2x128xi32, #tpu.memory_space<vmem>>
          %dma_wait3A_276 = tpu.memref_squeeze %dma_wait3A_275 : memref<1x2x128xi32, #tpu.memory_space<vmem>> -> memref<2x128xi32, #tpu.memory_space<vmem>>
          %dma_wait3A_277 = arith.constant 0 : i32
          %dma_wait3A_278 = tpu.memref_slice %arg3[%add3A_226, %dma_wait3A_277] : memref<1280x128xi32, #tpu.memory_space<hbm>> -> memref<2x128xi32, #tpu.memory_space<hbm>>
          tpu.wait_dma2 semaphore(%run_scoped3A_254 : memref<!tpu.dma_semaphore, #tpu.memory_space<semaphore_mem>>) src(%dma_wait3A_278 : memref<2x128xi32, #tpu.memory_space<hbm>>) dst(%dma_wait3A_276 : memref<2x128xi32, #tpu.memory_space<vmem>>)
          tpu.yield
        }) : () -> ()
        %dma_start3A_228 = arith.constant 1 : i32
        %dma_start3A_229 = arith.constant 0 : i32
        %dma_start3A_230 = arith.constant 1 : i32
        %dma_start3A_231 = arith.constant 0 : i32
        %dma_start3A_232 = arith.constant 0 : i32
        %dma_start3A_233 = tpu.memref_slice %arg8[%dma_start3A_230, %dma_start3A_231, %dma_start3A_232] : memref<2x256x128xf32, #tpu.memory_space<vmem>> -> memref<1x128x128xf32, #tpu.memory_space<vmem>>
        %dma_start3A_234 = tpu.memref_squeeze %dma_start3A_233 : memref<1x128x128xf32, #tpu.memory_space<vmem>> -> memref<128x128xf32, #tpu.memory_space<vmem>>
        %dma_start3A_235 = arith.constant 0 : i32
        %dma_start3A_236 = tpu.memref_slice %arg7[%dma_start3A_228, %dma_start3A_229, %dma_start3A_235] : memref<2x2x128xi32, #tpu.memory_space<vmem>> -> memref<1x1x128xi32, #tpu.memory_space<vmem>>
        %dma_start3A_237 = tpu.memref_squeeze %dma_start3A_236 : memref<1x1x128xi32, #tpu.memory_space<vmem>> -> memref<128xi32, #tpu.memory_space<vmem>>
        %dma_start3A_238 = arith.constant 0 : i32
        %dma_start3A_239 = arith.constant 0 : i32
        %dma_start3A_240 = tpu.memref_slice %arg2[%dma_start3A_238, %dma_start3A_239] : memref<10000x128xf32, #tpu.memory_space<hbm>> -> memref<10000x128xf32, #tpu.memory_space<hbm>>
        tpu.enqueue_indirect_dma source(%dma_start3A_240 : memref<10000x128xf32, #tpu.memory_space<hbm>>) target(%dma_start3A_234 : memref<128x128xf32, #tpu.memory_space<vmem>>) offsets(%dma_start3A_237 : memref<128xi32, #tpu.memory_space<vmem>>) semaphore(%arg10 : memref<!tpu.dma_semaphore, #tpu.memory_space<semaphore_mem>>)
        %dma_start3A_241 = arith.constant 1 : i32
        %dma_start3A_242 = arith.constant 1 : i32
        %dma_start3A_243 = arith.constant 1 : i32
        %dma_start3A_244 = arith.constant 128 : i32
        %dma_start3A_245 = arith.constant 0 : i32
        %dma_start3A_246 = tpu.memref_slice %arg8[%dma_start3A_243, %dma_start3A_244, %dma_start3A_245] : memref<2x256x128xf32, #tpu.memory_space<vmem>> -> memref<1x128x128xf32, #tpu.memory_space<vmem>>
        %dma_start3A_247 = tpu.memref_squeeze %dma_start3A_246 : memref<1x128x128xf32, #tpu.memory_space<vmem>> -> memref<128x128xf32, #tpu.memory_space<vmem>>
        %dma_start3A_248 = arith.constant 0 : i32
        %dma_start3A_249 = tpu.memref_slice %arg7[%dma_start3A_241, %dma_start3A_242, %dma_start3A_248] : memref<2x2x128xi32, #tpu.memory_space<vmem>> -> memref<1x1x128xi32, #tpu.memory_space<vmem>>
        %dma_start3A_250 = tpu.memref_squeeze %dma_start3A_249 : memref<1x1x128xi32, #tpu.memory_space<vmem>> -> memref<128xi32, #tpu.memory_space<vmem>>
        %dma_start3A_251 = arith.constant 0 : i32
        %dma_start3A_252 = arith.constant 0 : i32
        %dma_start3A_253 = tpu.memref_slice %arg2[%dma_start3A_251, %dma_start3A_252] : memref<10000x128xf32, #tpu.memory_space<hbm>> -> memref<10000x128xf32, #tpu.memory_space<hbm>>
        tpu.enqueue_indirect_dma source(%dma_start3A_253 : memref<10000x128xf32, #tpu.memory_space<hbm>>) target(%dma_start3A_247 : memref<128x128xf32, #tpu.memory_space<vmem>>) offsets(%dma_start3A_250 : memref<128xi32, #tpu.memory_space<vmem>>) semaphore(%arg10 : memref<!tpu.dma_semaphore, #tpu.memory_space<semaphore_mem>>)
      } else {
      }
      %mul3A_144 = arith.constant 2 : i32
      %mul3A_145 = arith.muli %add3A_109, %mul3A_144 : i32
      %add3A_146 = arith.addi %mul3A_2, %mul3A_145 : i32
      %mul3A_147 = arith.constant 128 : i32
      %mul3A_148 = arith.muli %add3A_146, %mul3A_147 : i32
      %dma_start3A_149 = arith.constant 0 : i32
      %dma_start3A_150 = arith.constant 0 : i32
      %dma_start3A_151 = arith.constant 0 : i32
      %dma_start3A_152 = tpu.memref_slice %arg8[%dma_start3A_149, %dma_start3A_150, %dma_start3A_151] : memref<2x256x128xf32, #tpu.memory_space<vmem>> -> memref<1x256x128xf32, #tpu.memory_space<vmem>>
      %dma_start3A_153 = tpu.memref_squeeze %dma_start3A_152 : memref<1x256x128xf32, #tpu.memory_space<vmem>> -> memref<256x128xf32, #tpu.memory_space<vmem>>
      %dma_start3A_154 = arith.constant 0 : i32
      %dma_start3A_155 = tpu.memref_slice %arg5[%mul3A_148, %dma_start3A_154] : memref<163840x128xf32, #tpu.memory_space<hbm>> -> memref<256x128xf32, #tpu.memory_space<hbm>>
      %dma_start3A_156 = arith.constant 0 : i32
      %dma_start3A_157 = tpu.memref_slice %arg5[%mul3A_148, %dma_start3A_156] : memref<163840x128xf32, #tpu.memory_space<hbm>> -> memref<256x128xf32, #tpu.memory_space<hbm>>
      %dma_start3A_158 = arith.constant 0 : i32
      %dma_start3A_159 = arith.constant 0 : i32
      %dma_start3A_160 = tpu.memref_slice %arg8[%dma_start3A_149, %dma_start3A_158, %dma_start3A_159] : memref<2x256x128xf32, #tpu.memory_space<vmem>> -> memref<1x256x128xf32, #tpu.memory_space<vmem>>
      %dma_start3A_161 = tpu.memref_squeeze %dma_start3A_160 : memref<1x256x128xf32, #tpu.memory_space<vmem>> -> memref<256x128xf32, #tpu.memory_space<vmem>>
      tpu.enqueue_dma source(%dma_start3A_161 : memref<256x128xf32, #tpu.memory_space<vmem>>) target(%dma_start3A_157 : memref<256x128xf32, #tpu.memory_space<hbm>>) target_semaphore(%arg11 : memref<!tpu.dma_semaphore, #tpu.memory_space<semaphore_mem>>)
      %mul3A_162 = arith.constant 2 : i32
      %mul3A_163 = arith.muli %scan3A_105, %mul3A_162 : i32
      %add3A_164 = arith.constant 1 : i32
      %add3A_165 = arith.addi %mul3A_163, %add3A_164 : i32
      %dma_wait3A_166 = arith.constant 1 : i32
      %dma_wait3A_167 = arith.constant 0 : i32
      %dma_wait3A_168 = arith.constant 1 : i32
      %dma_wait3A_169 = arith.constant 0 : i32
      %dma_wait3A_170 = arith.constant 0 : i32
      %dma_wait3A_171 = tpu.memref_slice %arg8[%dma_wait3A_168, %dma_wait3A_169, %dma_wait3A_170] : memref<2x256x128xf32, #tpu.memory_space<vmem>> -> memref<1x128x128xf32, #tpu.memory_space<vmem>>
      %dma_wait3A_172 = tpu.memref_squeeze %dma_wait3A_171 : memref<1x128x128xf32, #tpu.memory_space<vmem>> -> memref<128x128xf32, #tpu.memory_space<vmem>>
      %dma_wait3A_173 = arith.constant 0 : i32
      %dma_wait3A_174 = tpu.memref_slice %arg7[%dma_wait3A_166, %dma_wait3A_167, %dma_wait3A_173] : memref<2x2x128xi32, #tpu.memory_space<vmem>> -> memref<1x1x128xi32, #tpu.memory_space<vmem>>
      %dma_wait3A_175 = tpu.memref_squeeze %dma_wait3A_174 : memref<1x1x128xi32, #tpu.memory_space<vmem>> -> memref<128xi32, #tpu.memory_space<vmem>>
      %dma_wait3A_176 = arith.constant 0 : i32
      %dma_wait3A_177 = arith.constant 0 : i32
      %dma_wait3A_178 = tpu.memref_slice %arg2[%dma_wait3A_176, %dma_wait3A_177] : memref<10000x128xf32, #tpu.memory_space<hbm>> -> memref<10000x128xf32, #tpu.memory_space<hbm>>
      tpu.wait_indirect_dma semaphore(%arg10 : memref<!tpu.dma_semaphore, #tpu.memory_space<semaphore_mem>>) src(%dma_wait3A_178 : memref<10000x128xf32, #tpu.memory_space<hbm>>) dst(%dma_wait3A_172 : memref<128x128xf32, #tpu.memory_space<vmem>>)
      %dma_wait3A_179 = arith.constant 1 : i32
      %dma_wait3A_180 = arith.constant 1 : i32
      %dma_wait3A_181 = arith.constant 1 : i32
      %dma_wait3A_182 = arith.constant 128 : i32
      %dma_wait3A_183 = arith.constant 0 : i32
      %dma_wait3A_184 = tpu.memref_slice %arg8[%dma_wait3A_181, %dma_wait3A_182, %dma_wait3A_183] : memref<2x256x128xf32, #tpu.memory_space<vmem>> -> memref<1x128x128xf32, #tpu.memory_space<vmem>>
      %dma_wait3A_185 = tpu.memref_squeeze %dma_wait3A_184 : memref<1x128x128xf32, #tpu.memory_space<vmem>> -> memref<128x128xf32, #tpu.memory_space<vmem>>
      %dma_wait3A_186 = arith.constant 0 : i32
      %dma_wait3A_187 = tpu.memref_slice %arg7[%dma_wait3A_179, %dma_wait3A_180, %dma_wait3A_186] : memref<2x2x128xi32, #tpu.memory_space<vmem>> -> memref<1x1x128xi32, #tpu.memory_space<vmem>>
      %dma_wait3A_188 = tpu.memref_squeeze %dma_wait3A_187 : memref<1x1x128xi32, #tpu.memory_space<vmem>> -> memref<128xi32, #tpu.memory_space<vmem>>
      %dma_wait3A_189 = arith.constant 0 : i32
      %dma_wait3A_190 = arith.constant 0 : i32
      %dma_wait3A_191 = tpu.memref_slice %arg2[%dma_wait3A_189, %dma_wait3A_190] : memref<10000x128xf32, #tpu.memory_space<hbm>> -> memref<10000x128xf32, #tpu.memory_space<hbm>>
      tpu.wait_indirect_dma semaphore(%arg10 : memref<!tpu.dma_semaphore, #tpu.memory_space<semaphore_mem>>) src(%dma_wait3A_191 : memref<10000x128xf32, #tpu.memory_space<hbm>>) dst(%dma_wait3A_185 : memref<128x128xf32, #tpu.memory_space<vmem>>)
      %ge3A_192 = arith.constant 1 : i32
      %ge3A_193 = arith.cmpi sge, %add3A_165, %ge3A_192 : i32
      %convert_element_type3A_194 = arith.extui %ge3A_193 : i1 to i32
      %cond3A_195 = arith.constant 0 : i32
      %cond3A_196 = arith.cmpi ne, %convert_element_type3A_194, %cond3A_195 : i32
      scf.if %cond3A_196 {
        %sub3A = arith.constant 1 : i32
        %sub3A_222 = arith.subi %add3A_165, %sub3A : i32
        %mul3A_223 = arith.constant 2 : i32
        %mul3A_224 = arith.muli %sub3A_222, %mul3A_223 : i32
        %add3A_225 = arith.addi %mul3A_2, %mul3A_224 : i32
        %mul3A_226 = arith.constant 128 : i32
        %mul3A_227 = arith.muli %add3A_225, %mul3A_226 : i32
        %dma_wait3A_228 = arith.constant 0 : i32
        %dma_wait3A_229 = arith.constant 0 : i32
        %dma_wait3A_230 = arith.constant 0 : i32
        %dma_wait3A_231 = tpu.memref_slice %arg8[%dma_wait3A_228, %dma_wait3A_229, %dma_wait3A_230] : memref<2x256x128xf32, #tpu.memory_space<vmem>> -> memref<1x256x128xf32, #tpu.memory_space<vmem>>
        %dma_wait3A_232 = tpu.memref_squeeze %dma_wait3A_231 : memref<1x256x128xf32, #tpu.memory_space<vmem>> -> memref<256x128xf32, #tpu.memory_space<vmem>>
        %dma_wait3A_233 = arith.constant 0 : i32
        %dma_wait3A_234 = tpu.memref_slice %arg5[%mul3A_227, %dma_wait3A_233] : memref<163840x128xf32, #tpu.memory_space<hbm>> -> memref<256x128xf32, #tpu.memory_space<hbm>>
        %dma_wait3A_235 = arith.constant 0 : i32
        %dma_wait3A_236 = tpu.memref_slice %arg5[%mul3A_227, %dma_wait3A_235] : memref<163840x128xf32, #tpu.memory_space<hbm>> -> memref<256x128xf32, #tpu.memory_space<hbm>>
        %dma_wait3A_237 = arith.constant 0 : i32
        %dma_wait3A_238 = arith.constant 0 : i32
        %dma_wait3A_239 = tpu.memref_slice %arg8[%dma_wait3A_228, %dma_wait3A_237, %dma_wait3A_238] : memref<2x256x128xf32, #tpu.memory_space<vmem>> -> memref<1x256x128xf32, #tpu.memory_space<vmem>>
        %dma_wait3A_240 = tpu.memref_squeeze %dma_wait3A_239 : memref<1x256x128xf32, #tpu.memory_space<vmem>> -> memref<256x128xf32, #tpu.memory_space<vmem>>
        tpu.wait_dma2 semaphore(%arg11 : memref<!tpu.dma_semaphore, #tpu.memory_space<semaphore_mem>>) src(%dma_wait3A_240 : memref<256x128xf32, #tpu.memory_space<vmem>>) dst(%dma_wait3A_236 : memref<256x128xf32, #tpu.memory_space<hbm>>)
      } else {
      }
      %add3A_197 = arith.constant 1 : i32
      %add3A_198 = arith.addi %add3A_165, %add3A_197 : i32
      %lt3A_199 = arith.constant 20 : i32
      %lt3A_200 = arith.cmpi slt, %add3A_198, %lt3A_199 : i32
      %convert_element_type3A_201 = arith.extui %lt3A_200 : i1 to i32
      %cond3A_202 = arith.constant 0 : i32
      %cond3A_203 = arith.cmpi ne, %convert_element_type3A_201, %cond3A_202 : i32
      scf.if %cond3A_203 {
        %add3A_222 = arith.constant 1 : i32
        %add3A_223 = arith.addi %add3A_165, %add3A_222 : i32
        %mul3A_224 = arith.constant 2 : i32
        %mul3A_225 = arith.muli %add3A_223, %mul3A_224 : i32
        %add3A_226 = arith.addi %mul3A_2, %mul3A_225 : i32
        %run_scoped3A_227 = arith.constant 0 : i32
        "tpu.region"() ({
          %run_scoped3A_254 = tpu.sem_alloc : memref<!tpu.dma_semaphore, #tpu.memory_space<semaphore_mem>>
          %dma_start3A_255 = arith.constant 0 : i32
          %dma_start3A_256 = arith.constant 0 : i32
          %dma_start3A_257 = tpu.memref_slice %arg7[%run_scoped3A_227, %dma_start3A_255, %dma_start3A_256] : memref<2x2x128xi32, #tpu.memory_space<vmem>> -> memref<1x2x128xi32, #tpu.memory_space<vmem>>
          %dma_start3A_258 = tpu.memref_squeeze %dma_start3A_257 : memref<1x2x128xi32, #tpu.memory_space<vmem>> -> memref<2x128xi32, #tpu.memory_space<vmem>>
          %dma_start3A_259 = arith.constant 0 : i32
          %dma_start3A_260 = tpu.memref_slice %arg3[%add3A_226, %dma_start3A_259] : memref<1280x128xi32, #tpu.memory_space<hbm>> -> memref<2x128xi32, #tpu.memory_space<hbm>>
          %dma_start3A_261 = arith.constant 0 : i32
          %dma_start3A_262 = arith.constant 0 : i32
          %dma_start3A_263 = tpu.memref_slice %arg7[%run_scoped3A_227, %dma_start3A_261, %dma_start3A_262] : memref<2x2x128xi32, #tpu.memory_space<vmem>> -> memref<1x2x128xi32, #tpu.memory_space<vmem>>
          %dma_start3A_264 = tpu.memref_squeeze %dma_start3A_263 : memref<1x2x128xi32, #tpu.memory_space<vmem>> -> memref<2x128xi32, #tpu.memory_space<vmem>>
          %dma_start3A_265 = arith.constant 0 : i32
          %dma_start3A_266 = tpu.memref_slice %arg3[%add3A_226, %dma_start3A_265] : memref<1280x128xi32, #tpu.memory_space<hbm>> -> memref<2x128xi32, #tpu.memory_space<hbm>>
          tpu.enqueue_dma source(%dma_start3A_266 : memref<2x128xi32, #tpu.memory_space<hbm>>) target(%dma_start3A_264 : memref<2x128xi32, #tpu.memory_space<vmem>>) target_semaphore(%run_scoped3A_254 : memref<!tpu.dma_semaphore, #tpu.memory_space<semaphore_mem>>)
          %dma_wait3A_267 = arith.constant 0 : i32
          %dma_wait3A_268 = arith.constant 0 : i32
          %dma_wait3A_269 = tpu.memref_slice %arg7[%run_scoped3A_227, %dma_wait3A_267, %dma_wait3A_268] : memref<2x2x128xi32, #tpu.memory_space<vmem>> -> memref<1x2x128xi32, #tpu.memory_space<vmem>>
          %dma_wait3A_270 = tpu.memref_squeeze %dma_wait3A_269 : memref<1x2x128xi32, #tpu.memory_space<vmem>> -> memref<2x128xi32, #tpu.memory_space<vmem>>
          %dma_wait3A_271 = arith.constant 0 : i32
          %dma_wait3A_272 = tpu.memref_slice %arg3[%add3A_226, %dma_wait3A_271] : memref<1280x128xi32, #tpu.memory_space<hbm>> -> memref<2x128xi32, #tpu.memory_space<hbm>>
          %dma_wait3A_273 = arith.constant 0 : i32
          %dma_wait3A_274 = arith.constant 0 : i32
          %dma_wait3A_275 = tpu.memref_slice %arg7[%run_scoped3A_227, %dma_wait3A_273, %dma_wait3A_274] : memref<2x2x128xi32, #tpu.memory_space<vmem>> -> memref<1x2x128xi32, #tpu.memory_space<vmem>>
          %dma_wait3A_276 = tpu.memref_squeeze %dma_wait3A_275 : memref<1x2x128xi32, #tpu.memory_space<vmem>> -> memref<2x128xi32, #tpu.memory_space<vmem>>
          %dma_wait3A_277 = arith.constant 0 : i32
          %dma_wait3A_278 = tpu.memref_slice %arg3[%add3A_226, %dma_wait3A_277] : memref<1280x128xi32, #tpu.memory_space<hbm>> -> memref<2x128xi32, #tpu.memory_space<hbm>>
          tpu.wait_dma2 semaphore(%run_scoped3A_254 : memref<!tpu.dma_semaphore, #tpu.memory_space<semaphore_mem>>) src(%dma_wait3A_278 : memref<2x128xi32, #tpu.memory_space<hbm>>) dst(%dma_wait3A_276 : memref<2x128xi32, #tpu.memory_space<vmem>>)
          tpu.yield
        }) : () -> ()
        %dma_start3A_228 = arith.constant 0 : i32
        %dma_start3A_229 = arith.constant 0 : i32
        %dma_start3A_230 = arith.constant 0 : i32
        %dma_start3A_231 = arith.constant 0 : i32
        %dma_start3A_232 = arith.constant 0 : i32
        %dma_start3A_233 = tpu.memref_slice %arg8[%dma_start3A_230, %dma_start3A_231, %dma_start3A_232] : memref<2x256x128xf32, #tpu.memory_space<vmem>> -> memref<1x128x128xf32, #tpu.memory_space<vmem>>
        %dma_start3A_234 = tpu.memref_squeeze %dma_start3A_233 : memref<1x128x128xf32, #tpu.memory_space<vmem>> -> memref<128x128xf32, #tpu.memory_space<vmem>>
        %dma_start3A_235 = arith.constant 0 : i32
        %dma_start3A_236 = tpu.memref_slice %arg7[%dma_start3A_228, %dma_start3A_229, %dma_start3A_235] : memref<2x2x128xi32, #tpu.memory_space<vmem>> -> memref<1x1x128xi32, #tpu.memory_space<vmem>>
        %dma_start3A_237 = tpu.memref_squeeze %dma_start3A_236 : memref<1x1x128xi32, #tpu.memory_space<vmem>> -> memref<128xi32, #tpu.memory_space<vmem>>
        %dma_start3A_238 = arith.constant 0 : i32
        %dma_start3A_239 = arith.constant 0 : i32
        %dma_start3A_240 = tpu.memref_slice %arg2[%dma_start3A_238, %dma_start3A_239] : memref<10000x128xf32, #tpu.memory_space<hbm>> -> memref<10000x128xf32, #tpu.memory_space<hbm>>
        tpu.enqueue_indirect_dma source(%dma_start3A_240 : memref<10000x128xf32, #tpu.memory_space<hbm>>) target(%dma_start3A_234 : memref<128x128xf32, #tpu.memory_space<vmem>>) offsets(%dma_start3A_237 : memref<128xi32, #tpu.memory_space<vmem>>) semaphore(%arg9 : memref<!tpu.dma_semaphore, #tpu.memory_space<semaphore_mem>>)
        %dma_start3A_241 = arith.constant 0 : i32
        %dma_start3A_242 = arith.constant 1 : i32
        %dma_start3A_243 = arith.constant 0 : i32
        %dma_start3A_244 = arith.constant 128 : i32
        %dma_start3A_245 = arith.constant 0 : i32
        %dma_start3A_246 = tpu.memref_slice %arg8[%dma_start3A_243, %dma_start3A_244, %dma_start3A_245] : memref<2x256x128xf32, #tpu.memory_space<vmem>> -> memref<1x128x128xf32, #tpu.memory_space<vmem>>
        %dma_start3A_247 = tpu.memref_squeeze %dma_start3A_246 : memref<1x128x128xf32, #tpu.memory_space<vmem>> -> memref<128x128xf32, #tpu.memory_space<vmem>>
        %dma_start3A_248 = arith.constant 0 : i32
        %dma_start3A_249 = tpu.memref_slice %arg7[%dma_start3A_241, %dma_start3A_242, %dma_start3A_248] : memref<2x2x128xi32, #tpu.memory_space<vmem>> -> memref<1x1x128xi32, #tpu.memory_space<vmem>>
        %dma_start3A_250 = tpu.memref_squeeze %dma_start3A_249 : memref<1x1x128xi32, #tpu.memory_space<vmem>> -> memref<128xi32, #tpu.memory_space<vmem>>
        %dma_start3A_251 = arith.constant 0 : i32
        %dma_start3A_252 = arith.constant 0 : i32
        %dma_start3A_253 = tpu.memref_slice %arg2[%dma_start3A_251, %dma_start3A_252] : memref<10000x128xf32, #tpu.memory_space<hbm>> -> memref<10000x128xf32, #tpu.memory_space<hbm>>
        tpu.enqueue_indirect_dma source(%dma_start3A_253 : memref<10000x128xf32, #tpu.memory_space<hbm>>) target(%dma_start3A_247 : memref<128x128xf32, #tpu.memory_space<vmem>>) offsets(%dma_start3A_250 : memref<128xi32, #tpu.memory_space<vmem>>) semaphore(%arg9 : memref<!tpu.dma_semaphore, #tpu.memory_space<semaphore_mem>>)
      } else {
      }
      %mul3A_204 = arith.constant 2 : i32
      %mul3A_205 = arith.muli %add3A_165, %mul3A_204 : i32
      %add3A_206 = arith.addi %mul3A_2, %mul3A_205 : i32
      %mul3A_207 = arith.constant 128 : i32
      %mul3A_208 = arith.muli %add3A_206, %mul3A_207 : i32
      %dma_start3A_209 = arith.constant 1 : i32
      %dma_start3A_210 = arith.constant 0 : i32
      %dma_start3A_211 = arith.constant 0 : i32
      %dma_start3A_212 = tpu.memref_slice %arg8[%dma_start3A_209, %dma_start3A_210, %dma_start3A_211] : memref<2x256x128xf32, #tpu.memory_space<vmem>> -> memref<1x256x128xf32, #tpu.memory_space<vmem>>
      %dma_start3A_213 = tpu.memref_squeeze %dma_start3A_212 : memref<1x256x128xf32, #tpu.memory_space<vmem>> -> memref<256x128xf32, #tpu.memory_space<vmem>>
      %dma_start3A_214 = arith.constant 0 : i32
      %dma_start3A_215 = tpu.memref_slice %arg5[%mul3A_208, %dma_start3A_214] : memref<163840x128xf32, #tpu.memory_space<hbm>> -> memref<256x128xf32, #tpu.memory_space<hbm>>
      %dma_start3A_216 = arith.constant 0 : i32
      %dma_start3A_217 = tpu.memref_slice %arg5[%mul3A_208, %dma_start3A_216] : memref<163840x128xf32, #tpu.memory_space<hbm>> -> memref<256x128xf32, #tpu.memory_space<hbm>>
      %dma_start3A_218 = arith.constant 0 : i32
      %dma_start3A_219 = arith.constant 0 : i32
      %dma_start3A_220 = tpu.memref_slice %arg8[%dma_start3A_209, %dma_start3A_218, %dma_start3A_219] : memref<2x256x128xf32, #tpu.memory_space<vmem>> -> memref<1x256x128xf32, #tpu.memory_space<vmem>>
      %dma_start3A_221 = tpu.memref_squeeze %dma_start3A_220 : memref<1x256x128xf32, #tpu.memory_space<vmem>> -> memref<256x128xf32, #tpu.memory_space<vmem>>
      tpu.enqueue_dma source(%dma_start3A_221 : memref<256x128xf32, #tpu.memory_space<vmem>>) target(%dma_start3A_217 : memref<256x128xf32, #tpu.memory_space<hbm>>) target_semaphore(%arg12 : memref<!tpu.dma_semaphore, #tpu.memory_space<semaphore_mem>>)
    }
    %scan3A_34 = arith.constant 10 : i32
    %add3A_35 = arith.constant 38 : i32
    %add3A_36 = arith.addi %mul3A_2, %add3A_35 : i32
    %mul3A_37 = arith.constant 128 : i32
    %mul3A_38 = arith.muli %add3A_36, %mul3A_37 : i32
    %dma_wait3A = arith.constant 1 : i32
    %dma_wait3A_39 = arith.constant 0 : i32
    %dma_wait3A_40 = arith.constant 0 : i32
    %dma_wait3A_41 = tpu.memref_slice %arg8[%dma_wait3A, %dma_wait3A_39, %dma_wait3A_40] : memref<2x256x128xf32, #tpu.memory_space<vmem>> -> memref<1x256x128xf32, #tpu.memory_space<vmem>>
    %dma_wait3A_42 = tpu.memref_squeeze %dma_wait3A_41 : memref<1x256x128xf32, #tpu.memory_space<vmem>> -> memref<256x128xf32, #tpu.memory_space<vmem>>
    %dma_wait3A_43 = arith.constant 0 : i32
    %dma_wait3A_44 = tpu.memref_slice %arg5[%mul3A_38, %dma_wait3A_43] : memref<163840x128xf32, #tpu.memory_space<hbm>> -> memref<256x128xf32, #tpu.memory_space<hbm>>
    %dma_wait3A_45 = arith.constant 0 : i32
    %dma_wait3A_46 = tpu.memref_slice %arg5[%mul3A_38, %dma_wait3A_45] : memref<163840x128xf32, #tpu.memory_space<hbm>> -> memref<256x128xf32, #tpu.memory_space<hbm>>
    %dma_wait3A_47 = arith.constant 0 : i32
    %dma_wait3A_48 = arith.constant 0 : i32
    %dma_wait3A_49 = tpu.memref_slice %arg8[%dma_wait3A, %dma_wait3A_47, %dma_wait3A_48] : memref<2x256x128xf32, #tpu.memory_space<vmem>> -> memref<1x256x128xf32, #tpu.memory_space<vmem>>
    %dma_wait3A_50 = tpu.memref_squeeze %dma_wait3A_49 : memref<1x256x128xf32, #tpu.memory_space<vmem>> -> memref<256x128xf32, #tpu.memory_space<vmem>>
    tpu.wait_dma2 semaphore(%arg12 : memref<!tpu.dma_semaphore, #tpu.memory_space<semaphore_mem>>) src(%dma_wait3A_50 : memref<256x128xf32, #tpu.memory_space<vmem>>) dst(%dma_wait3A_46 : memref<256x128xf32, #tpu.memory_space<hbm>>)
    %mul3A_51 = arith.constant 40 : i32
    %mul3A_52 = arith.muli %add3A, %mul3A_51 : i32
    %add3A_53 = arith.constant 0 : i32
    %add3A_54 = arith.addi %mul3A_52, %add3A_53 : i32
    %run_scoped3A_55 = arith.constant 0 : i32
    "tpu.region"() ({
      %run_scoped3A_105 = tpu.sem_alloc : memref<!tpu.dma_semaphore, #tpu.memory_space<semaphore_mem>>
      %dma_start3A_106 = arith.constant 0 : i32
      %dma_start3A_107 = arith.constant 0 : i32
      %dma_start3A_108 = tpu.memref_slice %arg7[%run_scoped3A_55, %dma_start3A_106, %dma_start3A_107] : memref<2x2x128xi32, #tpu.memory_space<vmem>> -> memref<1x2x128xi32, #tpu.memory_space<vmem>>
      %dma_start3A_109 = tpu.memref_squeeze %dma_start3A_108 : memref<1x2x128xi32, #tpu.memory_space<vmem>> -> memref<2x128xi32, #tpu.memory_space<vmem>>
      %dma_start3A_110 = arith.constant 0 : i32
      %dma_start3A_111 = tpu.memref_slice %arg4[%add3A_54, %dma_start3A_110] : memref<1280x128xi32, #tpu.memory_space<hbm>> -> memref<2x128xi32, #tpu.memory_space<hbm>>
      %dma_start3A_112 = arith.constant 0 : i32
      %dma_start3A_113 = arith.constant 0 : i32
      %dma_start3A_114 = tpu.memref_slice %arg7[%run_scoped3A_55, %dma_start3A_112, %dma_start3A_113] : memref<2x2x128xi32, #tpu.memory_space<vmem>> -> memref<1x2x128xi32, #tpu.memory_space<vmem>>
      %dma_start3A_115 = tpu.memref_squeeze %dma_start3A_114 : memref<1x2x128xi32, #tpu.memory_space<vmem>> -> memref<2x128xi32, #tpu.memory_space<vmem>>
      %dma_start3A_116 = arith.constant 0 : i32
      %dma_start3A_117 = tpu.memref_slice %arg4[%add3A_54, %dma_start3A_116] : memref<1280x128xi32, #tpu.memory_space<hbm>> -> memref<2x128xi32, #tpu.memory_space<hbm>>
      tpu.enqueue_dma source(%dma_start3A_117 : memref<2x128xi32, #tpu.memory_space<hbm>>) target(%dma_start3A_115 : memref<2x128xi32, #tpu.memory_space<vmem>>) target_semaphore(%run_scoped3A_105 : memref<!tpu.dma_semaphore, #tpu.memory_space<semaphore_mem>>)
      %dma_wait3A_118 = arith.constant 0 : i32
      %dma_wait3A_119 = arith.constant 0 : i32
      %dma_wait3A_120 = tpu.memref_slice %arg7[%run_scoped3A_55, %dma_wait3A_118, %dma_wait3A_119] : memref<2x2x128xi32, #tpu.memory_space<vmem>> -> memref<1x2x128xi32, #tpu.memory_space<vmem>>
      %dma_wait3A_121 = tpu.memref_squeeze %dma_wait3A_120 : memref<1x2x128xi32, #tpu.memory_space<vmem>> -> memref<2x128xi32, #tpu.memory_space<vmem>>
      %dma_wait3A_122 = arith.constant 0 : i32
      %dma_wait3A_123 = tpu.memref_slice %arg4[%add3A_54, %dma_wait3A_122] : memref<1280x128xi32, #tpu.memory_space<hbm>> -> memref<2x128xi32, #tpu.memory_space<hbm>>
      %dma_wait3A_124 = arith.constant 0 : i32
      %dma_wait3A_125 = arith.constant 0 : i32
      %dma_wait3A_126 = tpu.memref_slice %arg7[%run_scoped3A_55, %dma_wait3A_124, %dma_wait3A_125] : memref<2x2x128xi32, #tpu.memory_space<vmem>> -> memref<1x2x128xi32, #tpu.memory_space<vmem>>
      %dma_wait3A_127 = tpu.memref_squeeze %dma_wait3A_126 : memref<1x2x128xi32, #tpu.memory_space<vmem>> -> memref<2x128xi32, #tpu.memory_space<vmem>>
      %dma_wait3A_128 = arith.constant 0 : i32
      %dma_wait3A_129 = tpu.memref_slice %arg4[%add3A_54, %dma_wait3A_128] : memref<1280x128xi32, #tpu.memory_space<hbm>> -> memref<2x128xi32, #tpu.memory_space<hbm>>
      tpu.wait_dma2 semaphore(%run_scoped3A_105 : memref<!tpu.dma_semaphore, #tpu.memory_space<semaphore_mem>>) src(%dma_wait3A_129 : memref<2x128xi32, #tpu.memory_space<hbm>>) dst(%dma_wait3A_127 : memref<2x128xi32, #tpu.memory_space<vmem>>)
      tpu.yield
    }) : () -> ()
    %dma_start3A_56 = arith.constant 0 : i32
    %dma_start3A_57 = arith.constant 0 : i32
    %dma_start3A_58 = arith.constant 0 : i32
    %dma_start3A_59 = arith.constant 0 : i32
    %dma_start3A_60 = arith.constant 0 : i32
    %dma_start3A_61 = tpu.memref_slice %arg8[%dma_start3A_58, %dma_start3A_59, %dma_start3A_60] : memref<2x256x128xf32, #tpu.memory_space<vmem>> -> memref<1x128x128xf32, #tpu.memory_space<vmem>>
    %dma_start3A_62 = tpu.memref_squeeze %dma_start3A_61 : memref<1x128x128xf32, #tpu.memory_space<vmem>> -> memref<128x128xf32, #tpu.memory_space<vmem>>
    %dma_start3A_63 = arith.constant 0 : i32
    %dma_start3A_64 = tpu.memref_slice %arg7[%dma_start3A_56, %dma_start3A_57, %dma_start3A_63] : memref<2x2x128xi32, #tpu.memory_space<vmem>> -> memref<1x1x128xi32, #tpu.memory_space<vmem>>
    %dma_start3A_65 = tpu.memref_squeeze %dma_start3A_64 : memref<1x1x128xi32, #tpu.memory_space<vmem>> -> memref<128xi32, #tpu.memory_space<vmem>>
    %dma_start3A_66 = arith.constant 0 : i32
    %dma_start3A_67 = arith.constant 0 : i32
    %dma_start3A_68 = tpu.memref_slice %arg2[%dma_start3A_66, %dma_start3A_67] : memref<10000x128xf32, #tpu.memory_space<hbm>> -> memref<10000x128xf32, #tpu.memory_space<hbm>>
    tpu.enqueue_indirect_dma source(%dma_start3A_68 : memref<10000x128xf32, #tpu.memory_space<hbm>>) target(%dma_start3A_62 : memref<128x128xf32, #tpu.memory_space<vmem>>) offsets(%dma_start3A_65 : memref<128xi32, #tpu.memory_space<vmem>>) semaphore(%arg9 : memref<!tpu.dma_semaphore, #tpu.memory_space<semaphore_mem>>)
    %dma_start3A_69 = arith.constant 0 : i32
    %dma_start3A_70 = arith.constant 1 : i32
    %dma_start3A_71 = arith.constant 0 : i32
    %dma_start3A_72 = arith.constant 128 : i32
    %dma_start3A_73 = arith.constant 0 : i32
    %dma_start3A_74 = tpu.memref_slice %arg8[%dma_start3A_71, %dma_start3A_72, %dma_start3A_73] : memref<2x256x128xf32, #tpu.memory_space<vmem>> -> memref<1x128x128xf32, #tpu.memory_space<vmem>>
    %dma_start3A_75 = tpu.memref_squeeze %dma_start3A_74 : memref<1x128x128xf32, #tpu.memory_space<vmem>> -> memref<128x128xf32, #tpu.memory_space<vmem>>
    %dma_start3A_76 = arith.constant 0 : i32
    %dma_start3A_77 = tpu.memref_slice %arg7[%dma_start3A_69, %dma_start3A_70, %dma_start3A_76] : memref<2x2x128xi32, #tpu.memory_space<vmem>> -> memref<1x1x128xi32, #tpu.memory_space<vmem>>
    %dma_start3A_78 = tpu.memref_squeeze %dma_start3A_77 : memref<1x1x128xi32, #tpu.memory_space<vmem>> -> memref<128xi32, #tpu.memory_space<vmem>>
    %dma_start3A_79 = arith.constant 0 : i32
    %dma_start3A_80 = arith.constant 0 : i32
    %dma_start3A_81 = tpu.memref_slice %arg2[%dma_start3A_79, %dma_start3A_80] : memref<10000x128xf32, #tpu.memory_space<hbm>> -> memref<10000x128xf32, #tpu.memory_space<hbm>>
    tpu.enqueue_indirect_dma source(%dma_start3A_81 : memref<10000x128xf32, #tpu.memory_space<hbm>>) target(%dma_start3A_75 : memref<128x128xf32, #tpu.memory_space<vmem>>) offsets(%dma_start3A_78 : memref<128xi32, #tpu.memory_space<vmem>>) semaphore(%arg9 : memref<!tpu.dma_semaphore, #tpu.memory_space<semaphore_mem>>)
    %scan3A_82 = arith.constant 0 : i32
    %scan3A_83 = arith.constant 0 : i32
    %scan3A_84 = arith.constant 10 : i32
    %scan3A_85 = arith.addi %scan3A_83, %scan3A_84 : i32
    %scan3A_86 = arith.constant 1 : i32
    scf.for %scan3A_105 = %scan3A_83 to %scan3A_85 step %scan3A_86  : i32 {
      %mul3A_106 = arith.constant 2 : i32
      %mul3A_107 = arith.muli %scan3A_105, %mul3A_106 : i32
      %add3A_108 = arith.constant 0 : i32
      %add3A_109 = arith.addi %mul3A_107, %add3A_108 : i32
      %dma_wait3A_110 = arith.constant 0 : i32
      %dma_wait3A_111 = arith.constant 0 : i32
      %dma_wait3A_112 = arith.constant 0 : i32
      %dma_wait3A_113 = arith.constant 0 : i32
      %dma_wait3A_114 = arith.constant 0 : i32
      %dma_wait3A_115 = tpu.memref_slice %arg8[%dma_wait3A_112, %dma_wait3A_113, %dma_wait3A_114] : memref<2x256x128xf32, #tpu.memory_space<vmem>> -> memref<1x128x128xf32, #tpu.memory_space<vmem>>
      %dma_wait3A_116 = tpu.memref_squeeze %dma_wait3A_115 : memref<1x128x128xf32, #tpu.memory_space<vmem>> -> memref<128x128xf32, #tpu.memory_space<vmem>>
      %dma_wait3A_117 = arith.constant 0 : i32
      %dma_wait3A_118 = tpu.memref_slice %arg7[%dma_wait3A_110, %dma_wait3A_111, %dma_wait3A_117] : memref<2x2x128xi32, #tpu.memory_space<vmem>> -> memref<1x1x128xi32, #tpu.memory_space<vmem>>
      %dma_wait3A_119 = tpu.memref_squeeze %dma_wait3A_118 : memref<1x1x128xi32, #tpu.memory_space<vmem>> -> memref<128xi32, #tpu.memory_space<vmem>>
      %dma_wait3A_120 = arith.constant 0 : i32
      %dma_wait3A_121 = arith.constant 0 : i32
      %dma_wait3A_122 = tpu.memref_slice %arg2[%dma_wait3A_120, %dma_wait3A_121] : memref<10000x128xf32, #tpu.memory_space<hbm>> -> memref<10000x128xf32, #tpu.memory_space<hbm>>
      tpu.wait_indirect_dma semaphore(%arg9 : memref<!tpu.dma_semaphore, #tpu.memory_space<semaphore_mem>>) src(%dma_wait3A_122 : memref<10000x128xf32, #tpu.memory_space<hbm>>) dst(%dma_wait3A_116 : memref<128x128xf32, #tpu.memory_space<vmem>>)
      %dma_wait3A_123 = arith.constant 0 : i32
      %dma_wait3A_124 = arith.constant 1 : i32
      %dma_wait3A_125 = arith.constant 0 : i32
      %dma_wait3A_126 = arith.constant 128 : i32
      %dma_wait3A_127 = arith.constant 0 : i32
      %dma_wait3A_128 = tpu.memref_slice %arg8[%dma_wait3A_125, %dma_wait3A_126, %dma_wait3A_127] : memref<2x256x128xf32, #tpu.memory_space<vmem>> -> memref<1x128x128xf32, #tpu.memory_space<vmem>>
      %dma_wait3A_129 = tpu.memref_squeeze %dma_wait3A_128 : memref<1x128x128xf32, #tpu.memory_space<vmem>> -> memref<128x128xf32, #tpu.memory_space<vmem>>
      %dma_wait3A_130 = arith.constant 0 : i32
      %dma_wait3A_131 = tpu.memref_slice %arg7[%dma_wait3A_123, %dma_wait3A_124, %dma_wait3A_130] : memref<2x2x128xi32, #tpu.memory_space<vmem>> -> memref<1x1x128xi32, #tpu.memory_space<vmem>>
      %dma_wait3A_132 = tpu.memref_squeeze %dma_wait3A_131 : memref<1x1x128xi32, #tpu.memory_space<vmem>> -> memref<128xi32, #tpu.memory_space<vmem>>
      %dma_wait3A_133 = arith.constant 0 : i32
      %dma_wait3A_134 = arith.constant 0 : i32
      %dma_wait3A_135 = tpu.memref_slice %arg2[%dma_wait3A_133, %dma_wait3A_134] : memref<10000x128xf32, #tpu.memory_space<hbm>> -> memref<10000x128xf32, #tpu.memory_space<hbm>>
      tpu.wait_indirect_dma semaphore(%arg9 : memref<!tpu.dma_semaphore, #tpu.memory_space<semaphore_mem>>) src(%dma_wait3A_135 : memref<10000x128xf32, #tpu.memory_space<hbm>>) dst(%dma_wait3A_129 : memref<128x128xf32, #tpu.memory_space<vmem>>)
      %ge3A = arith.constant 1 : i32
      %ge3A_136 = arith.cmpi sge, %add3A_109, %ge3A : i32
      %convert_element_type3A = arith.extui %ge3A_136 : i1 to i32
      %cond3A = arith.constant 0 : i32
      %cond3A_137 = arith.cmpi ne, %convert_element_type3A, %cond3A : i32
      scf.if %cond3A_137 {
        %sub3A = arith.constant 1 : i32
        %sub3A_222 = arith.subi %add3A_109, %sub3A : i32
        %mul3A_223 = arith.constant 2 : i32
        %mul3A_224 = arith.muli %sub3A_222, %mul3A_223 : i32
        %add3A_225 = arith.addi %mul3A_52, %mul3A_224 : i32
        %mul3A_226 = arith.constant 128 : i32
        %mul3A_227 = arith.muli %add3A_225, %mul3A_226 : i32
        %dma_wait3A_228 = arith.constant 1 : i32
        %dma_wait3A_229 = arith.constant 0 : i32
        %dma_wait3A_230 = arith.constant 0 : i32
        %dma_wait3A_231 = tpu.memref_slice %arg8[%dma_wait3A_228, %dma_wait3A_229, %dma_wait3A_230] : memref<2x256x128xf32, #tpu.memory_space<vmem>> -> memref<1x256x128xf32, #tpu.memory_space<vmem>>
        %dma_wait3A_232 = tpu.memref_squeeze %dma_wait3A_231 : memref<1x256x128xf32, #tpu.memory_space<vmem>> -> memref<256x128xf32, #tpu.memory_space<vmem>>
        %dma_wait3A_233 = arith.constant 0 : i32
        %dma_wait3A_234 = tpu.memref_slice %arg6[%mul3A_227, %dma_wait3A_233] : memref<163840x128xf32, #tpu.memory_space<hbm>> -> memref<256x128xf32, #tpu.memory_space<hbm>>
        %dma_wait3A_235 = arith.constant 0 : i32
        %dma_wait3A_236 = tpu.memref_slice %arg6[%mul3A_227, %dma_wait3A_235] : memref<163840x128xf32, #tpu.memory_space<hbm>> -> memref<256x128xf32, #tpu.memory_space<hbm>>
        %dma_wait3A_237 = arith.constant 0 : i32
        %dma_wait3A_238 = arith.constant 0 : i32
        %dma_wait3A_239 = tpu.memref_slice %arg8[%dma_wait3A_228, %dma_wait3A_237, %dma_wait3A_238] : memref<2x256x128xf32, #tpu.memory_space<vmem>> -> memref<1x256x128xf32, #tpu.memory_space<vmem>>
        %dma_wait3A_240 = tpu.memref_squeeze %dma_wait3A_239 : memref<1x256x128xf32, #tpu.memory_space<vmem>> -> memref<256x128xf32, #tpu.memory_space<vmem>>
        tpu.wait_dma2 semaphore(%arg12 : memref<!tpu.dma_semaphore, #tpu.memory_space<semaphore_mem>>) src(%dma_wait3A_240 : memref<256x128xf32, #tpu.memory_space<vmem>>) dst(%dma_wait3A_236 : memref<256x128xf32, #tpu.memory_space<hbm>>)
      } else {
      }
      %add3A_138 = arith.constant 1 : i32
      %add3A_139 = arith.addi %add3A_109, %add3A_138 : i32
      %lt3A = arith.constant 20 : i32
      %lt3A_140 = arith.cmpi slt, %add3A_139, %lt3A : i32
      %convert_element_type3A_141 = arith.extui %lt3A_140 : i1 to i32
      %cond3A_142 = arith.constant 0 : i32
      %cond3A_143 = arith.cmpi ne, %convert_element_type3A_141, %cond3A_142 : i32
      scf.if %cond3A_143 {
        %add3A_222 = arith.constant 1 : i32
        %add3A_223 = arith.addi %add3A_109, %add3A_222 : i32
        %mul3A_224 = arith.constant 2 : i32
        %mul3A_225 = arith.muli %add3A_223, %mul3A_224 : i32
        %add3A_226 = arith.addi %mul3A_52, %mul3A_225 : i32
        %run_scoped3A_227 = arith.constant 1 : i32
        "tpu.region"() ({
          %run_scoped3A_254 = tpu.sem_alloc : memref<!tpu.dma_semaphore, #tpu.memory_space<semaphore_mem>>
          %dma_start3A_255 = arith.constant 0 : i32
          %dma_start3A_256 = arith.constant 0 : i32
          %dma_start3A_257 = tpu.memref_slice %arg7[%run_scoped3A_227, %dma_start3A_255, %dma_start3A_256] : memref<2x2x128xi32, #tpu.memory_space<vmem>> -> memref<1x2x128xi32, #tpu.memory_space<vmem>>
          %dma_start3A_258 = tpu.memref_squeeze %dma_start3A_257 : memref<1x2x128xi32, #tpu.memory_space<vmem>> -> memref<2x128xi32, #tpu.memory_space<vmem>>
          %dma_start3A_259 = arith.constant 0 : i32
          %dma_start3A_260 = tpu.memref_slice %arg4[%add3A_226, %dma_start3A_259] : memref<1280x128xi32, #tpu.memory_space<hbm>> -> memref<2x128xi32, #tpu.memory_space<hbm>>
          %dma_start3A_261 = arith.constant 0 : i32
          %dma_start3A_262 = arith.constant 0 : i32
          %dma_start3A_263 = tpu.memref_slice %arg7[%run_scoped3A_227, %dma_start3A_261, %dma_start3A_262] : memref<2x2x128xi32, #tpu.memory_space<vmem>> -> memref<1x2x128xi32, #tpu.memory_space<vmem>>
          %dma_start3A_264 = tpu.memref_squeeze %dma_start3A_263 : memref<1x2x128xi32, #tpu.memory_space<vmem>> -> memref<2x128xi32, #tpu.memory_space<vmem>>
          %dma_start3A_265 = arith.constant 0 : i32
          %dma_start3A_266 = tpu.memref_slice %arg4[%add3A_226, %dma_start3A_265] : memref<1280x128xi32, #tpu.memory_space<hbm>> -> memref<2x128xi32, #tpu.memory_space<hbm>>
          tpu.enqueue_dma source(%dma_start3A_266 : memref<2x128xi32, #tpu.memory_space<hbm>>) target(%dma_start3A_264 : memref<2x128xi32, #tpu.memory_space<vmem>>) target_semaphore(%run_scoped3A_254 : memref<!tpu.dma_semaphore, #tpu.memory_space<semaphore_mem>>)
          %dma_wait3A_267 = arith.constant 0 : i32
          %dma_wait3A_268 = arith.constant 0 : i32
          %dma_wait3A_269 = tpu.memref_slice %arg7[%run_scoped3A_227, %dma_wait3A_267, %dma_wait3A_268] : memref<2x2x128xi32, #tpu.memory_space<vmem>> -> memref<1x2x128xi32, #tpu.memory_space<vmem>>
          %dma_wait3A_270 = tpu.memref_squeeze %dma_wait3A_269 : memref<1x2x128xi32, #tpu.memory_space<vmem>> -> memref<2x128xi32, #tpu.memory_space<vmem>>
          %dma_wait3A_271 = arith.constant 0 : i32
          %dma_wait3A_272 = tpu.memref_slice %arg4[%add3A_226, %dma_wait3A_271] : memref<1280x128xi32, #tpu.memory_space<hbm>> -> memref<2x128xi32, #tpu.memory_space<hbm>>
          %dma_wait3A_273 = arith.constant 0 : i32
          %dma_wait3A_274 = arith.constant 0 : i32
          %dma_wait3A_275 = tpu.memref_slice %arg7[%run_scoped3A_227, %dma_wait3A_273, %dma_wait3A_274] : memref<2x2x128xi32, #tpu.memory_space<vmem>> -> memref<1x2x128xi32, #tpu.memory_space<vmem>>
          %dma_wait3A_276 = tpu.memref_squeeze %dma_wait3A_275 : memref<1x2x128xi32, #tpu.memory_space<vmem>> -> memref<2x128xi32, #tpu.memory_space<vmem>>
          %dma_wait3A_277 = arith.constant 0 : i32
          %dma_wait3A_278 = tpu.memref_slice %arg4[%add3A_226, %dma_wait3A_277] : memref<1280x128xi32, #tpu.memory_space<hbm>> -> memref<2x128xi32, #tpu.memory_space<hbm>>
          tpu.wait_dma2 semaphore(%run_scoped3A_254 : memref<!tpu.dma_semaphore, #tpu.memory_space<semaphore_mem>>) src(%dma_wait3A_278 : memref<2x128xi32, #tpu.memory_space<hbm>>) dst(%dma_wait3A_276 : memref<2x128xi32, #tpu.memory_space<vmem>>)
          tpu.yield
        }) : () -> ()
        %dma_start3A_228 = arith.constant 1 : i32
        %dma_start3A_229 = arith.constant 0 : i32
        %dma_start3A_230 = arith.constant 1 : i32
        %dma_start3A_231 = arith.constant 0 : i32
        %dma_start3A_232 = arith.constant 0 : i32
        %dma_start3A_233 = tpu.memref_slice %arg8[%dma_start3A_230, %dma_start3A_231, %dma_start3A_232] : memref<2x256x128xf32, #tpu.memory_space<vmem>> -> memref<1x128x128xf32, #tpu.memory_space<vmem>>
        %dma_start3A_234 = tpu.memref_squeeze %dma_start3A_233 : memref<1x128x128xf32, #tpu.memory_space<vmem>> -> memref<128x128xf32, #tpu.memory_space<vmem>>
        %dma_start3A_235 = arith.constant 0 : i32
        %dma_start3A_236 = tpu.memref_slice %arg7[%dma_start3A_228, %dma_start3A_229, %dma_start3A_235] : memref<2x2x128xi32, #tpu.memory_space<vmem>> -> memref<1x1x128xi32, #tpu.memory_space<vmem>>
        %dma_start3A_237 = tpu.memref_squeeze %dma_start3A_236 : memref<1x1x128xi32, #tpu.memory_space<vmem>> -> memref<128xi32, #tpu.memory_space<vmem>>
        %dma_start3A_238 = arith.constant 0 : i32
        %dma_start3A_239 = arith.constant 0 : i32
        %dma_start3A_240 = tpu.memref_slice %arg2[%dma_start3A_238, %dma_start3A_239] : memref<10000x128xf32, #tpu.memory_space<hbm>> -> memref<10000x128xf32, #tpu.memory_space<hbm>>
        tpu.enqueue_indirect_dma source(%dma_start3A_240 : memref<10000x128xf32, #tpu.memory_space<hbm>>) target(%dma_start3A_234 : memref<128x128xf32, #tpu.memory_space<vmem>>) offsets(%dma_start3A_237 : memref<128xi32, #tpu.memory_space<vmem>>) semaphore(%arg10 : memref<!tpu.dma_semaphore, #tpu.memory_space<semaphore_mem>>)
        %dma_start3A_241 = arith.constant 1 : i32
        %dma_start3A_242 = arith.constant 1 : i32
        %dma_start3A_243 = arith.constant 1 : i32
        %dma_start3A_244 = arith.constant 128 : i32
        %dma_start3A_245 = arith.constant 0 : i32
        %dma_start3A_246 = tpu.memref_slice %arg8[%dma_start3A_243, %dma_start3A_244, %dma_start3A_245] : memref<2x256x128xf32, #tpu.memory_space<vmem>> -> memref<1x128x128xf32, #tpu.memory_space<vmem>>
        %dma_start3A_247 = tpu.memref_squeeze %dma_start3A_246 : memref<1x128x128xf32, #tpu.memory_space<vmem>> -> memref<128x128xf32, #tpu.memory_space<vmem>>
        %dma_start3A_248 = arith.constant 0 : i32
        %dma_start3A_249 = tpu.memref_slice %arg7[%dma_start3A_241, %dma_start3A_242, %dma_start3A_248] : memref<2x2x128xi32, #tpu.memory_space<vmem>> -> memref<1x1x128xi32, #tpu.memory_space<vmem>>
        %dma_start3A_250 = tpu.memref_squeeze %dma_start3A_249 : memref<1x1x128xi32, #tpu.memory_space<vmem>> -> memref<128xi32, #tpu.memory_space<vmem>>
        %dma_start3A_251 = arith.constant 0 : i32
        %dma_start3A_252 = arith.constant 0 : i32
        %dma_start3A_253 = tpu.memref_slice %arg2[%dma_start3A_251, %dma_start3A_252] : memref<10000x128xf32, #tpu.memory_space<hbm>> -> memref<10000x128xf32, #tpu.memory_space<hbm>>
        tpu.enqueue_indirect_dma source(%dma_start3A_253 : memref<10000x128xf32, #tpu.memory_space<hbm>>) target(%dma_start3A_247 : memref<128x128xf32, #tpu.memory_space<vmem>>) offsets(%dma_start3A_250 : memref<128xi32, #tpu.memory_space<vmem>>) semaphore(%arg10 : memref<!tpu.dma_semaphore, #tpu.memory_space<semaphore_mem>>)
      } else {
      }
      %mul3A_144 = arith.constant 2 : i32
      %mul3A_145 = arith.muli %add3A_109, %mul3A_144 : i32
      %add3A_146 = arith.addi %mul3A_52, %mul3A_145 : i32
      %mul3A_147 = arith.constant 128 : i32
      %mul3A_148 = arith.muli %add3A_146, %mul3A_147 : i32
      %dma_start3A_149 = arith.constant 0 : i32
      %dma_start3A_150 = arith.constant 0 : i32
      %dma_start3A_151 = arith.constant 0 : i32
      %dma_start3A_152 = tpu.memref_slice %arg8[%dma_start3A_149, %dma_start3A_150, %dma_start3A_151] : memref<2x256x128xf32, #tpu.memory_space<vmem>> -> memref<1x256x128xf32, #tpu.memory_space<vmem>>
      %dma_start3A_153 = tpu.memref_squeeze %dma_start3A_152 : memref<1x256x128xf32, #tpu.memory_space<vmem>> -> memref<256x128xf32, #tpu.memory_space<vmem>>
      %dma_start3A_154 = arith.constant 0 : i32
      %dma_start3A_155 = tpu.memref_slice %arg6[%mul3A_148, %dma_start3A_154] : memref<163840x128xf32, #tpu.memory_space<hbm>> -> memref<256x128xf32, #tpu.memory_space<hbm>>
      %dma_start3A_156 = arith.constant 0 : i32
      %dma_start3A_157 = tpu.memref_slice %arg6[%mul3A_148, %dma_start3A_156] : memref<163840x128xf32, #tpu.memory_space<hbm>> -> memref<256x128xf32, #tpu.memory_space<hbm>>
      %dma_start3A_158 = arith.constant 0 : i32
      %dma_start3A_159 = arith.constant 0 : i32
      %dma_start3A_160 = tpu.memref_slice %arg8[%dma_start3A_149, %dma_start3A_158, %dma_start3A_159] : memref<2x256x128xf32, #tpu.memory_space<vmem>> -> memref<1x256x128xf32, #tpu.memory_space<vmem>>
      %dma_start3A_161 = tpu.memref_squeeze %dma_start3A_160 : memref<1x256x128xf32, #tpu.memory_space<vmem>> -> memref<256x128xf32, #tpu.memory_space<vmem>>
      tpu.enqueue_dma source(%dma_start3A_161 : memref<256x128xf32, #tpu.memory_space<vmem>>) target(%dma_start3A_157 : memref<256x128xf32, #tpu.memory_space<hbm>>) target_semaphore(%arg11 : memref<!tpu.dma_semaphore, #tpu.memory_space<semaphore_mem>>)
      %mul3A_162 = arith.constant 2 : i32
      %mul3A_163 = arith.muli %scan3A_105, %mul3A_162 : i32
      %add3A_164 = arith.constant 1 : i32
      %add3A_165 = arith.addi %mul3A_163, %add3A_164 : i32
      %dma_wait3A_166 = arith.constant 1 : i32
      %dma_wait3A_167 = arith.constant 0 : i32
      %dma_wait3A_168 = arith.constant 1 : i32
      %dma_wait3A_169 = arith.constant 0 : i32
      %dma_wait3A_170 = arith.constant 0 : i32
      %dma_wait3A_171 = tpu.memref_slice %arg8[%dma_wait3A_168, %dma_wait3A_169, %dma_wait3A_170] : memref<2x256x128xf32, #tpu.memory_space<vmem>> -> memref<1x128x128xf32, #tpu.memory_space<vmem>>
      %dma_wait3A_172 = tpu.memref_squeeze %dma_wait3A_171 : memref<1x128x128xf32, #tpu.memory_space<vmem>> -> memref<128x128xf32, #tpu.memory_space<vmem>>
      %dma_wait3A_173 = arith.constant 0 : i32
      %dma_wait3A_174 = tpu.memref_slice %arg7[%dma_wait3A_166, %dma_wait3A_167, %dma_wait3A_173] : memref<2x2x128xi32, #tpu.memory_space<vmem>> -> memref<1x1x128xi32, #tpu.memory_space<vmem>>
      %dma_wait3A_175 = tpu.memref_squeeze %dma_wait3A_174 : memref<1x1x128xi32, #tpu.memory_space<vmem>> -> memref<128xi32, #tpu.memory_space<vmem>>
      %dma_wait3A_176 = arith.constant 0 : i32
      %dma_wait3A_177 = arith.constant 0 : i32
      %dma_wait3A_178 = tpu.memref_slice %arg2[%dma_wait3A_176, %dma_wait3A_177] : memref<10000x128xf32, #tpu.memory_space<hbm>> -> memref<10000x128xf32, #tpu.memory_space<hbm>>
      tpu.wait_indirect_dma semaphore(%arg10 : memref<!tpu.dma_semaphore, #tpu.memory_space<semaphore_mem>>) src(%dma_wait3A_178 : memref<10000x128xf32, #tpu.memory_space<hbm>>) dst(%dma_wait3A_172 : memref<128x128xf32, #tpu.memory_space<vmem>>)
      %dma_wait3A_179 = arith.constant 1 : i32
      %dma_wait3A_180 = arith.constant 1 : i32
      %dma_wait3A_181 = arith.constant 1 : i32
      %dma_wait3A_182 = arith.constant 128 : i32
      %dma_wait3A_183 = arith.constant 0 : i32
      %dma_wait3A_184 = tpu.memref_slice %arg8[%dma_wait3A_181, %dma_wait3A_182, %dma_wait3A_183] : memref<2x256x128xf32, #tpu.memory_space<vmem>> -> memref<1x128x128xf32, #tpu.memory_space<vmem>>
      %dma_wait3A_185 = tpu.memref_squeeze %dma_wait3A_184 : memref<1x128x128xf32, #tpu.memory_space<vmem>> -> memref<128x128xf32, #tpu.memory_space<vmem>>
      %dma_wait3A_186 = arith.constant 0 : i32
      %dma_wait3A_187 = tpu.memref_slice %arg7[%dma_wait3A_179, %dma_wait3A_180, %dma_wait3A_186] : memref<2x2x128xi32, #tpu.memory_space<vmem>> -> memref<1x1x128xi32, #tpu.memory_space<vmem>>
      %dma_wait3A_188 = tpu.memref_squeeze %dma_wait3A_187 : memref<1x1x128xi32, #tpu.memory_space<vmem>> -> memref<128xi32, #tpu.memory_space<vmem>>
      %dma_wait3A_189 = arith.constant 0 : i32
      %dma_wait3A_190 = arith.constant 0 : i32
      %dma_wait3A_191 = tpu.memref_slice %arg2[%dma_wait3A_189, %dma_wait3A_190] : memref<10000x128xf32, #tpu.memory_space<hbm>> -> memref<10000x128xf32, #tpu.memory_space<hbm>>
      tpu.wait_indirect_dma semaphore(%arg10 : memref<!tpu.dma_semaphore, #tpu.memory_space<semaphore_mem>>) src(%dma_wait3A_191 : memref<10000x128xf32, #tpu.memory_space<hbm>>) dst(%dma_wait3A_185 : memref<128x128xf32, #tpu.memory_space<vmem>>)
      %ge3A_192 = arith.constant 1 : i32
      %ge3A_193 = arith.cmpi sge, %add3A_165, %ge3A_192 : i32
      %convert_element_type3A_194 = arith.extui %ge3A_193 : i1 to i32
      %cond3A_195 = arith.constant 0 : i32
      %cond3A_196 = arith.cmpi ne, %convert_element_type3A_194, %cond3A_195 : i32
      scf.if %cond3A_196 {
        %sub3A = arith.constant 1 : i32
        %sub3A_222 = arith.subi %add3A_165, %sub3A : i32
        %mul3A_223 = arith.constant 2 : i32
        %mul3A_224 = arith.muli %sub3A_222, %mul3A_223 : i32
        %add3A_225 = arith.addi %mul3A_52, %mul3A_224 : i32
        %mul3A_226 = arith.constant 128 : i32
        %mul3A_227 = arith.muli %add3A_225, %mul3A_226 : i32
        %dma_wait3A_228 = arith.constant 0 : i32
        %dma_wait3A_229 = arith.constant 0 : i32
        %dma_wait3A_230 = arith.constant 0 : i32
        %dma_wait3A_231 = tpu.memref_slice %arg8[%dma_wait3A_228, %dma_wait3A_229, %dma_wait3A_230] : memref<2x256x128xf32, #tpu.memory_space<vmem>> -> memref<1x256x128xf32, #tpu.memory_space<vmem>>
        %dma_wait3A_232 = tpu.memref_squeeze %dma_wait3A_231 : memref<1x256x128xf32, #tpu.memory_space<vmem>> -> memref<256x128xf32, #tpu.memory_space<vmem>>
        %dma_wait3A_233 = arith.constant 0 : i32
        %dma_wait3A_234 = tpu.memref_slice %arg6[%mul3A_227, %dma_wait3A_233] : memref<163840x128xf32, #tpu.memory_space<hbm>> -> memref<256x128xf32, #tpu.memory_space<hbm>>
        %dma_wait3A_235 = arith.constant 0 : i32
        %dma_wait3A_236 = tpu.memref_slice %arg6[%mul3A_227, %dma_wait3A_235] : memref<163840x128xf32, #tpu.memory_space<hbm>> -> memref<256x128xf32, #tpu.memory_space<hbm>>
        %dma_wait3A_237 = arith.constant 0 : i32
        %dma_wait3A_238 = arith.constant 0 : i32
        %dma_wait3A_239 = tpu.memref_slice %arg8[%dma_wait3A_228, %dma_wait3A_237, %dma_wait3A_238] : memref<2x256x128xf32, #tpu.memory_space<vmem>> -> memref<1x256x128xf32, #tpu.memory_space<vmem>>
        %dma_wait3A_240 = tpu.memref_squeeze %dma_wait3A_239 : memref<1x256x128xf32, #tpu.memory_space<vmem>> -> memref<256x128xf32, #tpu.memory_space<vmem>>
        tpu.wait_dma2 semaphore(%arg11 : memref<!tpu.dma_semaphore, #tpu.memory_space<semaphore_mem>>) src(%dma_wait3A_240 : memref<256x128xf32, #tpu.memory_space<vmem>>) dst(%dma_wait3A_236 : memref<256x128xf32, #tpu.memory_space<hbm>>)
      } else {
      }
      %add3A_197 = arith.constant 1 : i32
      %add3A_198 = arith.addi %add3A_165, %add3A_197 : i32
      %lt3A_199 = arith.constant 20 : i32
      %lt3A_200 = arith.cmpi slt, %add3A_198, %lt3A_199 : i32
      %convert_element_type3A_201 = arith.extui %lt3A_200 : i1 to i32
      %cond3A_202 = arith.constant 0 : i32
      %cond3A_203 = arith.cmpi ne, %convert_element_type3A_201, %cond3A_202 : i32
      scf.if %cond3A_203 {
        %add3A_222 = arith.constant 1 : i32
        %add3A_223 = arith.addi %add3A_165, %add3A_222 : i32
        %mul3A_224 = arith.constant 2 : i32
        %mul3A_225 = arith.muli %add3A_223, %mul3A_224 : i32
        %add3A_226 = arith.addi %mul3A_52, %mul3A_225 : i32
        %run_scoped3A_227 = arith.constant 0 : i32
        "tpu.region"() ({
          %run_scoped3A_254 = tpu.sem_alloc : memref<!tpu.dma_semaphore, #tpu.memory_space<semaphore_mem>>
          %dma_start3A_255 = arith.constant 0 : i32
          %dma_start3A_256 = arith.constant 0 : i32
          %dma_start3A_257 = tpu.memref_slice %arg7[%run_scoped3A_227, %dma_start3A_255, %dma_start3A_256] : memref<2x2x128xi32, #tpu.memory_space<vmem>> -> memref<1x2x128xi32, #tpu.memory_space<vmem>>
          %dma_start3A_258 = tpu.memref_squeeze %dma_start3A_257 : memref<1x2x128xi32, #tpu.memory_space<vmem>> -> memref<2x128xi32, #tpu.memory_space<vmem>>
          %dma_start3A_259 = arith.constant 0 : i32
          %dma_start3A_260 = tpu.memref_slice %arg4[%add3A_226, %dma_start3A_259] : memref<1280x128xi32, #tpu.memory_space<hbm>> -> memref<2x128xi32, #tpu.memory_space<hbm>>
          %dma_start3A_261 = arith.constant 0 : i32
          %dma_start3A_262 = arith.constant 0 : i32
          %dma_start3A_263 = tpu.memref_slice %arg7[%run_scoped3A_227, %dma_start3A_261, %dma_start3A_262] : memref<2x2x128xi32, #tpu.memory_space<vmem>> -> memref<1x2x128xi32, #tpu.memory_space<vmem>>
          %dma_start3A_264 = tpu.memref_squeeze %dma_start3A_263 : memref<1x2x128xi32, #tpu.memory_space<vmem>> -> memref<2x128xi32, #tpu.memory_space<vmem>>
          %dma_start3A_265 = arith.constant 0 : i32
          %dma_start3A_266 = tpu.memref_slice %arg4[%add3A_226, %dma_start3A_265] : memref<1280x128xi32, #tpu.memory_space<hbm>> -> memref<2x128xi32, #tpu.memory_space<hbm>>
          tpu.enqueue_dma source(%dma_start3A_266 : memref<2x128xi32, #tpu.memory_space<hbm>>) target(%dma_start3A_264 : memref<2x128xi32, #tpu.memory_space<vmem>>) target_semaphore(%run_scoped3A_254 : memref<!tpu.dma_semaphore, #tpu.memory_space<semaphore_mem>>)
          %dma_wait3A_267 = arith.constant 0 : i32
          %dma_wait3A_268 = arith.constant 0 : i32
          %dma_wait3A_269 = tpu.memref_slice %arg7[%run_scoped3A_227, %dma_wait3A_267, %dma_wait3A_268] : memref<2x2x128xi32, #tpu.memory_space<vmem>> -> memref<1x2x128xi32, #tpu.memory_space<vmem>>
          %dma_wait3A_270 = tpu.memref_squeeze %dma_wait3A_269 : memref<1x2x128xi32, #tpu.memory_space<vmem>> -> memref<2x128xi32, #tpu.memory_space<vmem>>
          %dma_wait3A_271 = arith.constant 0 : i32
          %dma_wait3A_272 = tpu.memref_slice %arg4[%add3A_226, %dma_wait3A_271] : memref<1280x128xi32, #tpu.memory_space<hbm>> -> memref<2x128xi32, #tpu.memory_space<hbm>>
          %dma_wait3A_273 = arith.constant 0 : i32
          %dma_wait3A_274 = arith.constant 0 : i32
          %dma_wait3A_275 = tpu.memref_slice %arg7[%run_scoped3A_227, %dma_wait3A_273, %dma_wait3A_274] : memref<2x2x128xi32, #tpu.memory_space<vmem>> -> memref<1x2x128xi32, #tpu.memory_space<vmem>>
          %dma_wait3A_276 = tpu.memref_squeeze %dma_wait3A_275 : memref<1x2x128xi32, #tpu.memory_space<vmem>> -> memref<2x128xi32, #tpu.memory_space<vmem>>
          %dma_wait3A_277 = arith.constant 0 : i32
          %dma_wait3A_278 = tpu.memref_slice %arg4[%add3A_226, %dma_wait3A_277] : memref<1280x128xi32, #tpu.memory_space<hbm>> -> memref<2x128xi32, #tpu.memory_space<hbm>>
          tpu.wait_dma2 semaphore(%run_scoped3A_254 : memref<!tpu.dma_semaphore, #tpu.memory_space<semaphore_mem>>) src(%dma_wait3A_278 : memref<2x128xi32, #tpu.memory_space<hbm>>) dst(%dma_wait3A_276 : memref<2x128xi32, #tpu.memory_space<vmem>>)
          tpu.yield
        }) : () -> ()
        %dma_start3A_228 = arith.constant 0 : i32
        %dma_start3A_229 = arith.constant 0 : i32
        %dma_start3A_230 = arith.constant 0 : i32
        %dma_start3A_231 = arith.constant 0 : i32
        %dma_start3A_232 = arith.constant 0 : i32
        %dma_start3A_233 = tpu.memref_slice %arg8[%dma_start3A_230, %dma_start3A_231, %dma_start3A_232] : memref<2x256x128xf32, #tpu.memory_space<vmem>> -> memref<1x128x128xf32, #tpu.memory_space<vmem>>
        %dma_start3A_234 = tpu.memref_squeeze %dma_start3A_233 : memref<1x128x128xf32, #tpu.memory_space<vmem>> -> memref<128x128xf32, #tpu.memory_space<vmem>>
        %dma_start3A_235 = arith.constant 0 : i32
        %dma_start3A_236 = tpu.memref_slice %arg7[%dma_start3A_228, %dma_start3A_229, %dma_start3A_235] : memref<2x2x128xi32, #tpu.memory_space<vmem>> -> memref<1x1x128xi32, #tpu.memory_space<vmem>>
        %dma_start3A_237 = tpu.memref_squeeze %dma_start3A_236 : memref<1x1x128xi32, #tpu.memory_space<vmem>> -> memref<128xi32, #tpu.memory_space<vmem>>
        %dma_start3A_238 = arith.constant 0 : i32
        %dma_start3A_239 = arith.constant 0 : i32
        %dma_start3A_240 = tpu.memref_slice %arg2[%dma_start3A_238, %dma_start3A_239] : memref<10000x128xf32, #tpu.memory_space<hbm>> -> memref<10000x128xf32, #tpu.memory_space<hbm>>
        tpu.enqueue_indirect_dma source(%dma_start3A_240 : memref<10000x128xf32, #tpu.memory_space<hbm>>) target(%dma_start3A_234 : memref<128x128xf32, #tpu.memory_space<vmem>>) offsets(%dma_start3A_237 : memref<128xi32, #tpu.memory_space<vmem>>) semaphore(%arg9 : memref<!tpu.dma_semaphore, #tpu.memory_space<semaphore_mem>>)
        %dma_start3A_241 = arith.constant 0 : i32
        %dma_start3A_242 = arith.constant 1 : i32
        %dma_start3A_243 = arith.constant 0 : i32
        %dma_start3A_244 = arith.constant 128 : i32
        %dma_start3A_245 = arith.constant 0 : i32
        %dma_start3A_246 = tpu.memref_slice %arg8[%dma_start3A_243, %dma_start3A_244, %dma_start3A_245] : memref<2x256x128xf32, #tpu.memory_space<vmem>> -> memref<1x128x128xf32, #tpu.memory_space<vmem>>
        %dma_start3A_247 = tpu.memref_squeeze %dma_start3A_246 : memref<1x128x128xf32, #tpu.memory_space<vmem>> -> memref<128x128xf32, #tpu.memory_space<vmem>>
        %dma_start3A_248 = arith.constant 0 : i32
        %dma_start3A_249 = tpu.memref_slice %arg7[%dma_start3A_241, %dma_start3A_242, %dma_start3A_248] : memref<2x2x128xi32, #tpu.memory_space<vmem>> -> memref<1x1x128xi32, #tpu.memory_space<vmem>>
        %dma_start3A_250 = tpu.memref_squeeze %dma_start3A_249 : memref<1x1x128xi32, #tpu.memory_space<vmem>> -> memref<128xi32, #tpu.memory_space<vmem>>
        %dma_start3A_251 = arith.constant 0 : i32
        %dma_start3A_252 = arith.constant 0 : i32
        %dma_start3A_253 = tpu.memref_slice %arg2[%dma_start3A_251, %dma_start3A_252] : memref<10000x128xf32, #tpu.memory_space<hbm>> -> memref<10000x128xf32, #tpu.memory_space<hbm>>
        tpu.enqueue_indirect_dma source(%dma_start3A_253 : memref<10000x128xf32, #tpu.memory_space<hbm>>) target(%dma_start3A_247 : memref<128x128xf32, #tpu.memory_space<vmem>>) offsets(%dma_start3A_250 : memref<128xi32, #tpu.memory_space<vmem>>) semaphore(%arg9 : memref<!tpu.dma_semaphore, #tpu.memory_space<semaphore_mem>>)
      } else {
      }
      %mul3A_204 = arith.constant 2 : i32
      %mul3A_205 = arith.muli %add3A_165, %mul3A_204 : i32
      %add3A_206 = arith.addi %mul3A_52, %mul3A_205 : i32
      %mul3A_207 = arith.constant 128 : i32
      %mul3A_208 = arith.muli %add3A_206, %mul3A_207 : i32
      %dma_start3A_209 = arith.constant 1 : i32
      %dma_start3A_210 = arith.constant 0 : i32
      %dma_start3A_211 = arith.constant 0 : i32
      %dma_start3A_212 = tpu.memref_slice %arg8[%dma_start3A_209, %dma_start3A_210, %dma_start3A_211] : memref<2x256x128xf32, #tpu.memory_space<vmem>> -> memref<1x256x128xf32, #tpu.memory_space<vmem>>
      %dma_start3A_213 = tpu.memref_squeeze %dma_start3A_212 : memref<1x256x128xf32, #tpu.memory_space<vmem>> -> memref<256x128xf32, #tpu.memory_space<vmem>>
      %dma_start3A_214 = arith.constant 0 : i32
      %dma_start3A_215 = tpu.memref_slice %arg6[%mul3A_208, %dma_start3A_214] : memref<163840x128xf32, #tpu.memory_space<hbm>> -> memref<256x128xf32, #tpu.memory_space<hbm>>
      %dma_start3A_216 = arith.constant 0 : i32
      %dma_start3A_217 = tpu.memref_slice %arg6[%mul3A_208, %dma_start3A_216] : memref<163840x128xf32, #tpu.memory_space<hbm>> -> memref<256x128xf32, #tpu.memory_space<hbm>>
      %dma_start3A_218 = arith.constant 0 : i32
      %dma_start3A_219 = arith.constant 0 : i32
      %dma_start3A_220 = tpu.memref_slice %arg8[%dma_start3A_209, %dma_start3A_218, %dma_start3A_219] : memref<2x256x128xf32, #tpu.memory_space<vmem>> -> memref<1x256x128xf32, #tpu.memory_space<vmem>>
      %dma_start3A_221 = tpu.memref_squeeze %dma_start3A_220 : memref<1x256x128xf32, #tpu.memory_space<vmem>> -> memref<256x128xf32, #tpu.memory_space<vmem>>
      tpu.enqueue_dma source(%dma_start3A_221 : memref<256x128xf32, #tpu.memory_space<vmem>>) target(%dma_start3A_217 : memref<256x128xf32, #tpu.memory_space<hbm>>) target_semaphore(%arg12 : memref<!tpu.dma_semaphore, #tpu.memory_space<semaphore_mem>>)
    }
    %scan3A_87 = arith.constant 10 : i32
    %add3A_88 = arith.constant 38 : i32
    %add3A_89 = arith.addi %mul3A_52, %add3A_88 : i32
    %mul3A_90 = arith.constant 128 : i32
    %mul3A_91 = arith.muli %add3A_89, %mul3A_90 : i32
    %dma_wait3A_92 = arith.constant 1 : i32
    %dma_wait3A_93 = arith.constant 0 : i32
    %dma_wait3A_94 = arith.constant 0 : i32
    %dma_wait3A_95 = tpu.memref_slice %arg8[%dma_wait3A_92, %dma_wait3A_93, %dma_wait3A_94] : memref<2x256x128xf32, #tpu.memory_space<vmem>> -> memref<1x256x128xf32, #tpu.memory_space<vmem>>
    %dma_wait3A_96 = tpu.memref_squeeze %dma_wait3A_95 : memref<1x256x128xf32, #tpu.memory_space<vmem>> -> memref<256x128xf32, #tpu.memory_space<vmem>>
    %dma_wait3A_97 = arith.constant 0 : i32
    %dma_wait3A_98 = tpu.memref_slice %arg6[%mul3A_91, %dma_wait3A_97] : memref<163840x128xf32, #tpu.memory_space<hbm>> -> memref<256x128xf32, #tpu.memory_space<hbm>>
    %dma_wait3A_99 = arith.constant 0 : i32
    %dma_wait3A_100 = tpu.memref_slice %arg6[%mul3A_91, %dma_wait3A_99] : memref<163840x128xf32, #tpu.memory_space<hbm>> -> memref<256x128xf32, #tpu.memory_space<hbm>>
    %dma_wait3A_101 = arith.constant 0 : i32
    %dma_wait3A_102 = arith.constant 0 : i32
    %dma_wait3A_103 = tpu.memref_slice %arg8[%dma_wait3A_92, %dma_wait3A_101, %dma_wait3A_102] : memref<2x256x128xf32, #tpu.memory_space<vmem>> -> memref<1x256x128xf32, #tpu.memory_space<vmem>>
    %dma_wait3A_104 = tpu.memref_squeeze %dma_wait3A_103 : memref<1x256x128xf32, #tpu.memory_space<vmem>> -> memref<256x128xf32, #tpu.memory_space<vmem>>
    tpu.wait_dma2 semaphore(%arg12 : memref<!tpu.dma_semaphore, #tpu.memory_space<semaphore_mem>>) src(%dma_wait3A_104 : memref<256x128xf32, #tpu.memory_space<vmem>>) dst(%dma_wait3A_100 : memref<256x128xf32, #tpu.memory_space<hbm>>)
    return
  }
}

#map = affine_map<(d0, d1) -> (0, 0)>
#map1 = affine_map<(d0, d1) -> (0, 0, 0)>
module attributes {stable_mosaic.version = 14 : i64} {
  func.func @_scatter_body(%arg0: i32, %arg1: i32, %arg2: memref<163840x128xf32, #tpu.memory_space<hbm>>, %arg3: memref<1280x128xi32, #tpu.memory_space<hbm>>, %arg4: memref<10016x128xf32, #tpu.memory_space<hbm>>, %arg5: memref<2x10000x128xf32, #tpu.memory_space<hbm>>, %arg6: memref<2x1x128xi32, #tpu.memory_space<vmem>>, %arg7: memref<2x128x128xf32, #tpu.memory_space<vmem>>, %arg8: memref<10016x128xf32, #tpu.memory_space<vmem_shared>>, %arg9: memref<!tpu.dma_semaphore, #tpu.memory_space<semaphore_mem>>, %arg10: memref<!tpu.dma_semaphore, #tpu.memory_space<semaphore_mem>>) attributes {dimension_semantics = [#tpu.dimension_semantics<core_parallel>, #tpu.dimension_semantics<subcore_parallel>], iteration_bounds = array<i64: 2, 16>, scalar_prefetch = 0 : i64, scratch_operands = 5 : i64, tpu.core_type = #tpu.core_type<sc_vector_subcore>, window_params = [{transform_indices = #map}, {transform_indices = #map}, {transform_indices = #map}, {transform_indices = #map1}]} {
    %mul3A = arith.constant 2 : i32
    %mul3A_0 = arith.muli %arg1, %mul3A : i32
    %add3A = arith.addi %mul3A_0, %arg0 : i32
    %mul3A_1 = arith.constant 40 : i32
    %mul3A_2 = arith.muli %add3A, %mul3A_1 : i32
    %eq3A = arith.constant 0 : i32
    %eq3A_3 = arith.cmpi eq, %arg1, %eq3A : i32
    %convert_element_type3A = arith.extui %eq3A_3 : i1 to i32
    %cond3A = arith.constant 0 : i32
    %cond3A_4 = arith.cmpi ne, %convert_element_type3A, %cond3A : i32
    scf.if %cond3A_4 {
      "tpu.region"() ({
        %run_scoped3A_34 = tpu.sem_alloc : memref<!tpu.dma_semaphore, #tpu.memory_space<semaphore_mem>>
        tpu.enqueue_dma source(%arg4 : memref<10016x128xf32, #tpu.memory_space<hbm>>) target(%arg8 : memref<10016x128xf32, #tpu.memory_space<vmem_shared>>) target_semaphore(%run_scoped3A_34 : memref<!tpu.dma_semaphore, #tpu.memory_space<semaphore_mem>>)
        tpu.wait_dma2 semaphore(%run_scoped3A_34 : memref<!tpu.dma_semaphore, #tpu.memory_space<semaphore_mem>>) src(%arg4 : memref<10016x128xf32, #tpu.memory_space<hbm>>) dst(%arg8 : memref<10016x128xf32, #tpu.memory_space<vmem_shared>>)
        tpu.yield
      }) : () -> ()
    } else {
    }
    %barrier3A = arith.constant 0 : index
    tpu.barrier barrier_id(%barrier3A)
    %add3A_5 = arith.constant 0 : i32
    %add3A_6 = arith.addi %mul3A_2, %add3A_5 : i32
    %run_scoped3A = arith.constant 0 : i32
    "tpu.region"() ({
      %run_scoped3A_34 = tpu.sem_alloc : memref<!tpu.dma_semaphore, #tpu.memory_space<semaphore_mem>>
      %dma_start3A_35 = arith.constant 0 : i32
      %dma_start3A_36 = arith.constant 0 : i32
      %dma_start3A_37 = tpu.memref_slice %arg6[%run_scoped3A, %dma_start3A_35, %dma_start3A_36] : memref<2x1x128xi32, #tpu.memory_space<vmem>> -> memref<1x1x128xi32, #tpu.memory_space<vmem>>
      %dma_start3A_38 = tpu.memref_squeeze %dma_start3A_37 : memref<1x1x128xi32, #tpu.memory_space<vmem>> -> memref<1x128xi32, #tpu.memory_space<vmem>>
      %dma_start3A_39 = arith.constant 0 : i32
      %dma_start3A_40 = tpu.memref_slice %arg3[%add3A_6, %dma_start3A_39] : memref<1280x128xi32, #tpu.memory_space<hbm>> -> memref<1x128xi32, #tpu.memory_space<hbm>>
      %dma_start3A_41 = arith.constant 0 : i32
      %dma_start3A_42 = arith.constant 0 : i32
      %dma_start3A_43 = tpu.memref_slice %arg6[%run_scoped3A, %dma_start3A_41, %dma_start3A_42] : memref<2x1x128xi32, #tpu.memory_space<vmem>> -> memref<1x1x128xi32, #tpu.memory_space<vmem>>
      %dma_start3A_44 = tpu.memref_squeeze %dma_start3A_43 : memref<1x1x128xi32, #tpu.memory_space<vmem>> -> memref<1x128xi32, #tpu.memory_space<vmem>>
      %dma_start3A_45 = arith.constant 0 : i32
      %dma_start3A_46 = tpu.memref_slice %arg3[%add3A_6, %dma_start3A_45] : memref<1280x128xi32, #tpu.memory_space<hbm>> -> memref<1x128xi32, #tpu.memory_space<hbm>>
      tpu.enqueue_dma source(%dma_start3A_46 : memref<1x128xi32, #tpu.memory_space<hbm>>) target(%dma_start3A_44 : memref<1x128xi32, #tpu.memory_space<vmem>>) target_semaphore(%run_scoped3A_34 : memref<!tpu.dma_semaphore, #tpu.memory_space<semaphore_mem>>)
      %dma_wait3A = arith.constant 0 : i32
      %dma_wait3A_47 = arith.constant 0 : i32
      %dma_wait3A_48 = tpu.memref_slice %arg6[%run_scoped3A, %dma_wait3A, %dma_wait3A_47] : memref<2x1x128xi32, #tpu.memory_space<vmem>> -> memref<1x1x128xi32, #tpu.memory_space<vmem>>
      %dma_wait3A_49 = tpu.memref_squeeze %dma_wait3A_48 : memref<1x1x128xi32, #tpu.memory_space<vmem>> -> memref<1x128xi32, #tpu.memory_space<vmem>>
      %dma_wait3A_50 = arith.constant 0 : i32
      %dma_wait3A_51 = tpu.memref_slice %arg3[%add3A_6, %dma_wait3A_50] : memref<1280x128xi32, #tpu.memory_space<hbm>> -> memref<1x128xi32, #tpu.memory_space<hbm>>
      %dma_wait3A_52 = arith.constant 0 : i32
      %dma_wait3A_53 = arith.constant 0 : i32
      %dma_wait3A_54 = tpu.memref_slice %arg6[%run_scoped3A, %dma_wait3A_52, %dma_wait3A_53] : memref<2x1x128xi32, #tpu.memory_space<vmem>> -> memref<1x1x128xi32, #tpu.memory_space<vmem>>
      %dma_wait3A_55 = tpu.memref_squeeze %dma_wait3A_54 : memref<1x1x128xi32, #tpu.memory_space<vmem>> -> memref<1x128xi32, #tpu.memory_space<vmem>>
      %dma_wait3A_56 = arith.constant 0 : i32
      %dma_wait3A_57 = tpu.memref_slice %arg3[%add3A_6, %dma_wait3A_56] : memref<1280x128xi32, #tpu.memory_space<hbm>> -> memref<1x128xi32, #tpu.memory_space<hbm>>
      tpu.wait_dma2 semaphore(%run_scoped3A_34 : memref<!tpu.dma_semaphore, #tpu.memory_space<semaphore_mem>>) src(%dma_wait3A_57 : memref<1x128xi32, #tpu.memory_space<hbm>>) dst(%dma_wait3A_55 : memref<1x128xi32, #tpu.memory_space<vmem>>)
      tpu.yield
    }) : () -> ()
    %add3A_7 = arith.constant 0 : i32
    %add3A_8 = arith.addi %mul3A_2, %add3A_7 : i32
    %mul3A_9 = arith.constant 128 : i32
    %mul3A_10 = arith.muli %add3A_8, %mul3A_9 : i32
    %dma_start3A = arith.constant 0 : i32
    %dma_start3A_11 = arith.constant 0 : i32
    %dma_start3A_12 = arith.constant 0 : i32
    %dma_start3A_13 = tpu.memref_slice %arg7[%dma_start3A, %dma_start3A_11, %dma_start3A_12] : memref<2x128x128xf32, #tpu.memory_space<vmem>> -> memref<1x128x128xf32, #tpu.memory_space<vmem>>
    %dma_start3A_14 = tpu.memref_squeeze %dma_start3A_13 : memref<1x128x128xf32, #tpu.memory_space<vmem>> -> memref<128x128xf32, #tpu.memory_space<vmem>>
    %dma_start3A_15 = arith.constant 0 : i32
    %dma_start3A_16 = tpu.memref_slice %arg2[%mul3A_10, %dma_start3A_15] : memref<163840x128xf32, #tpu.memory_space<hbm>> -> memref<128x128xf32, #tpu.memory_space<hbm>>
    %dma_start3A_17 = arith.constant 0 : i32
    %dma_start3A_18 = arith.constant 0 : i32
    %dma_start3A_19 = tpu.memref_slice %arg7[%dma_start3A, %dma_start3A_17, %dma_start3A_18] : memref<2x128x128xf32, #tpu.memory_space<vmem>> -> memref<1x128x128xf32, #tpu.memory_space<vmem>>
    %dma_start3A_20 = tpu.memref_squeeze %dma_start3A_19 : memref<1x128x128xf32, #tpu.memory_space<vmem>> -> memref<128x128xf32, #tpu.memory_space<vmem>>
    %dma_start3A_21 = arith.constant 0 : i32
    %dma_start3A_22 = tpu.memref_slice %arg2[%mul3A_10, %dma_start3A_21] : memref<163840x128xf32, #tpu.memory_space<hbm>> -> memref<128x128xf32, #tpu.memory_space<hbm>>
    tpu.enqueue_dma source(%dma_start3A_22 : memref<128x128xf32, #tpu.memory_space<hbm>>) target(%dma_start3A_20 : memref<128x128xf32, #tpu.memory_space<vmem>>) target_semaphore(%arg9 : memref<!tpu.dma_semaphore, #tpu.memory_space<semaphore_mem>>)
    %scan3A = arith.constant 0 : i32
    %scan3A_23 = arith.constant 0 : i32
    %scan3A_24 = arith.constant 20 : i32
    %scan3A_25 = arith.addi %scan3A_23, %scan3A_24 : i32
    %scan3A_26 = arith.constant 1 : i32
    scf.for %scan3A_34 = %scan3A_23 to %scan3A_25 step %scan3A_26  : i32 {
      %mul3A_35 = arith.constant 2 : i32
      %mul3A_36 = arith.muli %scan3A_34, %mul3A_35 : i32
      %add3A_37 = arith.constant 0 : i32
      %add3A_38 = arith.addi %mul3A_36, %add3A_37 : i32
      %add3A_39 = arith.addi %mul3A_2, %add3A_38 : i32
      %mul3A_40 = arith.constant 128 : i32
      %mul3A_41 = arith.muli %add3A_39, %mul3A_40 : i32
      %dma_wait3A = arith.constant 0 : i32
      %dma_wait3A_42 = arith.constant 0 : i32
      %dma_wait3A_43 = arith.constant 0 : i32
      %dma_wait3A_44 = tpu.memref_slice %arg7[%dma_wait3A, %dma_wait3A_42, %dma_wait3A_43] : memref<2x128x128xf32, #tpu.memory_space<vmem>> -> memref<1x128x128xf32, #tpu.memory_space<vmem>>
      %dma_wait3A_45 = tpu.memref_squeeze %dma_wait3A_44 : memref<1x128x128xf32, #tpu.memory_space<vmem>> -> memref<128x128xf32, #tpu.memory_space<vmem>>
      %dma_wait3A_46 = arith.constant 0 : i32
      %dma_wait3A_47 = tpu.memref_slice %arg2[%mul3A_41, %dma_wait3A_46] : memref<163840x128xf32, #tpu.memory_space<hbm>> -> memref<128x128xf32, #tpu.memory_space<hbm>>
      %dma_wait3A_48 = arith.constant 0 : i32
      %dma_wait3A_49 = arith.constant 0 : i32
      %dma_wait3A_50 = tpu.memref_slice %arg7[%dma_wait3A, %dma_wait3A_48, %dma_wait3A_49] : memref<2x128x128xf32, #tpu.memory_space<vmem>> -> memref<1x128x128xf32, #tpu.memory_space<vmem>>
      %dma_wait3A_51 = tpu.memref_squeeze %dma_wait3A_50 : memref<1x128x128xf32, #tpu.memory_space<vmem>> -> memref<128x128xf32, #tpu.memory_space<vmem>>
      %dma_wait3A_52 = arith.constant 0 : i32
      %dma_wait3A_53 = tpu.memref_slice %arg2[%mul3A_41, %dma_wait3A_52] : memref<163840x128xf32, #tpu.memory_space<hbm>> -> memref<128x128xf32, #tpu.memory_space<hbm>>
      tpu.wait_dma2 semaphore(%arg9 : memref<!tpu.dma_semaphore, #tpu.memory_space<semaphore_mem>>) src(%dma_wait3A_53 : memref<128x128xf32, #tpu.memory_space<hbm>>) dst(%dma_wait3A_51 : memref<128x128xf32, #tpu.memory_space<vmem>>)
      %add3A_54 = arith.constant 1 : i32
      %add3A_55 = arith.addi %add3A_38, %add3A_54 : i32
      %lt3A = arith.constant 40 : i32
      %lt3A_56 = arith.cmpi slt, %add3A_55, %lt3A : i32
      %convert_element_type3A_57 = arith.extui %lt3A_56 : i1 to i32
      %cond3A_58 = arith.constant 0 : i32
      %cond3A_59 = arith.cmpi ne, %convert_element_type3A_57, %cond3A_58 : i32
      scf.if %cond3A_59 {
        %add3A_93 = arith.constant 1 : i32
        %add3A_94 = arith.addi %add3A_38, %add3A_93 : i32
        %add3A_95 = arith.addi %mul3A_2, %add3A_94 : i32
        %run_scoped3A_96 = arith.constant 1 : i32
        "tpu.region"() ({
          %run_scoped3A_113 = tpu.sem_alloc : memref<!tpu.dma_semaphore, #tpu.memory_space<semaphore_mem>>
          %dma_start3A_114 = arith.constant 0 : i32
          %dma_start3A_115 = arith.constant 0 : i32
          %dma_start3A_116 = tpu.memref_slice %arg6[%run_scoped3A_96, %dma_start3A_114, %dma_start3A_115] : memref<2x1x128xi32, #tpu.memory_space<vmem>> -> memref<1x1x128xi32, #tpu.memory_space<vmem>>
          %dma_start3A_117 = tpu.memref_squeeze %dma_start3A_116 : memref<1x1x128xi32, #tpu.memory_space<vmem>> -> memref<1x128xi32, #tpu.memory_space<vmem>>
          %dma_start3A_118 = arith.constant 0 : i32
          %dma_start3A_119 = tpu.memref_slice %arg3[%add3A_95, %dma_start3A_118] : memref<1280x128xi32, #tpu.memory_space<hbm>> -> memref<1x128xi32, #tpu.memory_space<hbm>>
          %dma_start3A_120 = arith.constant 0 : i32
          %dma_start3A_121 = arith.constant 0 : i32
          %dma_start3A_122 = tpu.memref_slice %arg6[%run_scoped3A_96, %dma_start3A_120, %dma_start3A_121] : memref<2x1x128xi32, #tpu.memory_space<vmem>> -> memref<1x1x128xi32, #tpu.memory_space<vmem>>
          %dma_start3A_123 = tpu.memref_squeeze %dma_start3A_122 : memref<1x1x128xi32, #tpu.memory_space<vmem>> -> memref<1x128xi32, #tpu.memory_space<vmem>>
          %dma_start3A_124 = arith.constant 0 : i32
          %dma_start3A_125 = tpu.memref_slice %arg3[%add3A_95, %dma_start3A_124] : memref<1280x128xi32, #tpu.memory_space<hbm>> -> memref<1x128xi32, #tpu.memory_space<hbm>>
          tpu.enqueue_dma source(%dma_start3A_125 : memref<1x128xi32, #tpu.memory_space<hbm>>) target(%dma_start3A_123 : memref<1x128xi32, #tpu.memory_space<vmem>>) target_semaphore(%run_scoped3A_113 : memref<!tpu.dma_semaphore, #tpu.memory_space<semaphore_mem>>)
          %dma_wait3A_126 = arith.constant 0 : i32
          %dma_wait3A_127 = arith.constant 0 : i32
          %dma_wait3A_128 = tpu.memref_slice %arg6[%run_scoped3A_96, %dma_wait3A_126, %dma_wait3A_127] : memref<2x1x128xi32, #tpu.memory_space<vmem>> -> memref<1x1x128xi32, #tpu.memory_space<vmem>>
          %dma_wait3A_129 = tpu.memref_squeeze %dma_wait3A_128 : memref<1x1x128xi32, #tpu.memory_space<vmem>> -> memref<1x128xi32, #tpu.memory_space<vmem>>
          %dma_wait3A_130 = arith.constant 0 : i32
          %dma_wait3A_131 = tpu.memref_slice %arg3[%add3A_95, %dma_wait3A_130] : memref<1280x128xi32, #tpu.memory_space<hbm>> -> memref<1x128xi32, #tpu.memory_space<hbm>>
          %dma_wait3A_132 = arith.constant 0 : i32
          %dma_wait3A_133 = arith.constant 0 : i32
          %dma_wait3A_134 = tpu.memref_slice %arg6[%run_scoped3A_96, %dma_wait3A_132, %dma_wait3A_133] : memref<2x1x128xi32, #tpu.memory_space<vmem>> -> memref<1x1x128xi32, #tpu.memory_space<vmem>>
          %dma_wait3A_135 = tpu.memref_squeeze %dma_wait3A_134 : memref<1x1x128xi32, #tpu.memory_space<vmem>> -> memref<1x128xi32, #tpu.memory_space<vmem>>
          %dma_wait3A_136 = arith.constant 0 : i32
          %dma_wait3A_137 = tpu.memref_slice %arg3[%add3A_95, %dma_wait3A_136] : memref<1280x128xi32, #tpu.memory_space<hbm>> -> memref<1x128xi32, #tpu.memory_space<hbm>>
          tpu.wait_dma2 semaphore(%run_scoped3A_113 : memref<!tpu.dma_semaphore, #tpu.memory_space<semaphore_mem>>) src(%dma_wait3A_137 : memref<1x128xi32, #tpu.memory_space<hbm>>) dst(%dma_wait3A_135 : memref<1x128xi32, #tpu.memory_space<vmem>>)
          tpu.yield
        }) : () -> ()
        %add3A_97 = arith.addi %mul3A_2, %add3A_94 : i32
        %mul3A_98 = arith.constant 128 : i32
        %mul3A_99 = arith.muli %add3A_97, %mul3A_98 : i32
        %dma_start3A_100 = arith.constant 1 : i32
        %dma_start3A_101 = arith.constant 0 : i32
        %dma_start3A_102 = arith.constant 0 : i32
        %dma_start3A_103 = tpu.memref_slice %arg7[%dma_start3A_100, %dma_start3A_101, %dma_start3A_102] : memref<2x128x128xf32, #tpu.memory_space<vmem>> -> memref<1x128x128xf32, #tpu.memory_space<vmem>>
        %dma_start3A_104 = tpu.memref_squeeze %dma_start3A_103 : memref<1x128x128xf32, #tpu.memory_space<vmem>> -> memref<128x128xf32, #tpu.memory_space<vmem>>
        %dma_start3A_105 = arith.constant 0 : i32
        %dma_start3A_106 = tpu.memref_slice %arg2[%mul3A_99, %dma_start3A_105] : memref<163840x128xf32, #tpu.memory_space<hbm>> -> memref<128x128xf32, #tpu.memory_space<hbm>>
        %dma_start3A_107 = arith.constant 0 : i32
        %dma_start3A_108 = arith.constant 0 : i32
        %dma_start3A_109 = tpu.memref_slice %arg7[%dma_start3A_100, %dma_start3A_107, %dma_start3A_108] : memref<2x128x128xf32, #tpu.memory_space<vmem>> -> memref<1x128x128xf32, #tpu.memory_space<vmem>>
        %dma_start3A_110 = tpu.memref_squeeze %dma_start3A_109 : memref<1x128x128xf32, #tpu.memory_space<vmem>> -> memref<128x128xf32, #tpu.memory_space<vmem>>
        %dma_start3A_111 = arith.constant 0 : i32
        %dma_start3A_112 = tpu.memref_slice %arg2[%mul3A_99, %dma_start3A_111] : memref<163840x128xf32, #tpu.memory_space<hbm>> -> memref<128x128xf32, #tpu.memory_space<hbm>>
        tpu.enqueue_dma source(%dma_start3A_112 : memref<128x128xf32, #tpu.memory_space<hbm>>) target(%dma_start3A_110 : memref<128x128xf32, #tpu.memory_space<vmem>>) target_semaphore(%arg10 : memref<!tpu.dma_semaphore, #tpu.memory_space<semaphore_mem>>)
      } else {
      }
      %run_scoped3A_60 = arith.constant 0 : i32
      %run_scoped3A_61 = arith.constant 0 : i32
      %run_scoped3A_62 = arith.constant 0 : i32
      "tpu.region"() ({
        %run_scoped3A_93 = tpu.sem_alloc : memref<!tpu.dma_semaphore, #tpu.memory_space<semaphore_mem>>
        %dma_start3A_94 = arith.constant 0 : i32
        %dma_start3A_95 = arith.constant 0 : i32
        %dma_start3A_96 = tpu.memref_slice %arg7[%run_scoped3A_60, %dma_start3A_94, %dma_start3A_95] : memref<2x128x128xf32, #tpu.memory_space<vmem>> -> memref<1x128x128xf32, #tpu.memory_space<vmem>>
        %dma_start3A_97 = tpu.memref_squeeze %dma_start3A_96 : memref<1x128x128xf32, #tpu.memory_space<vmem>> -> memref<128x128xf32, #tpu.memory_space<vmem>>
        %dma_start3A_98 = arith.constant 0 : i32
        %dma_start3A_99 = tpu.memref_slice %arg6[%run_scoped3A_61, %run_scoped3A_62, %dma_start3A_98] : memref<2x1x128xi32, #tpu.memory_space<vmem>> -> memref<1x1x128xi32, #tpu.memory_space<vmem>>
        %dma_start3A_100 = tpu.memref_squeeze %dma_start3A_99 : memref<1x1x128xi32, #tpu.memory_space<vmem>> -> memref<128xi32, #tpu.memory_space<vmem>>
        %dma_start3A_101 = arith.constant 0 : i32
        %dma_start3A_102 = arith.constant 0 : i32
        %dma_start3A_103 = tpu.memref_slice %arg8[%dma_start3A_101, %dma_start3A_102] : memref<10016x128xf32, #tpu.memory_space<vmem_shared>> -> memref<10016x128xf32, #tpu.memory_space<vmem_shared>>
        tpu.enqueue_indirect_dma source(%dma_start3A_97 : memref<128x128xf32, #tpu.memory_space<vmem>>) target(%dma_start3A_103 : memref<10016x128xf32, #tpu.memory_space<vmem_shared>>) offsets(%dma_start3A_100 : memref<128xi32, #tpu.memory_space<vmem>>) semaphore(%run_scoped3A_93 : memref<!tpu.dma_semaphore, #tpu.memory_space<semaphore_mem>>) {add = true}
        %dma_wait3A_104 = arith.constant 0 : i32
        %dma_wait3A_105 = arith.constant 0 : i32
        %dma_wait3A_106 = tpu.memref_slice %arg7[%run_scoped3A_60, %dma_wait3A_104, %dma_wait3A_105] : memref<2x128x128xf32, #tpu.memory_space<vmem>> -> memref<1x128x128xf32, #tpu.memory_space<vmem>>
        %dma_wait3A_107 = tpu.memref_squeeze %dma_wait3A_106 : memref<1x128x128xf32, #tpu.memory_space<vmem>> -> memref<128x128xf32, #tpu.memory_space<vmem>>
        %dma_wait3A_108 = arith.constant 0 : i32
        %dma_wait3A_109 = tpu.memref_slice %arg6[%run_scoped3A_61, %run_scoped3A_62, %dma_wait3A_108] : memref<2x1x128xi32, #tpu.memory_space<vmem>> -> memref<1x1x128xi32, #tpu.memory_space<vmem>>
        %dma_wait3A_110 = tpu.memref_squeeze %dma_wait3A_109 : memref<1x1x128xi32, #tpu.memory_space<vmem>> -> memref<128xi32, #tpu.memory_space<vmem>>
        %dma_wait3A_111 = arith.constant 0 : i32
        %dma_wait3A_112 = arith.constant 0 : i32
        %dma_wait3A_113 = tpu.memref_slice %arg8[%dma_wait3A_111, %dma_wait3A_112] : memref<10016x128xf32, #tpu.memory_space<vmem_shared>> -> memref<10016x128xf32, #tpu.memory_space<vmem_shared>>
        tpu.wait_indirect_dma semaphore(%run_scoped3A_93 : memref<!tpu.dma_semaphore, #tpu.memory_space<semaphore_mem>>) src(%dma_wait3A_107 : memref<128x128xf32, #tpu.memory_space<vmem>>) dst(%dma_wait3A_113 : memref<10016x128xf32, #tpu.memory_space<vmem_shared>>)
        tpu.yield
      }) : () -> ()
      %mul3A_63 = arith.constant 2 : i32
      %mul3A_64 = arith.muli %scan3A_34, %mul3A_63 : i32
      %add3A_65 = arith.constant 1 : i32
      %add3A_66 = arith.addi %mul3A_64, %add3A_65 : i32
      %add3A_67 = arith.addi %mul3A_2, %add3A_66 : i32
      %mul3A_68 = arith.constant 128 : i32
      %mul3A_69 = arith.muli %add3A_67, %mul3A_68 : i32
      %dma_wait3A_70 = arith.constant 1 : i32
      %dma_wait3A_71 = arith.constant 0 : i32
      %dma_wait3A_72 = arith.constant 0 : i32
      %dma_wait3A_73 = tpu.memref_slice %arg7[%dma_wait3A_70, %dma_wait3A_71, %dma_wait3A_72] : memref<2x128x128xf32, #tpu.memory_space<vmem>> -> memref<1x128x128xf32, #tpu.memory_space<vmem>>
      %dma_wait3A_74 = tpu.memref_squeeze %dma_wait3A_73 : memref<1x128x128xf32, #tpu.memory_space<vmem>> -> memref<128x128xf32, #tpu.memory_space<vmem>>
      %dma_wait3A_75 = arith.constant 0 : i32
      %dma_wait3A_76 = tpu.memref_slice %arg2[%mul3A_69, %dma_wait3A_75] : memref<163840x128xf32, #tpu.memory_space<hbm>> -> memref<128x128xf32, #tpu.memory_space<hbm>>
      %dma_wait3A_77 = arith.constant 0 : i32
      %dma_wait3A_78 = arith.constant 0 : i32
      %dma_wait3A_79 = tpu.memref_slice %arg7[%dma_wait3A_70, %dma_wait3A_77, %dma_wait3A_78] : memref<2x128x128xf32, #tpu.memory_space<vmem>> -> memref<1x128x128xf32, #tpu.memory_space<vmem>>
      %dma_wait3A_80 = tpu.memref_squeeze %dma_wait3A_79 : memref<1x128x128xf32, #tpu.memory_space<vmem>> -> memref<128x128xf32, #tpu.memory_space<vmem>>
      %dma_wait3A_81 = arith.constant 0 : i32
      %dma_wait3A_82 = tpu.memref_slice %arg2[%mul3A_69, %dma_wait3A_81] : memref<163840x128xf32, #tpu.memory_space<hbm>> -> memref<128x128xf32, #tpu.memory_space<hbm>>
      tpu.wait_dma2 semaphore(%arg10 : memref<!tpu.dma_semaphore, #tpu.memory_space<semaphore_mem>>) src(%dma_wait3A_82 : memref<128x128xf32, #tpu.memory_space<hbm>>) dst(%dma_wait3A_80 : memref<128x128xf32, #tpu.memory_space<vmem>>)
      %add3A_83 = arith.constant 1 : i32
      %add3A_84 = arith.addi %add3A_66, %add3A_83 : i32
      %lt3A_85 = arith.constant 40 : i32
      %lt3A_86 = arith.cmpi slt, %add3A_84, %lt3A_85 : i32
      %convert_element_type3A_87 = arith.extui %lt3A_86 : i1 to i32
      %cond3A_88 = arith.constant 0 : i32
      %cond3A_89 = arith.cmpi ne, %convert_element_type3A_87, %cond3A_88 : i32
      scf.if %cond3A_89 {
        %add3A_93 = arith.constant 1 : i32
        %add3A_94 = arith.addi %add3A_66, %add3A_93 : i32
        %add3A_95 = arith.addi %mul3A_2, %add3A_94 : i32
        %run_scoped3A_96 = arith.constant 0 : i32
        "tpu.region"() ({
          %run_scoped3A_113 = tpu.sem_alloc : memref<!tpu.dma_semaphore, #tpu.memory_space<semaphore_mem>>
          %dma_start3A_114 = arith.constant 0 : i32
          %dma_start3A_115 = arith.constant 0 : i32
          %dma_start3A_116 = tpu.memref_slice %arg6[%run_scoped3A_96, %dma_start3A_114, %dma_start3A_115] : memref<2x1x128xi32, #tpu.memory_space<vmem>> -> memref<1x1x128xi32, #tpu.memory_space<vmem>>
          %dma_start3A_117 = tpu.memref_squeeze %dma_start3A_116 : memref<1x1x128xi32, #tpu.memory_space<vmem>> -> memref<1x128xi32, #tpu.memory_space<vmem>>
          %dma_start3A_118 = arith.constant 0 : i32
          %dma_start3A_119 = tpu.memref_slice %arg3[%add3A_95, %dma_start3A_118] : memref<1280x128xi32, #tpu.memory_space<hbm>> -> memref<1x128xi32, #tpu.memory_space<hbm>>
          %dma_start3A_120 = arith.constant 0 : i32
          %dma_start3A_121 = arith.constant 0 : i32
          %dma_start3A_122 = tpu.memref_slice %arg6[%run_scoped3A_96, %dma_start3A_120, %dma_start3A_121] : memref<2x1x128xi32, #tpu.memory_space<vmem>> -> memref<1x1x128xi32, #tpu.memory_space<vmem>>
          %dma_start3A_123 = tpu.memref_squeeze %dma_start3A_122 : memref<1x1x128xi32, #tpu.memory_space<vmem>> -> memref<1x128xi32, #tpu.memory_space<vmem>>
          %dma_start3A_124 = arith.constant 0 : i32
          %dma_start3A_125 = tpu.memref_slice %arg3[%add3A_95, %dma_start3A_124] : memref<1280x128xi32, #tpu.memory_space<hbm>> -> memref<1x128xi32, #tpu.memory_space<hbm>>
          tpu.enqueue_dma source(%dma_start3A_125 : memref<1x128xi32, #tpu.memory_space<hbm>>) target(%dma_start3A_123 : memref<1x128xi32, #tpu.memory_space<vmem>>) target_semaphore(%run_scoped3A_113 : memref<!tpu.dma_semaphore, #tpu.memory_space<semaphore_mem>>)
          %dma_wait3A_126 = arith.constant 0 : i32
          %dma_wait3A_127 = arith.constant 0 : i32
          %dma_wait3A_128 = tpu.memref_slice %arg6[%run_scoped3A_96, %dma_wait3A_126, %dma_wait3A_127] : memref<2x1x128xi32, #tpu.memory_space<vmem>> -> memref<1x1x128xi32, #tpu.memory_space<vmem>>
          %dma_wait3A_129 = tpu.memref_squeeze %dma_wait3A_128 : memref<1x1x128xi32, #tpu.memory_space<vmem>> -> memref<1x128xi32, #tpu.memory_space<vmem>>
          %dma_wait3A_130 = arith.constant 0 : i32
          %dma_wait3A_131 = tpu.memref_slice %arg3[%add3A_95, %dma_wait3A_130] : memref<1280x128xi32, #tpu.memory_space<hbm>> -> memref<1x128xi32, #tpu.memory_space<hbm>>
          %dma_wait3A_132 = arith.constant 0 : i32
          %dma_wait3A_133 = arith.constant 0 : i32
          %dma_wait3A_134 = tpu.memref_slice %arg6[%run_scoped3A_96, %dma_wait3A_132, %dma_wait3A_133] : memref<2x1x128xi32, #tpu.memory_space<vmem>> -> memref<1x1x128xi32, #tpu.memory_space<vmem>>
          %dma_wait3A_135 = tpu.memref_squeeze %dma_wait3A_134 : memref<1x1x128xi32, #tpu.memory_space<vmem>> -> memref<1x128xi32, #tpu.memory_space<vmem>>
          %dma_wait3A_136 = arith.constant 0 : i32
          %dma_wait3A_137 = tpu.memref_slice %arg3[%add3A_95, %dma_wait3A_136] : memref<1280x128xi32, #tpu.memory_space<hbm>> -> memref<1x128xi32, #tpu.memory_space<hbm>>
          tpu.wait_dma2 semaphore(%run_scoped3A_113 : memref<!tpu.dma_semaphore, #tpu.memory_space<semaphore_mem>>) src(%dma_wait3A_137 : memref<1x128xi32, #tpu.memory_space<hbm>>) dst(%dma_wait3A_135 : memref<1x128xi32, #tpu.memory_space<vmem>>)
          tpu.yield
        }) : () -> ()
        %add3A_97 = arith.addi %mul3A_2, %add3A_94 : i32
        %mul3A_98 = arith.constant 128 : i32
        %mul3A_99 = arith.muli %add3A_97, %mul3A_98 : i32
        %dma_start3A_100 = arith.constant 0 : i32
        %dma_start3A_101 = arith.constant 0 : i32
        %dma_start3A_102 = arith.constant 0 : i32
        %dma_start3A_103 = tpu.memref_slice %arg7[%dma_start3A_100, %dma_start3A_101, %dma_start3A_102] : memref<2x128x128xf32, #tpu.memory_space<vmem>> -> memref<1x128x128xf32, #tpu.memory_space<vmem>>
        %dma_start3A_104 = tpu.memref_squeeze %dma_start3A_103 : memref<1x128x128xf32, #tpu.memory_space<vmem>> -> memref<128x128xf32, #tpu.memory_space<vmem>>
        %dma_start3A_105 = arith.constant 0 : i32
        %dma_start3A_106 = tpu.memref_slice %arg2[%mul3A_99, %dma_start3A_105] : memref<163840x128xf32, #tpu.memory_space<hbm>> -> memref<128x128xf32, #tpu.memory_space<hbm>>
        %dma_start3A_107 = arith.constant 0 : i32
        %dma_start3A_108 = arith.constant 0 : i32
        %dma_start3A_109 = tpu.memref_slice %arg7[%dma_start3A_100, %dma_start3A_107, %dma_start3A_108] : memref<2x128x128xf32, #tpu.memory_space<vmem>> -> memref<1x128x128xf32, #tpu.memory_space<vmem>>
        %dma_start3A_110 = tpu.memref_squeeze %dma_start3A_109 : memref<1x128x128xf32, #tpu.memory_space<vmem>> -> memref<128x128xf32, #tpu.memory_space<vmem>>
        %dma_start3A_111 = arith.constant 0 : i32
        %dma_start3A_112 = tpu.memref_slice %arg2[%mul3A_99, %dma_start3A_111] : memref<163840x128xf32, #tpu.memory_space<hbm>> -> memref<128x128xf32, #tpu.memory_space<hbm>>
        tpu.enqueue_dma source(%dma_start3A_112 : memref<128x128xf32, #tpu.memory_space<hbm>>) target(%dma_start3A_110 : memref<128x128xf32, #tpu.memory_space<vmem>>) target_semaphore(%arg9 : memref<!tpu.dma_semaphore, #tpu.memory_space<semaphore_mem>>)
      } else {
      }
      %run_scoped3A_90 = arith.constant 1 : i32
      %run_scoped3A_91 = arith.constant 1 : i32
      %run_scoped3A_92 = arith.constant 0 : i32
      "tpu.region"() ({
        %run_scoped3A_93 = tpu.sem_alloc : memref<!tpu.dma_semaphore, #tpu.memory_space<semaphore_mem>>
        %dma_start3A_94 = arith.constant 0 : i32
        %dma_start3A_95 = arith.constant 0 : i32
        %dma_start3A_96 = tpu.memref_slice %arg7[%run_scoped3A_90, %dma_start3A_94, %dma_start3A_95] : memref<2x128x128xf32, #tpu.memory_space<vmem>> -> memref<1x128x128xf32, #tpu.memory_space<vmem>>
        %dma_start3A_97 = tpu.memref_squeeze %dma_start3A_96 : memref<1x128x128xf32, #tpu.memory_space<vmem>> -> memref<128x128xf32, #tpu.memory_space<vmem>>
        %dma_start3A_98 = arith.constant 0 : i32
        %dma_start3A_99 = tpu.memref_slice %arg6[%run_scoped3A_91, %run_scoped3A_92, %dma_start3A_98] : memref<2x1x128xi32, #tpu.memory_space<vmem>> -> memref<1x1x128xi32, #tpu.memory_space<vmem>>
        %dma_start3A_100 = tpu.memref_squeeze %dma_start3A_99 : memref<1x1x128xi32, #tpu.memory_space<vmem>> -> memref<128xi32, #tpu.memory_space<vmem>>
        %dma_start3A_101 = arith.constant 0 : i32
        %dma_start3A_102 = arith.constant 0 : i32
        %dma_start3A_103 = tpu.memref_slice %arg8[%dma_start3A_101, %dma_start3A_102] : memref<10016x128xf32, #tpu.memory_space<vmem_shared>> -> memref<10016x128xf32, #tpu.memory_space<vmem_shared>>
        tpu.enqueue_indirect_dma source(%dma_start3A_97 : memref<128x128xf32, #tpu.memory_space<vmem>>) target(%dma_start3A_103 : memref<10016x128xf32, #tpu.memory_space<vmem_shared>>) offsets(%dma_start3A_100 : memref<128xi32, #tpu.memory_space<vmem>>) semaphore(%run_scoped3A_93 : memref<!tpu.dma_semaphore, #tpu.memory_space<semaphore_mem>>) {add = true}
        %dma_wait3A_104 = arith.constant 0 : i32
        %dma_wait3A_105 = arith.constant 0 : i32
        %dma_wait3A_106 = tpu.memref_slice %arg7[%run_scoped3A_90, %dma_wait3A_104, %dma_wait3A_105] : memref<2x128x128xf32, #tpu.memory_space<vmem>> -> memref<1x128x128xf32, #tpu.memory_space<vmem>>
        %dma_wait3A_107 = tpu.memref_squeeze %dma_wait3A_106 : memref<1x128x128xf32, #tpu.memory_space<vmem>> -> memref<128x128xf32, #tpu.memory_space<vmem>>
        %dma_wait3A_108 = arith.constant 0 : i32
        %dma_wait3A_109 = tpu.memref_slice %arg6[%run_scoped3A_91, %run_scoped3A_92, %dma_wait3A_108] : memref<2x1x128xi32, #tpu.memory_space<vmem>> -> memref<1x1x128xi32, #tpu.memory_space<vmem>>
        %dma_wait3A_110 = tpu.memref_squeeze %dma_wait3A_109 : memref<1x1x128xi32, #tpu.memory_space<vmem>> -> memref<128xi32, #tpu.memory_space<vmem>>
        %dma_wait3A_111 = arith.constant 0 : i32
        %dma_wait3A_112 = arith.constant 0 : i32
        %dma_wait3A_113 = tpu.memref_slice %arg8[%dma_wait3A_111, %dma_wait3A_112] : memref<10016x128xf32, #tpu.memory_space<vmem_shared>> -> memref<10016x128xf32, #tpu.memory_space<vmem_shared>>
        tpu.wait_indirect_dma semaphore(%run_scoped3A_93 : memref<!tpu.dma_semaphore, #tpu.memory_space<semaphore_mem>>) src(%dma_wait3A_107 : memref<128x128xf32, #tpu.memory_space<vmem>>) dst(%dma_wait3A_113 : memref<10016x128xf32, #tpu.memory_space<vmem_shared>>)
        tpu.yield
      }) : () -> ()
    }
    %scan3A_27 = arith.constant 20 : i32
    %barrier3A_28 = arith.constant 0 : index
    tpu.barrier barrier_id(%barrier3A_28)
    %eq3A_29 = arith.constant 0 : i32
    %eq3A_30 = arith.cmpi eq, %arg1, %eq3A_29 : i32
    %convert_element_type3A_31 = arith.extui %eq3A_30 : i1 to i32
    %cond3A_32 = arith.constant 0 : i32
    %cond3A_33 = arith.cmpi ne, %convert_element_type3A_31, %cond3A_32 : i32
    scf.if %cond3A_33 {
      "tpu.region"() ({
        %run_scoped3A_34 = tpu.sem_alloc : memref<!tpu.dma_semaphore, #tpu.memory_space<semaphore_mem>>
        %dma_start3A_35 = arith.constant 0 : i32
        %dma_start3A_36 = arith.constant 0 : i32
        %dma_start3A_37 = tpu.memref_slice %arg5[%arg0, %dma_start3A_35, %dma_start3A_36] : memref<2x10000x128xf32, #tpu.memory_space<hbm>> -> memref<1x10000x128xf32, #tpu.memory_space<hbm>>
        %dma_start3A_38 = tpu.memref_squeeze %dma_start3A_37 : memref<1x10000x128xf32, #tpu.memory_space<hbm>> -> memref<10000x128xf32, #tpu.memory_space<hbm>>
        %dma_start3A_39 = arith.constant 0 : i32
        %dma_start3A_40 = arith.constant 0 : i32
        %dma_start3A_41 = tpu.memref_slice %arg8[%dma_start3A_39, %dma_start3A_40] : memref<10016x128xf32, #tpu.memory_space<vmem_shared>> -> memref<10000x128xf32, #tpu.memory_space<vmem_shared>>
        tpu.enqueue_dma source(%dma_start3A_41 : memref<10000x128xf32, #tpu.memory_space<vmem_shared>>) target(%dma_start3A_38 : memref<10000x128xf32, #tpu.memory_space<hbm>>) target_semaphore(%run_scoped3A_34 : memref<!tpu.dma_semaphore, #tpu.memory_space<semaphore_mem>>)
        %dma_wait3A = arith.constant 0 : i32
        %dma_wait3A_42 = arith.constant 0 : i32
        %dma_wait3A_43 = tpu.memref_slice %arg5[%arg0, %dma_wait3A, %dma_wait3A_42] : memref<2x10000x128xf32, #tpu.memory_space<hbm>> -> memref<1x10000x128xf32, #tpu.memory_space<hbm>>
        %dma_wait3A_44 = tpu.memref_squeeze %dma_wait3A_43 : memref<1x10000x128xf32, #tpu.memory_space<hbm>> -> memref<10000x128xf32, #tpu.memory_space<hbm>>
        %dma_wait3A_45 = arith.constant 0 : i32
        %dma_wait3A_46 = arith.constant 0 : i32
        %dma_wait3A_47 = tpu.memref_slice %arg8[%dma_wait3A_45, %dma_wait3A_46] : memref<10016x128xf32, #tpu.memory_space<vmem_shared>> -> memref<10000x128xf32, #tpu.memory_space<vmem_shared>>
        tpu.wait_dma2 semaphore(%run_scoped3A_34 : memref<!tpu.dma_semaphore, #tpu.memory_space<semaphore_mem>>) src(%dma_wait3A_47 : memref<10000x128xf32, #tpu.memory_space<vmem_shared>>) dst(%dma_wait3A_44 : memref<10000x128xf32, #tpu.memory_space<hbm>>)
        tpu.yield
      }) : () -> ()
    } else {
    }
    return
  }
}

#map = affine_map<(d0, d1) -> (0, 0)>
module attributes {stable_mosaic.version = 14 : i64} {
  func.func @_gather_body(%arg0: i32, %arg1: i32, %arg2: memref<10000x128xf32, #tpu.memory_space<hbm>>, %arg3: memref<1280x128xi32, #tpu.memory_space<hbm>>, %arg4: memref<1280x128xi32, #tpu.memory_space<hbm>>, %arg5: memref<163840x128xf32, #tpu.memory_space<hbm>>, %arg6: memref<163840x128xf32, #tpu.memory_space<hbm>>, %arg7: memref<2x2x128xi32, #tpu.memory_space<vmem>>, %arg8: memref<2x256x128xf32, #tpu.memory_space<vmem>>, %arg9: memref<!tpu.dma_semaphore, #tpu.memory_space<semaphore_mem>>, %arg10: memref<!tpu.dma_semaphore, #tpu.memory_space<semaphore_mem>>, %arg11: memref<!tpu.dma_semaphore, #tpu.memory_space<semaphore_mem>>, %arg12: memref<!tpu.dma_semaphore, #tpu.memory_space<semaphore_mem>>) attributes {dimension_semantics = [#tpu.dimension_semantics<core_parallel>, #tpu.dimension_semantics<subcore_parallel>], iteration_bounds = array<i64: 2, 16>, scalar_prefetch = 0 : i64, scratch_operands = 6 : i64, tpu.core_type = #tpu.core_type<sc_vector_subcore>, window_params = [{transform_indices = #map}, {transform_indices = #map}, {transform_indices = #map}, {transform_indices = #map}, {transform_indices = #map}]} {
    %mul3A = arith.constant 2 : i32
    %mul3A_0 = arith.muli %arg1, %mul3A : i32
    %add3A = arith.addi %mul3A_0, %arg0 : i32
    %mul3A_1 = arith.constant 40 : i32
    %mul3A_2 = arith.muli %add3A, %mul3A_1 : i32
    %add3A_3 = arith.constant 0 : i32
    %add3A_4 = arith.addi %mul3A_2, %add3A_3 : i32
    %run_scoped3A = arith.constant 0 : i32
    "tpu.region"() ({
      %run_scoped3A_105 = tpu.sem_alloc : memref<!tpu.dma_semaphore, #tpu.memory_space<semaphore_mem>>
      %dma_start3A_106 = arith.constant 0 : i32
      %dma_start3A_107 = arith.constant 0 : i32
      %dma_start3A_108 = tpu.memref_slice %arg7[%run_scoped3A, %dma_start3A_106, %dma_start3A_107] : memref<2x2x128xi32, #tpu.memory_space<vmem>> -> memref<1x2x128xi32, #tpu.memory_space<vmem>>
      %dma_start3A_109 = tpu.memref_squeeze %dma_start3A_108 : memref<1x2x128xi32, #tpu.memory_space<vmem>> -> memref<2x128xi32, #tpu.memory_space<vmem>>
      %dma_start3A_110 = arith.constant 0 : i32
      %dma_start3A_111 = tpu.memref_slice %arg3[%add3A_4, %dma_start3A_110] : memref<1280x128xi32, #tpu.memory_space<hbm>> -> memref<2x128xi32, #tpu.memory_space<hbm>>
      %dma_start3A_112 = arith.constant 0 : i32
      %dma_start3A_113 = arith.constant 0 : i32
      %dma_start3A_114 = tpu.memref_slice %arg7[%run_scoped3A, %dma_start3A_112, %dma_start3A_113] : memref<2x2x128xi32, #tpu.memory_space<vmem>> -> memref<1x2x128xi32, #tpu.memory_space<vmem>>
      %dma_start3A_115 = tpu.memref_squeeze %dma_start3A_114 : memref<1x2x128xi32, #tpu.memory_space<vmem>> -> memref<2x128xi32, #tpu.memory_space<vmem>>
      %dma_start3A_116 = arith.constant 0 : i32
      %dma_start3A_117 = tpu.memref_slice %arg3[%add3A_4, %dma_start3A_116] : memref<1280x128xi32, #tpu.memory_space<hbm>> -> memref<2x128xi32, #tpu.memory_space<hbm>>
      tpu.enqueue_dma source(%dma_start3A_117 : memref<2x128xi32, #tpu.memory_space<hbm>>) target(%dma_start3A_115 : memref<2x128xi32, #tpu.memory_space<vmem>>) target_semaphore(%run_scoped3A_105 : memref<!tpu.dma_semaphore, #tpu.memory_space<semaphore_mem>>)
      %dma_wait3A_118 = arith.constant 0 : i32
      %dma_wait3A_119 = arith.constant 0 : i32
      %dma_wait3A_120 = tpu.memref_slice %arg7[%run_scoped3A, %dma_wait3A_118, %dma_wait3A_119] : memref<2x2x128xi32, #tpu.memory_space<vmem>> -> memref<1x2x128xi32, #tpu.memory_space<vmem>>
      %dma_wait3A_121 = tpu.memref_squeeze %dma_wait3A_120 : memref<1x2x128xi32, #tpu.memory_space<vmem>> -> memref<2x128xi32, #tpu.memory_space<vmem>>
      %dma_wait3A_122 = arith.constant 0 : i32
      %dma_wait3A_123 = tpu.memref_slice %arg3[%add3A_4, %dma_wait3A_122] : memref<1280x128xi32, #tpu.memory_space<hbm>> -> memref<2x128xi32, #tpu.memory_space<hbm>>
      %dma_wait3A_124 = arith.constant 0 : i32
      %dma_wait3A_125 = arith.constant 0 : i32
      %dma_wait3A_126 = tpu.memref_slice %arg7[%run_scoped3A, %dma_wait3A_124, %dma_wait3A_125] : memref<2x2x128xi32, #tpu.memory_space<vmem>> -> memref<1x2x128xi32, #tpu.memory_space<vmem>>
      %dma_wait3A_127 = tpu.memref_squeeze %dma_wait3A_126 : memref<1x2x128xi32, #tpu.memory_space<vmem>> -> memref<2x128xi32, #tpu.memory_space<vmem>>
      %dma_wait3A_128 = arith.constant 0 : i32
      %dma_wait3A_129 = tpu.memref_slice %arg3[%add3A_4, %dma_wait3A_128] : memref<1280x128xi32, #tpu.memory_space<hbm>> -> memref<2x128xi32, #tpu.memory_space<hbm>>
      tpu.wait_dma2 semaphore(%run_scoped3A_105 : memref<!tpu.dma_semaphore, #tpu.memory_space<semaphore_mem>>) src(%dma_wait3A_129 : memref<2x128xi32, #tpu.memory_space<hbm>>) dst(%dma_wait3A_127 : memref<2x128xi32, #tpu.memory_space<vmem>>)
      tpu.yield
    }) : () -> ()
    %dma_start3A = arith.constant 0 : i32
    %dma_start3A_5 = arith.constant 0 : i32
    %dma_start3A_6 = arith.constant 0 : i32
    %dma_start3A_7 = arith.constant 0 : i32
    %dma_start3A_8 = arith.constant 0 : i32
    %dma_start3A_9 = tpu.memref_slice %arg8[%dma_start3A_6, %dma_start3A_7, %dma_start3A_8] : memref<2x256x128xf32, #tpu.memory_space<vmem>> -> memref<1x128x128xf32, #tpu.memory_space<vmem>>
    %dma_start3A_10 = tpu.memref_squeeze %dma_start3A_9 : memref<1x128x128xf32, #tpu.memory_space<vmem>> -> memref<128x128xf32, #tpu.memory_space<vmem>>
    %dma_start3A_11 = arith.constant 0 : i32
    %dma_start3A_12 = tpu.memref_slice %arg7[%dma_start3A, %dma_start3A_5, %dma_start3A_11] : memref<2x2x128xi32, #tpu.memory_space<vmem>> -> memref<1x1x128xi32, #tpu.memory_space<vmem>>
    %dma_start3A_13 = tpu.memref_squeeze %dma_start3A_12 : memref<1x1x128xi32, #tpu.memory_space<vmem>> -> memref<128xi32, #tpu.memory_space<vmem>>
    %dma_start3A_14 = arith.constant 0 : i32
    %dma_start3A_15 = arith.constant 0 : i32
    %dma_start3A_16 = tpu.memref_slice %arg2[%dma_start3A_14, %dma_start3A_15] : memref<10000x128xf32, #tpu.memory_space<hbm>> -> memref<10000x128xf32, #tpu.memory_space<hbm>>
    tpu.enqueue_indirect_dma source(%dma_start3A_16 : memref<10000x128xf32, #tpu.memory_space<hbm>>) target(%dma_start3A_10 : memref<128x128xf32, #tpu.memory_space<vmem>>) offsets(%dma_start3A_13 : memref<128xi32, #tpu.memory_space<vmem>>) semaphore(%arg9 : memref<!tpu.dma_semaphore, #tpu.memory_space<semaphore_mem>>)
    %dma_start3A_17 = arith.constant 0 : i32
    %dma_start3A_18 = arith.constant 1 : i32
    %dma_start3A_19 = arith.constant 0 : i32
    %dma_start3A_20 = arith.constant 128 : i32
    %dma_start3A_21 = arith.constant 0 : i32
    %dma_start3A_22 = tpu.memref_slice %arg8[%dma_start3A_19, %dma_start3A_20, %dma_start3A_21] : memref<2x256x128xf32, #tpu.memory_space<vmem>> -> memref<1x128x128xf32, #tpu.memory_space<vmem>>
    %dma_start3A_23 = tpu.memref_squeeze %dma_start3A_22 : memref<1x128x128xf32, #tpu.memory_space<vmem>> -> memref<128x128xf32, #tpu.memory_space<vmem>>
    %dma_start3A_24 = arith.constant 0 : i32
    %dma_start3A_25 = tpu.memref_slice %arg7[%dma_start3A_17, %dma_start3A_18, %dma_start3A_24] : memref<2x2x128xi32, #tpu.memory_space<vmem>> -> memref<1x1x128xi32, #tpu.memory_space<vmem>>
    %dma_start3A_26 = tpu.memref_squeeze %dma_start3A_25 : memref<1x1x128xi32, #tpu.memory_space<vmem>> -> memref<128xi32, #tpu.memory_space<vmem>>
    %dma_start3A_27 = arith.constant 0 : i32
    %dma_start3A_28 = arith.constant 0 : i32
    %dma_start3A_29 = tpu.memref_slice %arg2[%dma_start3A_27, %dma_start3A_28] : memref<10000x128xf32, #tpu.memory_space<hbm>> -> memref<10000x128xf32, #tpu.memory_space<hbm>>
    tpu.enqueue_indirect_dma source(%dma_start3A_29 : memref<10000x128xf32, #tpu.memory_space<hbm>>) target(%dma_start3A_23 : memref<128x128xf32, #tpu.memory_space<vmem>>) offsets(%dma_start3A_26 : memref<128xi32, #tpu.memory_space<vmem>>) semaphore(%arg9 : memref<!tpu.dma_semaphore, #tpu.memory_space<semaphore_mem>>)
    %scan3A = arith.constant 0 : i32
    %scan3A_30 = arith.constant 0 : i32
    %scan3A_31 = arith.constant 10 : i32
    %scan3A_32 = arith.addi %scan3A_30, %scan3A_31 : i32
    %scan3A_33 = arith.constant 1 : i32
    scf.for %scan3A_105 = %scan3A_30 to %scan3A_32 step %scan3A_33  : i32 {
      %mul3A_106 = arith.constant 2 : i32
      %mul3A_107 = arith.muli %scan3A_105, %mul3A_106 : i32
      %add3A_108 = arith.constant 0 : i32
      %add3A_109 = arith.addi %mul3A_107, %add3A_108 : i32
      %dma_wait3A_110 = arith.constant 0 : i32
      %dma_wait3A_111 = arith.constant 0 : i32
      %dma_wait3A_112 = arith.constant 0 : i32
      %dma_wait3A_113 = arith.constant 0 : i32
      %dma_wait3A_114 = arith.constant 0 : i32
      %dma_wait3A_115 = tpu.memref_slice %arg8[%dma_wait3A_112, %dma_wait3A_113, %dma_wait3A_114] : memref<2x256x128xf32, #tpu.memory_space<vmem>> -> memref<1x128x128xf32, #tpu.memory_space<vmem>>
      %dma_wait3A_116 = tpu.memref_squeeze %dma_wait3A_115 : memref<1x128x128xf32, #tpu.memory_space<vmem>> -> memref<128x128xf32, #tpu.memory_space<vmem>>
      %dma_wait3A_117 = arith.constant 0 : i32
      %dma_wait3A_118 = tpu.memref_slice %arg7[%dma_wait3A_110, %dma_wait3A_111, %dma_wait3A_117] : memref<2x2x128xi32, #tpu.memory_space<vmem>> -> memref<1x1x128xi32, #tpu.memory_space<vmem>>
      %dma_wait3A_119 = tpu.memref_squeeze %dma_wait3A_118 : memref<1x1x128xi32, #tpu.memory_space<vmem>> -> memref<128xi32, #tpu.memory_space<vmem>>
      %dma_wait3A_120 = arith.constant 0 : i32
      %dma_wait3A_121 = arith.constant 0 : i32
      %dma_wait3A_122 = tpu.memref_slice %arg2[%dma_wait3A_120, %dma_wait3A_121] : memref<10000x128xf32, #tpu.memory_space<hbm>> -> memref<10000x128xf32, #tpu.memory_space<hbm>>
      tpu.wait_indirect_dma semaphore(%arg9 : memref<!tpu.dma_semaphore, #tpu.memory_space<semaphore_mem>>) src(%dma_wait3A_122 : memref<10000x128xf32, #tpu.memory_space<hbm>>) dst(%dma_wait3A_116 : memref<128x128xf32, #tpu.memory_space<vmem>>)
      %dma_wait3A_123 = arith.constant 0 : i32
      %dma_wait3A_124 = arith.constant 1 : i32
      %dma_wait3A_125 = arith.constant 0 : i32
      %dma_wait3A_126 = arith.constant 128 : i32
      %dma_wait3A_127 = arith.constant 0 : i32
      %dma_wait3A_128 = tpu.memref_slice %arg8[%dma_wait3A_125, %dma_wait3A_126, %dma_wait3A_127] : memref<2x256x128xf32, #tpu.memory_space<vmem>> -> memref<1x128x128xf32, #tpu.memory_space<vmem>>
      %dma_wait3A_129 = tpu.memref_squeeze %dma_wait3A_128 : memref<1x128x128xf32, #tpu.memory_space<vmem>> -> memref<128x128xf32, #tpu.memory_space<vmem>>
      %dma_wait3A_130 = arith.constant 0 : i32
      %dma_wait3A_131 = tpu.memref_slice %arg7[%dma_wait3A_123, %dma_wait3A_124, %dma_wait3A_130] : memref<2x2x128xi32, #tpu.memory_space<vmem>> -> memref<1x1x128xi32, #tpu.memory_space<vmem>>
      %dma_wait3A_132 = tpu.memref_squeeze %dma_wait3A_131 : memref<1x1x128xi32, #tpu.memory_space<vmem>> -> memref<128xi32, #tpu.memory_space<vmem>>
      %dma_wait3A_133 = arith.constant 0 : i32
      %dma_wait3A_134 = arith.constant 0 : i32
      %dma_wait3A_135 = tpu.memref_slice %arg2[%dma_wait3A_133, %dma_wait3A_134] : memref<10000x128xf32, #tpu.memory_space<hbm>> -> memref<10000x128xf32, #tpu.memory_space<hbm>>
      tpu.wait_indirect_dma semaphore(%arg9 : memref<!tpu.dma_semaphore, #tpu.memory_space<semaphore_mem>>) src(%dma_wait3A_135 : memref<10000x128xf32, #tpu.memory_space<hbm>>) dst(%dma_wait3A_129 : memref<128x128xf32, #tpu.memory_space<vmem>>)
      %ge3A = arith.constant 1 : i32
      %ge3A_136 = arith.cmpi sge, %add3A_109, %ge3A : i32
      %convert_element_type3A = arith.extui %ge3A_136 : i1 to i32
      %cond3A = arith.constant 0 : i32
      %cond3A_137 = arith.cmpi ne, %convert_element_type3A, %cond3A : i32
      scf.if %cond3A_137 {
        %sub3A = arith.constant 1 : i32
        %sub3A_222 = arith.subi %add3A_109, %sub3A : i32
        %mul3A_223 = arith.constant 2 : i32
        %mul3A_224 = arith.muli %sub3A_222, %mul3A_223 : i32
        %add3A_225 = arith.addi %mul3A_2, %mul3A_224 : i32
        %mul3A_226 = arith.constant 128 : i32
        %mul3A_227 = arith.muli %add3A_225, %mul3A_226 : i32
        %dma_wait3A_228 = arith.constant 1 : i32
        %dma_wait3A_229 = arith.constant 0 : i32
        %dma_wait3A_230 = arith.constant 0 : i32
        %dma_wait3A_231 = tpu.memref_slice %arg8[%dma_wait3A_228, %dma_wait3A_229, %dma_wait3A_230] : memref<2x256x128xf32, #tpu.memory_space<vmem>> -> memref<1x256x128xf32, #tpu.memory_space<vmem>>
        %dma_wait3A_232 = tpu.memref_squeeze %dma_wait3A_231 : memref<1x256x128xf32, #tpu.memory_space<vmem>> -> memref<256x128xf32, #tpu.memory_space<vmem>>
        %dma_wait3A_233 = arith.constant 0 : i32
        %dma_wait3A_234 = tpu.memref_slice %arg5[%mul3A_227, %dma_wait3A_233] : memref<163840x128xf32, #tpu.memory_space<hbm>> -> memref<256x128xf32, #tpu.memory_space<hbm>>
        %dma_wait3A_235 = arith.constant 0 : i32
        %dma_wait3A_236 = tpu.memref_slice %arg5[%mul3A_227, %dma_wait3A_235] : memref<163840x128xf32, #tpu.memory_space<hbm>> -> memref<256x128xf32, #tpu.memory_space<hbm>>
        %dma_wait3A_237 = arith.constant 0 : i32
        %dma_wait3A_238 = arith.constant 0 : i32
        %dma_wait3A_239 = tpu.memref_slice %arg8[%dma_wait3A_228, %dma_wait3A_237, %dma_wait3A_238] : memref<2x256x128xf32, #tpu.memory_space<vmem>> -> memref<1x256x128xf32, #tpu.memory_space<vmem>>
        %dma_wait3A_240 = tpu.memref_squeeze %dma_wait3A_239 : memref<1x256x128xf32, #tpu.memory_space<vmem>> -> memref<256x128xf32, #tpu.memory_space<vmem>>
        tpu.wait_dma2 semaphore(%arg12 : memref<!tpu.dma_semaphore, #tpu.memory_space<semaphore_mem>>) src(%dma_wait3A_240 : memref<256x128xf32, #tpu.memory_space<vmem>>) dst(%dma_wait3A_236 : memref<256x128xf32, #tpu.memory_space<hbm>>)
      } else {
      }
      %add3A_138 = arith.constant 1 : i32
      %add3A_139 = arith.addi %add3A_109, %add3A_138 : i32
      %lt3A = arith.constant 20 : i32
      %lt3A_140 = arith.cmpi slt, %add3A_139, %lt3A : i32
      %convert_element_type3A_141 = arith.extui %lt3A_140 : i1 to i32
      %cond3A_142 = arith.constant 0 : i32
      %cond3A_143 = arith.cmpi ne, %convert_element_type3A_141, %cond3A_142 : i32
      scf.if %cond3A_143 {
        %add3A_222 = arith.constant 1 : i32
        %add3A_223 = arith.addi %add3A_109, %add3A_222 : i32
        %mul3A_224 = arith.constant 2 : i32
        %mul3A_225 = arith.muli %add3A_223, %mul3A_224 : i32
        %add3A_226 = arith.addi %mul3A_2, %mul3A_225 : i32
        %run_scoped3A_227 = arith.constant 1 : i32
        "tpu.region"() ({
          %run_scoped3A_254 = tpu.sem_alloc : memref<!tpu.dma_semaphore, #tpu.memory_space<semaphore_mem>>
          %dma_start3A_255 = arith.constant 0 : i32
          %dma_start3A_256 = arith.constant 0 : i32
          %dma_start3A_257 = tpu.memref_slice %arg7[%run_scoped3A_227, %dma_start3A_255, %dma_start3A_256] : memref<2x2x128xi32, #tpu.memory_space<vmem>> -> memref<1x2x128xi32, #tpu.memory_space<vmem>>
          %dma_start3A_258 = tpu.memref_squeeze %dma_start3A_257 : memref<1x2x128xi32, #tpu.memory_space<vmem>> -> memref<2x128xi32, #tpu.memory_space<vmem>>
          %dma_start3A_259 = arith.constant 0 : i32
          %dma_start3A_260 = tpu.memref_slice %arg3[%add3A_226, %dma_start3A_259] : memref<1280x128xi32, #tpu.memory_space<hbm>> -> memref<2x128xi32, #tpu.memory_space<hbm>>
          %dma_start3A_261 = arith.constant 0 : i32
          %dma_start3A_262 = arith.constant 0 : i32
          %dma_start3A_263 = tpu.memref_slice %arg7[%run_scoped3A_227, %dma_start3A_261, %dma_start3A_262] : memref<2x2x128xi32, #tpu.memory_space<vmem>> -> memref<1x2x128xi32, #tpu.memory_space<vmem>>
          %dma_start3A_264 = tpu.memref_squeeze %dma_start3A_263 : memref<1x2x128xi32, #tpu.memory_space<vmem>> -> memref<2x128xi32, #tpu.memory_space<vmem>>
          %dma_start3A_265 = arith.constant 0 : i32
          %dma_start3A_266 = tpu.memref_slice %arg3[%add3A_226, %dma_start3A_265] : memref<1280x128xi32, #tpu.memory_space<hbm>> -> memref<2x128xi32, #tpu.memory_space<hbm>>
          tpu.enqueue_dma source(%dma_start3A_266 : memref<2x128xi32, #tpu.memory_space<hbm>>) target(%dma_start3A_264 : memref<2x128xi32, #tpu.memory_space<vmem>>) target_semaphore(%run_scoped3A_254 : memref<!tpu.dma_semaphore, #tpu.memory_space<semaphore_mem>>)
          %dma_wait3A_267 = arith.constant 0 : i32
          %dma_wait3A_268 = arith.constant 0 : i32
          %dma_wait3A_269 = tpu.memref_slice %arg7[%run_scoped3A_227, %dma_wait3A_267, %dma_wait3A_268] : memref<2x2x128xi32, #tpu.memory_space<vmem>> -> memref<1x2x128xi32, #tpu.memory_space<vmem>>
          %dma_wait3A_270 = tpu.memref_squeeze %dma_wait3A_269 : memref<1x2x128xi32, #tpu.memory_space<vmem>> -> memref<2x128xi32, #tpu.memory_space<vmem>>
          %dma_wait3A_271 = arith.constant 0 : i32
          %dma_wait3A_272 = tpu.memref_slice %arg3[%add3A_226, %dma_wait3A_271] : memref<1280x128xi32, #tpu.memory_space<hbm>> -> memref<2x128xi32, #tpu.memory_space<hbm>>
          %dma_wait3A_273 = arith.constant 0 : i32
          %dma_wait3A_274 = arith.constant 0 : i32
          %dma_wait3A_275 = tpu.memref_slice %arg7[%run_scoped3A_227, %dma_wait3A_273, %dma_wait3A_274] : memref<2x2x128xi32, #tpu.memory_space<vmem>> -> memref<1x2x128xi32, #tpu.memory_space<vmem>>
          %dma_wait3A_276 = tpu.memref_squeeze %dma_wait3A_275 : memref<1x2x128xi32, #tpu.memory_space<vmem>> -> memref<2x128xi32, #tpu.memory_space<vmem>>
          %dma_wait3A_277 = arith.constant 0 : i32
          %dma_wait3A_278 = tpu.memref_slice %arg3[%add3A_226, %dma_wait3A_277] : memref<1280x128xi32, #tpu.memory_space<hbm>> -> memref<2x128xi32, #tpu.memory_space<hbm>>
          tpu.wait_dma2 semaphore(%run_scoped3A_254 : memref<!tpu.dma_semaphore, #tpu.memory_space<semaphore_mem>>) src(%dma_wait3A_278 : memref<2x128xi32, #tpu.memory_space<hbm>>) dst(%dma_wait3A_276 : memref<2x128xi32, #tpu.memory_space<vmem>>)
          tpu.yield
        }) : () -> ()
        %dma_start3A_228 = arith.constant 1 : i32
        %dma_start3A_229 = arith.constant 0 : i32
        %dma_start3A_230 = arith.constant 1 : i32
        %dma_start3A_231 = arith.constant 0 : i32
        %dma_start3A_232 = arith.constant 0 : i32
        %dma_start3A_233 = tpu.memref_slice %arg8[%dma_start3A_230, %dma_start3A_231, %dma_start3A_232] : memref<2x256x128xf32, #tpu.memory_space<vmem>> -> memref<1x128x128xf32, #tpu.memory_space<vmem>>
        %dma_start3A_234 = tpu.memref_squeeze %dma_start3A_233 : memref<1x128x128xf32, #tpu.memory_space<vmem>> -> memref<128x128xf32, #tpu.memory_space<vmem>>
        %dma_start3A_235 = arith.constant 0 : i32
        %dma_start3A_236 = tpu.memref_slice %arg7[%dma_start3A_228, %dma_start3A_229, %dma_start3A_235] : memref<2x2x128xi32, #tpu.memory_space<vmem>> -> memref<1x1x128xi32, #tpu.memory_space<vmem>>
        %dma_start3A_237 = tpu.memref_squeeze %dma_start3A_236 : memref<1x1x128xi32, #tpu.memory_space<vmem>> -> memref<128xi32, #tpu.memory_space<vmem>>
        %dma_start3A_238 = arith.constant 0 : i32
        %dma_start3A_239 = arith.constant 0 : i32
        %dma_start3A_240 = tpu.memref_slice %arg2[%dma_start3A_238, %dma_start3A_239] : memref<10000x128xf32, #tpu.memory_space<hbm>> -> memref<10000x128xf32, #tpu.memory_space<hbm>>
        tpu.enqueue_indirect_dma source(%dma_start3A_240 : memref<10000x128xf32, #tpu.memory_space<hbm>>) target(%dma_start3A_234 : memref<128x128xf32, #tpu.memory_space<vmem>>) offsets(%dma_start3A_237 : memref<128xi32, #tpu.memory_space<vmem>>) semaphore(%arg10 : memref<!tpu.dma_semaphore, #tpu.memory_space<semaphore_mem>>)
        %dma_start3A_241 = arith.constant 1 : i32
        %dma_start3A_242 = arith.constant 1 : i32
        %dma_start3A_243 = arith.constant 1 : i32
        %dma_start3A_244 = arith.constant 128 : i32
        %dma_start3A_245 = arith.constant 0 : i32
        %dma_start3A_246 = tpu.memref_slice %arg8[%dma_start3A_243, %dma_start3A_244, %dma_start3A_245] : memref<2x256x128xf32, #tpu.memory_space<vmem>> -> memref<1x128x128xf32, #tpu.memory_space<vmem>>
        %dma_start3A_247 = tpu.memref_squeeze %dma_start3A_246 : memref<1x128x128xf32, #tpu.memory_space<vmem>> -> memref<128x128xf32, #tpu.memory_space<vmem>>
        %dma_start3A_248 = arith.constant 0 : i32
        %dma_start3A_249 = tpu.memref_slice %arg7[%dma_start3A_241, %dma_start3A_242, %dma_start3A_248] : memref<2x2x128xi32, #tpu.memory_space<vmem>> -> memref<1x1x128xi32, #tpu.memory_space<vmem>>
        %dma_start3A_250 = tpu.memref_squeeze %dma_start3A_249 : memref<1x1x128xi32, #tpu.memory_space<vmem>> -> memref<128xi32, #tpu.memory_space<vmem>>
        %dma_start3A_251 = arith.constant 0 : i32
        %dma_start3A_252 = arith.constant 0 : i32
        %dma_start3A_253 = tpu.memref_slice %arg2[%dma_start3A_251, %dma_start3A_252] : memref<10000x128xf32, #tpu.memory_space<hbm>> -> memref<10000x128xf32, #tpu.memory_space<hbm>>
        tpu.enqueue_indirect_dma source(%dma_start3A_253 : memref<10000x128xf32, #tpu.memory_space<hbm>>) target(%dma_start3A_247 : memref<128x128xf32, #tpu.memory_space<vmem>>) offsets(%dma_start3A_250 : memref<128xi32, #tpu.memory_space<vmem>>) semaphore(%arg10 : memref<!tpu.dma_semaphore, #tpu.memory_space<semaphore_mem>>)
      } else {
      }
      %mul3A_144 = arith.constant 2 : i32
      %mul3A_145 = arith.muli %add3A_109, %mul3A_144 : i32
      %add3A_146 = arith.addi %mul3A_2, %mul3A_145 : i32
      %mul3A_147 = arith.constant 128 : i32
      %mul3A_148 = arith.muli %add3A_146, %mul3A_147 : i32
      %dma_start3A_149 = arith.constant 0 : i32
      %dma_start3A_150 = arith.constant 0 : i32
      %dma_start3A_151 = arith.constant 0 : i32
      %dma_start3A_152 = tpu.memref_slice %arg8[%dma_start3A_149, %dma_start3A_150, %dma_start3A_151] : memref<2x256x128xf32, #tpu.memory_space<vmem>> -> memref<1x256x128xf32, #tpu.memory_space<vmem>>
      %dma_start3A_153 = tpu.memref_squeeze %dma_start3A_152 : memref<1x256x128xf32, #tpu.memory_space<vmem>> -> memref<256x128xf32, #tpu.memory_space<vmem>>
      %dma_start3A_154 = arith.constant 0 : i32
      %dma_start3A_155 = tpu.memref_slice %arg5[%mul3A_148, %dma_start3A_154] : memref<163840x128xf32, #tpu.memory_space<hbm>> -> memref<256x128xf32, #tpu.memory_space<hbm>>
      %dma_start3A_156 = arith.constant 0 : i32
      %dma_start3A_157 = tpu.memref_slice %arg5[%mul3A_148, %dma_start3A_156] : memref<163840x128xf32, #tpu.memory_space<hbm>> -> memref<256x128xf32, #tpu.memory_space<hbm>>
      %dma_start3A_158 = arith.constant 0 : i32
      %dma_start3A_159 = arith.constant 0 : i32
      %dma_start3A_160 = tpu.memref_slice %arg8[%dma_start3A_149, %dma_start3A_158, %dma_start3A_159] : memref<2x256x128xf32, #tpu.memory_space<vmem>> -> memref<1x256x128xf32, #tpu.memory_space<vmem>>
      %dma_start3A_161 = tpu.memref_squeeze %dma_start3A_160 : memref<1x256x128xf32, #tpu.memory_space<vmem>> -> memref<256x128xf32, #tpu.memory_space<vmem>>
      tpu.enqueue_dma source(%dma_start3A_161 : memref<256x128xf32, #tpu.memory_space<vmem>>) target(%dma_start3A_157 : memref<256x128xf32, #tpu.memory_space<hbm>>) target_semaphore(%arg11 : memref<!tpu.dma_semaphore, #tpu.memory_space<semaphore_mem>>)
      %mul3A_162 = arith.constant 2 : i32
      %mul3A_163 = arith.muli %scan3A_105, %mul3A_162 : i32
      %add3A_164 = arith.constant 1 : i32
      %add3A_165 = arith.addi %mul3A_163, %add3A_164 : i32
      %dma_wait3A_166 = arith.constant 1 : i32
      %dma_wait3A_167 = arith.constant 0 : i32
      %dma_wait3A_168 = arith.constant 1 : i32
      %dma_wait3A_169 = arith.constant 0 : i32
      %dma_wait3A_170 = arith.constant 0 : i32
      %dma_wait3A_171 = tpu.memref_slice %arg8[%dma_wait3A_168, %dma_wait3A_169, %dma_wait3A_170] : memref<2x256x128xf32, #tpu.memory_space<vmem>> -> memref<1x128x128xf32, #tpu.memory_space<vmem>>
      %dma_wait3A_172 = tpu.memref_squeeze %dma_wait3A_171 : memref<1x128x128xf32, #tpu.memory_space<vmem>> -> memref<128x128xf32, #tpu.memory_space<vmem>>
      %dma_wait3A_173 = arith.constant 0 : i32
      %dma_wait3A_174 = tpu.memref_slice %arg7[%dma_wait3A_166, %dma_wait3A_167, %dma_wait3A_173] : memref<2x2x128xi32, #tpu.memory_space<vmem>> -> memref<1x1x128xi32, #tpu.memory_space<vmem>>
      %dma_wait3A_175 = tpu.memref_squeeze %dma_wait3A_174 : memref<1x1x128xi32, #tpu.memory_space<vmem>> -> memref<128xi32, #tpu.memory_space<vmem>>
      %dma_wait3A_176 = arith.constant 0 : i32
      %dma_wait3A_177 = arith.constant 0 : i32
      %dma_wait3A_178 = tpu.memref_slice %arg2[%dma_wait3A_176, %dma_wait3A_177] : memref<10000x128xf32, #tpu.memory_space<hbm>> -> memref<10000x128xf32, #tpu.memory_space<hbm>>
      tpu.wait_indirect_dma semaphore(%arg10 : memref<!tpu.dma_semaphore, #tpu.memory_space<semaphore_mem>>) src(%dma_wait3A_178 : memref<10000x128xf32, #tpu.memory_space<hbm>>) dst(%dma_wait3A_172 : memref<128x128xf32, #tpu.memory_space<vmem>>)
      %dma_wait3A_179 = arith.constant 1 : i32
      %dma_wait3A_180 = arith.constant 1 : i32
      %dma_wait3A_181 = arith.constant 1 : i32
      %dma_wait3A_182 = arith.constant 128 : i32
      %dma_wait3A_183 = arith.constant 0 : i32
      %dma_wait3A_184 = tpu.memref_slice %arg8[%dma_wait3A_181, %dma_wait3A_182, %dma_wait3A_183] : memref<2x256x128xf32, #tpu.memory_space<vmem>> -> memref<1x128x128xf32, #tpu.memory_space<vmem>>
      %dma_wait3A_185 = tpu.memref_squeeze %dma_wait3A_184 : memref<1x128x128xf32, #tpu.memory_space<vmem>> -> memref<128x128xf32, #tpu.memory_space<vmem>>
      %dma_wait3A_186 = arith.constant 0 : i32
      %dma_wait3A_187 = tpu.memref_slice %arg7[%dma_wait3A_179, %dma_wait3A_180, %dma_wait3A_186] : memref<2x2x128xi32, #tpu.memory_space<vmem>> -> memref<1x1x128xi32, #tpu.memory_space<vmem>>
      %dma_wait3A_188 = tpu.memref_squeeze %dma_wait3A_187 : memref<1x1x128xi32, #tpu.memory_space<vmem>> -> memref<128xi32, #tpu.memory_space<vmem>>
      %dma_wait3A_189 = arith.constant 0 : i32
      %dma_wait3A_190 = arith.constant 0 : i32
      %dma_wait3A_191 = tpu.memref_slice %arg2[%dma_wait3A_189, %dma_wait3A_190] : memref<10000x128xf32, #tpu.memory_space<hbm>> -> memref<10000x128xf32, #tpu.memory_space<hbm>>
      tpu.wait_indirect_dma semaphore(%arg10 : memref<!tpu.dma_semaphore, #tpu.memory_space<semaphore_mem>>) src(%dma_wait3A_191 : memref<10000x128xf32, #tpu.memory_space<hbm>>) dst(%dma_wait3A_185 : memref<128x128xf32, #tpu.memory_space<vmem>>)
      %ge3A_192 = arith.constant 1 : i32
      %ge3A_193 = arith.cmpi sge, %add3A_165, %ge3A_192 : i32
      %convert_element_type3A_194 = arith.extui %ge3A_193 : i1 to i32
      %cond3A_195 = arith.constant 0 : i32
      %cond3A_196 = arith.cmpi ne, %convert_element_type3A_194, %cond3A_195 : i32
      scf.if %cond3A_196 {
        %sub3A = arith.constant 1 : i32
        %sub3A_222 = arith.subi %add3A_165, %sub3A : i32
        %mul3A_223 = arith.constant 2 : i32
        %mul3A_224 = arith.muli %sub3A_222, %mul3A_223 : i32
        %add3A_225 = arith.addi %mul3A_2, %mul3A_224 : i32
        %mul3A_226 = arith.constant 128 : i32
        %mul3A_227 = arith.muli %add3A_225, %mul3A_226 : i32
        %dma_wait3A_228 = arith.constant 0 : i32
        %dma_wait3A_229 = arith.constant 0 : i32
        %dma_wait3A_230 = arith.constant 0 : i32
        %dma_wait3A_231 = tpu.memref_slice %arg8[%dma_wait3A_228, %dma_wait3A_229, %dma_wait3A_230] : memref<2x256x128xf32, #tpu.memory_space<vmem>> -> memref<1x256x128xf32, #tpu.memory_space<vmem>>
        %dma_wait3A_232 = tpu.memref_squeeze %dma_wait3A_231 : memref<1x256x128xf32, #tpu.memory_space<vmem>> -> memref<256x128xf32, #tpu.memory_space<vmem>>
        %dma_wait3A_233 = arith.constant 0 : i32
        %dma_wait3A_234 = tpu.memref_slice %arg5[%mul3A_227, %dma_wait3A_233] : memref<163840x128xf32, #tpu.memory_space<hbm>> -> memref<256x128xf32, #tpu.memory_space<hbm>>
        %dma_wait3A_235 = arith.constant 0 : i32
        %dma_wait3A_236 = tpu.memref_slice %arg5[%mul3A_227, %dma_wait3A_235] : memref<163840x128xf32, #tpu.memory_space<hbm>> -> memref<256x128xf32, #tpu.memory_space<hbm>>
        %dma_wait3A_237 = arith.constant 0 : i32
        %dma_wait3A_238 = arith.constant 0 : i32
        %dma_wait3A_239 = tpu.memref_slice %arg8[%dma_wait3A_228, %dma_wait3A_237, %dma_wait3A_238] : memref<2x256x128xf32, #tpu.memory_space<vmem>> -> memref<1x256x128xf32, #tpu.memory_space<vmem>>
        %dma_wait3A_240 = tpu.memref_squeeze %dma_wait3A_239 : memref<1x256x128xf32, #tpu.memory_space<vmem>> -> memref<256x128xf32, #tpu.memory_space<vmem>>
        tpu.wait_dma2 semaphore(%arg11 : memref<!tpu.dma_semaphore, #tpu.memory_space<semaphore_mem>>) src(%dma_wait3A_240 : memref<256x128xf32, #tpu.memory_space<vmem>>) dst(%dma_wait3A_236 : memref<256x128xf32, #tpu.memory_space<hbm>>)
      } else {
      }
      %add3A_197 = arith.constant 1 : i32
      %add3A_198 = arith.addi %add3A_165, %add3A_197 : i32
      %lt3A_199 = arith.constant 20 : i32
      %lt3A_200 = arith.cmpi slt, %add3A_198, %lt3A_199 : i32
      %convert_element_type3A_201 = arith.extui %lt3A_200 : i1 to i32
      %cond3A_202 = arith.constant 0 : i32
      %cond3A_203 = arith.cmpi ne, %convert_element_type3A_201, %cond3A_202 : i32
      scf.if %cond3A_203 {
        %add3A_222 = arith.constant 1 : i32
        %add3A_223 = arith.addi %add3A_165, %add3A_222 : i32
        %mul3A_224 = arith.constant 2 : i32
        %mul3A_225 = arith.muli %add3A_223, %mul3A_224 : i32
        %add3A_226 = arith.addi %mul3A_2, %mul3A_225 : i32
        %run_scoped3A_227 = arith.constant 0 : i32
        "tpu.region"() ({
          %run_scoped3A_254 = tpu.sem_alloc : memref<!tpu.dma_semaphore, #tpu.memory_space<semaphore_mem>>
          %dma_start3A_255 = arith.constant 0 : i32
          %dma_start3A_256 = arith.constant 0 : i32
          %dma_start3A_257 = tpu.memref_slice %arg7[%run_scoped3A_227, %dma_start3A_255, %dma_start3A_256] : memref<2x2x128xi32, #tpu.memory_space<vmem>> -> memref<1x2x128xi32, #tpu.memory_space<vmem>>
          %dma_start3A_258 = tpu.memref_squeeze %dma_start3A_257 : memref<1x2x128xi32, #tpu.memory_space<vmem>> -> memref<2x128xi32, #tpu.memory_space<vmem>>
          %dma_start3A_259 = arith.constant 0 : i32
          %dma_start3A_260 = tpu.memref_slice %arg3[%add3A_226, %dma_start3A_259] : memref<1280x128xi32, #tpu.memory_space<hbm>> -> memref<2x128xi32, #tpu.memory_space<hbm>>
          %dma_start3A_261 = arith.constant 0 : i32
          %dma_start3A_262 = arith.constant 0 : i32
          %dma_start3A_263 = tpu.memref_slice %arg7[%run_scoped3A_227, %dma_start3A_261, %dma_start3A_262] : memref<2x2x128xi32, #tpu.memory_space<vmem>> -> memref<1x2x128xi32, #tpu.memory_space<vmem>>
          %dma_start3A_264 = tpu.memref_squeeze %dma_start3A_263 : memref<1x2x128xi32, #tpu.memory_space<vmem>> -> memref<2x128xi32, #tpu.memory_space<vmem>>
          %dma_start3A_265 = arith.constant 0 : i32
          %dma_start3A_266 = tpu.memref_slice %arg3[%add3A_226, %dma_start3A_265] : memref<1280x128xi32, #tpu.memory_space<hbm>> -> memref<2x128xi32, #tpu.memory_space<hbm>>
          tpu.enqueue_dma source(%dma_start3A_266 : memref<2x128xi32, #tpu.memory_space<hbm>>) target(%dma_start3A_264 : memref<2x128xi32, #tpu.memory_space<vmem>>) target_semaphore(%run_scoped3A_254 : memref<!tpu.dma_semaphore, #tpu.memory_space<semaphore_mem>>)
          %dma_wait3A_267 = arith.constant 0 : i32
          %dma_wait3A_268 = arith.constant 0 : i32
          %dma_wait3A_269 = tpu.memref_slice %arg7[%run_scoped3A_227, %dma_wait3A_267, %dma_wait3A_268] : memref<2x2x128xi32, #tpu.memory_space<vmem>> -> memref<1x2x128xi32, #tpu.memory_space<vmem>>
          %dma_wait3A_270 = tpu.memref_squeeze %dma_wait3A_269 : memref<1x2x128xi32, #tpu.memory_space<vmem>> -> memref<2x128xi32, #tpu.memory_space<vmem>>
          %dma_wait3A_271 = arith.constant 0 : i32
          %dma_wait3A_272 = tpu.memref_slice %arg3[%add3A_226, %dma_wait3A_271] : memref<1280x128xi32, #tpu.memory_space<hbm>> -> memref<2x128xi32, #tpu.memory_space<hbm>>
          %dma_wait3A_273 = arith.constant 0 : i32
          %dma_wait3A_274 = arith.constant 0 : i32
          %dma_wait3A_275 = tpu.memref_slice %arg7[%run_scoped3A_227, %dma_wait3A_273, %dma_wait3A_274] : memref<2x2x128xi32, #tpu.memory_space<vmem>> -> memref<1x2x128xi32, #tpu.memory_space<vmem>>
          %dma_wait3A_276 = tpu.memref_squeeze %dma_wait3A_275 : memref<1x2x128xi32, #tpu.memory_space<vmem>> -> memref<2x128xi32, #tpu.memory_space<vmem>>
          %dma_wait3A_277 = arith.constant 0 : i32
          %dma_wait3A_278 = tpu.memref_slice %arg3[%add3A_226, %dma_wait3A_277] : memref<1280x128xi32, #tpu.memory_space<hbm>> -> memref<2x128xi32, #tpu.memory_space<hbm>>
          tpu.wait_dma2 semaphore(%run_scoped3A_254 : memref<!tpu.dma_semaphore, #tpu.memory_space<semaphore_mem>>) src(%dma_wait3A_278 : memref<2x128xi32, #tpu.memory_space<hbm>>) dst(%dma_wait3A_276 : memref<2x128xi32, #tpu.memory_space<vmem>>)
          tpu.yield
        }) : () -> ()
        %dma_start3A_228 = arith.constant 0 : i32
        %dma_start3A_229 = arith.constant 0 : i32
        %dma_start3A_230 = arith.constant 0 : i32
        %dma_start3A_231 = arith.constant 0 : i32
        %dma_start3A_232 = arith.constant 0 : i32
        %dma_start3A_233 = tpu.memref_slice %arg8[%dma_start3A_230, %dma_start3A_231, %dma_start3A_232] : memref<2x256x128xf32, #tpu.memory_space<vmem>> -> memref<1x128x128xf32, #tpu.memory_space<vmem>>
        %dma_start3A_234 = tpu.memref_squeeze %dma_start3A_233 : memref<1x128x128xf32, #tpu.memory_space<vmem>> -> memref<128x128xf32, #tpu.memory_space<vmem>>
        %dma_start3A_235 = arith.constant 0 : i32
        %dma_start3A_236 = tpu.memref_slice %arg7[%dma_start3A_228, %dma_start3A_229, %dma_start3A_235] : memref<2x2x128xi32, #tpu.memory_space<vmem>> -> memref<1x1x128xi32, #tpu.memory_space<vmem>>
        %dma_start3A_237 = tpu.memref_squeeze %dma_start3A_236 : memref<1x1x128xi32, #tpu.memory_space<vmem>> -> memref<128xi32, #tpu.memory_space<vmem>>
        %dma_start3A_238 = arith.constant 0 : i32
        %dma_start3A_239 = arith.constant 0 : i32
        %dma_start3A_240 = tpu.memref_slice %arg2[%dma_start3A_238, %dma_start3A_239] : memref<10000x128xf32, #tpu.memory_space<hbm>> -> memref<10000x128xf32, #tpu.memory_space<hbm>>
        tpu.enqueue_indirect_dma source(%dma_start3A_240 : memref<10000x128xf32, #tpu.memory_space<hbm>>) target(%dma_start3A_234 : memref<128x128xf32, #tpu.memory_space<vmem>>) offsets(%dma_start3A_237 : memref<128xi32, #tpu.memory_space<vmem>>) semaphore(%arg9 : memref<!tpu.dma_semaphore, #tpu.memory_space<semaphore_mem>>)
        %dma_start3A_241 = arith.constant 0 : i32
        %dma_start3A_242 = arith.constant 1 : i32
        %dma_start3A_243 = arith.constant 0 : i32
        %dma_start3A_244 = arith.constant 128 : i32
        %dma_start3A_245 = arith.constant 0 : i32
        %dma_start3A_246 = tpu.memref_slice %arg8[%dma_start3A_243, %dma_start3A_244, %dma_start3A_245] : memref<2x256x128xf32, #tpu.memory_space<vmem>> -> memref<1x128x128xf32, #tpu.memory_space<vmem>>
        %dma_start3A_247 = tpu.memref_squeeze %dma_start3A_246 : memref<1x128x128xf32, #tpu.memory_space<vmem>> -> memref<128x128xf32, #tpu.memory_space<vmem>>
        %dma_start3A_248 = arith.constant 0 : i32
        %dma_start3A_249 = tpu.memref_slice %arg7[%dma_start3A_241, %dma_start3A_242, %dma_start3A_248] : memref<2x2x128xi32, #tpu.memory_space<vmem>> -> memref<1x1x128xi32, #tpu.memory_space<vmem>>
        %dma_start3A_250 = tpu.memref_squeeze %dma_start3A_249 : memref<1x1x128xi32, #tpu.memory_space<vmem>> -> memref<128xi32, #tpu.memory_space<vmem>>
        %dma_start3A_251 = arith.constant 0 : i32
        %dma_start3A_252 = arith.constant 0 : i32
        %dma_start3A_253 = tpu.memref_slice %arg2[%dma_start3A_251, %dma_start3A_252] : memref<10000x128xf32, #tpu.memory_space<hbm>> -> memref<10000x128xf32, #tpu.memory_space<hbm>>
        tpu.enqueue_indirect_dma source(%dma_start3A_253 : memref<10000x128xf32, #tpu.memory_space<hbm>>) target(%dma_start3A_247 : memref<128x128xf32, #tpu.memory_space<vmem>>) offsets(%dma_start3A_250 : memref<128xi32, #tpu.memory_space<vmem>>) semaphore(%arg9 : memref<!tpu.dma_semaphore, #tpu.memory_space<semaphore_mem>>)
      } else {
      }
      %mul3A_204 = arith.constant 2 : i32
      %mul3A_205 = arith.muli %add3A_165, %mul3A_204 : i32
      %add3A_206 = arith.addi %mul3A_2, %mul3A_205 : i32
      %mul3A_207 = arith.constant 128 : i32
      %mul3A_208 = arith.muli %add3A_206, %mul3A_207 : i32
      %dma_start3A_209 = arith.constant 1 : i32
      %dma_start3A_210 = arith.constant 0 : i32
      %dma_start3A_211 = arith.constant 0 : i32
      %dma_start3A_212 = tpu.memref_slice %arg8[%dma_start3A_209, %dma_start3A_210, %dma_start3A_211] : memref<2x256x128xf32, #tpu.memory_space<vmem>> -> memref<1x256x128xf32, #tpu.memory_space<vmem>>
      %dma_start3A_213 = tpu.memref_squeeze %dma_start3A_212 : memref<1x256x128xf32, #tpu.memory_space<vmem>> -> memref<256x128xf32, #tpu.memory_space<vmem>>
      %dma_start3A_214 = arith.constant 0 : i32
      %dma_start3A_215 = tpu.memref_slice %arg5[%mul3A_208, %dma_start3A_214] : memref<163840x128xf32, #tpu.memory_space<hbm>> -> memref<256x128xf32, #tpu.memory_space<hbm>>
      %dma_start3A_216 = arith.constant 0 : i32
      %dma_start3A_217 = tpu.memref_slice %arg5[%mul3A_208, %dma_start3A_216] : memref<163840x128xf32, #tpu.memory_space<hbm>> -> memref<256x128xf32, #tpu.memory_space<hbm>>
      %dma_start3A_218 = arith.constant 0 : i32
      %dma_start3A_219 = arith.constant 0 : i32
      %dma_start3A_220 = tpu.memref_slice %arg8[%dma_start3A_209, %dma_start3A_218, %dma_start3A_219] : memref<2x256x128xf32, #tpu.memory_space<vmem>> -> memref<1x256x128xf32, #tpu.memory_space<vmem>>
      %dma_start3A_221 = tpu.memref_squeeze %dma_start3A_220 : memref<1x256x128xf32, #tpu.memory_space<vmem>> -> memref<256x128xf32, #tpu.memory_space<vmem>>
      tpu.enqueue_dma source(%dma_start3A_221 : memref<256x128xf32, #tpu.memory_space<vmem>>) target(%dma_start3A_217 : memref<256x128xf32, #tpu.memory_space<hbm>>) target_semaphore(%arg12 : memref<!tpu.dma_semaphore, #tpu.memory_space<semaphore_mem>>)
    }
    %scan3A_34 = arith.constant 10 : i32
    %add3A_35 = arith.constant 38 : i32
    %add3A_36 = arith.addi %mul3A_2, %add3A_35 : i32
    %mul3A_37 = arith.constant 128 : i32
    %mul3A_38 = arith.muli %add3A_36, %mul3A_37 : i32
    %dma_wait3A = arith.constant 1 : i32
    %dma_wait3A_39 = arith.constant 0 : i32
    %dma_wait3A_40 = arith.constant 0 : i32
    %dma_wait3A_41 = tpu.memref_slice %arg8[%dma_wait3A, %dma_wait3A_39, %dma_wait3A_40] : memref<2x256x128xf32, #tpu.memory_space<vmem>> -> memref<1x256x128xf32, #tpu.memory_space<vmem>>
    %dma_wait3A_42 = tpu.memref_squeeze %dma_wait3A_41 : memref<1x256x128xf32, #tpu.memory_space<vmem>> -> memref<256x128xf32, #tpu.memory_space<vmem>>
    %dma_wait3A_43 = arith.constant 0 : i32
    %dma_wait3A_44 = tpu.memref_slice %arg5[%mul3A_38, %dma_wait3A_43] : memref<163840x128xf32, #tpu.memory_space<hbm>> -> memref<256x128xf32, #tpu.memory_space<hbm>>
    %dma_wait3A_45 = arith.constant 0 : i32
    %dma_wait3A_46 = tpu.memref_slice %arg5[%mul3A_38, %dma_wait3A_45] : memref<163840x128xf32, #tpu.memory_space<hbm>> -> memref<256x128xf32, #tpu.memory_space<hbm>>
    %dma_wait3A_47 = arith.constant 0 : i32
    %dma_wait3A_48 = arith.constant 0 : i32
    %dma_wait3A_49 = tpu.memref_slice %arg8[%dma_wait3A, %dma_wait3A_47, %dma_wait3A_48] : memref<2x256x128xf32, #tpu.memory_space<vmem>> -> memref<1x256x128xf32, #tpu.memory_space<vmem>>
    %dma_wait3A_50 = tpu.memref_squeeze %dma_wait3A_49 : memref<1x256x128xf32, #tpu.memory_space<vmem>> -> memref<256x128xf32, #tpu.memory_space<vmem>>
    tpu.wait_dma2 semaphore(%arg12 : memref<!tpu.dma_semaphore, #tpu.memory_space<semaphore_mem>>) src(%dma_wait3A_50 : memref<256x128xf32, #tpu.memory_space<vmem>>) dst(%dma_wait3A_46 : memref<256x128xf32, #tpu.memory_space<hbm>>)
    %mul3A_51 = arith.constant 40 : i32
    %mul3A_52 = arith.muli %add3A, %mul3A_51 : i32
    %add3A_53 = arith.constant 0 : i32
    %add3A_54 = arith.addi %mul3A_52, %add3A_53 : i32
    %run_scoped3A_55 = arith.constant 0 : i32
    "tpu.region"() ({
      %run_scoped3A_105 = tpu.sem_alloc : memref<!tpu.dma_semaphore, #tpu.memory_space<semaphore_mem>>
      %dma_start3A_106 = arith.constant 0 : i32
      %dma_start3A_107 = arith.constant 0 : i32
      %dma_start3A_108 = tpu.memref_slice %arg7[%run_scoped3A_55, %dma_start3A_106, %dma_start3A_107] : memref<2x2x128xi32, #tpu.memory_space<vmem>> -> memref<1x2x128xi32, #tpu.memory_space<vmem>>
      %dma_start3A_109 = tpu.memref_squeeze %dma_start3A_108 : memref<1x2x128xi32, #tpu.memory_space<vmem>> -> memref<2x128xi32, #tpu.memory_space<vmem>>
      %dma_start3A_110 = arith.constant 0 : i32
      %dma_start3A_111 = tpu.memref_slice %arg4[%add3A_54, %dma_start3A_110] : memref<1280x128xi32, #tpu.memory_space<hbm>> -> memref<2x128xi32, #tpu.memory_space<hbm>>
      %dma_start3A_112 = arith.constant 0 : i32
      %dma_start3A_113 = arith.constant 0 : i32
      %dma_start3A_114 = tpu.memref_slice %arg7[%run_scoped3A_55, %dma_start3A_112, %dma_start3A_113] : memref<2x2x128xi32, #tpu.memory_space<vmem>> -> memref<1x2x128xi32, #tpu.memory_space<vmem>>
      %dma_start3A_115 = tpu.memref_squeeze %dma_start3A_114 : memref<1x2x128xi32, #tpu.memory_space<vmem>> -> memref<2x128xi32, #tpu.memory_space<vmem>>
      %dma_start3A_116 = arith.constant 0 : i32
      %dma_start3A_117 = tpu.memref_slice %arg4[%add3A_54, %dma_start3A_116] : memref<1280x128xi32, #tpu.memory_space<hbm>> -> memref<2x128xi32, #tpu.memory_space<hbm>>
      tpu.enqueue_dma source(%dma_start3A_117 : memref<2x128xi32, #tpu.memory_space<hbm>>) target(%dma_start3A_115 : memref<2x128xi32, #tpu.memory_space<vmem>>) target_semaphore(%run_scoped3A_105 : memref<!tpu.dma_semaphore, #tpu.memory_space<semaphore_mem>>)
      %dma_wait3A_118 = arith.constant 0 : i32
      %dma_wait3A_119 = arith.constant 0 : i32
      %dma_wait3A_120 = tpu.memref_slice %arg7[%run_scoped3A_55, %dma_wait3A_118, %dma_wait3A_119] : memref<2x2x128xi32, #tpu.memory_space<vmem>> -> memref<1x2x128xi32, #tpu.memory_space<vmem>>
      %dma_wait3A_121 = tpu.memref_squeeze %dma_wait3A_120 : memref<1x2x128xi32, #tpu.memory_space<vmem>> -> memref<2x128xi32, #tpu.memory_space<vmem>>
      %dma_wait3A_122 = arith.constant 0 : i32
      %dma_wait3A_123 = tpu.memref_slice %arg4[%add3A_54, %dma_wait3A_122] : memref<1280x128xi32, #tpu.memory_space<hbm>> -> memref<2x128xi32, #tpu.memory_space<hbm>>
      %dma_wait3A_124 = arith.constant 0 : i32
      %dma_wait3A_125 = arith.constant 0 : i32
      %dma_wait3A_126 = tpu.memref_slice %arg7[%run_scoped3A_55, %dma_wait3A_124, %dma_wait3A_125] : memref<2x2x128xi32, #tpu.memory_space<vmem>> -> memref<1x2x128xi32, #tpu.memory_space<vmem>>
      %dma_wait3A_127 = tpu.memref_squeeze %dma_wait3A_126 : memref<1x2x128xi32, #tpu.memory_space<vmem>> -> memref<2x128xi32, #tpu.memory_space<vmem>>
      %dma_wait3A_128 = arith.constant 0 : i32
      %dma_wait3A_129 = tpu.memref_slice %arg4[%add3A_54, %dma_wait3A_128] : memref<1280x128xi32, #tpu.memory_space<hbm>> -> memref<2x128xi32, #tpu.memory_space<hbm>>
      tpu.wait_dma2 semaphore(%run_scoped3A_105 : memref<!tpu.dma_semaphore, #tpu.memory_space<semaphore_mem>>) src(%dma_wait3A_129 : memref<2x128xi32, #tpu.memory_space<hbm>>) dst(%dma_wait3A_127 : memref<2x128xi32, #tpu.memory_space<vmem>>)
      tpu.yield
    }) : () -> ()
    %dma_start3A_56 = arith.constant 0 : i32
    %dma_start3A_57 = arith.constant 0 : i32
    %dma_start3A_58 = arith.constant 0 : i32
    %dma_start3A_59 = arith.constant 0 : i32
    %dma_start3A_60 = arith.constant 0 : i32
    %dma_start3A_61 = tpu.memref_slice %arg8[%dma_start3A_58, %dma_start3A_59, %dma_start3A_60] : memref<2x256x128xf32, #tpu.memory_space<vmem>> -> memref<1x128x128xf32, #tpu.memory_space<vmem>>
    %dma_start3A_62 = tpu.memref_squeeze %dma_start3A_61 : memref<1x128x128xf32, #tpu.memory_space<vmem>> -> memref<128x128xf32, #tpu.memory_space<vmem>>
    %dma_start3A_63 = arith.constant 0 : i32
    %dma_start3A_64 = tpu.memref_slice %arg7[%dma_start3A_56, %dma_start3A_57, %dma_start3A_63] : memref<2x2x128xi32, #tpu.memory_space<vmem>> -> memref<1x1x128xi32, #tpu.memory_space<vmem>>
    %dma_start3A_65 = tpu.memref_squeeze %dma_start3A_64 : memref<1x1x128xi32, #tpu.memory_space<vmem>> -> memref<128xi32, #tpu.memory_space<vmem>>
    %dma_start3A_66 = arith.constant 0 : i32
    %dma_start3A_67 = arith.constant 0 : i32
    %dma_start3A_68 = tpu.memref_slice %arg2[%dma_start3A_66, %dma_start3A_67] : memref<10000x128xf32, #tpu.memory_space<hbm>> -> memref<10000x128xf32, #tpu.memory_space<hbm>>
    tpu.enqueue_indirect_dma source(%dma_start3A_68 : memref<10000x128xf32, #tpu.memory_space<hbm>>) target(%dma_start3A_62 : memref<128x128xf32, #tpu.memory_space<vmem>>) offsets(%dma_start3A_65 : memref<128xi32, #tpu.memory_space<vmem>>) semaphore(%arg9 : memref<!tpu.dma_semaphore, #tpu.memory_space<semaphore_mem>>)
    %dma_start3A_69 = arith.constant 0 : i32
    %dma_start3A_70 = arith.constant 1 : i32
    %dma_start3A_71 = arith.constant 0 : i32
    %dma_start3A_72 = arith.constant 128 : i32
    %dma_start3A_73 = arith.constant 0 : i32
    %dma_start3A_74 = tpu.memref_slice %arg8[%dma_start3A_71, %dma_start3A_72, %dma_start3A_73] : memref<2x256x128xf32, #tpu.memory_space<vmem>> -> memref<1x128x128xf32, #tpu.memory_space<vmem>>
    %dma_start3A_75 = tpu.memref_squeeze %dma_start3A_74 : memref<1x128x128xf32, #tpu.memory_space<vmem>> -> memref<128x128xf32, #tpu.memory_space<vmem>>
    %dma_start3A_76 = arith.constant 0 : i32
    %dma_start3A_77 = tpu.memref_slice %arg7[%dma_start3A_69, %dma_start3A_70, %dma_start3A_76] : memref<2x2x128xi32, #tpu.memory_space<vmem>> -> memref<1x1x128xi32, #tpu.memory_space<vmem>>
    %dma_start3A_78 = tpu.memref_squeeze %dma_start3A_77 : memref<1x1x128xi32, #tpu.memory_space<vmem>> -> memref<128xi32, #tpu.memory_space<vmem>>
    %dma_start3A_79 = arith.constant 0 : i32
    %dma_start3A_80 = arith.constant 0 : i32
    %dma_start3A_81 = tpu.memref_slice %arg2[%dma_start3A_79, %dma_start3A_80] : memref<10000x128xf32, #tpu.memory_space<hbm>> -> memref<10000x128xf32, #tpu.memory_space<hbm>>
    tpu.enqueue_indirect_dma source(%dma_start3A_81 : memref<10000x128xf32, #tpu.memory_space<hbm>>) target(%dma_start3A_75 : memref<128x128xf32, #tpu.memory_space<vmem>>) offsets(%dma_start3A_78 : memref<128xi32, #tpu.memory_space<vmem>>) semaphore(%arg9 : memref<!tpu.dma_semaphore, #tpu.memory_space<semaphore_mem>>)
    %scan3A_82 = arith.constant 0 : i32
    %scan3A_83 = arith.constant 0 : i32
    %scan3A_84 = arith.constant 10 : i32
    %scan3A_85 = arith.addi %scan3A_83, %scan3A_84 : i32
    %scan3A_86 = arith.constant 1 : i32
    scf.for %scan3A_105 = %scan3A_83 to %scan3A_85 step %scan3A_86  : i32 {
      %mul3A_106 = arith.constant 2 : i32
      %mul3A_107 = arith.muli %scan3A_105, %mul3A_106 : i32
      %add3A_108 = arith.constant 0 : i32
      %add3A_109 = arith.addi %mul3A_107, %add3A_108 : i32
      %dma_wait3A_110 = arith.constant 0 : i32
      %dma_wait3A_111 = arith.constant 0 : i32
      %dma_wait3A_112 = arith.constant 0 : i32
      %dma_wait3A_113 = arith.constant 0 : i32
      %dma_wait3A_114 = arith.constant 0 : i32
      %dma_wait3A_115 = tpu.memref_slice %arg8[%dma_wait3A_112, %dma_wait3A_113, %dma_wait3A_114] : memref<2x256x128xf32, #tpu.memory_space<vmem>> -> memref<1x128x128xf32, #tpu.memory_space<vmem>>
      %dma_wait3A_116 = tpu.memref_squeeze %dma_wait3A_115 : memref<1x128x128xf32, #tpu.memory_space<vmem>> -> memref<128x128xf32, #tpu.memory_space<vmem>>
      %dma_wait3A_117 = arith.constant 0 : i32
      %dma_wait3A_118 = tpu.memref_slice %arg7[%dma_wait3A_110, %dma_wait3A_111, %dma_wait3A_117] : memref<2x2x128xi32, #tpu.memory_space<vmem>> -> memref<1x1x128xi32, #tpu.memory_space<vmem>>
      %dma_wait3A_119 = tpu.memref_squeeze %dma_wait3A_118 : memref<1x1x128xi32, #tpu.memory_space<vmem>> -> memref<128xi32, #tpu.memory_space<vmem>>
      %dma_wait3A_120 = arith.constant 0 : i32
      %dma_wait3A_121 = arith.constant 0 : i32
      %dma_wait3A_122 = tpu.memref_slice %arg2[%dma_wait3A_120, %dma_wait3A_121] : memref<10000x128xf32, #tpu.memory_space<hbm>> -> memref<10000x128xf32, #tpu.memory_space<hbm>>
      tpu.wait_indirect_dma semaphore(%arg9 : memref<!tpu.dma_semaphore, #tpu.memory_space<semaphore_mem>>) src(%dma_wait3A_122 : memref<10000x128xf32, #tpu.memory_space<hbm>>) dst(%dma_wait3A_116 : memref<128x128xf32, #tpu.memory_space<vmem>>)
      %dma_wait3A_123 = arith.constant 0 : i32
      %dma_wait3A_124 = arith.constant 1 : i32
      %dma_wait3A_125 = arith.constant 0 : i32
      %dma_wait3A_126 = arith.constant 128 : i32
      %dma_wait3A_127 = arith.constant 0 : i32
      %dma_wait3A_128 = tpu.memref_slice %arg8[%dma_wait3A_125, %dma_wait3A_126, %dma_wait3A_127] : memref<2x256x128xf32, #tpu.memory_space<vmem>> -> memref<1x128x128xf32, #tpu.memory_space<vmem>>
      %dma_wait3A_129 = tpu.memref_squeeze %dma_wait3A_128 : memref<1x128x128xf32, #tpu.memory_space<vmem>> -> memref<128x128xf32, #tpu.memory_space<vmem>>
      %dma_wait3A_130 = arith.constant 0 : i32
      %dma_wait3A_131 = tpu.memref_slice %arg7[%dma_wait3A_123, %dma_wait3A_124, %dma_wait3A_130] : memref<2x2x128xi32, #tpu.memory_space<vmem>> -> memref<1x1x128xi32, #tpu.memory_space<vmem>>
      %dma_wait3A_132 = tpu.memref_squeeze %dma_wait3A_131 : memref<1x1x128xi32, #tpu.memory_space<vmem>> -> memref<128xi32, #tpu.memory_space<vmem>>
      %dma_wait3A_133 = arith.constant 0 : i32
      %dma_wait3A_134 = arith.constant 0 : i32
      %dma_wait3A_135 = tpu.memref_slice %arg2[%dma_wait3A_133, %dma_wait3A_134] : memref<10000x128xf32, #tpu.memory_space<hbm>> -> memref<10000x128xf32, #tpu.memory_space<hbm>>
      tpu.wait_indirect_dma semaphore(%arg9 : memref<!tpu.dma_semaphore, #tpu.memory_space<semaphore_mem>>) src(%dma_wait3A_135 : memref<10000x128xf32, #tpu.memory_space<hbm>>) dst(%dma_wait3A_129 : memref<128x128xf32, #tpu.memory_space<vmem>>)
      %ge3A = arith.constant 1 : i32
      %ge3A_136 = arith.cmpi sge, %add3A_109, %ge3A : i32
      %convert_element_type3A = arith.extui %ge3A_136 : i1 to i32
      %cond3A = arith.constant 0 : i32
      %cond3A_137 = arith.cmpi ne, %convert_element_type3A, %cond3A : i32
      scf.if %cond3A_137 {
        %sub3A = arith.constant 1 : i32
        %sub3A_222 = arith.subi %add3A_109, %sub3A : i32
        %mul3A_223 = arith.constant 2 : i32
        %mul3A_224 = arith.muli %sub3A_222, %mul3A_223 : i32
        %add3A_225 = arith.addi %mul3A_52, %mul3A_224 : i32
        %mul3A_226 = arith.constant 128 : i32
        %mul3A_227 = arith.muli %add3A_225, %mul3A_226 : i32
        %dma_wait3A_228 = arith.constant 1 : i32
        %dma_wait3A_229 = arith.constant 0 : i32
        %dma_wait3A_230 = arith.constant 0 : i32
        %dma_wait3A_231 = tpu.memref_slice %arg8[%dma_wait3A_228, %dma_wait3A_229, %dma_wait3A_230] : memref<2x256x128xf32, #tpu.memory_space<vmem>> -> memref<1x256x128xf32, #tpu.memory_space<vmem>>
        %dma_wait3A_232 = tpu.memref_squeeze %dma_wait3A_231 : memref<1x256x128xf32, #tpu.memory_space<vmem>> -> memref<256x128xf32, #tpu.memory_space<vmem>>
        %dma_wait3A_233 = arith.constant 0 : i32
        %dma_wait3A_234 = tpu.memref_slice %arg6[%mul3A_227, %dma_wait3A_233] : memref<163840x128xf32, #tpu.memory_space<hbm>> -> memref<256x128xf32, #tpu.memory_space<hbm>>
        %dma_wait3A_235 = arith.constant 0 : i32
        %dma_wait3A_236 = tpu.memref_slice %arg6[%mul3A_227, %dma_wait3A_235] : memref<163840x128xf32, #tpu.memory_space<hbm>> -> memref<256x128xf32, #tpu.memory_space<hbm>>
        %dma_wait3A_237 = arith.constant 0 : i32
        %dma_wait3A_238 = arith.constant 0 : i32
        %dma_wait3A_239 = tpu.memref_slice %arg8[%dma_wait3A_228, %dma_wait3A_237, %dma_wait3A_238] : memref<2x256x128xf32, #tpu.memory_space<vmem>> -> memref<1x256x128xf32, #tpu.memory_space<vmem>>
        %dma_wait3A_240 = tpu.memref_squeeze %dma_wait3A_239 : memref<1x256x128xf32, #tpu.memory_space<vmem>> -> memref<256x128xf32, #tpu.memory_space<vmem>>
        tpu.wait_dma2 semaphore(%arg12 : memref<!tpu.dma_semaphore, #tpu.memory_space<semaphore_mem>>) src(%dma_wait3A_240 : memref<256x128xf32, #tpu.memory_space<vmem>>) dst(%dma_wait3A_236 : memref<256x128xf32, #tpu.memory_space<hbm>>)
      } else {
      }
      %add3A_138 = arith.constant 1 : i32
      %add3A_139 = arith.addi %add3A_109, %add3A_138 : i32
      %lt3A = arith.constant 20 : i32
      %lt3A_140 = arith.cmpi slt, %add3A_139, %lt3A : i32
      %convert_element_type3A_141 = arith.extui %lt3A_140 : i1 to i32
      %cond3A_142 = arith.constant 0 : i32
      %cond3A_143 = arith.cmpi ne, %convert_element_type3A_141, %cond3A_142 : i32
      scf.if %cond3A_143 {
        %add3A_222 = arith.constant 1 : i32
        %add3A_223 = arith.addi %add3A_109, %add3A_222 : i32
        %mul3A_224 = arith.constant 2 : i32
        %mul3A_225 = arith.muli %add3A_223, %mul3A_224 : i32
        %add3A_226 = arith.addi %mul3A_52, %mul3A_225 : i32
        %run_scoped3A_227 = arith.constant 1 : i32
        "tpu.region"() ({
          %run_scoped3A_254 = tpu.sem_alloc : memref<!tpu.dma_semaphore, #tpu.memory_space<semaphore_mem>>
          %dma_start3A_255 = arith.constant 0 : i32
          %dma_start3A_256 = arith.constant 0 : i32
          %dma_start3A_257 = tpu.memref_slice %arg7[%run_scoped3A_227, %dma_start3A_255, %dma_start3A_256] : memref<2x2x128xi32, #tpu.memory_space<vmem>> -> memref<1x2x128xi32, #tpu.memory_space<vmem>>
          %dma_start3A_258 = tpu.memref_squeeze %dma_start3A_257 : memref<1x2x128xi32, #tpu.memory_space<vmem>> -> memref<2x128xi32, #tpu.memory_space<vmem>>
          %dma_start3A_259 = arith.constant 0 : i32
          %dma_start3A_260 = tpu.memref_slice %arg4[%add3A_226, %dma_start3A_259] : memref<1280x128xi32, #tpu.memory_space<hbm>> -> memref<2x128xi32, #tpu.memory_space<hbm>>
          %dma_start3A_261 = arith.constant 0 : i32
          %dma_start3A_262 = arith.constant 0 : i32
          %dma_start3A_263 = tpu.memref_slice %arg7[%run_scoped3A_227, %dma_start3A_261, %dma_start3A_262] : memref<2x2x128xi32, #tpu.memory_space<vmem>> -> memref<1x2x128xi32, #tpu.memory_space<vmem>>
          %dma_start3A_264 = tpu.memref_squeeze %dma_start3A_263 : memref<1x2x128xi32, #tpu.memory_space<vmem>> -> memref<2x128xi32, #tpu.memory_space<vmem>>
          %dma_start3A_265 = arith.constant 0 : i32
          %dma_start3A_266 = tpu.memref_slice %arg4[%add3A_226, %dma_start3A_265] : memref<1280x128xi32, #tpu.memory_space<hbm>> -> memref<2x128xi32, #tpu.memory_space<hbm>>
          tpu.enqueue_dma source(%dma_start3A_266 : memref<2x128xi32, #tpu.memory_space<hbm>>) target(%dma_start3A_264 : memref<2x128xi32, #tpu.memory_space<vmem>>) target_semaphore(%run_scoped3A_254 : memref<!tpu.dma_semaphore, #tpu.memory_space<semaphore_mem>>)
          %dma_wait3A_267 = arith.constant 0 : i32
          %dma_wait3A_268 = arith.constant 0 : i32
          %dma_wait3A_269 = tpu.memref_slice %arg7[%run_scoped3A_227, %dma_wait3A_267, %dma_wait3A_268] : memref<2x2x128xi32, #tpu.memory_space<vmem>> -> memref<1x2x128xi32, #tpu.memory_space<vmem>>
          %dma_wait3A_270 = tpu.memref_squeeze %dma_wait3A_269 : memref<1x2x128xi32, #tpu.memory_space<vmem>> -> memref<2x128xi32, #tpu.memory_space<vmem>>
          %dma_wait3A_271 = arith.constant 0 : i32
          %dma_wait3A_272 = tpu.memref_slice %arg4[%add3A_226, %dma_wait3A_271] : memref<1280x128xi32, #tpu.memory_space<hbm>> -> memref<2x128xi32, #tpu.memory_space<hbm>>
          %dma_wait3A_273 = arith.constant 0 : i32
          %dma_wait3A_274 = arith.constant 0 : i32
          %dma_wait3A_275 = tpu.memref_slice %arg7[%run_scoped3A_227, %dma_wait3A_273, %dma_wait3A_274] : memref<2x2x128xi32, #tpu.memory_space<vmem>> -> memref<1x2x128xi32, #tpu.memory_space<vmem>>
          %dma_wait3A_276 = tpu.memref_squeeze %dma_wait3A_275 : memref<1x2x128xi32, #tpu.memory_space<vmem>> -> memref<2x128xi32, #tpu.memory_space<vmem>>
          %dma_wait3A_277 = arith.constant 0 : i32
          %dma_wait3A_278 = tpu.memref_slice %arg4[%add3A_226, %dma_wait3A_277] : memref<1280x128xi32, #tpu.memory_space<hbm>> -> memref<2x128xi32, #tpu.memory_space<hbm>>
          tpu.wait_dma2 semaphore(%run_scoped3A_254 : memref<!tpu.dma_semaphore, #tpu.memory_space<semaphore_mem>>) src(%dma_wait3A_278 : memref<2x128xi32, #tpu.memory_space<hbm>>) dst(%dma_wait3A_276 : memref<2x128xi32, #tpu.memory_space<vmem>>)
          tpu.yield
        }) : () -> ()
        %dma_start3A_228 = arith.constant 1 : i32
        %dma_start3A_229 = arith.constant 0 : i32
        %dma_start3A_230 = arith.constant 1 : i32
        %dma_start3A_231 = arith.constant 0 : i32
        %dma_start3A_232 = arith.constant 0 : i32
        %dma_start3A_233 = tpu.memref_slice %arg8[%dma_start3A_230, %dma_start3A_231, %dma_start3A_232] : memref<2x256x128xf32, #tpu.memory_space<vmem>> -> memref<1x128x128xf32, #tpu.memory_space<vmem>>
        %dma_start3A_234 = tpu.memref_squeeze %dma_start3A_233 : memref<1x128x128xf32, #tpu.memory_space<vmem>> -> memref<128x128xf32, #tpu.memory_space<vmem>>
        %dma_start3A_235 = arith.constant 0 : i32
        %dma_start3A_236 = tpu.memref_slice %arg7[%dma_start3A_228, %dma_start3A_229, %dma_start3A_235] : memref<2x2x128xi32, #tpu.memory_space<vmem>> -> memref<1x1x128xi32, #tpu.memory_space<vmem>>
        %dma_start3A_237 = tpu.memref_squeeze %dma_start3A_236 : memref<1x1x128xi32, #tpu.memory_space<vmem>> -> memref<128xi32, #tpu.memory_space<vmem>>
        %dma_start3A_238 = arith.constant 0 : i32
        %dma_start3A_239 = arith.constant 0 : i32
        %dma_start3A_240 = tpu.memref_slice %arg2[%dma_start3A_238, %dma_start3A_239] : memref<10000x128xf32, #tpu.memory_space<hbm>> -> memref<10000x128xf32, #tpu.memory_space<hbm>>
        tpu.enqueue_indirect_dma source(%dma_start3A_240 : memref<10000x128xf32, #tpu.memory_space<hbm>>) target(%dma_start3A_234 : memref<128x128xf32, #tpu.memory_space<vmem>>) offsets(%dma_start3A_237 : memref<128xi32, #tpu.memory_space<vmem>>) semaphore(%arg10 : memref<!tpu.dma_semaphore, #tpu.memory_space<semaphore_mem>>)
        %dma_start3A_241 = arith.constant 1 : i32
        %dma_start3A_242 = arith.constant 1 : i32
        %dma_start3A_243 = arith.constant 1 : i32
        %dma_start3A_244 = arith.constant 128 : i32
        %dma_start3A_245 = arith.constant 0 : i32
        %dma_start3A_246 = tpu.memref_slice %arg8[%dma_start3A_243, %dma_start3A_244, %dma_start3A_245] : memref<2x256x128xf32, #tpu.memory_space<vmem>> -> memref<1x128x128xf32, #tpu.memory_space<vmem>>
        %dma_start3A_247 = tpu.memref_squeeze %dma_start3A_246 : memref<1x128x128xf32, #tpu.memory_space<vmem>> -> memref<128x128xf32, #tpu.memory_space<vmem>>
        %dma_start3A_248 = arith.constant 0 : i32
        %dma_start3A_249 = tpu.memref_slice %arg7[%dma_start3A_241, %dma_start3A_242, %dma_start3A_248] : memref<2x2x128xi32, #tpu.memory_space<vmem>> -> memref<1x1x128xi32, #tpu.memory_space<vmem>>
        %dma_start3A_250 = tpu.memref_squeeze %dma_start3A_249 : memref<1x1x128xi32, #tpu.memory_space<vmem>> -> memref<128xi32, #tpu.memory_space<vmem>>
        %dma_start3A_251 = arith.constant 0 : i32
        %dma_start3A_252 = arith.constant 0 : i32
        %dma_start3A_253 = tpu.memref_slice %arg2[%dma_start3A_251, %dma_start3A_252] : memref<10000x128xf32, #tpu.memory_space<hbm>> -> memref<10000x128xf32, #tpu.memory_space<hbm>>
        tpu.enqueue_indirect_dma source(%dma_start3A_253 : memref<10000x128xf32, #tpu.memory_space<hbm>>) target(%dma_start3A_247 : memref<128x128xf32, #tpu.memory_space<vmem>>) offsets(%dma_start3A_250 : memref<128xi32, #tpu.memory_space<vmem>>) semaphore(%arg10 : memref<!tpu.dma_semaphore, #tpu.memory_space<semaphore_mem>>)
      } else {
      }
      %mul3A_144 = arith.constant 2 : i32
      %mul3A_145 = arith.muli %add3A_109, %mul3A_144 : i32
      %add3A_146 = arith.addi %mul3A_52, %mul3A_145 : i32
      %mul3A_147 = arith.constant 128 : i32
      %mul3A_148 = arith.muli %add3A_146, %mul3A_147 : i32
      %dma_start3A_149 = arith.constant 0 : i32
      %dma_start3A_150 = arith.constant 0 : i32
      %dma_start3A_151 = arith.constant 0 : i32
      %dma_start3A_152 = tpu.memref_slice %arg8[%dma_start3A_149, %dma_start3A_150, %dma_start3A_151] : memref<2x256x128xf32, #tpu.memory_space<vmem>> -> memref<1x256x128xf32, #tpu.memory_space<vmem>>
      %dma_start3A_153 = tpu.memref_squeeze %dma_start3A_152 : memref<1x256x128xf32, #tpu.memory_space<vmem>> -> memref<256x128xf32, #tpu.memory_space<vmem>>
      %dma_start3A_154 = arith.constant 0 : i32
      %dma_start3A_155 = tpu.memref_slice %arg6[%mul3A_148, %dma_start3A_154] : memref<163840x128xf32, #tpu.memory_space<hbm>> -> memref<256x128xf32, #tpu.memory_space<hbm>>
      %dma_start3A_156 = arith.constant 0 : i32
      %dma_start3A_157 = tpu.memref_slice %arg6[%mul3A_148, %dma_start3A_156] : memref<163840x128xf32, #tpu.memory_space<hbm>> -> memref<256x128xf32, #tpu.memory_space<hbm>>
      %dma_start3A_158 = arith.constant 0 : i32
      %dma_start3A_159 = arith.constant 0 : i32
      %dma_start3A_160 = tpu.memref_slice %arg8[%dma_start3A_149, %dma_start3A_158, %dma_start3A_159] : memref<2x256x128xf32, #tpu.memory_space<vmem>> -> memref<1x256x128xf32, #tpu.memory_space<vmem>>
      %dma_start3A_161 = tpu.memref_squeeze %dma_start3A_160 : memref<1x256x128xf32, #tpu.memory_space<vmem>> -> memref<256x128xf32, #tpu.memory_space<vmem>>
      tpu.enqueue_dma source(%dma_start3A_161 : memref<256x128xf32, #tpu.memory_space<vmem>>) target(%dma_start3A_157 : memref<256x128xf32, #tpu.memory_space<hbm>>) target_semaphore(%arg11 : memref<!tpu.dma_semaphore, #tpu.memory_space<semaphore_mem>>)
      %mul3A_162 = arith.constant 2 : i32
      %mul3A_163 = arith.muli %scan3A_105, %mul3A_162 : i32
      %add3A_164 = arith.constant 1 : i32
      %add3A_165 = arith.addi %mul3A_163, %add3A_164 : i32
      %dma_wait3A_166 = arith.constant 1 : i32
      %dma_wait3A_167 = arith.constant 0 : i32
      %dma_wait3A_168 = arith.constant 1 : i32
      %dma_wait3A_169 = arith.constant 0 : i32
      %dma_wait3A_170 = arith.constant 0 : i32
      %dma_wait3A_171 = tpu.memref_slice %arg8[%dma_wait3A_168, %dma_wait3A_169, %dma_wait3A_170] : memref<2x256x128xf32, #tpu.memory_space<vmem>> -> memref<1x128x128xf32, #tpu.memory_space<vmem>>
      %dma_wait3A_172 = tpu.memref_squeeze %dma_wait3A_171 : memref<1x128x128xf32, #tpu.memory_space<vmem>> -> memref<128x128xf32, #tpu.memory_space<vmem>>
      %dma_wait3A_173 = arith.constant 0 : i32
      %dma_wait3A_174 = tpu.memref_slice %arg7[%dma_wait3A_166, %dma_wait3A_167, %dma_wait3A_173] : memref<2x2x128xi32, #tpu.memory_space<vmem>> -> memref<1x1x128xi32, #tpu.memory_space<vmem>>
      %dma_wait3A_175 = tpu.memref_squeeze %dma_wait3A_174 : memref<1x1x128xi32, #tpu.memory_space<vmem>> -> memref<128xi32, #tpu.memory_space<vmem>>
      %dma_wait3A_176 = arith.constant 0 : i32
      %dma_wait3A_177 = arith.constant 0 : i32
      %dma_wait3A_178 = tpu.memref_slice %arg2[%dma_wait3A_176, %dma_wait3A_177] : memref<10000x128xf32, #tpu.memory_space<hbm>> -> memref<10000x128xf32, #tpu.memory_space<hbm>>
      tpu.wait_indirect_dma semaphore(%arg10 : memref<!tpu.dma_semaphore, #tpu.memory_space<semaphore_mem>>) src(%dma_wait3A_178 : memref<10000x128xf32, #tpu.memory_space<hbm>>) dst(%dma_wait3A_172 : memref<128x128xf32, #tpu.memory_space<vmem>>)
      %dma_wait3A_179 = arith.constant 1 : i32
      %dma_wait3A_180 = arith.constant 1 : i32
      %dma_wait3A_181 = arith.constant 1 : i32
      %dma_wait3A_182 = arith.constant 128 : i32
      %dma_wait3A_183 = arith.constant 0 : i32
      %dma_wait3A_184 = tpu.memref_slice %arg8[%dma_wait3A_181, %dma_wait3A_182, %dma_wait3A_183] : memref<2x256x128xf32, #tpu.memory_space<vmem>> -> memref<1x128x128xf32, #tpu.memory_space<vmem>>
      %dma_wait3A_185 = tpu.memref_squeeze %dma_wait3A_184 : memref<1x128x128xf32, #tpu.memory_space<vmem>> -> memref<128x128xf32, #tpu.memory_space<vmem>>
      %dma_wait3A_186 = arith.constant 0 : i32
      %dma_wait3A_187 = tpu.memref_slice %arg7[%dma_wait3A_179, %dma_wait3A_180, %dma_wait3A_186] : memref<2x2x128xi32, #tpu.memory_space<vmem>> -> memref<1x1x128xi32, #tpu.memory_space<vmem>>
      %dma_wait3A_188 = tpu.memref_squeeze %dma_wait3A_187 : memref<1x1x128xi32, #tpu.memory_space<vmem>> -> memref<128xi32, #tpu.memory_space<vmem>>
      %dma_wait3A_189 = arith.constant 0 : i32
      %dma_wait3A_190 = arith.constant 0 : i32
      %dma_wait3A_191 = tpu.memref_slice %arg2[%dma_wait3A_189, %dma_wait3A_190] : memref<10000x128xf32, #tpu.memory_space<hbm>> -> memref<10000x128xf32, #tpu.memory_space<hbm>>
      tpu.wait_indirect_dma semaphore(%arg10 : memref<!tpu.dma_semaphore, #tpu.memory_space<semaphore_mem>>) src(%dma_wait3A_191 : memref<10000x128xf32, #tpu.memory_space<hbm>>) dst(%dma_wait3A_185 : memref<128x128xf32, #tpu.memory_space<vmem>>)
      %ge3A_192 = arith.constant 1 : i32
      %ge3A_193 = arith.cmpi sge, %add3A_165, %ge3A_192 : i32
      %convert_element_type3A_194 = arith.extui %ge3A_193 : i1 to i32
      %cond3A_195 = arith.constant 0 : i32
      %cond3A_196 = arith.cmpi ne, %convert_element_type3A_194, %cond3A_195 : i32
      scf.if %cond3A_196 {
        %sub3A = arith.constant 1 : i32
        %sub3A_222 = arith.subi %add3A_165, %sub3A : i32
        %mul3A_223 = arith.constant 2 : i32
        %mul3A_224 = arith.muli %sub3A_222, %mul3A_223 : i32
        %add3A_225 = arith.addi %mul3A_52, %mul3A_224 : i32
        %mul3A_226 = arith.constant 128 : i32
        %mul3A_227 = arith.muli %add3A_225, %mul3A_226 : i32
        %dma_wait3A_228 = arith.constant 0 : i32
        %dma_wait3A_229 = arith.constant 0 : i32
        %dma_wait3A_230 = arith.constant 0 : i32
        %dma_wait3A_231 = tpu.memref_slice %arg8[%dma_wait3A_228, %dma_wait3A_229, %dma_wait3A_230] : memref<2x256x128xf32, #tpu.memory_space<vmem>> -> memref<1x256x128xf32, #tpu.memory_space<vmem>>
        %dma_wait3A_232 = tpu.memref_squeeze %dma_wait3A_231 : memref<1x256x128xf32, #tpu.memory_space<vmem>> -> memref<256x128xf32, #tpu.memory_space<vmem>>
        %dma_wait3A_233 = arith.constant 0 : i32
        %dma_wait3A_234 = tpu.memref_slice %arg6[%mul3A_227, %dma_wait3A_233] : memref<163840x128xf32, #tpu.memory_space<hbm>> -> memref<256x128xf32, #tpu.memory_space<hbm>>
        %dma_wait3A_235 = arith.constant 0 : i32
        %dma_wait3A_236 = tpu.memref_slice %arg6[%mul3A_227, %dma_wait3A_235] : memref<163840x128xf32, #tpu.memory_space<hbm>> -> memref<256x128xf32, #tpu.memory_space<hbm>>
        %dma_wait3A_237 = arith.constant 0 : i32
        %dma_wait3A_238 = arith.constant 0 : i32
        %dma_wait3A_239 = tpu.memref_slice %arg8[%dma_wait3A_228, %dma_wait3A_237, %dma_wait3A_238] : memref<2x256x128xf32, #tpu.memory_space<vmem>> -> memref<1x256x128xf32, #tpu.memory_space<vmem>>
        %dma_wait3A_240 = tpu.memref_squeeze %dma_wait3A_239 : memref<1x256x128xf32, #tpu.memory_space<vmem>> -> memref<256x128xf32, #tpu.memory_space<vmem>>
        tpu.wait_dma2 semaphore(%arg11 : memref<!tpu.dma_semaphore, #tpu.memory_space<semaphore_mem>>) src(%dma_wait3A_240 : memref<256x128xf32, #tpu.memory_space<vmem>>) dst(%dma_wait3A_236 : memref<256x128xf32, #tpu.memory_space<hbm>>)
      } else {
      }
      %add3A_197 = arith.constant 1 : i32
      %add3A_198 = arith.addi %add3A_165, %add3A_197 : i32
      %lt3A_199 = arith.constant 20 : i32
      %lt3A_200 = arith.cmpi slt, %add3A_198, %lt3A_199 : i32
      %convert_element_type3A_201 = arith.extui %lt3A_200 : i1 to i32
      %cond3A_202 = arith.constant 0 : i32
      %cond3A_203 = arith.cmpi ne, %convert_element_type3A_201, %cond3A_202 : i32
      scf.if %cond3A_203 {
        %add3A_222 = arith.constant 1 : i32
        %add3A_223 = arith.addi %add3A_165, %add3A_222 : i32
        %mul3A_224 = arith.constant 2 : i32
        %mul3A_225 = arith.muli %add3A_223, %mul3A_224 : i32
        %add3A_226 = arith.addi %mul3A_52, %mul3A_225 : i32
        %run_scoped3A_227 = arith.constant 0 : i32
        "tpu.region"() ({
          %run_scoped3A_254 = tpu.sem_alloc : memref<!tpu.dma_semaphore, #tpu.memory_space<semaphore_mem>>
          %dma_start3A_255 = arith.constant 0 : i32
          %dma_start3A_256 = arith.constant 0 : i32
          %dma_start3A_257 = tpu.memref_slice %arg7[%run_scoped3A_227, %dma_start3A_255, %dma_start3A_256] : memref<2x2x128xi32, #tpu.memory_space<vmem>> -> memref<1x2x128xi32, #tpu.memory_space<vmem>>
          %dma_start3A_258 = tpu.memref_squeeze %dma_start3A_257 : memref<1x2x128xi32, #tpu.memory_space<vmem>> -> memref<2x128xi32, #tpu.memory_space<vmem>>
          %dma_start3A_259 = arith.constant 0 : i32
          %dma_start3A_260 = tpu.memref_slice %arg4[%add3A_226, %dma_start3A_259] : memref<1280x128xi32, #tpu.memory_space<hbm>> -> memref<2x128xi32, #tpu.memory_space<hbm>>
          %dma_start3A_261 = arith.constant 0 : i32
          %dma_start3A_262 = arith.constant 0 : i32
          %dma_start3A_263 = tpu.memref_slice %arg7[%run_scoped3A_227, %dma_start3A_261, %dma_start3A_262] : memref<2x2x128xi32, #tpu.memory_space<vmem>> -> memref<1x2x128xi32, #tpu.memory_space<vmem>>
          %dma_start3A_264 = tpu.memref_squeeze %dma_start3A_263 : memref<1x2x128xi32, #tpu.memory_space<vmem>> -> memref<2x128xi32, #tpu.memory_space<vmem>>
          %dma_start3A_265 = arith.constant 0 : i32
          %dma_start3A_266 = tpu.memref_slice %arg4[%add3A_226, %dma_start3A_265] : memref<1280x128xi32, #tpu.memory_space<hbm>> -> memref<2x128xi32, #tpu.memory_space<hbm>>
          tpu.enqueue_dma source(%dma_start3A_266 : memref<2x128xi32, #tpu.memory_space<hbm>>) target(%dma_start3A_264 : memref<2x128xi32, #tpu.memory_space<vmem>>) target_semaphore(%run_scoped3A_254 : memref<!tpu.dma_semaphore, #tpu.memory_space<semaphore_mem>>)
          %dma_wait3A_267 = arith.constant 0 : i32
          %dma_wait3A_268 = arith.constant 0 : i32
          %dma_wait3A_269 = tpu.memref_slice %arg7[%run_scoped3A_227, %dma_wait3A_267, %dma_wait3A_268] : memref<2x2x128xi32, #tpu.memory_space<vmem>> -> memref<1x2x128xi32, #tpu.memory_space<vmem>>
          %dma_wait3A_270 = tpu.memref_squeeze %dma_wait3A_269 : memref<1x2x128xi32, #tpu.memory_space<vmem>> -> memref<2x128xi32, #tpu.memory_space<vmem>>
          %dma_wait3A_271 = arith.constant 0 : i32
          %dma_wait3A_272 = tpu.memref_slice %arg4[%add3A_226, %dma_wait3A_271] : memref<1280x128xi32, #tpu.memory_space<hbm>> -> memref<2x128xi32, #tpu.memory_space<hbm>>
          %dma_wait3A_273 = arith.constant 0 : i32
          %dma_wait3A_274 = arith.constant 0 : i32
          %dma_wait3A_275 = tpu.memref_slice %arg7[%run_scoped3A_227, %dma_wait3A_273, %dma_wait3A_274] : memref<2x2x128xi32, #tpu.memory_space<vmem>> -> memref<1x2x128xi32, #tpu.memory_space<vmem>>
          %dma_wait3A_276 = tpu.memref_squeeze %dma_wait3A_275 : memref<1x2x128xi32, #tpu.memory_space<vmem>> -> memref<2x128xi32, #tpu.memory_space<vmem>>
          %dma_wait3A_277 = arith.constant 0 : i32
          %dma_wait3A_278 = tpu.memref_slice %arg4[%add3A_226, %dma_wait3A_277] : memref<1280x128xi32, #tpu.memory_space<hbm>> -> memref<2x128xi32, #tpu.memory_space<hbm>>
          tpu.wait_dma2 semaphore(%run_scoped3A_254 : memref<!tpu.dma_semaphore, #tpu.memory_space<semaphore_mem>>) src(%dma_wait3A_278 : memref<2x128xi32, #tpu.memory_space<hbm>>) dst(%dma_wait3A_276 : memref<2x128xi32, #tpu.memory_space<vmem>>)
          tpu.yield
        }) : () -> ()
        %dma_start3A_228 = arith.constant 0 : i32
        %dma_start3A_229 = arith.constant 0 : i32
        %dma_start3A_230 = arith.constant 0 : i32
        %dma_start3A_231 = arith.constant 0 : i32
        %dma_start3A_232 = arith.constant 0 : i32
        %dma_start3A_233 = tpu.memref_slice %arg8[%dma_start3A_230, %dma_start3A_231, %dma_start3A_232] : memref<2x256x128xf32, #tpu.memory_space<vmem>> -> memref<1x128x128xf32, #tpu.memory_space<vmem>>
        %dma_start3A_234 = tpu.memref_squeeze %dma_start3A_233 : memref<1x128x128xf32, #tpu.memory_space<vmem>> -> memref<128x128xf32, #tpu.memory_space<vmem>>
        %dma_start3A_235 = arith.constant 0 : i32
        %dma_start3A_236 = tpu.memref_slice %arg7[%dma_start3A_228, %dma_start3A_229, %dma_start3A_235] : memref<2x2x128xi32, #tpu.memory_space<vmem>> -> memref<1x1x128xi32, #tpu.memory_space<vmem>>
        %dma_start3A_237 = tpu.memref_squeeze %dma_start3A_236 : memref<1x1x128xi32, #tpu.memory_space<vmem>> -> memref<128xi32, #tpu.memory_space<vmem>>
        %dma_start3A_238 = arith.constant 0 : i32
        %dma_start3A_239 = arith.constant 0 : i32
        %dma_start3A_240 = tpu.memref_slice %arg2[%dma_start3A_238, %dma_start3A_239] : memref<10000x128xf32, #tpu.memory_space<hbm>> -> memref<10000x128xf32, #tpu.memory_space<hbm>>
        tpu.enqueue_indirect_dma source(%dma_start3A_240 : memref<10000x128xf32, #tpu.memory_space<hbm>>) target(%dma_start3A_234 : memref<128x128xf32, #tpu.memory_space<vmem>>) offsets(%dma_start3A_237 : memref<128xi32, #tpu.memory_space<vmem>>) semaphore(%arg9 : memref<!tpu.dma_semaphore, #tpu.memory_space<semaphore_mem>>)
        %dma_start3A_241 = arith.constant 0 : i32
        %dma_start3A_242 = arith.constant 1 : i32
        %dma_start3A_243 = arith.constant 0 : i32
        %dma_start3A_244 = arith.constant 128 : i32
        %dma_start3A_245 = arith.constant 0 : i32
        %dma_start3A_246 = tpu.memref_slice %arg8[%dma_start3A_243, %dma_start3A_244, %dma_start3A_245] : memref<2x256x128xf32, #tpu.memory_space<vmem>> -> memref<1x128x128xf32, #tpu.memory_space<vmem>>
        %dma_start3A_247 = tpu.memref_squeeze %dma_start3A_246 : memref<1x128x128xf32, #tpu.memory_space<vmem>> -> memref<128x128xf32, #tpu.memory_space<vmem>>
        %dma_start3A_248 = arith.constant 0 : i32
        %dma_start3A_249 = tpu.memref_slice %arg7[%dma_start3A_241, %dma_start3A_242, %dma_start3A_248] : memref<2x2x128xi32, #tpu.memory_space<vmem>> -> memref<1x1x128xi32, #tpu.memory_space<vmem>>
        %dma_start3A_250 = tpu.memref_squeeze %dma_start3A_249 : memref<1x1x128xi32, #tpu.memory_space<vmem>> -> memref<128xi32, #tpu.memory_space<vmem>>
        %dma_start3A_251 = arith.constant 0 : i32
        %dma_start3A_252 = arith.constant 0 : i32
        %dma_start3A_253 = tpu.memref_slice %arg2[%dma_start3A_251, %dma_start3A_252] : memref<10000x128xf32, #tpu.memory_space<hbm>> -> memref<10000x128xf32, #tpu.memory_space<hbm>>
        tpu.enqueue_indirect_dma source(%dma_start3A_253 : memref<10000x128xf32, #tpu.memory_space<hbm>>) target(%dma_start3A_247 : memref<128x128xf32, #tpu.memory_space<vmem>>) offsets(%dma_start3A_250 : memref<128xi32, #tpu.memory_space<vmem>>) semaphore(%arg9 : memref<!tpu.dma_semaphore, #tpu.memory_space<semaphore_mem>>)
      } else {
      }
      %mul3A_204 = arith.constant 2 : i32
      %mul3A_205 = arith.muli %add3A_165, %mul3A_204 : i32
      %add3A_206 = arith.addi %mul3A_52, %mul3A_205 : i32
      %mul3A_207 = arith.constant 128 : i32
      %mul3A_208 = arith.muli %add3A_206, %mul3A_207 : i32
      %dma_start3A_209 = arith.constant 1 : i32
      %dma_start3A_210 = arith.constant 0 : i32
      %dma_start3A_211 = arith.constant 0 : i32
      %dma_start3A_212 = tpu.memref_slice %arg8[%dma_start3A_209, %dma_start3A_210, %dma_start3A_211] : memref<2x256x128xf32, #tpu.memory_space<vmem>> -> memref<1x256x128xf32, #tpu.memory_space<vmem>>
      %dma_start3A_213 = tpu.memref_squeeze %dma_start3A_212 : memref<1x256x128xf32, #tpu.memory_space<vmem>> -> memref<256x128xf32, #tpu.memory_space<vmem>>
      %dma_start3A_214 = arith.constant 0 : i32
      %dma_start3A_215 = tpu.memref_slice %arg6[%mul3A_208, %dma_start3A_214] : memref<163840x128xf32, #tpu.memory_space<hbm>> -> memref<256x128xf32, #tpu.memory_space<hbm>>
      %dma_start3A_216 = arith.constant 0 : i32
      %dma_start3A_217 = tpu.memref_slice %arg6[%mul3A_208, %dma_start3A_216] : memref<163840x128xf32, #tpu.memory_space<hbm>> -> memref<256x128xf32, #tpu.memory_space<hbm>>
      %dma_start3A_218 = arith.constant 0 : i32
      %dma_start3A_219 = arith.constant 0 : i32
      %dma_start3A_220 = tpu.memref_slice %arg8[%dma_start3A_209, %dma_start3A_218, %dma_start3A_219] : memref<2x256x128xf32, #tpu.memory_space<vmem>> -> memref<1x256x128xf32, #tpu.memory_space<vmem>>
      %dma_start3A_221 = tpu.memref_squeeze %dma_start3A_220 : memref<1x256x128xf32, #tpu.memory_space<vmem>> -> memref<256x128xf32, #tpu.memory_space<vmem>>
      tpu.enqueue_dma source(%dma_start3A_221 : memref<256x128xf32, #tpu.memory_space<vmem>>) target(%dma_start3A_217 : memref<256x128xf32, #tpu.memory_space<hbm>>) target_semaphore(%arg12 : memref<!tpu.dma_semaphore, #tpu.memory_space<semaphore_mem>>)
    }
    %scan3A_87 = arith.constant 10 : i32
    %add3A_88 = arith.constant 38 : i32
    %add3A_89 = arith.addi %mul3A_52, %add3A_88 : i32
    %mul3A_90 = arith.constant 128 : i32
    %mul3A_91 = arith.muli %add3A_89, %mul3A_90 : i32
    %dma_wait3A_92 = arith.constant 1 : i32
    %dma_wait3A_93 = arith.constant 0 : i32
    %dma_wait3A_94 = arith.constant 0 : i32
    %dma_wait3A_95 = tpu.memref_slice %arg8[%dma_wait3A_92, %dma_wait3A_93, %dma_wait3A_94] : memref<2x256x128xf32, #tpu.memory_space<vmem>> -> memref<1x256x128xf32, #tpu.memory_space<vmem>>
    %dma_wait3A_96 = tpu.memref_squeeze %dma_wait3A_95 : memref<1x256x128xf32, #tpu.memory_space<vmem>> -> memref<256x128xf32, #tpu.memory_space<vmem>>
    %dma_wait3A_97 = arith.constant 0 : i32
    %dma_wait3A_98 = tpu.memref_slice %arg6[%mul3A_91, %dma_wait3A_97] : memref<163840x128xf32, #tpu.memory_space<hbm>> -> memref<256x128xf32, #tpu.memory_space<hbm>>
    %dma_wait3A_99 = arith.constant 0 : i32
    %dma_wait3A_100 = tpu.memref_slice %arg6[%mul3A_91, %dma_wait3A_99] : memref<163840x128xf32, #tpu.memory_space<hbm>> -> memref<256x128xf32, #tpu.memory_space<hbm>>
    %dma_wait3A_101 = arith.constant 0 : i32
    %dma_wait3A_102 = arith.constant 0 : i32
    %dma_wait3A_103 = tpu.memref_slice %arg8[%dma_wait3A_92, %dma_wait3A_101, %dma_wait3A_102] : memref<2x256x128xf32, #tpu.memory_space<vmem>> -> memref<1x256x128xf32, #tpu.memory_space<vmem>>
    %dma_wait3A_104 = tpu.memref_squeeze %dma_wait3A_103 : memref<1x256x128xf32, #tpu.memory_space<vmem>> -> memref<256x128xf32, #tpu.memory_space<vmem>>
    tpu.wait_dma2 semaphore(%arg12 : memref<!tpu.dma_semaphore, #tpu.memory_space<semaphore_mem>>) src(%dma_wait3A_104 : memref<256x128xf32, #tpu.memory_space<vmem>>) dst(%dma_wait3A_100 : memref<256x128xf32, #tpu.memory_space<hbm>>)
    return
  }
}

#map = affine_map<(d0, d1) -> (0, 0)>
#map1 = affine_map<(d0, d1) -> (0, 0, 0)>
module attributes {stable_mosaic.version = 14 : i64} {
  func.func @_scatter_body(%arg0: i32, %arg1: i32, %arg2: memref<163840x128xf32, #tpu.memory_space<hbm>>, %arg3: memref<1280x128xi32, #tpu.memory_space<hbm>>, %arg4: memref<10016x128xf32, #tpu.memory_space<hbm>>, %arg5: memref<2x10000x128xf32, #tpu.memory_space<hbm>>, %arg6: memref<2x1x128xi32, #tpu.memory_space<vmem>>, %arg7: memref<2x128x128xf32, #tpu.memory_space<vmem>>, %arg8: memref<10016x128xf32, #tpu.memory_space<vmem_shared>>, %arg9: memref<!tpu.dma_semaphore, #tpu.memory_space<semaphore_mem>>, %arg10: memref<!tpu.dma_semaphore, #tpu.memory_space<semaphore_mem>>) attributes {dimension_semantics = [#tpu.dimension_semantics<core_parallel>, #tpu.dimension_semantics<subcore_parallel>], iteration_bounds = array<i64: 2, 16>, scalar_prefetch = 0 : i64, scratch_operands = 5 : i64, tpu.core_type = #tpu.core_type<sc_vector_subcore>, window_params = [{transform_indices = #map}, {transform_indices = #map}, {transform_indices = #map}, {transform_indices = #map1}]} {
    %mul3A = arith.constant 2 : i32
    %mul3A_0 = arith.muli %arg1, %mul3A : i32
    %add3A = arith.addi %mul3A_0, %arg0 : i32
    %mul3A_1 = arith.constant 40 : i32
    %mul3A_2 = arith.muli %add3A, %mul3A_1 : i32
    %eq3A = arith.constant 0 : i32
    %eq3A_3 = arith.cmpi eq, %arg1, %eq3A : i32
    %convert_element_type3A = arith.extui %eq3A_3 : i1 to i32
    %cond3A = arith.constant 0 : i32
    %cond3A_4 = arith.cmpi ne, %convert_element_type3A, %cond3A : i32
    scf.if %cond3A_4 {
      "tpu.region"() ({
        %run_scoped3A_34 = tpu.sem_alloc : memref<!tpu.dma_semaphore, #tpu.memory_space<semaphore_mem>>
        tpu.enqueue_dma source(%arg4 : memref<10016x128xf32, #tpu.memory_space<hbm>>) target(%arg8 : memref<10016x128xf32, #tpu.memory_space<vmem_shared>>) target_semaphore(%run_scoped3A_34 : memref<!tpu.dma_semaphore, #tpu.memory_space<semaphore_mem>>)
        tpu.wait_dma2 semaphore(%run_scoped3A_34 : memref<!tpu.dma_semaphore, #tpu.memory_space<semaphore_mem>>) src(%arg4 : memref<10016x128xf32, #tpu.memory_space<hbm>>) dst(%arg8 : memref<10016x128xf32, #tpu.memory_space<vmem_shared>>)
        tpu.yield
      }) : () -> ()
    } else {
    }
    %barrier3A = arith.constant 0 : index
    tpu.barrier barrier_id(%barrier3A)
    %add3A_5 = arith.constant 0 : i32
    %add3A_6 = arith.addi %mul3A_2, %add3A_5 : i32
    %run_scoped3A = arith.constant 0 : i32
    "tpu.region"() ({
      %run_scoped3A_34 = tpu.sem_alloc : memref<!tpu.dma_semaphore, #tpu.memory_space<semaphore_mem>>
      %dma_start3A_35 = arith.constant 0 : i32
      %dma_start3A_36 = arith.constant 0 : i32
      %dma_start3A_37 = tpu.memref_slice %arg6[%run_scoped3A, %dma_start3A_35, %dma_start3A_36] : memref<2x1x128xi32, #tpu.memory_space<vmem>> -> memref<1x1x128xi32, #tpu.memory_space<vmem>>
      %dma_start3A_38 = tpu.memref_squeeze %dma_start3A_37 : memref<1x1x128xi32, #tpu.memory_space<vmem>> -> memref<1x128xi32, #tpu.memory_space<vmem>>
      %dma_start3A_39 = arith.constant 0 : i32
      %dma_start3A_40 = tpu.memref_slice %arg3[%add3A_6, %dma_start3A_39] : memref<1280x128xi32, #tpu.memory_space<hbm>> -> memref<1x128xi32, #tpu.memory_space<hbm>>
      %dma_start3A_41 = arith.constant 0 : i32
      %dma_start3A_42 = arith.constant 0 : i32
      %dma_start3A_43 = tpu.memref_slice %arg6[%run_scoped3A, %dma_start3A_41, %dma_start3A_42] : memref<2x1x128xi32, #tpu.memory_space<vmem>> -> memref<1x1x128xi32, #tpu.memory_space<vmem>>
      %dma_start3A_44 = tpu.memref_squeeze %dma_start3A_43 : memref<1x1x128xi32, #tpu.memory_space<vmem>> -> memref<1x128xi32, #tpu.memory_space<vmem>>
      %dma_start3A_45 = arith.constant 0 : i32
      %dma_start3A_46 = tpu.memref_slice %arg3[%add3A_6, %dma_start3A_45] : memref<1280x128xi32, #tpu.memory_space<hbm>> -> memref<1x128xi32, #tpu.memory_space<hbm>>
      tpu.enqueue_dma source(%dma_start3A_46 : memref<1x128xi32, #tpu.memory_space<hbm>>) target(%dma_start3A_44 : memref<1x128xi32, #tpu.memory_space<vmem>>) target_semaphore(%run_scoped3A_34 : memref<!tpu.dma_semaphore, #tpu.memory_space<semaphore_mem>>)
      %dma_wait3A = arith.constant 0 : i32
      %dma_wait3A_47 = arith.constant 0 : i32
      %dma_wait3A_48 = tpu.memref_slice %arg6[%run_scoped3A, %dma_wait3A, %dma_wait3A_47] : memref<2x1x128xi32, #tpu.memory_space<vmem>> -> memref<1x1x128xi32, #tpu.memory_space<vmem>>
      %dma_wait3A_49 = tpu.memref_squeeze %dma_wait3A_48 : memref<1x1x128xi32, #tpu.memory_space<vmem>> -> memref<1x128xi32, #tpu.memory_space<vmem>>
      %dma_wait3A_50 = arith.constant 0 : i32
      %dma_wait3A_51 = tpu.memref_slice %arg3[%add3A_6, %dma_wait3A_50] : memref<1280x128xi32, #tpu.memory_space<hbm>> -> memref<1x128xi32, #tpu.memory_space<hbm>>
      %dma_wait3A_52 = arith.constant 0 : i32
      %dma_wait3A_53 = arith.constant 0 : i32
      %dma_wait3A_54 = tpu.memref_slice %arg6[%run_scoped3A, %dma_wait3A_52, %dma_wait3A_53] : memref<2x1x128xi32, #tpu.memory_space<vmem>> -> memref<1x1x128xi32, #tpu.memory_space<vmem>>
      %dma_wait3A_55 = tpu.memref_squeeze %dma_wait3A_54 : memref<1x1x128xi32, #tpu.memory_space<vmem>> -> memref<1x128xi32, #tpu.memory_space<vmem>>
      %dma_wait3A_56 = arith.constant 0 : i32
      %dma_wait3A_57 = tpu.memref_slice %arg3[%add3A_6, %dma_wait3A_56] : memref<1280x128xi32, #tpu.memory_space<hbm>> -> memref<1x128xi32, #tpu.memory_space<hbm>>
      tpu.wait_dma2 semaphore(%run_scoped3A_34 : memref<!tpu.dma_semaphore, #tpu.memory_space<semaphore_mem>>) src(%dma_wait3A_57 : memref<1x128xi32, #tpu.memory_space<hbm>>) dst(%dma_wait3A_55 : memref<1x128xi32, #tpu.memory_space<vmem>>)
      tpu.yield
    }) : () -> ()
    %add3A_7 = arith.constant 0 : i32
    %add3A_8 = arith.addi %mul3A_2, %add3A_7 : i32
    %mul3A_9 = arith.constant 128 : i32
    %mul3A_10 = arith.muli %add3A_8, %mul3A_9 : i32
    %dma_start3A = arith.constant 0 : i32
    %dma_start3A_11 = arith.constant 0 : i32
    %dma_start3A_12 = arith.constant 0 : i32
    %dma_start3A_13 = tpu.memref_slice %arg7[%dma_start3A, %dma_start3A_11, %dma_start3A_12] : memref<2x128x128xf32, #tpu.memory_space<vmem>> -> memref<1x128x128xf32, #tpu.memory_space<vmem>>
    %dma_start3A_14 = tpu.memref_squeeze %dma_start3A_13 : memref<1x128x128xf32, #tpu.memory_space<vmem>> -> memref<128x128xf32, #tpu.memory_space<vmem>>
    %dma_start3A_15 = arith.constant 0 : i32
    %dma_start3A_16 = tpu.memref_slice %arg2[%mul3A_10, %dma_start3A_15] : memref<163840x128xf32, #tpu.memory_space<hbm>> -> memref<128x128xf32, #tpu.memory_space<hbm>>
    %dma_start3A_17 = arith.constant 0 : i32
    %dma_start3A_18 = arith.constant 0 : i32
    %dma_start3A_19 = tpu.memref_slice %arg7[%dma_start3A, %dma_start3A_17, %dma_start3A_18] : memref<2x128x128xf32, #tpu.memory_space<vmem>> -> memref<1x128x128xf32, #tpu.memory_space<vmem>>
    %dma_start3A_20 = tpu.memref_squeeze %dma_start3A_19 : memref<1x128x128xf32, #tpu.memory_space<vmem>> -> memref<128x128xf32, #tpu.memory_space<vmem>>
    %dma_start3A_21 = arith.constant 0 : i32
    %dma_start3A_22 = tpu.memref_slice %arg2[%mul3A_10, %dma_start3A_21] : memref<163840x128xf32, #tpu.memory_space<hbm>> -> memref<128x128xf32, #tpu.memory_space<hbm>>
    tpu.enqueue_dma source(%dma_start3A_22 : memref<128x128xf32, #tpu.memory_space<hbm>>) target(%dma_start3A_20 : memref<128x128xf32, #tpu.memory_space<vmem>>) target_semaphore(%arg9 : memref<!tpu.dma_semaphore, #tpu.memory_space<semaphore_mem>>)
    %scan3A = arith.constant 0 : i32
    %scan3A_23 = arith.constant 0 : i32
    %scan3A_24 = arith.constant 20 : i32
    %scan3A_25 = arith.addi %scan3A_23, %scan3A_24 : i32
    %scan3A_26 = arith.constant 1 : i32
    scf.for %scan3A_34 = %scan3A_23 to %scan3A_25 step %scan3A_26  : i32 {
      %mul3A_35 = arith.constant 2 : i32
      %mul3A_36 = arith.muli %scan3A_34, %mul3A_35 : i32
      %add3A_37 = arith.constant 0 : i32
      %add3A_38 = arith.addi %mul3A_36, %add3A_37 : i32
      %add3A_39 = arith.addi %mul3A_2, %add3A_38 : i32
      %mul3A_40 = arith.constant 128 : i32
      %mul3A_41 = arith.muli %add3A_39, %mul3A_40 : i32
      %dma_wait3A = arith.constant 0 : i32
      %dma_wait3A_42 = arith.constant 0 : i32
      %dma_wait3A_43 = arith.constant 0 : i32
      %dma_wait3A_44 = tpu.memref_slice %arg7[%dma_wait3A, %dma_wait3A_42, %dma_wait3A_43] : memref<2x128x128xf32, #tpu.memory_space<vmem>> -> memref<1x128x128xf32, #tpu.memory_space<vmem>>
      %dma_wait3A_45 = tpu.memref_squeeze %dma_wait3A_44 : memref<1x128x128xf32, #tpu.memory_space<vmem>> -> memref<128x128xf32, #tpu.memory_space<vmem>>
      %dma_wait3A_46 = arith.constant 0 : i32
      %dma_wait3A_47 = tpu.memref_slice %arg2[%mul3A_41, %dma_wait3A_46] : memref<163840x128xf32, #tpu.memory_space<hbm>> -> memref<128x128xf32, #tpu.memory_space<hbm>>
      %dma_wait3A_48 = arith.constant 0 : i32
      %dma_wait3A_49 = arith.constant 0 : i32
      %dma_wait3A_50 = tpu.memref_slice %arg7[%dma_wait3A, %dma_wait3A_48, %dma_wait3A_49] : memref<2x128x128xf32, #tpu.memory_space<vmem>> -> memref<1x128x128xf32, #tpu.memory_space<vmem>>
      %dma_wait3A_51 = tpu.memref_squeeze %dma_wait3A_50 : memref<1x128x128xf32, #tpu.memory_space<vmem>> -> memref<128x128xf32, #tpu.memory_space<vmem>>
      %dma_wait3A_52 = arith.constant 0 : i32
      %dma_wait3A_53 = tpu.memref_slice %arg2[%mul3A_41, %dma_wait3A_52] : memref<163840x128xf32, #tpu.memory_space<hbm>> -> memref<128x128xf32, #tpu.memory_space<hbm>>
      tpu.wait_dma2 semaphore(%arg9 : memref<!tpu.dma_semaphore, #tpu.memory_space<semaphore_mem>>) src(%dma_wait3A_53 : memref<128x128xf32, #tpu.memory_space<hbm>>) dst(%dma_wait3A_51 : memref<128x128xf32, #tpu.memory_space<vmem>>)
      %add3A_54 = arith.constant 1 : i32
      %add3A_55 = arith.addi %add3A_38, %add3A_54 : i32
      %lt3A = arith.constant 40 : i32
      %lt3A_56 = arith.cmpi slt, %add3A_55, %lt3A : i32
      %convert_element_type3A_57 = arith.extui %lt3A_56 : i1 to i32
      %cond3A_58 = arith.constant 0 : i32
      %cond3A_59 = arith.cmpi ne, %convert_element_type3A_57, %cond3A_58 : i32
      scf.if %cond3A_59 {
        %add3A_93 = arith.constant 1 : i32
        %add3A_94 = arith.addi %add3A_38, %add3A_93 : i32
        %add3A_95 = arith.addi %mul3A_2, %add3A_94 : i32
        %run_scoped3A_96 = arith.constant 1 : i32
        "tpu.region"() ({
          %run_scoped3A_113 = tpu.sem_alloc : memref<!tpu.dma_semaphore, #tpu.memory_space<semaphore_mem>>
          %dma_start3A_114 = arith.constant 0 : i32
          %dma_start3A_115 = arith.constant 0 : i32
          %dma_start3A_116 = tpu.memref_slice %arg6[%run_scoped3A_96, %dma_start3A_114, %dma_start3A_115] : memref<2x1x128xi32, #tpu.memory_space<vmem>> -> memref<1x1x128xi32, #tpu.memory_space<vmem>>
          %dma_start3A_117 = tpu.memref_squeeze %dma_start3A_116 : memref<1x1x128xi32, #tpu.memory_space<vmem>> -> memref<1x128xi32, #tpu.memory_space<vmem>>
          %dma_start3A_118 = arith.constant 0 : i32
          %dma_start3A_119 = tpu.memref_slice %arg3[%add3A_95, %dma_start3A_118] : memref<1280x128xi32, #tpu.memory_space<hbm>> -> memref<1x128xi32, #tpu.memory_space<hbm>>
          %dma_start3A_120 = arith.constant 0 : i32
          %dma_start3A_121 = arith.constant 0 : i32
          %dma_start3A_122 = tpu.memref_slice %arg6[%run_scoped3A_96, %dma_start3A_120, %dma_start3A_121] : memref<2x1x128xi32, #tpu.memory_space<vmem>> -> memref<1x1x128xi32, #tpu.memory_space<vmem>>
          %dma_start3A_123 = tpu.memref_squeeze %dma_start3A_122 : memref<1x1x128xi32, #tpu.memory_space<vmem>> -> memref<1x128xi32, #tpu.memory_space<vmem>>
          %dma_start3A_124 = arith.constant 0 : i32
          %dma_start3A_125 = tpu.memref_slice %arg3[%add3A_95, %dma_start3A_124] : memref<1280x128xi32, #tpu.memory_space<hbm>> -> memref<1x128xi32, #tpu.memory_space<hbm>>
          tpu.enqueue_dma source(%dma_start3A_125 : memref<1x128xi32, #tpu.memory_space<hbm>>) target(%dma_start3A_123 : memref<1x128xi32, #tpu.memory_space<vmem>>) target_semaphore(%run_scoped3A_113 : memref<!tpu.dma_semaphore, #tpu.memory_space<semaphore_mem>>)
          %dma_wait3A_126 = arith.constant 0 : i32
          %dma_wait3A_127 = arith.constant 0 : i32
          %dma_wait3A_128 = tpu.memref_slice %arg6[%run_scoped3A_96, %dma_wait3A_126, %dma_wait3A_127] : memref<2x1x128xi32, #tpu.memory_space<vmem>> -> memref<1x1x128xi32, #tpu.memory_space<vmem>>
          %dma_wait3A_129 = tpu.memref_squeeze %dma_wait3A_128 : memref<1x1x128xi32, #tpu.memory_space<vmem>> -> memref<1x128xi32, #tpu.memory_space<vmem>>
          %dma_wait3A_130 = arith.constant 0 : i32
          %dma_wait3A_131 = tpu.memref_slice %arg3[%add3A_95, %dma_wait3A_130] : memref<1280x128xi32, #tpu.memory_space<hbm>> -> memref<1x128xi32, #tpu.memory_space<hbm>>
          %dma_wait3A_132 = arith.constant 0 : i32
          %dma_wait3A_133 = arith.constant 0 : i32
          %dma_wait3A_134 = tpu.memref_slice %arg6[%run_scoped3A_96, %dma_wait3A_132, %dma_wait3A_133] : memref<2x1x128xi32, #tpu.memory_space<vmem>> -> memref<1x1x128xi32, #tpu.memory_space<vmem>>
          %dma_wait3A_135 = tpu.memref_squeeze %dma_wait3A_134 : memref<1x1x128xi32, #tpu.memory_space<vmem>> -> memref<1x128xi32, #tpu.memory_space<vmem>>
          %dma_wait3A_136 = arith.constant 0 : i32
          %dma_wait3A_137 = tpu.memref_slice %arg3[%add3A_95, %dma_wait3A_136] : memref<1280x128xi32, #tpu.memory_space<hbm>> -> memref<1x128xi32, #tpu.memory_space<hbm>>
          tpu.wait_dma2 semaphore(%run_scoped3A_113 : memref<!tpu.dma_semaphore, #tpu.memory_space<semaphore_mem>>) src(%dma_wait3A_137 : memref<1x128xi32, #tpu.memory_space<hbm>>) dst(%dma_wait3A_135 : memref<1x128xi32, #tpu.memory_space<vmem>>)
          tpu.yield
        }) : () -> ()
        %add3A_97 = arith.addi %mul3A_2, %add3A_94 : i32
        %mul3A_98 = arith.constant 128 : i32
        %mul3A_99 = arith.muli %add3A_97, %mul3A_98 : i32
        %dma_start3A_100 = arith.constant 1 : i32
        %dma_start3A_101 = arith.constant 0 : i32
        %dma_start3A_102 = arith.constant 0 : i32
        %dma_start3A_103 = tpu.memref_slice %arg7[%dma_start3A_100, %dma_start3A_101, %dma_start3A_102] : memref<2x128x128xf32, #tpu.memory_space<vmem>> -> memref<1x128x128xf32, #tpu.memory_space<vmem>>
        %dma_start3A_104 = tpu.memref_squeeze %dma_start3A_103 : memref<1x128x128xf32, #tpu.memory_space<vmem>> -> memref<128x128xf32, #tpu.memory_space<vmem>>
        %dma_start3A_105 = arith.constant 0 : i32
        %dma_start3A_106 = tpu.memref_slice %arg2[%mul3A_99, %dma_start3A_105] : memref<163840x128xf32, #tpu.memory_space<hbm>> -> memref<128x128xf32, #tpu.memory_space<hbm>>
        %dma_start3A_107 = arith.constant 0 : i32
        %dma_start3A_108 = arith.constant 0 : i32
        %dma_start3A_109 = tpu.memref_slice %arg7[%dma_start3A_100, %dma_start3A_107, %dma_start3A_108] : memref<2x128x128xf32, #tpu.memory_space<vmem>> -> memref<1x128x128xf32, #tpu.memory_space<vmem>>
        %dma_start3A_110 = tpu.memref_squeeze %dma_start3A_109 : memref<1x128x128xf32, #tpu.memory_space<vmem>> -> memref<128x128xf32, #tpu.memory_space<vmem>>
        %dma_start3A_111 = arith.constant 0 : i32
        %dma_start3A_112 = tpu.memref_slice %arg2[%mul3A_99, %dma_start3A_111] : memref<163840x128xf32, #tpu.memory_space<hbm>> -> memref<128x128xf32, #tpu.memory_space<hbm>>
        tpu.enqueue_dma source(%dma_start3A_112 : memref<128x128xf32, #tpu.memory_space<hbm>>) target(%dma_start3A_110 : memref<128x128xf32, #tpu.memory_space<vmem>>) target_semaphore(%arg10 : memref<!tpu.dma_semaphore, #tpu.memory_space<semaphore_mem>>)
      } else {
      }
      %run_scoped3A_60 = arith.constant 0 : i32
      %run_scoped3A_61 = arith.constant 0 : i32
      %run_scoped3A_62 = arith.constant 0 : i32
      "tpu.region"() ({
        %run_scoped3A_93 = tpu.sem_alloc : memref<!tpu.dma_semaphore, #tpu.memory_space<semaphore_mem>>
        %dma_start3A_94 = arith.constant 0 : i32
        %dma_start3A_95 = arith.constant 0 : i32
        %dma_start3A_96 = tpu.memref_slice %arg7[%run_scoped3A_60, %dma_start3A_94, %dma_start3A_95] : memref<2x128x128xf32, #tpu.memory_space<vmem>> -> memref<1x128x128xf32, #tpu.memory_space<vmem>>
        %dma_start3A_97 = tpu.memref_squeeze %dma_start3A_96 : memref<1x128x128xf32, #tpu.memory_space<vmem>> -> memref<128x128xf32, #tpu.memory_space<vmem>>
        %dma_start3A_98 = arith.constant 0 : i32
        %dma_start3A_99 = tpu.memref_slice %arg6[%run_scoped3A_61, %run_scoped3A_62, %dma_start3A_98] : memref<2x1x128xi32, #tpu.memory_space<vmem>> -> memref<1x1x128xi32, #tpu.memory_space<vmem>>
        %dma_start3A_100 = tpu.memref_squeeze %dma_start3A_99 : memref<1x1x128xi32, #tpu.memory_space<vmem>> -> memref<128xi32, #tpu.memory_space<vmem>>
        %dma_start3A_101 = arith.constant 0 : i32
        %dma_start3A_102 = arith.constant 0 : i32
        %dma_start3A_103 = tpu.memref_slice %arg8[%dma_start3A_101, %dma_start3A_102] : memref<10016x128xf32, #tpu.memory_space<vmem_shared>> -> memref<10016x128xf32, #tpu.memory_space<vmem_shared>>
        tpu.enqueue_indirect_dma source(%dma_start3A_97 : memref<128x128xf32, #tpu.memory_space<vmem>>) target(%dma_start3A_103 : memref<10016x128xf32, #tpu.memory_space<vmem_shared>>) offsets(%dma_start3A_100 : memref<128xi32, #tpu.memory_space<vmem>>) semaphore(%run_scoped3A_93 : memref<!tpu.dma_semaphore, #tpu.memory_space<semaphore_mem>>) {add = true}
        %dma_wait3A_104 = arith.constant 0 : i32
        %dma_wait3A_105 = arith.constant 0 : i32
        %dma_wait3A_106 = tpu.memref_slice %arg7[%run_scoped3A_60, %dma_wait3A_104, %dma_wait3A_105] : memref<2x128x128xf32, #tpu.memory_space<vmem>> -> memref<1x128x128xf32, #tpu.memory_space<vmem>>
        %dma_wait3A_107 = tpu.memref_squeeze %dma_wait3A_106 : memref<1x128x128xf32, #tpu.memory_space<vmem>> -> memref<128x128xf32, #tpu.memory_space<vmem>>
        %dma_wait3A_108 = arith.constant 0 : i32
        %dma_wait3A_109 = tpu.memref_slice %arg6[%run_scoped3A_61, %run_scoped3A_62, %dma_wait3A_108] : memref<2x1x128xi32, #tpu.memory_space<vmem>> -> memref<1x1x128xi32, #tpu.memory_space<vmem>>
        %dma_wait3A_110 = tpu.memref_squeeze %dma_wait3A_109 : memref<1x1x128xi32, #tpu.memory_space<vmem>> -> memref<128xi32, #tpu.memory_space<vmem>>
        %dma_wait3A_111 = arith.constant 0 : i32
        %dma_wait3A_112 = arith.constant 0 : i32
        %dma_wait3A_113 = tpu.memref_slice %arg8[%dma_wait3A_111, %dma_wait3A_112] : memref<10016x128xf32, #tpu.memory_space<vmem_shared>> -> memref<10016x128xf32, #tpu.memory_space<vmem_shared>>
        tpu.wait_indirect_dma semaphore(%run_scoped3A_93 : memref<!tpu.dma_semaphore, #tpu.memory_space<semaphore_mem>>) src(%dma_wait3A_107 : memref<128x128xf32, #tpu.memory_space<vmem>>) dst(%dma_wait3A_113 : memref<10016x128xf32, #tpu.memory_space<vmem_shared>>)
        tpu.yield
      }) : () -> ()
      %mul3A_63 = arith.constant 2 : i32
      %mul3A_64 = arith.muli %scan3A_34, %mul3A_63 : i32
      %add3A_65 = arith.constant 1 : i32
      %add3A_66 = arith.addi %mul3A_64, %add3A_65 : i32
      %add3A_67 = arith.addi %mul3A_2, %add3A_66 : i32
      %mul3A_68 = arith.constant 128 : i32
      %mul3A_69 = arith.muli %add3A_67, %mul3A_68 : i32
      %dma_wait3A_70 = arith.constant 1 : i32
      %dma_wait3A_71 = arith.constant 0 : i32
      %dma_wait3A_72 = arith.constant 0 : i32
      %dma_wait3A_73 = tpu.memref_slice %arg7[%dma_wait3A_70, %dma_wait3A_71, %dma_wait3A_72] : memref<2x128x128xf32, #tpu.memory_space<vmem>> -> memref<1x128x128xf32, #tpu.memory_space<vmem>>
      %dma_wait3A_74 = tpu.memref_squeeze %dma_wait3A_73 : memref<1x128x128xf32, #tpu.memory_space<vmem>> -> memref<128x128xf32, #tpu.memory_space<vmem>>
      %dma_wait3A_75 = arith.constant 0 : i32
      %dma_wait3A_76 = tpu.memref_slice %arg2[%mul3A_69, %dma_wait3A_75] : memref<163840x128xf32, #tpu.memory_space<hbm>> -> memref<128x128xf32, #tpu.memory_space<hbm>>
      %dma_wait3A_77 = arith.constant 0 : i32
      %dma_wait3A_78 = arith.constant 0 : i32
      %dma_wait3A_79 = tpu.memref_slice %arg7[%dma_wait3A_70, %dma_wait3A_77, %dma_wait3A_78] : memref<2x128x128xf32, #tpu.memory_space<vmem>> -> memref<1x128x128xf32, #tpu.memory_space<vmem>>
      %dma_wait3A_80 = tpu.memref_squeeze %dma_wait3A_79 : memref<1x128x128xf32, #tpu.memory_space<vmem>> -> memref<128x128xf32, #tpu.memory_space<vmem>>
      %dma_wait3A_81 = arith.constant 0 : i32
      %dma_wait3A_82 = tpu.memref_slice %arg2[%mul3A_69, %dma_wait3A_81] : memref<163840x128xf32, #tpu.memory_space<hbm>> -> memref<128x128xf32, #tpu.memory_space<hbm>>
      tpu.wait_dma2 semaphore(%arg10 : memref<!tpu.dma_semaphore, #tpu.memory_space<semaphore_mem>>) src(%dma_wait3A_82 : memref<128x128xf32, #tpu.memory_space<hbm>>) dst(%dma_wait3A_80 : memref<128x128xf32, #tpu.memory_space<vmem>>)
      %add3A_83 = arith.constant 1 : i32
      %add3A_84 = arith.addi %add3A_66, %add3A_83 : i32
      %lt3A_85 = arith.constant 40 : i32
      %lt3A_86 = arith.cmpi slt, %add3A_84, %lt3A_85 : i32
      %convert_element_type3A_87 = arith.extui %lt3A_86 : i1 to i32
      %cond3A_88 = arith.constant 0 : i32
      %cond3A_89 = arith.cmpi ne, %convert_element_type3A_87, %cond3A_88 : i32
      scf.if %cond3A_89 {
        %add3A_93 = arith.constant 1 : i32
        %add3A_94 = arith.addi %add3A_66, %add3A_93 : i32
        %add3A_95 = arith.addi %mul3A_2, %add3A_94 : i32
        %run_scoped3A_96 = arith.constant 0 : i32
        "tpu.region"() ({
          %run_scoped3A_113 = tpu.sem_alloc : memref<!tpu.dma_semaphore, #tpu.memory_space<semaphore_mem>>
          %dma_start3A_114 = arith.constant 0 : i32
          %dma_start3A_115 = arith.constant 0 : i32
          %dma_start3A_116 = tpu.memref_slice %arg6[%run_scoped3A_96, %dma_start3A_114, %dma_start3A_115] : memref<2x1x128xi32, #tpu.memory_space<vmem>> -> memref<1x1x128xi32, #tpu.memory_space<vmem>>
          %dma_start3A_117 = tpu.memref_squeeze %dma_start3A_116 : memref<1x1x128xi32, #tpu.memory_space<vmem>> -> memref<1x128xi32, #tpu.memory_space<vmem>>
          %dma_start3A_118 = arith.constant 0 : i32
          %dma_start3A_119 = tpu.memref_slice %arg3[%add3A_95, %dma_start3A_118] : memref<1280x128xi32, #tpu.memory_space<hbm>> -> memref<1x128xi32, #tpu.memory_space<hbm>>
          %dma_start3A_120 = arith.constant 0 : i32
          %dma_start3A_121 = arith.constant 0 : i32
          %dma_start3A_122 = tpu.memref_slice %arg6[%run_scoped3A_96, %dma_start3A_120, %dma_start3A_121] : memref<2x1x128xi32, #tpu.memory_space<vmem>> -> memref<1x1x128xi32, #tpu.memory_space<vmem>>
          %dma_start3A_123 = tpu.memref_squeeze %dma_start3A_122 : memref<1x1x128xi32, #tpu.memory_space<vmem>> -> memref<1x128xi32, #tpu.memory_space<vmem>>
          %dma_start3A_124 = arith.constant 0 : i32
          %dma_start3A_125 = tpu.memref_slice %arg3[%add3A_95, %dma_start3A_124] : memref<1280x128xi32, #tpu.memory_space<hbm>> -> memref<1x128xi32, #tpu.memory_space<hbm>>
          tpu.enqueue_dma source(%dma_start3A_125 : memref<1x128xi32, #tpu.memory_space<hbm>>) target(%dma_start3A_123 : memref<1x128xi32, #tpu.memory_space<vmem>>) target_semaphore(%run_scoped3A_113 : memref<!tpu.dma_semaphore, #tpu.memory_space<semaphore_mem>>)
          %dma_wait3A_126 = arith.constant 0 : i32
          %dma_wait3A_127 = arith.constant 0 : i32
          %dma_wait3A_128 = tpu.memref_slice %arg6[%run_scoped3A_96, %dma_wait3A_126, %dma_wait3A_127] : memref<2x1x128xi32, #tpu.memory_space<vmem>> -> memref<1x1x128xi32, #tpu.memory_space<vmem>>
          %dma_wait3A_129 = tpu.memref_squeeze %dma_wait3A_128 : memref<1x1x128xi32, #tpu.memory_space<vmem>> -> memref<1x128xi32, #tpu.memory_space<vmem>>
          %dma_wait3A_130 = arith.constant 0 : i32
          %dma_wait3A_131 = tpu.memref_slice %arg3[%add3A_95, %dma_wait3A_130] : memref<1280x128xi32, #tpu.memory_space<hbm>> -> memref<1x128xi32, #tpu.memory_space<hbm>>
          %dma_wait3A_132 = arith.constant 0 : i32
          %dma_wait3A_133 = arith.constant 0 : i32
          %dma_wait3A_134 = tpu.memref_slice %arg6[%run_scoped3A_96, %dma_wait3A_132, %dma_wait3A_133] : memref<2x1x128xi32, #tpu.memory_space<vmem>> -> memref<1x1x128xi32, #tpu.memory_space<vmem>>
          %dma_wait3A_135 = tpu.memref_squeeze %dma_wait3A_134 : memref<1x1x128xi32, #tpu.memory_space<vmem>> -> memref<1x128xi32, #tpu.memory_space<vmem>>
          %dma_wait3A_136 = arith.constant 0 : i32
          %dma_wait3A_137 = tpu.memref_slice %arg3[%add3A_95, %dma_wait3A_136] : memref<1280x128xi32, #tpu.memory_space<hbm>> -> memref<1x128xi32, #tpu.memory_space<hbm>>
          tpu.wait_dma2 semaphore(%run_scoped3A_113 : memref<!tpu.dma_semaphore, #tpu.memory_space<semaphore_mem>>) src(%dma_wait3A_137 : memref<1x128xi32, #tpu.memory_space<hbm>>) dst(%dma_wait3A_135 : memref<1x128xi32, #tpu.memory_space<vmem>>)
          tpu.yield
        }) : () -> ()
        %add3A_97 = arith.addi %mul3A_2, %add3A_94 : i32
        %mul3A_98 = arith.constant 128 : i32
        %mul3A_99 = arith.muli %add3A_97, %mul3A_98 : i32
        %dma_start3A_100 = arith.constant 0 : i32
        %dma_start3A_101 = arith.constant 0 : i32
        %dma_start3A_102 = arith.constant 0 : i32
        %dma_start3A_103 = tpu.memref_slice %arg7[%dma_start3A_100, %dma_start3A_101, %dma_start3A_102] : memref<2x128x128xf32, #tpu.memory_space<vmem>> -> memref<1x128x128xf32, #tpu.memory_space<vmem>>
        %dma_start3A_104 = tpu.memref_squeeze %dma_start3A_103 : memref<1x128x128xf32, #tpu.memory_space<vmem>> -> memref<128x128xf32, #tpu.memory_space<vmem>>
        %dma_start3A_105 = arith.constant 0 : i32
        %dma_start3A_106 = tpu.memref_slice %arg2[%mul3A_99, %dma_start3A_105] : memref<163840x128xf32, #tpu.memory_space<hbm>> -> memref<128x128xf32, #tpu.memory_space<hbm>>
        %dma_start3A_107 = arith.constant 0 : i32
        %dma_start3A_108 = arith.constant 0 : i32
        %dma_start3A_109 = tpu.memref_slice %arg7[%dma_start3A_100, %dma_start3A_107, %dma_start3A_108] : memref<2x128x128xf32, #tpu.memory_space<vmem>> -> memref<1x128x128xf32, #tpu.memory_space<vmem>>
        %dma_start3A_110 = tpu.memref_squeeze %dma_start3A_109 : memref<1x128x128xf32, #tpu.memory_space<vmem>> -> memref<128x128xf32, #tpu.memory_space<vmem>>
        %dma_start3A_111 = arith.constant 0 : i32
        %dma_start3A_112 = tpu.memref_slice %arg2[%mul3A_99, %dma_start3A_111] : memref<163840x128xf32, #tpu.memory_space<hbm>> -> memref<128x128xf32, #tpu.memory_space<hbm>>
        tpu.enqueue_dma source(%dma_start3A_112 : memref<128x128xf32, #tpu.memory_space<hbm>>) target(%dma_start3A_110 : memref<128x128xf32, #tpu.memory_space<vmem>>) target_semaphore(%arg9 : memref<!tpu.dma_semaphore, #tpu.memory_space<semaphore_mem>>)
      } else {
      }
      %run_scoped3A_90 = arith.constant 1 : i32
      %run_scoped3A_91 = arith.constant 1 : i32
      %run_scoped3A_92 = arith.constant 0 : i32
      "tpu.region"() ({
        %run_scoped3A_93 = tpu.sem_alloc : memref<!tpu.dma_semaphore, #tpu.memory_space<semaphore_mem>>
        %dma_start3A_94 = arith.constant 0 : i32
        %dma_start3A_95 = arith.constant 0 : i32
        %dma_start3A_96 = tpu.memref_slice %arg7[%run_scoped3A_90, %dma_start3A_94, %dma_start3A_95] : memref<2x128x128xf32, #tpu.memory_space<vmem>> -> memref<1x128x128xf32, #tpu.memory_space<vmem>>
        %dma_start3A_97 = tpu.memref_squeeze %dma_start3A_96 : memref<1x128x128xf32, #tpu.memory_space<vmem>> -> memref<128x128xf32, #tpu.memory_space<vmem>>
        %dma_start3A_98 = arith.constant 0 : i32
        %dma_start3A_99 = tpu.memref_slice %arg6[%run_scoped3A_91, %run_scoped3A_92, %dma_start3A_98] : memref<2x1x128xi32, #tpu.memory_space<vmem>> -> memref<1x1x128xi32, #tpu.memory_space<vmem>>
        %dma_start3A_100 = tpu.memref_squeeze %dma_start3A_99 : memref<1x1x128xi32, #tpu.memory_space<vmem>> -> memref<128xi32, #tpu.memory_space<vmem>>
        %dma_start3A_101 = arith.constant 0 : i32
        %dma_start3A_102 = arith.constant 0 : i32
        %dma_start3A_103 = tpu.memref_slice %arg8[%dma_start3A_101, %dma_start3A_102] : memref<10016x128xf32, #tpu.memory_space<vmem_shared>> -> memref<10016x128xf32, #tpu.memory_space<vmem_shared>>
        tpu.enqueue_indirect_dma source(%dma_start3A_97 : memref<128x128xf32, #tpu.memory_space<vmem>>) target(%dma_start3A_103 : memref<10016x128xf32, #tpu.memory_space<vmem_shared>>) offsets(%dma_start3A_100 : memref<128xi32, #tpu.memory_space<vmem>>) semaphore(%run_scoped3A_93 : memref<!tpu.dma_semaphore, #tpu.memory_space<semaphore_mem>>) {add = true}
        %dma_wait3A_104 = arith.constant 0 : i32
        %dma_wait3A_105 = arith.constant 0 : i32
        %dma_wait3A_106 = tpu.memref_slice %arg7[%run_scoped3A_90, %dma_wait3A_104, %dma_wait3A_105] : memref<2x128x128xf32, #tpu.memory_space<vmem>> -> memref<1x128x128xf32, #tpu.memory_space<vmem>>
        %dma_wait3A_107 = tpu.memref_squeeze %dma_wait3A_106 : memref<1x128x128xf32, #tpu.memory_space<vmem>> -> memref<128x128xf32, #tpu.memory_space<vmem>>
        %dma_wait3A_108 = arith.constant 0 : i32
        %dma_wait3A_109 = tpu.memref_slice %arg6[%run_scoped3A_91, %run_scoped3A_92, %dma_wait3A_108] : memref<2x1x128xi32, #tpu.memory_space<vmem>> -> memref<1x1x128xi32, #tpu.memory_space<vmem>>
        %dma_wait3A_110 = tpu.memref_squeeze %dma_wait3A_109 : memref<1x1x128xi32, #tpu.memory_space<vmem>> -> memref<128xi32, #tpu.memory_space<vmem>>
        %dma_wait3A_111 = arith.constant 0 : i32
        %dma_wait3A_112 = arith.constant 0 : i32
        %dma_wait3A_113 = tpu.memref_slice %arg8[%dma_wait3A_111, %dma_wait3A_112] : memref<10016x128xf32, #tpu.memory_space<vmem_shared>> -> memref<10016x128xf32, #tpu.memory_space<vmem_shared>>
        tpu.wait_indirect_dma semaphore(%run_scoped3A_93 : memref<!tpu.dma_semaphore, #tpu.memory_space<semaphore_mem>>) src(%dma_wait3A_107 : memref<128x128xf32, #tpu.memory_space<vmem>>) dst(%dma_wait3A_113 : memref<10016x128xf32, #tpu.memory_space<vmem_shared>>)
        tpu.yield
      }) : () -> ()
    }
    %scan3A_27 = arith.constant 20 : i32
    %barrier3A_28 = arith.constant 0 : index
    tpu.barrier barrier_id(%barrier3A_28)
    %eq3A_29 = arith.constant 0 : i32
    %eq3A_30 = arith.cmpi eq, %arg1, %eq3A_29 : i32
    %convert_element_type3A_31 = arith.extui %eq3A_30 : i1 to i32
    %cond3A_32 = arith.constant 0 : i32
    %cond3A_33 = arith.cmpi ne, %convert_element_type3A_31, %cond3A_32 : i32
    scf.if %cond3A_33 {
      "tpu.region"() ({
        %run_scoped3A_34 = tpu.sem_alloc : memref<!tpu.dma_semaphore, #tpu.memory_space<semaphore_mem>>
        %dma_start3A_35 = arith.constant 0 : i32
        %dma_start3A_36 = arith.constant 0 : i32
        %dma_start3A_37 = tpu.memref_slice %arg5[%arg0, %dma_start3A_35, %dma_start3A_36] : memref<2x10000x128xf32, #tpu.memory_space<hbm>> -> memref<1x10000x128xf32, #tpu.memory_space<hbm>>
        %dma_start3A_38 = tpu.memref_squeeze %dma_start3A_37 : memref<1x10000x128xf32, #tpu.memory_space<hbm>> -> memref<10000x128xf32, #tpu.memory_space<hbm>>
        %dma_start3A_39 = arith.constant 0 : i32
        %dma_start3A_40 = arith.constant 0 : i32
        %dma_start3A_41 = tpu.memref_slice %arg8[%dma_start3A_39, %dma_start3A_40] : memref<10016x128xf32, #tpu.memory_space<vmem_shared>> -> memref<10000x128xf32, #tpu.memory_space<vmem_shared>>
        tpu.enqueue_dma source(%dma_start3A_41 : memref<10000x128xf32, #tpu.memory_space<vmem_shared>>) target(%dma_start3A_38 : memref<10000x128xf32, #tpu.memory_space<hbm>>) target_semaphore(%run_scoped3A_34 : memref<!tpu.dma_semaphore, #tpu.memory_space<semaphore_mem>>)
        %dma_wait3A = arith.constant 0 : i32
        %dma_wait3A_42 = arith.constant 0 : i32
        %dma_wait3A_43 = tpu.memref_slice %arg5[%arg0, %dma_wait3A, %dma_wait3A_42] : memref<2x10000x128xf32, #tpu.memory_space<hbm>> -> memref<1x10000x128xf32, #tpu.memory_space<hbm>>
        %dma_wait3A_44 = tpu.memref_squeeze %dma_wait3A_43 : memref<1x10000x128xf32, #tpu.memory_space<hbm>> -> memref<10000x128xf32, #tpu.memory_space<hbm>>
        %dma_wait3A_45 = arith.constant 0 : i32
        %dma_wait3A_46 = arith.constant 0 : i32
        %dma_wait3A_47 = tpu.memref_slice %arg8[%dma_wait3A_45, %dma_wait3A_46] : memref<10016x128xf32, #tpu.memory_space<vmem_shared>> -> memref<10000x128xf32, #tpu.memory_space<vmem_shared>>
        tpu.wait_dma2 semaphore(%run_scoped3A_34 : memref<!tpu.dma_semaphore, #tpu.memory_space<semaphore_mem>>) src(%dma_wait3A_47 : memref<10000x128xf32, #tpu.memory_space<vmem_shared>>) dst(%dma_wait3A_44 : memref<10000x128xf32, #tpu.memory_space<hbm>>)
        tpu.yield
      }) : () -> ()
    } else {
    }
    return
  }
}

module attributes {stable_mosaic.version = 14 : i64} {
  func.func @_stats_body(%arg0: i32, %arg1: memref<3200x128xf32, #tpu.memory_space<vmem>>, %arg2: memref<3200x128xf32, #tpu.memory_space<vmem>>, %arg3: memref<3200x16xf32, #tpu.memory_space<vmem>>, %arg4: memref<128x256xf32, #tpu.memory_space<vmem>>, %arg5: memref<128x256xf32, #tpu.memory_space<vmem>>, %arg6: memref<16x256xf32, #tpu.memory_space<vmem>>, %arg7: memref<8x256xf32, #tpu.memory_space<vmem>>, %arg8: memref<8x256xf32, #tpu.memory_space<vmem>>, %arg9: memref<8x256xf32, #tpu.memory_space<vmem>>) attributes {dimension_semantics = [#tpu.dimension_semantics<arbitrary>], iteration_bounds = array<i64: 50>, scalar_prefetch = 0 : i64, scratch_operands = 0 : i64, tpu.core_type = #tpu.core_type<tc>, window_params = [{transform_indices = @transform_0, window_bounds = array<i64: 3200, 128>}, {transform_indices = @transform_1, window_bounds = array<i64: 3200, 128>}, {transform_indices = @transform_2, window_bounds = array<i64: 3200, 16>}, {pipeline_mode = #tpu.pipeline_mode<synchronous>, transform_indices = @transform_3, window_bounds = array<i64: 128, 256>}, {pipeline_mode = #tpu.pipeline_mode<synchronous>, transform_indices = @transform_4, window_bounds = array<i64: 128, 256>}, {pipeline_mode = #tpu.pipeline_mode<synchronous>, transform_indices = @transform_5, window_bounds = array<i64: 16, 256>}, {pipeline_mode = #tpu.pipeline_mode<synchronous>, transform_indices = @transform_6, window_bounds = array<i64: 8, 256>}, {pipeline_mode = #tpu.pipeline_mode<synchronous>, transform_indices = @transform_7, window_bounds = array<i64: 8, 256>}, {pipeline_mode = #tpu.pipeline_mode<synchronous>, transform_indices = @transform_8, window_bounds = array<i64: 8, 256>}]} {
    %get3A = arith.constant 0 : index
    %get3A_0 = arith.constant 0 : index
    %get3A_1 = vector.load %arg1[%get3A, %get3A_0] : memref<3200x128xf32, #tpu.memory_space<vmem>>, vector<3200x128xf32>
    %get3A_2 = arith.constant 0 : index
    %get3A_3 = arith.constant 0 : index
    %get3A_4 = vector.load %arg4[%get3A_2, %get3A_3] : memref<128x256xf32, #tpu.memory_space<vmem>>, vector<128x256xf32>
    %dot_general3A = arith.constant dense<0.000000e+00> : vector<3200x256xf32>
    %dot_general3A_5 = tpu.matmul %get3A_1, %get3A_4, %dot_general3A {dimension_numbers = #tpu.dot_dimension_numbers<[1], [0], [0], [1], [0, 0, 1, 1], [], []>, transpose_lhs_hint = false} : vector<3200x128xf32>, vector<128x256xf32>, vector<3200x256xf32> -> vector<3200x256xf32>
    %get3A_6 = arith.constant 0 : index
    %get3A_7 = arith.constant 0 : index
    %get3A_8 = vector.load %arg2[%get3A_6, %get3A_7] : memref<3200x128xf32, #tpu.memory_space<vmem>>, vector<3200x128xf32>
    %get3A_9 = arith.constant 0 : index
    %get3A_10 = arith.constant 0 : index
    %get3A_11 = vector.load %arg5[%get3A_9, %get3A_10] : memref<128x256xf32, #tpu.memory_space<vmem>>, vector<128x256xf32>
    %dot_general3A_12 = arith.constant dense<0.000000e+00> : vector<3200x256xf32>
    %dot_general3A_13 = tpu.matmul %get3A_8, %get3A_11, %dot_general3A_12 {dimension_numbers = #tpu.dot_dimension_numbers<[1], [0], [0], [1], [0, 0, 1, 1], [], []>, transpose_lhs_hint = false} : vector<3200x128xf32>, vector<128x256xf32>, vector<3200x256xf32> -> vector<3200x256xf32>
    %add3A = arith.addf %dot_general3A_5, %dot_general3A_13 : vector<3200x256xf32>
    %get3A_14 = arith.constant 0 : index
    %get3A_15 = arith.constant 0 : index
    %get3A_16 = vector.load %arg3[%get3A_14, %get3A_15] : memref<3200x16xf32, #tpu.memory_space<vmem>>, vector<3200x16xf32>
    %get3A_17 = arith.constant 0 : index
    %get3A_18 = arith.constant 0 : index
    %get3A_19 = vector.load %arg6[%get3A_17, %get3A_18] : memref<16x256xf32, #tpu.memory_space<vmem>>, vector<16x256xf32>
    %dot_general3A_20 = arith.constant dense<0.000000e+00> : vector<3200x256xf32>
    %dot_general3A_21 = tpu.matmul %get3A_16, %get3A_19, %dot_general3A_20 {dimension_numbers = #tpu.dot_dimension_numbers<[1], [0], [0], [1], [0, 0, 1, 1], [], []>, transpose_lhs_hint = false} : vector<3200x16xf32>, vector<16x256xf32>, vector<3200x256xf32> -> vector<3200x256xf32>
    %add3A_22 = arith.addf %add3A, %dot_general3A_21 : vector<3200x256xf32>
    %get3A_23 = arith.constant 0 : index
    %get3A_24 = arith.constant 0 : index
    %get3A_25 = vector.load %arg7[%get3A_23, %get3A_24] : memref<8x256xf32, #tpu.memory_space<vmem>>, vector<1x256xf32>
    %add3A_26 = vector.broadcast %get3A_25 : vector<1x256xf32> to vector<3200x256xf32>
    %add3A_27 = arith.addf %add3A_22, %add3A_26 : vector<3200x256xf32>
    %broadcast_in_dim3A = arith.constant 1.000000e+00 : f32
    %broadcast_in_dim3A_28 = vector.broadcast %broadcast_in_dim3A : f32 to vector<8x3200xf32>
    %dot_general3A_29 = arith.constant dense<0.000000e+00> : vector<8x256xf32>
    %dot_general3A_30 = tpu.matmul %broadcast_in_dim3A_28, %add3A_27, %dot_general3A_29 {dimension_numbers = #tpu.dot_dimension_numbers<[1], [0], [0], [1], [0, 0, 1, 1], [], []>, transpose_lhs_hint = false} : vector<8x3200xf32>, vector<3200x256xf32>, vector<8x256xf32> -> vector<8x256xf32>
    %mul3A = arith.mulf %add3A_27, %add3A_27 : vector<3200x256xf32>
    %dot_general3A_31 = arith.constant dense<0.000000e+00> : vector<8x256xf32>
    %dot_general3A_32 = tpu.matmul %broadcast_in_dim3A_28, %mul3A, %dot_general3A_31 {dimension_numbers = #tpu.dot_dimension_numbers<[1], [0], [0], [1], [0, 0, 1, 1], [], []>, transpose_lhs_hint = false} : vector<8x3200xf32>, vector<3200x256xf32>, vector<8x256xf32> -> vector<8x256xf32>
    %eq3A = arith.constant 0 : i32
    %eq3A_33 = arith.cmpi eq, %arg0, %eq3A : i32
    %convert_element_type3A = arith.extui %eq3A_33 : i1 to i32
    %cond3A = arith.constant 0 : i32
    %cond3A_34 = arith.cmpi ne, %convert_element_type3A, %cond3A : i32
    scf.if %cond3A_34 {
      %broadcast_in_dim3A_48 = arith.constant 0.000000e+00 : f32
      %broadcast_in_dim3A_49 = vector.broadcast %broadcast_in_dim3A_48 : f32 to vector<8x256xf32>
      %swap3A_50 = arith.constant 0 : index
      %swap3A_51 = arith.constant 0 : index
      %swap3A_52 = vector.load %arg8[%swap3A_50, %swap3A_51] : memref<8x256xf32, #tpu.memory_space<vmem>>, vector<8x256xf32>
      tpu.vector_store %arg8[%swap3A_50, %swap3A_51], %broadcast_in_dim3A_49 {strides = array<i32>} : memref<8x256xf32, #tpu.memory_space<vmem>>, vector<8x256xf32>,
      %broadcast_in_dim3A_53 = arith.constant 0.000000e+00 : f32
      %broadcast_in_dim3A_54 = vector.broadcast %broadcast_in_dim3A_53 : f32 to vector<8x256xf32>
      %swap3A_55 = arith.constant 0 : index
      %swap3A_56 = arith.constant 0 : index
      %swap3A_57 = vector.load %arg9[%swap3A_55, %swap3A_56] : memref<8x256xf32, #tpu.memory_space<vmem>>, vector<8x256xf32>
      tpu.vector_store %arg9[%swap3A_55, %swap3A_56], %broadcast_in_dim3A_54 {strides = array<i32>} : memref<8x256xf32, #tpu.memory_space<vmem>>, vector<8x256xf32>,
    } else {
    }
    %get3A_35 = arith.constant 0 : index
    %get3A_36 = arith.constant 0 : index
    %get3A_37 = vector.load %arg8[%get3A_35, %get3A_36] : memref<8x256xf32, #tpu.memory_space<vmem>>, vector<8x256xf32>
    %add3A_38 = arith.addf %get3A_37, %dot_general3A_30 : vector<8x256xf32>
    %swap3A = arith.constant 0 : index
    %swap3A_39 = arith.constant 0 : index
    %swap3A_40 = vector.load %arg8[%swap3A, %swap3A_39] : memref<8x256xf32, #tpu.memory_space<vmem>>, vector<8x256xf32>
    tpu.vector_store %arg8[%swap3A, %swap3A_39], %add3A_38 {strides = array<i32>} : memref<8x256xf32, #tpu.memory_space<vmem>>, vector<8x256xf32>,
    %get3A_41 = arith.constant 0 : index
    %get3A_42 = arith.constant 0 : index
    %get3A_43 = vector.load %arg9[%get3A_41, %get3A_42] : memref<8x256xf32, #tpu.memory_space<vmem>>, vector<8x256xf32>
    %add3A_44 = arith.addf %get3A_43, %dot_general3A_32 : vector<8x256xf32>
    %swap3A_45 = arith.constant 0 : index
    %swap3A_46 = arith.constant 0 : index
    %swap3A_47 = vector.load %arg9[%swap3A_45, %swap3A_46] : memref<8x256xf32, #tpu.memory_space<vmem>>, vector<8x256xf32>
    tpu.vector_store %arg9[%swap3A_45, %swap3A_46], %add3A_44 {strides = array<i32>} : memref<8x256xf32, #tpu.memory_space<vmem>>, vector<8x256xf32>,
    return
  }
  func.func @transform_0(%arg0: i32) -> (i32, i32) {
    %c0_i32 = arith.constant 0 : i32
    %c0_i32_0 = arith.constant 0 : i32
    return %arg0, %c0_i32 : i32, i32
  }
  func.func @transform_1(%arg0: i32) -> (i32, i32) {
    %c0_i32 = arith.constant 0 : i32
    %c0_i32_0 = arith.constant 0 : i32
    return %arg0, %c0_i32 : i32, i32
  }
  func.func @transform_2(%arg0: i32) -> (i32, i32) {
    %c0_i32 = arith.constant 0 : i32
    %c0_i32_0 = arith.constant 0 : i32
    return %arg0, %c0_i32 : i32, i32
  }
  func.func @transform_3(%arg0: i32) -> (i32, i32) {
    %c0_i32 = arith.constant 0 : i32
    %c0_i32_0 = arith.constant 0 : i32
    %c0_i32_1 = arith.constant 0 : i32
    return %c0_i32, %c0_i32_0 : i32, i32
  }
  func.func @transform_4(%arg0: i32) -> (i32, i32) {
    %c0_i32 = arith.constant 0 : i32
    %c0_i32_0 = arith.constant 0 : i32
    %c0_i32_1 = arith.constant 0 : i32
    return %c0_i32, %c0_i32_0 : i32, i32
  }
  func.func @transform_5(%arg0: i32) -> (i32, i32) {
    %c0_i32 = arith.constant 0 : i32
    %c0_i32_0 = arith.constant 0 : i32
    %c0_i32_1 = arith.constant 0 : i32
    return %c0_i32, %c0_i32_0 : i32, i32
  }
  func.func @transform_6(%arg0: i32) -> (i32, i32) {
    %c0_i32 = arith.constant 0 : i32
    %c0_i32_0 = arith.constant 0 : i32
    %c0_i32_1 = arith.constant 0 : i32
    return %c0_i32, %c0_i32_0 : i32, i32
  }
  func.func @transform_7(%arg0: i32) -> (i32, i32) {
    %c0_i32 = arith.constant 0 : i32
    %c0_i32_0 = arith.constant 0 : i32
    %c0_i32_1 = arith.constant 0 : i32
    return %c0_i32, %c0_i32_0 : i32, i32
  }
  func.func @transform_8(%arg0: i32) -> (i32, i32) {
    %c0_i32 = arith.constant 0 : i32
    %c0_i32_0 = arith.constant 0 : i32
    %c0_i32_1 = arith.constant 0 : i32
    return %c0_i32, %c0_i32_0 : i32, i32
  }
}

module attributes {stable_mosaic.version = 14 : i64} {
  func.func @_msg_body(%arg0: i32, %arg1: memref<2560x128xf32, #tpu.memory_space<vmem>>, %arg2: memref<2560x128xf32, #tpu.memory_space<vmem>>, %arg3: memref<2560x16xf32, #tpu.memory_space<vmem>>, %arg4: memref<128x256xf32, #tpu.memory_space<vmem>>, %arg5: memref<128x256xf32, #tpu.memory_space<vmem>>, %arg6: memref<16x256xf32, #tpu.memory_space<vmem>>, %arg7: memref<8x256xf32, #tpu.memory_space<vmem>>, %arg8: memref<2560x128xf32, #tpu.memory_space<vmem>>) attributes {dimension_semantics = [#tpu.dimension_semantics<parallel>], iteration_bounds = array<i64: 64>, scalar_prefetch = 0 : i64, scratch_operands = 0 : i64, tpu.core_type = #tpu.core_type<tc>, window_params = [{transform_indices = @transform_0, window_bounds = array<i64: 2560, 128>}, {transform_indices = @transform_1, window_bounds = array<i64: 2560, 128>}, {transform_indices = @transform_2, window_bounds = array<i64: 2560, 16>}, {pipeline_mode = #tpu.pipeline_mode<synchronous>, transform_indices = @transform_3, window_bounds = array<i64: 128, 256>}, {pipeline_mode = #tpu.pipeline_mode<synchronous>, transform_indices = @transform_4, window_bounds = array<i64: 128, 256>}, {pipeline_mode = #tpu.pipeline_mode<synchronous>, transform_indices = @transform_5, window_bounds = array<i64: 16, 256>}, {pipeline_mode = #tpu.pipeline_mode<synchronous>, transform_indices = @transform_6, window_bounds = array<i64: 8, 256>}, {transform_indices = @transform_7, window_bounds = array<i64: 2560, 128>}]} {
    %get3A = arith.constant 0 : index
    %get3A_0 = arith.constant 0 : index
    %get3A_1 = vector.load %arg1[%get3A, %get3A_0] : memref<2560x128xf32, #tpu.memory_space<vmem>>, vector<2560x128xf32>
    %get3A_2 = arith.constant 0 : index
    %get3A_3 = arith.constant 0 : index
    %get3A_4 = vector.load %arg4[%get3A_2, %get3A_3] : memref<128x256xf32, #tpu.memory_space<vmem>>, vector<128x256xf32>
    %dot_general3A = arith.constant dense<0.000000e+00> : vector<2560x256xf32>
    %dot_general3A_5 = tpu.matmul %get3A_1, %get3A_4, %dot_general3A {dimension_numbers = #tpu.dot_dimension_numbers<[1], [0], [0], [1], [0, 0, 1, 1], [], []>, transpose_lhs_hint = false} : vector<2560x128xf32>, vector<128x256xf32>, vector<2560x256xf32> -> vector<2560x256xf32>
    %get3A_6 = arith.constant 0 : index
    %get3A_7 = arith.constant 0 : index
    %get3A_8 = vector.load %arg2[%get3A_6, %get3A_7] : memref<2560x128xf32, #tpu.memory_space<vmem>>, vector<2560x128xf32>
    %get3A_9 = arith.constant 0 : index
    %get3A_10 = arith.constant 0 : index
    %get3A_11 = vector.load %arg5[%get3A_9, %get3A_10] : memref<128x256xf32, #tpu.memory_space<vmem>>, vector<128x256xf32>
    %dot_general3A_12 = arith.constant dense<0.000000e+00> : vector<2560x256xf32>
    %dot_general3A_13 = tpu.matmul %get3A_8, %get3A_11, %dot_general3A_12 {dimension_numbers = #tpu.dot_dimension_numbers<[1], [0], [0], [1], [0, 0, 1, 1], [], []>, transpose_lhs_hint = false} : vector<2560x128xf32>, vector<128x256xf32>, vector<2560x256xf32> -> vector<2560x256xf32>
    %add3A = arith.addf %dot_general3A_5, %dot_general3A_13 : vector<2560x256xf32>
    %get3A_14 = arith.constant 0 : index
    %get3A_15 = arith.constant 0 : index
    %get3A_16 = vector.load %arg3[%get3A_14, %get3A_15] : memref<2560x16xf32, #tpu.memory_space<vmem>>, vector<2560x16xf32>
    %get3A_17 = arith.constant 0 : index
    %get3A_18 = arith.constant 0 : index
    %get3A_19 = vector.load %arg6[%get3A_17, %get3A_18] : memref<16x256xf32, #tpu.memory_space<vmem>>, vector<16x256xf32>
    %dot_general3A_20 = arith.constant dense<0.000000e+00> : vector<2560x256xf32>
    %dot_general3A_21 = tpu.matmul %get3A_16, %get3A_19, %dot_general3A_20 {dimension_numbers = #tpu.dot_dimension_numbers<[1], [0], [0], [1], [0, 0, 1, 1], [], []>, transpose_lhs_hint = false} : vector<2560x16xf32>, vector<16x256xf32>, vector<2560x256xf32> -> vector<2560x256xf32>
    %add3A_22 = arith.addf %add3A, %dot_general3A_21 : vector<2560x256xf32>
    %get3A_23 = arith.constant 0 : index
    %get3A_24 = arith.constant 0 : index
    %get3A_25 = vector.load %arg7[%get3A_23, %get3A_24] : memref<8x256xf32, #tpu.memory_space<vmem>>, vector<1x256xf32>
    %add3A_26 = vector.broadcast %get3A_25 : vector<1x256xf32> to vector<2560x256xf32>
    %add3A_27 = arith.addf %add3A_22, %add3A_26 : vector<2560x256xf32>
    %slice3A = vector.extract_strided_slice %add3A_27 {offsets = [0, 0], sizes = [2560, 128], strides = [1, 1]} : vector<2560x256xf32> to vector<2560x128xf32>
    %logistic3A = arith.negf %slice3A : vector<2560x128xf32>
    %logistic3A_28 = math.exp %logistic3A : vector<2560x128xf32>
    %logistic3A_29 = arith.constant 1.000000e+00 : f32
    %logistic3A_30 = vector.broadcast %logistic3A_29 : f32 to vector<2560x128xf32>
    %logistic3A_31 = arith.addf %logistic3A_30, %logistic3A_28 : vector<2560x128xf32>
    %logistic3A_32 = arith.divf %logistic3A_30, %logistic3A_31 : vector<2560x128xf32>
    %slice3A_33 = vector.extract_strided_slice %add3A_27 {offsets = [0, 128], sizes = [2560, 128], strides = [1, 1]} : vector<2560x256xf32> to vector<2560x128xf32>
    %custom_jvp_call3A = arith.constant 0.000000e+00 : f32
    %max3A = vector.broadcast %custom_jvp_call3A : f32 to vector<2560x128xf32>
    %max3A_34 = arith.maximumf %slice3A_33, %max3A : vector<2560x128xf32>
    %sub3A = vector.broadcast %custom_jvp_call3A : f32 to vector<2560x128xf32>
    %sub3A_35 = arith.subf %slice3A_33, %sub3A : vector<2560x128xf32>
    %ne3A = arith.cmpf one, %sub3A_35, %sub3A_35 : vector<2560x128xf32>
    %add3A_36 = vector.broadcast %custom_jvp_call3A : f32 to vector<2560x128xf32>
    %add3A_37 = arith.addf %slice3A_33, %add3A_36 : vector<2560x128xf32>
    %abs3A = math.absf %sub3A_35 : vector<2560x128xf32>
    %neg3A = arith.constant 0.000000e+00 : f32
    %neg3A_38 = vector.broadcast %neg3A : f32 to vector<2560x128xf32>
    %neg3A_39 = arith.subf %neg3A_38, %abs3A : vector<2560x128xf32>
    %exp3A = math.exp %neg3A_39 : vector<2560x128xf32>
    %log1p3A = math.log1p %exp3A : vector<2560x128xf32>
    %add3A_40 = arith.addf %max3A_34, %log1p3A : vector<2560x128xf32>
    %select_n3A = arith.select %ne3A, %add3A_37, %add3A_40 : vector<2560x128xi1>, vector<2560x128xf32>
    %mul3A = arith.mulf %logistic3A_32, %select_n3A : vector<2560x128xf32>
    %swap3A = arith.constant 0 : index
    %swap3A_41 = arith.constant 0 : index
    %swap3A_42 = vector.load %arg8[%swap3A, %swap3A_41] : memref<2560x128xf32, #tpu.memory_space<vmem>>, vector<2560x128xf32>
    tpu.vector_store %arg8[%swap3A, %swap3A_41], %mul3A {strides = array<i32>} : memref<2560x128xf32, #tpu.memory_space<vmem>>, vector<2560x128xf32>,
    return
  }
  func.func @transform_0(%arg0: i32) -> (i32, i32) {
    %c0_i32 = arith.constant 0 : i32
    %c0_i32_0 = arith.constant 0 : i32
    return %arg0, %c0_i32 : i32, i32
  }
  func.func @transform_1(%arg0: i32) -> (i32, i32) {
    %c0_i32 = arith.constant 0 : i32
    %c0_i32_0 = arith.constant 0 : i32
    return %arg0, %c0_i32 : i32, i32
  }
  func.func @transform_2(%arg0: i32) -> (i32, i32) {
    %c0_i32 = arith.constant 0 : i32
    %c0_i32_0 = arith.constant 0 : i32
    return %arg0, %c0_i32 : i32, i32
  }
  func.func @transform_3(%arg0: i32) -> (i32, i32) {
    %c0_i32 = arith.constant 0 : i32
    %c0_i32_0 = arith.constant 0 : i32
    %c0_i32_1 = arith.constant 0 : i32
    return %c0_i32, %c0_i32_0 : i32, i32
  }
  func.func @transform_4(%arg0: i32) -> (i32, i32) {
    %c0_i32 = arith.constant 0 : i32
    %c0_i32_0 = arith.constant 0 : i32
    %c0_i32_1 = arith.constant 0 : i32
    return %c0_i32, %c0_i32_0 : i32, i32
  }
  func.func @transform_5(%arg0: i32) -> (i32, i32) {
    %c0_i32 = arith.constant 0 : i32
    %c0_i32_0 = arith.constant 0 : i32
    %c0_i32_1 = arith.constant 0 : i32
    return %c0_i32, %c0_i32_0 : i32, i32
  }
  func.func @transform_6(%arg0: i32) -> (i32, i32) {
    %c0_i32 = arith.constant 0 : i32
    %c0_i32_0 = arith.constant 0 : i32
    %c0_i32_1 = arith.constant 0 : i32
    return %c0_i32, %c0_i32_0 : i32, i32
  }
  func.func @transform_7(%arg0: i32) -> (i32, i32) {
    %c0_i32 = arith.constant 0 : i32
    %c0_i32_0 = arith.constant 0 : i32
    return %arg0, %c0_i32 : i32, i32
  }
}

module attributes {stable_mosaic.version = 14 : i64} {
  func.func @_bn2_body(%arg0: memref<2x10000x128xf32, #tpu.memory_space<vmem>>, %arg1: memref<2x10000x128xf32, #tpu.memory_space<vmem>>, %arg2: memref<8x128xf32, #tpu.memory_space<vmem>>, %arg3: memref<8x128xf32, #tpu.memory_space<vmem>>, %arg4: memref<10000x128xf32, #tpu.memory_space<vmem>>) attributes {dimension_semantics = [], scalar_prefetch = 0 : i64, scratch_operands = 0 : i64, tpu.core_type = #tpu.core_type<tc>} {
    %get3A = arith.constant 0 : index
    %get3A_0 = arith.constant 0 : index
    %get3A_1 = arith.constant 0 : index
    %get3A_2 = vector.load %arg0[%get3A, %get3A_0, %get3A_1] : memref<2x10000x128xf32, #tpu.memory_space<vmem>>, vector<1x10000x128xf32>
    %get3A_3 = vector.shape_cast %get3A_2 : vector<1x10000x128xf32> to vector<10000x128xf32>
    %get3A_4 = arith.constant 1 : index
    %get3A_5 = arith.constant 0 : index
    %get3A_6 = arith.constant 0 : index
    %get3A_7 = vector.load %arg0[%get3A_4, %get3A_5, %get3A_6] : memref<2x10000x128xf32, #tpu.memory_space<vmem>>, vector<1x10000x128xf32>
    %get3A_8 = vector.shape_cast %get3A_7 : vector<1x10000x128xf32> to vector<10000x128xf32>
    %add3A = arith.addf %get3A_3, %get3A_8 : vector<10000x128xf32>
    %get3A_9 = arith.constant 0 : index
    %get3A_10 = arith.constant 0 : index
    %get3A_11 = arith.constant 0 : index
    %get3A_12 = vector.load %arg1[%get3A_9, %get3A_10, %get3A_11] : memref<2x10000x128xf32, #tpu.memory_space<vmem>>, vector<1x10000x128xf32>
    %get3A_13 = vector.shape_cast %get3A_12 : vector<1x10000x128xf32> to vector<10000x128xf32>
    %get3A_14 = arith.constant 1 : index
    %get3A_15 = arith.constant 0 : index
    %get3A_16 = arith.constant 0 : index
    %get3A_17 = vector.load %arg1[%get3A_14, %get3A_15, %get3A_16] : memref<2x10000x128xf32, #tpu.memory_space<vmem>>, vector<1x10000x128xf32>
    %get3A_18 = vector.shape_cast %get3A_17 : vector<1x10000x128xf32> to vector<10000x128xf32>
    %add3A_19 = arith.addf %get3A_13, %get3A_18 : vector<10000x128xf32>
    %add3A_20 = arith.addf %add3A, %add3A_19 : vector<10000x128xf32>
    %reduce_sum3A = arith.constant dense<0.000000e+00> : vector<128xf32>
    %reduce_sum3A_21 = vector.multi_reduction <add>, %add3A_20, %reduce_sum3A [0] : vector<10000x128xf32> to vector<128xf32>
    %broadcast_in_dim3A = vector.shape_cast %reduce_sum3A_21 : vector<128xf32> to vector<1x128xf32>
    %div3A = arith.constant 1.000000e+04 : f32
    %div3A_22 = vector.broadcast %div3A : f32 to vector<1x128xf32>
    %div3A_23 = arith.divf %broadcast_in_dim3A, %div3A_22 : vector<1x128xf32>
    %sub3A = vector.broadcast %div3A_23 : vector<1x128xf32> to vector<10000x128xf32>
    %sub3A_24 = arith.subf %add3A_20, %sub3A : vector<10000x128xf32>
    %integer_pow3A = arith.mulf %sub3A_24, %sub3A_24 : vector<10000x128xf32>
    %reduce_sum3A_25 = arith.constant dense<0.000000e+00> : vector<128xf32>
    %reduce_sum3A_26 = vector.multi_reduction <add>, %integer_pow3A, %reduce_sum3A_25 [0] : vector<10000x128xf32> to vector<128xf32>
    %broadcast_in_dim3A_27 = vector.shape_cast %reduce_sum3A_26 : vector<128xf32> to vector<1x128xf32>
    %div3A_28 = arith.constant 1.000000e+04 : f32
    %div3A_29 = vector.broadcast %div3A_28 : f32 to vector<1x128xf32>
    %div3A_30 = arith.divf %broadcast_in_dim3A_27, %div3A_29 : vector<1x128xf32>
    %sub3A_31 = vector.broadcast %div3A_23 : vector<1x128xf32> to vector<10000x128xf32>
    %sub3A_32 = arith.subf %add3A_20, %sub3A_31 : vector<10000x128xf32>
    %add3A_33 = arith.constant 9.99999974E-6 : f32
    %add3A_34 = vector.broadcast %add3A_33 : f32 to vector<1x128xf32>
    %add3A_35 = arith.addf %div3A_30, %add3A_34 : vector<1x128xf32>
    %rsqrt3A = math.rsqrt %add3A_35 : vector<1x128xf32>
    %mul3A = vector.broadcast %rsqrt3A : vector<1x128xf32> to vector<10000x128xf32>
    %mul3A_36 = arith.mulf %sub3A_32, %mul3A : vector<10000x128xf32>
    %get3A_37 = arith.constant 0 : index
    %get3A_38 = arith.constant 0 : index
    %get3A_39 = vector.load %arg2[%get3A_37, %get3A_38] : memref<8x128xf32, #tpu.memory_space<vmem>>, vector<1x128xf32>
    %mul3A_40 = vector.broadcast %get3A_39 : vector<1x128xf32> to vector<10000x128xf32>
    %mul3A_41 = arith.mulf %mul3A_36, %mul3A_40 : vector<10000x128xf32>
    %get3A_42 = arith.constant 0 : index
    %get3A_43 = arith.constant 0 : index
    %get3A_44 = vector.load %arg3[%get3A_42, %get3A_43] : memref<8x128xf32, #tpu.memory_space<vmem>>, vector<1x128xf32>
    %add3A_45 = vector.broadcast %get3A_44 : vector<1x128xf32> to vector<10000x128xf32>
    %add3A_46 = arith.addf %mul3A_41, %add3A_45 : vector<10000x128xf32>
    %swap3A = arith.constant 0 : index
    %swap3A_47 = arith.constant 0 : index
    %swap3A_48 = vector.load %arg4[%swap3A, %swap3A_47] : memref<10000x128xf32, #tpu.memory_space<vmem>>, vector<10000x128xf32>
    tpu.vector_store %arg4[%swap3A, %swap3A_47], %add3A_46 {strides = array<i32>} : memref<10000x128xf32, #tpu.memory_space<vmem>>, vector<10000x128xf32>,
    return
  }
}

</mosaic_0001>

<sc_bundles>
// kernel: kernel.11.cloned.1.call-start
scs
__scs_entry_jumppad:
0x0: {  	(pc) =	sbr.rel $0x88, $3  }
0x1: {  	(tag) =	ssettag $0x0;
	lr =	simm.s32 $0x1  }
0x2: {  	[smem:$0x3F98] =	sst lr;
	_ =	strace $0xD0000000  }
0x3: {  	_ = 	snop  }
0x4: {  	_ = 	snop  }
0x5: {  	_ = 	snop  }
0x6: {  	_ = 	snop  }
0x7: {  	_ = 	snop  }
__scs_overlays_trampoline_lowered:
0x8: {  	[smem:$0x3FA7] =	sst s0  }
0x9: {  	[smem:$0x3FA8] =	sst s1  }
0xa: {  	[smem:$0x3FA9] =	sst s2  }
0xb: {  	[smem:$0x3FAA] =	sst s3  }
0xc: {  	[smem:$0x3FAB] =	sst s4  }
0xd: {  	[smem:$0x3FAC] =	sst s5  }
0xe: {  	[smem:$0x3FAD] =	sst s6  }
0xf: {  	[smem:$0x3FAE] =	sst s7  }
0x10: {  	[smem:$0x3FAF] =	sst s8  }
0x11: {  	[smem:$0x3FB0] =	sst s9;
	s0 =	simm.s32 @!p0 $0x0  }
0x12: {  	s1 =	sld [smem:$0x3F96];
	s0 =	simm.s32 @p0 $0x1  }
0x13: {  	[smem:$0x3FB1] =	sst s0;
	s0 =	simm.s32 @!p1 $0x0  }
0x14: {  	s2 =	sld [smem:$0x3F95];
	s0 =	simm.s32 @p1 $0x1  }
0x15: {  	[smem:$0x3FB2] =	sst s0;
	s0 =	simm.s32 @!p2 $0x0  }
0x16: {  	s3 =	sld [smem:$0x3FDB];
	s0 =	simm.s32 @p2 $0x1  }
0x17: {  	s4 =	simm.s32 $0x1BF5;
	[smem:$0x3FB4] =	sst s0  }
0x18: {  	s0 =	sld [smem:$0x3F97];
	_ =	swait.ge [sflag:s4], $0x0  }
0x19: {  	s7 =	sld [smem:$0x3F98]  }
0x1a: {  	s8 =	sadd.s32 $0xFFFFE003, lr  }
0x1b: {  	s9 =	sadd.s32 $0xFFFFFEF7, lr;
	s5 =	simm.s32 $0xFFFFFFFF;
	p2 =	slt.u32 s8, $0xFFFFF086  }
0x1c: {  	p1 =	slt.u32 s9, $0xF7A;
	s5 =	simm.s32 @!p2 $0x0  }
0x1d: {  	s5 =	simm.s32 @p1 $0x1;
	p0 =	seq.s32 s7, s2  }
0x1e: {  	s7 =	smul.u32 @!p0 $0xF7A, s2;
	p2 =	seq.s32 @!p0 s5, $0x0  }
0x1f: {  	s9 =	smul.u32 $0xF7A, s1;
	s8 =	simm.s32 @!p0 $0x1BF5;
	p2 =	por !p2, p0  }
0x20: {  	[sflag:s8] =	ssyncset.s32 @!p0 $0xFFFFF086;
	s6 =	sadd.s32 @!p0 s3, s7;
	s7 =	simm.s32 @!p0 $0x108  }
0x21: {  	s3 =	sadd.s32 s3, s9;
	s6 =	sadd.s32 @!p0 $0x88, s6;
	s7 =	simm.s32 @p2 $0x1082  }
0x22: {  	[simem:s7], [sflag:s8] =	dma.local @!p0 [hbm:s6], $0xF7A  }
0x23: {  	s9 =	sor.u32 $0xD0000000, s2;
	s6 =	simm.s32 $0x108;
	_ =	swait.ge @!p0 [sflag:s8], $0x0  }
0x24: {  	s3 =	sadd.s32 $0x88, s3;
	s6 =	simm.s32 @!p1 $0x1082;
	[sflag:s4] =	ssyncset.s32 $0xFFFFF086  }
0x25: {  	[simem:s6], [sflag:s4] =	dma.local [hbm:s3], $0xF7A  }
0x26: {  	[smem:$0x3F98] =	sst s1;
	(tag) =	ssettag s2;
	_ =	strace s9  }
0x27: {  	s1 =	sld [smem:$0x3FA8]  }
0x28: {  	s2 =	sld [smem:$0x3FA9]  }
0x29: {  	s4 =	sld [smem:$0x3FAB]  }
0x2a: {  	p0 =	seq.s32 s5, $0x0;
	s5 =	sld [smem:$0x3FAC]  }
0x2b: {  	s6 =	sld [smem:$0x3FAD]  }
0x2c: {  	s7 =	sld [smem:$0x3FAE]  }
0x2d: {  	s3 =	simm.s32 $0x108;
	s8 =	sld [smem:$0x3FAF]  }
0x2e: {  	s3 =	simm.s32 @!p0 $0x1082;
	s9 =	sld [smem:$0x3FB0]  }
0x2f: {  	lr =	sadd.s32 s0, s3;
	s0 =	sld [smem:$0x3FA7]  }
0x30: {  	s3 =	sld [smem:$0x3FAA]  }
0x31: {  	[smem:$0x3FB3] =	sst s10  }
0x32: {  	s10 =	sld [smem:$0x3FB1];
	_ =	sdelay $0x3  }
0x33: {  	p0 =	seq.s32 s10, $0x1;
	s10 =	sld [smem:$0x3FB3];
	_ =	sdelay $0x3  }
0x34: {  	[smem:$0x3FB3] =	sst s10  }
0x35: {  	s10 =	sld [smem:$0x3FB2];
	_ =	sdelay $0x3  }
0x36: {  	p1 =	seq.s32 s10, $0x1;
	s10 =	sld [smem:$0x3FB3];
	_ =	sdelay $0x3  }
0x37: {  	[smem:$0x3FB3] =	sst s10  }
0x38: {  	s10 =	sld [smem:$0x3FB4]  }
0x39: {  	_ = 	snop;
	(pc) =	sbr.ind lr, $3  }
0x3a: {  	_ = 	snop  }
0x3b: {  	_ = 	snop  }
0x3c: {  	p2 =	seq.s32 s10, $0x1;
	s10 =	sld [smem:$0x3FB3]  }
0x3d: {  	_ =	shalt  }
0x3e: {  	_ =	shalt  }
0x3f: {  	_ =	shalt  }
0x40: {  	_ =	shalt  }
0x41: {  	_ =	shalt  }
0x42: {  	_ =	shalt  }
0x43: {  	_ =	shalt  }
0x44: {  	_ =	shalt  }
0x45: {  	_ =	shalt  }
0x46: {  	_ =	shalt  }
0x47: {  	_ =	shalt  }
0x48: {  	_ =	shalt  }
0x49: {  	_ =	shalt  }
0x4a: {  	_ =	shalt  }
0x4b: {  	_ =	shalt  }
0x4c: {  	_ =	shalt  }
0x4d: {  	_ =	shalt  }
0x4e: {  	_ =	shalt  }
0x4f: {  	_ =	shalt  }
0x50: {  	_ =	shalt  }
0x51: {  	_ =	shalt  }
0x52: {  	_ =	shalt  }
0x53: {  	_ =	shalt  }
0x54: {  	_ =	shalt  }
0x55: {  	_ =	shalt  }
0x56: {  	_ =	shalt  }
0x57: {  	_ =	shalt  }
0x58: {  	_ =	shalt  }
0x59: {  	_ =	shalt  }
0x5a: {  	_ =	shalt  }
0x5b: {  	_ =	shalt  }
0x5c: {  	_ =	shalt  }
0x5d: {  	_ =	shalt  }
0x5e: {  	_ =	shalt  }
0x5f: {  	_ =	shalt  }
0x60: {  	_ =	shalt  }
0x61: {  	_ =	shalt  }
0x62: {  	_ =	shalt  }
0x63: {  	_ =	shalt  }
0x64: {  	_ =	shalt  }
0x65: {  	_ =	shalt  }
0x66: {  	_ =	shalt  }
0x67: {  	_ =	shalt  }
0x68: {  	_ =	shalt  }
0x69: {  	_ =	shalt  }
0x6a: {  	_ =	shalt  }
0x6b: {  	_ =	shalt  }
0x6c: {  	_ =	shalt  }
0x6d: {  	_ =	shalt  }
0x6e: {  	_ =	shalt  }
0x6f: {  	_ =	shalt  }
0x70: {  	_ =	shalt  }
0x71: {  	_ =	shalt  }
0x72: {  	_ =	shalt  }
0x73: {  	_ =	shalt  }
0x74: {  	_ =	shalt  }
0x75: {  	_ =	shalt  }
0x76: {  	_ =	shalt  }
0x77: {  	_ =	shalt  }
0x78: {  	_ =	shalt  }
0x79: {  	_ =	shalt  }
0x7a: {  	_ =	shalt  }
0x7b: {  	_ =	shalt  }
0x7c: {  	_ =	shalt  }
0x7d: {  	_ =	shalt  }
0x7e: {  	_ =	shalt  }
0x7f: {  	_ =	shalt  }
0x80: {  	_ =	shalt  }
0x81: {  	_ =	shalt  }
0x82: {  	_ =	shalt  }
0x83: {  	_ =	shalt  }
0x84: {  	_ =	shalt  }
0x85: {  	_ =	shalt  }
0x86: {  	_ =	shalt  }
0x87: {  	_ =	shalt  }
.Lfunc_end0:
.L_simem_size_0:
called_computation_lowered:
.L_overlay_start_0:
0x88: {  	s2 =	sld [smem:$0x3FD9]  }
0x89: {  	s3 =	sld [smem:$0x3FFE];
	_ =	sdelay $0x1  }
0x8a: {  	s1 =	srdreg.scid  }
0x8b: {  	s0 =	sand.u32 $0x1, s1  }
0x8c: {  	s17 =	sshll.u32 s0, $0xA;
	s2 =	sadd.s32 s3, s2  }
0x8d: {  	s2 =	sadd.s32 s2, s17  }
0x8e: {  	[smem:$0x3FBF] =	sst s2  }
0x8f: {  	_ = 	snop  }
0x90: {  	s18 =	sld [smem:$0x3FC9];
	(tm) =	ssettm $0x1  }
0x91: {  	s19 =	sld [smem:$0x3FFB];
	_ =	sdelay $0x3  }
0x92: {  	_ =	strace s19  }
0x93: {  	s2 =	sld [smem:$0x3FFC];
	_ =	sdelay $0x3  }
0x94: {  	_ =	strace s2  }
0x95: {  	s2 =	sld [smem:$0x3FFD];
	_ =	sdelay $0x3  }
0x96: {  	_ =	strace s2  }
0x97: {  	_ =	strace $0x8FFFFFFF  }
0x98: {  	s20 =	sld [smem:$0x3FDB];
	_ =	sdelay $0x1  }
0x99: {  	s4 =	simm.s32 $_scs_section_size  }
0x9a: {  	s5 =	simm.s32 $_size__tile_overlayer_lowered;
	s6 =	simm.s32 $_tile_overlayer_lowered  }
0x9b: {  	s7 =	simm.s32 $0x1BFF;
	s21 =	sshll.u32 s6, $0x1;
	s4 =	sadd.s32 s4, s20  }
0x9c: {  	s22 =	simm.s32 $0x0;
	s5 =	sshll.u32 s5, $0x1;
	s6 =	sadd.s32 s21, s4  }
0x9d: {  	[timem:s22], [sflag:s7] =	dma.local [hbm:s6], s5  }
0x9e: {  	_ =	swait.ge [sflag:s7], s5  }
0x9f: {  	s5 =	ssub.s32 $0x0, s5;
	[sflag:s7] =	ssyncset.done $0x0  }
0xa0: {  	[sflag:s7] =	ssyncadd.s32 s5;
	_ =	sdelay $0x1  }
0xa1: {  	s23 =	simm.s32 $0x1B8B  }
0xa2: {  	_ =	swait.ge [sflag:s23], $0x1  }
0xa3: {  	[sflag:s23] =	ssyncset.done $0x0  }
0xa4: {  	[sflag:s23] =	ssyncadd.s32 $0xFFFFFFFF  }
0xa5: {  	s5 =	sld [smem:$0x0]  }
0xa6: {  	s6 =	sand.u32 $0xFFFFFFFE, s1  }
0xa7: {  	p0 =	sne.s32 s1, s6  }
0xa8: {  	s6 =	sshll.u32 @p0 s6, $0xE  }
0xa9: {  	s6 =	sadd.s32 @p0 $0x11B8D, s6;
	s7 =	sshll.u32 @p0 s5, $0x11  }
0xaa: {  	s6 =	sor.u32 @p0 s7, s6  }
0xab: {  	[sflag:s6] =	ssyncadd.remote.s32 @p0 $0x1;
	_ =	sdelay $0x1  }
0xac: {  	s6 =	simm.s32 @p0 $0x1B8D  }
0xad: {  	_ =	swait.eq @p0 [sflag:s6], $0x1  }
0xae: {  	[sflag:s6] =	ssyncadd.s32 @p0 $0xFFFFFFFF  }
0xaf: {  	s7 =	sshll.u32 @!p0 s1, $0xE  }
0xb0: {  	s7 =	sor.u32 @!p0 $0x4000, s7;
	s6 =	simm.s32 @!p0 $0x1B8D  }
0xb1: {  	s5 =	sshll.u32 @!p0 s5, $0x11;
	s7 =	sadd.s32 @!p0 $0x11B8D, s7;
	_ =	swait.eq @!p0 [sflag:s6], $0x1  }
0xb2: {  	s5 =	sor.u32 @!p0 s5, s7;
	[sflag:s6] =	ssyncadd.s32 @!p0 $0xFFFFFFFF  }
0xb3: {  	s25 =	simm.s32 $0x1B8E;
	s24 =	sld [smem:$0x3FFE];
	[sflag:s5] =	ssyncadd.remote.s32 @!p0 $0x1  }
0xb4: {  	s26 =	simm.s32 $execute0_lowered;
	[smem:$0x3FD2] =	sst s25  }
0xb5: {  	s6 =	sshll.u32 s26, $0x1;
	_ =	strace $0x80000049;
	[dreg:$0x1] =	wrdreg $0xFFFFFFFF  }
0xb6: {  	s28 =	simm.s32 $_size_execute0_lowered;
	s4 =	sadd.s32 s4, s6;
	[dreg:$0x0] =	wrdreg $0x0  }
0xb7: {  	s6 =	sshll.u32 s28, $0x1;
	[dreg:$0x2] =	wrdreg s4  }
0xb8: {  	[dreg:$0x3] =	wrdreg s6  }
0xb9: {  	[dreg:$0x4] =	wrdreg $0xC0  }
0xba: {  	_ =	task [dreg:s22], $0x5FFFF  }
0xbb: {  	[dreg:$0x1] =	wrdreg $0xFFFFFFFF  }
0xbc: {  	[dreg:$0x0] =	wrdreg $0x60  }
0xbd: {  	[dreg:$0x2] =	wrdreg s18  }
0xbe: {  	[dreg:$0x3] =	wrdreg s24  }
0xbf: {  	[dreg:$0x4] =	wrdreg $0x9  }
0xc0: {  	_ =	task.clear_ibuf [dreg:s22], $0x5FFFF;
	_ =	strace $0x90000049  }
0xc1: {  	s29 =	simm.s32 $0x9;
	_ =	strace $0x8000004B  }
0xc2: {  	_ =	swait.ge [sflag:s29], $0x1  }
0xc3: {  	[sflag:s29] =	ssyncadd.s32 $0xFFFFFFFF  }
0xc4: {  	_ =	strace $0x9000004B  }
0xc5: {  	_ =	sfence  }
0xc6: {  	s30 =	sld [smem:$0x0];
	_ =	sdelay $0x2  }
0xc7: {  	s31 =	sshll.u32 s1, $0xD;
	s1 =	sshrl.u32 s1, $0x2  }
0xc8: {  	s4 =	sand.u32 $0x4000, s31;
	s1 =	sadd.s32 s1, s30  }
0xc9: {  	s0 =	sor.u32 s4, s0;
	s1 =	sshll.u32 s1, $0x11  }
0xca: {  	s0 =	sor.u32 s1, s0  }
0xcb: {  	s0 =	sadd.s32 $0x8F2B, s0  }
0xcc: {  	[sflag:s0] =	ssyncadd.remote.s32 $0x1  }
0xcd: {  	_ =	sfence.sel $0xFFFF  }
0xce: {  	[dreg:$0x0] =	wrdreg $0xFFFFFFFF;
	(pc) =	sbr.abs _section_cstart, $3  }
0xcf: {  	[dreg:$0x1] =	wrdreg $0xFFFFFFFF  }
0xd0: {  	_ =	task.clear_ibuf [dreg:s22], $0x2FFFF;
	_ =	strace $0x9FFFFFFF  }
0xd1: {  	(tm) =	ssettm $0x7FFFFFFF  }
tec
execute0_lowered:
.L_overlay_start_1:
0x0: {  	(tag) =	ssettag $0x1  }
0x1: {  	s2 =	rddreg [dreg:$0x0]  }
0x2: {  	s6 =	rddreg [dreg:$0x1]  }
0x3: {  	s4 =	srdreg.scid;
	s0 =	stileid.u32  }
0x4: {  	s3 =	simm.s32 $0x0;
	s17 =	simm.s32 $0x4200;
	s18 =	simm.s32 $0x1  }
0x5: {  	s19 =	simm.s32 $0x100;
	s20 =	simm.s32 $0x8200;
	s21 =	simm.s32 $0x180  }
0x6: {  	s22 =	simm.s32 $0xC200;
	s23 =	simm.s32 $0x2;
	s24 =	simm.s32 $0x3  }
0x7: {  	s25 =	simm.s32 $0x4;
	s26 =	simm.s32 $0x0;
	s8 =	sand.u32 $0x1, s4  }
0x8: {  	s28 =	sshll.u32 s0, $0x1;
	[smem:$0x7FF] =	sst s3;
	s10 =	smul.u32 $0x140000, s0  }
0x9: {  	s5 =	sadd.s32 $0x12000, s6;
	s13 =	sadd.s32 $0x51C000, s6;
	s29 =	smul.u32 $0x2800, s0  }
0xa: {  	s14 =	sadd.s32 $0x79C000, s6;
	s4 =	sor.u32 s8, s28;
	s12 =	smul.u32 $0xA0000, s8  }
0xb: {  	_ =	strace $0x8000004A;
	s9 =	ssub.s32 $0x2, s8;
	s7 =	smul.u32 $0x280, s4  }
0xc: {  	s31 =	smul.u32 $0x1400, s8;
	s4 =	sadd.s32 $0xD000, s6;
	s11 =	sshrl.u32 s9, $0x1  }
0xd: {  	s9 =	ssub.s32 s9, s11;
	s10 =	sadd.s32 s12, s10;
	s1 =	sadd.s32 s4, s7  }
0xe: {  	s30 =	sadd.s32 s5, s7;
	s15 =	sor.u32 $0x8000, s10;
	s8 =	smax.u32 s9, $0x1  }
0xf: {  	s16 =	sshrl.u32 s10, $0x3;
	s10 =	sadd.s32 s31, s29;
	[dreg:$0x3] =	wrdreg s1  }
0x10: {  	[dreg:$0x4] =	wrdreg s30;
	s15 =	sshrl.u32 s15, $0x3;
	s9 =	sadd.s32 s16, s13  }
0x11: {  	s12 =	sadd.s32 s16, s14;
	s16 =	simm.s32 $0x200;
	s11 =	sadd.s32 s15, s13  }
0x12: {  	s13 =	sadd.s32 s15, s14;
	s14 =	simm.s32 $0x5;
	s15 =	simm.s32 $0x80  }
.LBB2_1:
0x13: {  	s0 =	rddreg [dreg:$0x3]  }
0x14: {  	[tilespmem:s3], [sflag:$0x5] =	stream.linear.gather [hbm4b:s0+s3], $0x100, $0x38;
	[tilespmem:$0x10200] =	vst v63  }
0x15: {  	_ =	swait.ge [sflag:s14], $0x100  }
0x16: {  	[sflag:s14] =	ssyncset.done $0x0  }
0x17: {  	[sflag:s14] =	ssyncadd.s32 $0xFFFFFF00  }
0x18: {  	[tilespmem:s16], [sflag:$0x1] =	stream.indirect.gather [hbm4b:s2+s15], $0x80, s3, s15, $0xb8;
	[tilespmem:$0x10200] =	vst v63  }
0x19: {  	_ = 	snop  }
0x1a: {  	[tilespmem:s17], [sflag:$0x1] =	stream.indirect.gather [hbm4b:s2+s15], $0x80, s15, s15, $0xb8;
	[tilespmem:$0x10200] =	vst v63  }
0x1b: {  	_ =	swait.ge [sflag:s18], $0x4000  }
0x1c: {  	[sflag:s18] =	ssyncset.done $0x0  }
0x1d: {  	[sflag:s18] =	ssyncadd.s32 $0xFFFFC000  }
0x1e: {  	s28 =	sadd.s32 $0x0, s10;
	s29 =	simm.s32 $0x100;
	_ =	swait.ge [sflag:s18], $0x4000  }
0x1f: {  	p0 =	por $0x1, $0x1;
	s29 =	sand.u32 $0x300, s29;
	[sflag:s18] =	ssyncset.done $0x0  }
0x20: {  	s30 =	simm.s32 @!p0 $0x4;
	s28 =	sand.u32 $0x7FC00, s28;
	[sflag:s18] =	ssyncadd.s32 $0xFFFFC000  }
0x21: {  	s28 =	sor.u32 s28, s29;
	_ =	swait.ge @!p0 [sflag:s30], $0x8000  }
0x22: {  	s28 =	sshrl.u32 s28, $0x3;
	[sflag:s30] =	ssyncset.done @!p0 $0x0  }
0x23: {  	s28 =	sadd.s32 s4, s28;
	[sflag:s30] =	ssyncadd.s32 @!p0 $0xFFFF8000  }
0x24: {  	[tilespmem:s19], [sflag:$0x5] =	stream.linear.gather [hbm4b:s28+s3], $0x100, $0x38;
	[tilespmem:$0x10200] =	vst v63  }
0x25: {  	_ =	swait.ge [sflag:s14], $0x100  }
0x26: {  	[sflag:s14] =	ssyncset.done $0x0  }
0x27: {  	[sflag:s14] =	ssyncadd.s32 $0xFFFFFF00  }
0x28: {  	[tilespmem:s20], [sflag:$0x2] =	stream.indirect.gather [hbm4b:s2+s15], $0x80, s19, s15, $0xb8;
	[tilespmem:$0x10200] =	vst v63  }
0x29: {  	_ = 	snop  }
0x2a: {  	[tilespmem:s22], [sflag:$0x2] =	stream.indirect.gather [hbm4b:s2+s15], $0x80, s21, s15, $0xb8;
	[tilespmem:$0x10200] =	vst v63  }
0x2b: {  	_ = 	snop  }
0x2c: {  	[hbm4b:s9+s3] =	stream.linear.scatter [tilespmem:s16], [sflag:$0x3], $0x8000, $0x38;
	[tilespmem:$0x10200] =	vst v63  }
0x2d: {  	_ =	swait.ge [sflag:s23], $0x4000  }
0x2e: {  	[sflag:s23] =	ssyncset.done $0x0  }
0x2f: {  	p0 =	por $0x0, $0x0;
	[sflag:s23] =	ssyncadd.s32 $0xFFFFC000  }
0x30: {  	s28 =	sadd.s32 @!p0 $0x0, s10;
	_ =	swait.ge [sflag:s23], $0x4000  }
0x31: {  	s29 =	sxor.u32 @!p0 $0xFFFFFFFF, s3;
	s28 =	sadd.s32 @!p0 $0x200, s28;
	[sflag:s23] =	ssyncset.done $0x0  }
0x32: {  	s29 =	sand.u32 @!p0 $0x200, s29;
	s28 =	sand.u32 @!p0 $0x7FC00, s28;
	[sflag:s23] =	ssyncadd.s32 $0xFFFFC000  }
0x33: {  	s28 =	sor.u32 @!p0 s29, s28;
	_ =	swait.ge [sflag:s24], $0x8000  }
0x34: {  	s30 =	simm.s32 @!p0 $0x0;
	s28 =	sshrl.u32 @!p0 s28, $0x3;
	[sflag:s24] =	ssyncset.done $0x0  }
0x35: {  	s29 =	simm.s32 @!p0 $0x5;
	s28 =	sadd.s32 @!p0 s4, s28;
	[sflag:s24] =	ssyncadd.s32 $0xFFFF8000  }
0x36: {  	[tilespmem:s30], [sflag:$0x5] =	stream.linear.gather @!p0 [hbm4b:s28+s30], $0x100, $0x38;
	[tilespmem:$0x10200] =	vst v63  }
0x37: {  	_ =	swait.ge @!p0 [sflag:s29], $0x100  }
0x38: {  	[sflag:s29] =	ssyncset.done @!p0 $0x0  }
0x39: {  	s28 =	simm.s32 @!p0 $0x200;
	[sflag:s29] =	ssyncadd.s32 @!p0 $0xFFFFFF00;
	s29 =	simm.s32 @!p0 $0x80  }
0x3a: {  	[tilespmem:s28], [sflag:$0x1] =	stream.indirect.gather @!p0 [hbm4b:s2+s29], $0x80, s30, s29, $0xb8;
	[tilespmem:$0x10200] =	vst v63  }
0x3b: {  	s31 =	smov.u32 s11;
	s28 =	simm.s32 @!p0 $0x4200  }
0x3c: {  	[tilespmem:s28], [sflag:$0x1] =	stream.indirect.gather @!p0 [hbm4b:s2+s29], $0x80, s29, s29, $0xb8;
	[tilespmem:$0x10200] =	vst v63  }
0x3d: {  	s30 =	sadd.s32 $0x2000, s11;
	s28 =	simm.s32 $0x200;
	s29 =	sadd.s32 $0x2000, s9  }
.LBB2_2:
0x3e: {  	[hbm4b:s31+s3] =	stream.linear.scatter [tilespmem:s20], [sflag:$0x4], $0x8000, $0x38;
	[tilespmem:$0x10200] =	vst v63  }
0x3f: {  	s0 =	smov.u32 s28;
	s28 =	sadd.s32 $0x200, s28;
	_ =	swait.ge [sflag:s18], $0x4000  }
0x40: {  	s31 =	smov.u32 s30;
	p0 =	sne.s32 s28, $0x1400;
	[sflag:s18] =	ssyncset.done $0x0  }
0x41: {  	[sflag:s18] =	ssyncadd.s32 $0xFFFFC000  }
0x42: {  	s1 =	sadd.s32 s0, s10;
	s6 =	sadd.s32 $0x100, s0;
	_ =	swait.ge [sflag:s18], $0x4000  }
0x43: {  	p1 =	seq.s32 s0, $0x0;
	s6 =	sand.u32 $0x300, s6;
	[sflag:s18] =	ssyncset.done $0x0  }
0x44: {  	s7 =	simm.s32 @!p1 $0x4;
	s1 =	sand.u32 $0x7FC00, s1;
	[sflag:s18] =	ssyncadd.s32 $0xFFFFC000  }
0x45: {  	s1 =	sor.u32 s1, s6;
	_ =	swait.ge @!p1 [sflag:s7], $0x8000  }
0x46: {  	s1 =	sshrl.u32 s1, $0x3;
	[sflag:s7] =	ssyncset.done @!p1 $0x0  }
0x47: {  	s1 =	sadd.s32 s4, s1;
	[sflag:s7] =	ssyncadd.s32 @!p1 $0xFFFF8000  }
0x48: {  	[tilespmem:s19], [sflag:$0x5] =	stream.linear.gather [hbm4b:s1+s3], $0x100, $0x38;
	[tilespmem:$0x10200] =	vst v63  }
0x49: {  	_ =	swait.ge [sflag:s14], $0x100  }
0x4a: {  	[sflag:s14] =	ssyncset.done $0x0  }
0x4b: {  	[sflag:s14] =	ssyncadd.s32 $0xFFFFFF00  }
0x4c: {  	[tilespmem:s20], [sflag:$0x2] =	stream.indirect.gather [hbm4b:s2+s15], $0x80, s19, s15, $0xb8;
	[tilespmem:$0x10200] =	vst v63  }
0x4d: {  	_ = 	snop  }
0x4e: {  	[tilespmem:s22], [sflag:$0x2] =	stream.indirect.gather [hbm4b:s2+s15], $0x80, s21, s15, $0xb8;
	[tilespmem:$0x10200] =	vst v63  }
0x4f: {  	_ = 	snop  }
0x50: {  	[hbm4b:s29+s3] =	stream.linear.scatter [tilespmem:s16], [sflag:$0x3], $0x8000, $0x38;
	[tilespmem:$0x10200] =	vst v63  }
0x51: {  	_ =	swait.ge [sflag:s23], $0x4000  }
0x52: {  	[sflag:s23] =	ssyncset.done $0x0  }
0x53: {  	p1 =	seq.s32 s0, $0x1200;
	[sflag:s23] =	ssyncadd.s32 $0xFFFFC000  }
0x54: {  	s1 =	sadd.s32 @!p1 s0, s10;
	s0 =	sxor.u32 @!p1 $0xFFFFFFFF, s0;
	_ =	swait.ge [sflag:s23], $0x4000  }
0x55: {  	s1 =	sadd.s32 @!p1 $0x200, s1;
	s0 =	sand.u32 @!p1 $0x200, s0;
	[sflag:s23] =	ssyncset.done $0x0  }
0x56: {  	s1 =	sand.u32 @!p1 $0x7FC00, s1;
	[sflag:s23] =	ssyncadd.s32 $0xFFFFC000  }
0x57: {  	s0 =	sor.u32 @!p1 s0, s1;
	_ =	swait.ge [sflag:s24], $0x8000  }
0x58: {  	s1 =	simm.s32 @!p1 $0x5;
	s0 =	sshrl.u32 @!p1 s0, $0x3;
	[sflag:s24] =	ssyncset.done $0x0  }
0x59: {  	s6 =	simm.s32 @!p1 $0x0;
	s0 =	sadd.s32 @!p1 s4, s0;
	[sflag:s24] =	ssyncadd.s32 $0xFFFF8000  }
0x5a: {  	[tilespmem:s6], [sflag:$0x5] =	stream.linear.gather @!p1 [hbm4b:s0+s6], $0x100, $0x38;
	[tilespmem:$0x10200] =	vst v63  }
0x5b: {  	_ =	swait.ge @!p1 [sflag:s1], $0x100  }
0x5c: {  	s0 =	simm.s32 @!p1 $0x200;
	[sflag:s1] =	ssyncset.done @!p1 $0x0  }
.Ltmp0:
0x5d: {  	[sflag:s1] =	ssyncadd.s32 @!p1 $0xFFFFFF00;
	s1 =	simm.s32 @!p1 $0x80;
	(pc) =	sbr.rel @p0 .LBB2_2-.Ltmp0, $4  }
0x5e: {  	[tilespmem:s0], [sflag:$0x1] =	stream.indirect.gather @!p1 [hbm4b:s2+s1], $0x80, s6, s1, $0xb8;
	[tilespmem:$0x10200] =	vst v63  }
0x5f: {  	s0 =	simm.s32 @!p1 $0x4200  }
0x60: {  	[tilespmem:s0], [sflag:$0x1] =	stream.indirect.gather @!p1 [hbm4b:s2+s1], $0x80, s1, s1, $0xb8;
	[tilespmem:$0x10200] =	vst v63  }
0x61: {  	s30 =	sadd.s32 $0x2000, s30;
	s29 =	sadd.s32 $0x2000, s29  }
0x62: {  	[hbm4b:s31+s3] =	stream.linear.scatter [tilespmem:s20], [sflag:$0x4], $0x8000, $0x38;
	[tilespmem:$0x10200] =	vst v63  }
0x63: {  	_ =	swait.ge [sflag:s25], $0x8000  }
0x64: {  	[sflag:s25] =	ssyncset.done $0x0  }
0x65: {  	s0 =	simm.s32 $0x0;
	s1 =	rddreg [dreg:$0x4];
	[sflag:s25] =	ssyncadd.s32 $0xFFFF8000  }
0x66: {  	[tilespmem:s0], [sflag:$0x5] =	stream.linear.gather [hbm4b:s1+s0], $0x100, $0x38;
	[tilespmem:$0x10200] =	vst v63  }
0x67: {  	_ =	swait.ge [sflag:s14], $0x100  }
0x68: {  	[sflag:s14] =	ssyncset.done $0x0  }
0x69: {  	[sflag:s14] =	ssyncadd.s32 $0xFFFFFF00  }
0x6a: {  	[tilespmem:s16], [sflag:$0x1] =	stream.indirect.gather [hbm4b:s2+s15], $0x80, s0, s15, $0xb8;
	[tilespmem:$0x10200] =	vst v63  }
0x6b: {  	_ = 	snop  }
0x6c: {  	[tilespmem:s17], [sflag:$0x1] =	stream.indirect.gather [hbm4b:s2+s15], $0x80, s15, s15, $0xb8;
	[tilespmem:$0x10200] =	vst v63  }
0x6d: {  	_ =	swait.ge [sflag:s18], $0x4000  }
0x6e: {  	[sflag:s18] =	ssyncset.done $0x0  }
0x6f: {  	[sflag:s18] =	ssyncadd.s32 $0xFFFFC000  }
0x70: {  	s6 =	simm.s32 $0x100;
	p0 =	por $0x1, $0x1;
	_ =	swait.ge [sflag:s18], $0x4000  }
0x71: {  	s6 =	sand.u32 $0x300, s6;
	s1 =	sadd.s32 $0x0, s10;
	[sflag:s18] =	ssyncset.done $0x0  }
0x72: {  	s7 =	simm.s32 @!p0 $0x4;
	s1 =	sand.u32 $0x7FC00, s1;
	[sflag:s18] =	ssyncadd.s32 $0xFFFFC000  }
0x73: {  	s1 =	sor.u32 s1, s6;
	_ =	swait.ge @!p0 [sflag:s7], $0x8000  }
0x74: {  	s1 =	sshrl.u32 s1, $0x3;
	[sflag:s7] =	ssyncset.done @!p0 $0x0  }
0x75: {  	s1 =	sadd.s32 s5, s1;
	[sflag:s7] =	ssyncadd.s32 @!p0 $0xFFFF8000  }
0x76: {  	[tilespmem:s19], [sflag:$0x5] =	stream.linear.gather [hbm4b:s1+s3], $0x100, $0x38;
	[tilespmem:$0x10200] =	vst v63  }
0x77: {  	_ =	swait.ge [sflag:s14], $0x100  }
0x78: {  	[sflag:s14] =	ssyncset.done $0x0  }
0x79: {  	[sflag:s14] =	ssyncadd.s32 $0xFFFFFF00  }
0x7a: {  	[tilespmem:s20], [sflag:$0x2] =	stream.indirect.gather [hbm4b:s2+s15], $0x80, s19, s15, $0xb8;
	[tilespmem:$0x10200] =	vst v63  }
0x7b: {  	_ = 	snop  }
0x7c: {  	[tilespmem:s22], [sflag:$0x2] =	stream.indirect.gather [hbm4b:s2+s15], $0x80, s21, s15, $0xb8;
	[tilespmem:$0x10200] =	vst v63  }
0x7d: {  	_ = 	snop  }
0x7e: {  	[hbm4b:s12+s3] =	stream.linear.scatter [tilespmem:s16], [sflag:$0x3], $0x8000, $0x38;
	[tilespmem:$0x10200] =	vst v63  }
0x7f: {  	_ =	swait.ge [sflag:s23], $0x4000  }
0x80: {  	[sflag:s23] =	ssyncset.done $0x0  }
0x81: {  	p0 =	por $0x0, $0x0;
	[sflag:s23] =	ssyncadd.s32 $0xFFFFC000  }
0x82: {  	s1 =	sadd.s32 @!p0 $0x0, s10;
	_ =	swait.ge [sflag:s23], $0x4000  }
0x83: {  	s0 =	sxor.u32 @!p0 $0xFFFFFFFF, s0;
	s1 =	sadd.s32 @!p0 $0x200, s1;
	[sflag:s23] =	ssyncset.done $0x0  }
0x84: {  	s0 =	sand.u32 @!p0 $0x200, s0;
	s1 =	sand.u32 @!p0 $0x7FC00, s1;
	[sflag:s23] =	ssyncadd.s32 $0xFFFFC000  }
0x85: {  	s0 =	sor.u32 @!p0 s0, s1;
	_ =	swait.ge [sflag:s24], $0x8000  }
0x86: {  	s6 =	simm.s32 @!p0 $0x0;
	s0 =	sshrl.u32 @!p0 s0, $0x3;
	[sflag:s24] =	ssyncset.done $0x0  }
0x87: {  	s1 =	simm.s32 @!p0 $0x5;
	s0 =	sadd.s32 @!p0 s5, s0;
	[sflag:s24] =	ssyncadd.s32 $0xFFFF8000  }
0x88: {  	[tilespmem:s6], [sflag:$0x5] =	stream.linear.gather @!p0 [hbm4b:s0+s6], $0x100, $0x38;
	[tilespmem:$0x10200] =	vst v63  }
0x89: {  	_ =	swait.ge @!p0 [sflag:s1], $0x100  }
0x8a: {  	s28 =	simm.s32 $0x200;
	s29 =	sadd.s32 $0x2000, s12;
	[sflag:s1] =	ssyncset.done @!p0 $0x0  }
0x8b: {  	s0 =	simm.s32 @!p0 $0x200;
	[sflag:s1] =	ssyncadd.s32 @!p0 $0xFFFFFF00;
	s1 =	simm.s32 @!p0 $0x80  }
0x8c: {  	[tilespmem:s0], [sflag:$0x1] =	stream.indirect.gather @!p0 [hbm4b:s2+s1], $0x80, s6, s1, $0xb8;
	[tilespmem:$0x10200] =	vst v63  }
0x8d: {  	s30 =	sadd.s32 $0x2000, s13;
	s31 =	smov.u32 s13;
	s0 =	simm.s32 @!p0 $0x4200  }
0x8e: {  	[tilespmem:s0], [sflag:$0x1] =	stream.indirect.gather @!p0 [hbm4b:s2+s1], $0x80, s1, s1, $0xb8;
	[tilespmem:$0x10200] =	vst v63  }
.LBB2_4:
0x8f: {  	[hbm4b:s31+s3] =	stream.linear.scatter [tilespmem:s20], [sflag:$0x4], $0x8000, $0x38;
	[tilespmem:$0x10200] =	vst v63  }
0x90: {  	s0 =	smov.u32 s28;
	s28 =	sadd.s32 $0x200, s28;
	_ =	swait.ge [sflag:s18], $0x4000  }
0x91: {  	s31 =	smov.u32 s30;
	p0 =	sne.s32 s28, $0x1400;
	[sflag:s18] =	ssyncset.done $0x0  }
0x92: {  	[sflag:s18] =	ssyncadd.s32 $0xFFFFC000  }
0x93: {  	s1 =	sadd.s32 s0, s10;
	s6 =	sadd.s32 $0x100, s0;
	_ =	swait.ge [sflag:s18], $0x4000  }
0x94: {  	p1 =	seq.s32 s0, $0x0;
	s6 =	sand.u32 $0x300, s6;
	[sflag:s18] =	ssyncset.done $0x0  }
0x95: {  	s7 =	simm.s32 @!p1 $0x4;
	s1 =	sand.u32 $0x7FC00, s1;
	[sflag:s18] =	ssyncadd.s32 $0xFFFFC000  }
0x96: {  	s1 =	sor.u32 s1, s6;
	_ =	swait.ge @!p1 [sflag:s7], $0x8000  }
0x97: {  	s1 =	sshrl.u32 s1, $0x3;
	[sflag:s7] =	ssyncset.done @!p1 $0x0  }
0x98: {  	s1 =	sadd.s32 s5, s1;
	[sflag:s7] =	ssyncadd.s32 @!p1 $0xFFFF8000  }
0x99: {  	[tilespmem:s19], [sflag:$0x5] =	stream.linear.gather [hbm4b:s1+s3], $0x100, $0x38;
	[tilespmem:$0x10200] =	vst v63  }
0x9a: {  	_ =	swait.ge [sflag:s14], $0x100  }
0x9b: {  	[sflag:s14] =	ssyncset.done $0x0  }
0x9c: {  	[sflag:s14] =	ssyncadd.s32 $0xFFFFFF00  }
0x9d: {  	[tilespmem:s20], [sflag:$0x2] =	stream.indirect.gather [hbm4b:s2+s15], $0x80, s19, s15, $0xb8;
	[tilespmem:$0x10200] =	vst v63  }
0x9e: {  	_ = 	snop  }
0x9f: {  	[tilespmem:s22], [sflag:$0x2] =	stream.indirect.gather [hbm4b:s2+s15], $0x80, s21, s15, $0xb8;
	[tilespmem:$0x10200] =	vst v63  }
0xa0: {  	_ = 	snop  }
0xa1: {  	[hbm4b:s29+s3] =	stream.linear.scatter [tilespmem:s16], [sflag:$0x3], $0x8000, $0x38;
	[tilespmem:$0x10200] =	vst v63  }
0xa2: {  	_ =	swait.ge [sflag:s23], $0x4000  }
0xa3: {  	[sflag:s23] =	ssyncset.done $0x0  }
0xa4: {  	p1 =	seq.s32 s0, $0x1200;
	[sflag:s23] =	ssyncadd.s32 $0xFFFFC000  }
0xa5: {  	s1 =	sadd.s32 @!p1 s0, s10;
	s0 =	sxor.u32 @!p1 $0xFFFFFFFF, s0;
	_ =	swait.ge [sflag:s23], $0x4000  }
0xa6: {  	s1 =	sadd.s32 @!p1 $0x200, s1;
	s0 =	sand.u32 @!p1 $0x200, s0;
	[sflag:s23] =	ssyncset.done $0x0  }
0xa7: {  	s1 =	sand.u32 @!p1 $0x7FC00, s1;
	[sflag:s23] =	ssyncadd.s32 $0xFFFFC000  }
0xa8: {  	s0 =	sor.u32 @!p1 s0, s1;
	_ =	swait.ge [sflag:s24], $0x8000  }
0xa9: {  	s1 =	simm.s32 @!p1 $0x5;
	s0 =	sshrl.u32 @!p1 s0, $0x3;
	[sflag:s24] =	ssyncset.done $0x0  }
0xaa: {  	s6 =	simm.s32 @!p1 $0x0;
	s0 =	sadd.s32 @!p1 s5, s0;
	[sflag:s24] =	ssyncadd.s32 $0xFFFF8000  }
0xab: {  	[tilespmem:s6], [sflag:$0x5] =	stream.linear.gather @!p1 [hbm4b:s0+s6], $0x100, $0x38;
	[tilespmem:$0x10200] =	vst v63  }
0xac: {  	_ =	swait.ge @!p1 [sflag:s1], $0x100  }
0xad: {  	s0 =	simm.s32 @!p1 $0x200;
	[sflag:s1] =	ssyncset.done @!p1 $0x0  }
.Ltmp1:
0xae: {  	[sflag:s1] =	ssyncadd.s32 @!p1 $0xFFFFFF00;
	s1 =	simm.s32 @!p1 $0x80;
	(pc) =	sbr.rel @p0 .LBB2_4-.Ltmp1, $4  }
0xaf: {  	[tilespmem:s0], [sflag:$0x1] =	stream.indirect.gather @!p1 [hbm4b:s2+s1], $0x80, s6, s1, $0xb8;
	[tilespmem:$0x10200] =	vst v63  }
0xb0: {  	s0 =	simm.s32 @!p1 $0x4200  }
0xb1: {  	[tilespmem:s0], [sflag:$0x1] =	stream.indirect.gather @!p1 [hbm4b:s2+s1], $0x80, s1, s1, $0xb8;
	[tilespmem:$0x10200] =	vst v63  }
0xb2: {  	s30 =	sadd.s32 $0x2000, s30;
	s29 =	sadd.s32 $0x2000, s29  }
0xb3: {  	s26 =	sadd.s32 $0x1, s26  }
0xb4: {  	p0 =	sne.s32 s26, s8  }
.Ltmp2:
0xb5: {  	_ = 	snop;
	(pc) =	sbr.rel @p0 .LBB2_1-.Ltmp2, $4  }
0xb6: {  	[hbm4b:s31+s3] =	stream.linear.scatter [tilespmem:s20], [sflag:$0x4], $0x8000, $0x38;
	[tilespmem:$0x10200] =	vst v63  }
0xb7: {  	_ =	swait.ge [sflag:s25], $0x8000  }
0xb8: {  	[sflag:s25] =	ssyncset.done $0x0  }
0xb9: {  	[sflag:s25] =	ssyncadd.s32 $0xFFFF8000  }
0xba: {  	_ =	sfence.sel $0x180000  }
0xbb: {  	[bflag:$0x0] =	sbarrier.arrive $0xFFFF  }
0xbc: {  	_ =	strace $0x9000004A  }
0xbd: {  	s0 =	stileid.u32;
	[bflag:$0x2] =	sbarrier.arrive $0xFFFF  }
0xbe: {  	p0 =	sne.s32 s0, $0x0;
	s0 =	rddreg [dreg:$0x2]  }
0xbf: {  	s0 =	sadd.s32 @!p0 $0x100000, s0  }
0xc0: {  	[sflag:s0] =	ssyncadd.tile.s32 @!p0 $0x1;
	_ =	shalt  }
.Lfunc_end2:
_tile_overlayer_lowered:
.L_overlay_start_2:
0xc1: {  	(tag) =	ssettag $0x2  }
0xc2: {  	s0 =	rddreg [dreg:$0x0];
	s2 =	stileid.u32  }
0xc3: {  	s1 =	rddreg [dreg:$0x1];
	p0 =	sne.s32 s2, $0x0  }
0xc4: {  	s3 =	rddreg [dreg:$0x2];
	[bflag:$0x3] =	sbarrier.arrive $0xFFFF;
	s2 =	simm.s32 @!p0 $0x1C05  }
0xc5: {  	[timem:s3], [sflag:s2] =	dma.local @!p0 [hbm:s0], s1  }
0xc6: {  	s0 =	simm.s32 @!p0 $0x5  }
0xc7: {  	_ =	swait.ge @!p0 [sflag:s0], s1  }
0xc8: {  	s1 =	ssub.s32 @!p0 $0x0, s1;
	[sflag:s0] =	ssyncset.done @!p0 $0x0  }
0xc9: {  	[sflag:s0] =	ssyncadd.s32 @!p0 s1  }
0xca: {  	[bflag:$0x3] =	sbarrier.arrive $0xFFFF  }
0xcb: {  	_ =	shalt  }

// kernel: kernel.14.cloned.1.call-start
scs
__scs_entry_jumppad:
0x0: {  	(pc) =	sbr.rel $0x88, $3  }
0x1: {  	(tag) =	ssettag $0x0;
	lr =	simm.s32 $0x1  }
0x2: {  	[smem:$0x3F98] =	sst lr;
	_ =	strace $0xD0000000  }
0x3: {  	_ = 	snop  }
0x4: {  	_ = 	snop  }
0x5: {  	_ = 	snop  }
0x6: {  	_ = 	snop  }
0x7: {  	_ = 	snop  }
__scs_overlays_trampoline_lowered:
0x8: {  	[smem:$0x3FA7] =	sst s0  }
0x9: {  	[smem:$0x3FA8] =	sst s1  }
0xa: {  	[smem:$0x3FA9] =	sst s2  }
0xb: {  	[smem:$0x3FAA] =	sst s3  }
0xc: {  	[smem:$0x3FAB] =	sst s4  }
0xd: {  	[smem:$0x3FAC] =	sst s5  }
0xe: {  	[smem:$0x3FAD] =	sst s6  }
0xf: {  	[smem:$0x3FAE] =	sst s7  }
0x10: {  	[smem:$0x3FAF] =	sst s8  }
0x11: {  	[smem:$0x3FB0] =	sst s9;
	s0 =	simm.s32 @!p0 $0x0  }
0x12: {  	s1 =	sld [smem:$0x3F96];
	s0 =	simm.s32 @p0 $0x1  }
0x13: {  	[smem:$0x3FB1] =	sst s0;
	s0 =	simm.s32 @!p1 $0x0  }
0x14: {  	s2 =	sld [smem:$0x3F95];
	s0 =	simm.s32 @p1 $0x1  }
0x15: {  	[smem:$0x3FB2] =	sst s0;
	s0 =	simm.s32 @!p2 $0x0  }
0x16: {  	s3 =	sld [smem:$0x3FDB];
	s0 =	simm.s32 @p2 $0x1  }
0x17: {  	s4 =	simm.s32 $0x1BF5;
	[smem:$0x3FB4] =	sst s0  }
0x18: {  	s0 =	sld [smem:$0x3F97];
	_ =	swait.ge [sflag:s4], $0x0  }
0x19: {  	s7 =	sld [smem:$0x3F98]  }
0x1a: {  	s8 =	sadd.s32 $0xFFFFE003, lr  }
0x1b: {  	s9 =	sadd.s32 $0xFFFFFEF7, lr;
	s5 =	simm.s32 $0xFFFFFFFF;
	p2 =	slt.u32 s8, $0xFFFFF086  }
0x1c: {  	p1 =	slt.u32 s9, $0xF7A;
	s5 =	simm.s32 @!p2 $0x0  }
0x1d: {  	s5 =	simm.s32 @p1 $0x1;
	p0 =	seq.s32 s7, s2  }
0x1e: {  	s7 =	smul.u32 @!p0 $0xF7A, s2;
	p2 =	seq.s32 @!p0 s5, $0x0  }
0x1f: {  	s9 =	smul.u32 $0xF7A, s1;
	s8 =	simm.s32 @!p0 $0x1BF5;
	p2 =	por !p2, p0  }
0x20: {  	[sflag:s8] =	ssyncset.s32 @!p0 $0xFFFFF086;
	s6 =	sadd.s32 @!p0 s3, s7;
	s7 =	simm.s32 @!p0 $0x108  }
0x21: {  	s3 =	sadd.s32 s3, s9;
	s6 =	sadd.s32 @!p0 $0x88, s6;
	s7 =	simm.s32 @p2 $0x1082  }
0x22: {  	[simem:s7], [sflag:s8] =	dma.local @!p0 [hbm:s6], $0xF7A  }
0x23: {  	s9 =	sor.u32 $0xD0000000, s2;
	s6 =	simm.s32 $0x108;
	_ =	swait.ge @!p0 [sflag:s8], $0x0  }
0x24: {  	s3 =	sadd.s32 $0x88, s3;
	s6 =	simm.s32 @!p1 $0x1082;
	[sflag:s4] =	ssyncset.s32 $0xFFFFF086  }
0x25: {  	[simem:s6], [sflag:s4] =	dma.local [hbm:s3], $0xF7A  }
0x26: {  	[smem:$0x3F98] =	sst s1;
	(tag) =	ssettag s2;
	_ =	strace s9  }
0x27: {  	s1 =	sld [smem:$0x3FA8]  }
0x28: {  	s2 =	sld [smem:$0x3FA9]  }
0x29: {  	s4 =	sld [smem:$0x3FAB]  }
0x2a: {  	p0 =	seq.s32 s5, $0x0;
	s5 =	sld [smem:$0x3FAC]  }
0x2b: {  	s6 =	sld [smem:$0x3FAD]  }
0x2c: {  	s7 =	sld [smem:$0x3FAE]  }
0x2d: {  	s3 =	simm.s32 $0x108;
	s8 =	sld [smem:$0x3FAF]  }
0x2e: {  	s3 =	simm.s32 @!p0 $0x1082;
	s9 =	sld [smem:$0x3FB0]  }
0x2f: {  	lr =	sadd.s32 s0, s3;
	s0 =	sld [smem:$0x3FA7]  }
0x30: {  	s3 =	sld [smem:$0x3FAA]  }
0x31: {  	[smem:$0x3FB3] =	sst s10  }
0x32: {  	s10 =	sld [smem:$0x3FB1];
	_ =	sdelay $0x3  }
0x33: {  	p0 =	seq.s32 s10, $0x1;
	s10 =	sld [smem:$0x3FB3];
	_ =	sdelay $0x3  }
0x34: {  	[smem:$0x3FB3] =	sst s10  }
0x35: {  	s10 =	sld [smem:$0x3FB2];
	_ =	sdelay $0x3  }
0x36: {  	p1 =	seq.s32 s10, $0x1;
	s10 =	sld [smem:$0x3FB3];
	_ =	sdelay $0x3  }
0x37: {  	[smem:$0x3FB3] =	sst s10  }
0x38: {  	s10 =	sld [smem:$0x3FB4]  }
0x39: {  	_ = 	snop;
	(pc) =	sbr.ind lr, $3  }
0x3a: {  	_ = 	snop  }
0x3b: {  	_ = 	snop  }
0x3c: {  	p2 =	seq.s32 s10, $0x1;
	s10 =	sld [smem:$0x3FB3]  }
0x3d: {  	_ =	shalt  }
0x3e: {  	_ =	shalt  }
0x3f: {  	_ =	shalt  }
0x40: {  	_ =	shalt  }
0x41: {  	_ =	shalt  }
0x42: {  	_ =	shalt  }
0x43: {  	_ =	shalt  }
0x44: {  	_ =	shalt  }
0x45: {  	_ =	shalt  }
0x46: {  	_ =	shalt  }
0x47: {  	_ =	shalt  }
0x48: {  	_ =	shalt  }
0x49: {  	_ =	shalt  }
0x4a: {  	_ =	shalt  }
0x4b: {  	_ =	shalt  }
0x4c: {  	_ =	shalt  }
0x4d: {  	_ =	shalt  }
0x4e: {  	_ =	shalt  }
0x4f: {  	_ =	shalt  }
0x50: {  	_ =	shalt  }
0x51: {  	_ =	shalt  }
0x52: {  	_ =	shalt  }
0x53: {  	_ =	shalt  }
0x54: {  	_ =	shalt  }
0x55: {  	_ =	shalt  }
0x56: {  	_ =	shalt  }
0x57: {  	_ =	shalt  }
0x58: {  	_ =	shalt  }
0x59: {  	_ =	shalt  }
0x5a: {  	_ =	shalt  }
0x5b: {  	_ =	shalt  }
0x5c: {  	_ =	shalt  }
0x5d: {  	_ =	shalt  }
0x5e: {  	_ =	shalt  }
0x5f: {  	_ =	shalt  }
0x60: {  	_ =	shalt  }
0x61: {  	_ =	shalt  }
0x62: {  	_ =	shalt  }
0x63: {  	_ =	shalt  }
0x64: {  	_ =	shalt  }
0x65: {  	_ =	shalt  }
0x66: {  	_ =	shalt  }
0x67: {  	_ =	shalt  }
0x68: {  	_ =	shalt  }
0x69: {  	_ =	shalt  }
0x6a: {  	_ =	shalt  }
0x6b: {  	_ =	shalt  }
0x6c: {  	_ =	shalt  }
0x6d: {  	_ =	shalt  }
0x6e: {  	_ =	shalt  }
0x6f: {  	_ =	shalt  }
0x70: {  	_ =	shalt  }
0x71: {  	_ =	shalt  }
0x72: {  	_ =	shalt  }
0x73: {  	_ =	shalt  }
0x74: {  	_ =	shalt  }
0x75: {  	_ =	shalt  }
0x76: {  	_ =	shalt  }
0x77: {  	_ =	shalt  }
0x78: {  	_ =	shalt  }
0x79: {  	_ =	shalt  }
0x7a: {  	_ =	shalt  }
0x7b: {  	_ =	shalt  }
0x7c: {  	_ =	shalt  }
0x7d: {  	_ =	shalt  }
0x7e: {  	_ =	shalt  }
0x7f: {  	_ =	shalt  }
0x80: {  	_ =	shalt  }
0x81: {  	_ =	shalt  }
0x82: {  	_ =	shalt  }
0x83: {  	_ =	shalt  }
0x84: {  	_ =	shalt  }
0x85: {  	_ =	shalt  }
0x86: {  	_ =	shalt  }
0x87: {  	_ =	shalt  }
.Lfunc_end0:
.L_simem_size_0:
called_computation.1_lowered:
.L_overlay_start_0:
0x88: {  	s2 =	sld [smem:$0x3FD9]  }
0x89: {  	s3 =	sld [smem:$0x3FFE];
	_ =	sdelay $0x1  }
0x8a: {  	s1 =	srdreg.scid  }
0x8b: {  	s0 =	sand.u32 $0x1, s1  }
0x8c: {  	s17 =	sshll.u32 s0, $0xA;
	s2 =	sadd.s32 s3, s2  }
0x8d: {  	s2 =	sadd.s32 s2, s17  }
0x8e: {  	[smem:$0x3FBF] =	sst s2  }
0x8f: {  	_ = 	snop  }
0x90: {  	s2 =	sld [smem:$0x3FC9];
	(tm) =	ssettm $0x1  }
0x91: {  	s18 =	sld [smem:$0x3FFB];
	_ =	sdelay $0x3  }
0x92: {  	_ =	strace s18  }
0x93: {  	s3 =	sld [smem:$0x3FFC];
	_ =	sdelay $0x3  }
0x94: {  	_ =	strace s3  }
0x95: {  	s3 =	sld [smem:$0x3FFD];
	_ =	sdelay $0x3  }
0x96: {  	_ =	strace s3  }
0x97: {  	_ =	strace $0x8FFFFFFF  }
0x98: {  	s19 =	sld [smem:$0x3FDB];
	_ =	sdelay $0x1  }
0x99: {  	s4 =	simm.s32 $_scs_section_size  }
0x9a: {  	s5 =	simm.s32 $_size__tile_overlayer_lowered;
	s6 =	simm.s32 $_tile_overlayer_lowered  }
0x9b: {  	s22 =	simm.s32 $0x1BFF;
	s21 =	sshll.u32 s6, $0x1;
	s3 =	sadd.s32 s4, s19  }
0x9c: {  	s7 =	simm.s32 $0x0;
	s20 =	sshll.u32 s5, $0x1;
	s5 =	sadd.s32 s21, s3  }
0x9d: {  	[timem:s7], [sflag:s22] =	dma.local [hbm:s5], s20  }
0x9e: {  	_ =	swait.ge [sflag:s22], s20  }
0x9f: {  	s4 =	ssub.s32 $0x0, s20;
	[sflag:s22] =	ssyncset.done $0x0  }
0xa0: {  	[sflag:s22] =	ssyncadd.s32 s4;
	_ =	sdelay $0x1  }
0xa1: {  	s23 =	simm.s32 $0x1B8B  }
0xa2: {  	_ =	swait.ge [sflag:s23], $0x1  }
0xa3: {  	[sflag:s23] =	ssyncset.done $0x0  }
0xa4: {  	s25 =	simm.s32 $0x1B8E;
	s24 =	sld [smem:$0x3FFE];
	[sflag:s23] =	ssyncadd.s32 $0xFFFFFFFF  }
0xa5: {  	s26 =	simm.s32 $execute0_lowered;
	[smem:$0x3FD2] =	sst s25  }
0xa6: {  	s5 =	sshll.u32 s26, $0x1;
	_ =	strace $0x80000046;
	[dreg:$0x1] =	wrdreg $0xFFFFFFFF  }
0xa7: {  	s28 =	simm.s32 $_size_execute0_lowered;
	s3 =	sadd.s32 s3, s5;
	[dreg:$0x0] =	wrdreg $0x0  }
0xa8: {  	s5 =	sshll.u32 s28, $0x1;
	[dreg:$0x2] =	wrdreg s3  }
0xa9: {  	[dreg:$0x3] =	wrdreg s5  }
0xaa: {  	[dreg:$0x4] =	wrdreg $0xC0  }
0xab: {  	_ =	task [dreg:s7], $0x5FFFF  }
0xac: {  	[dreg:$0x1] =	wrdreg $0xFFFFFFFF  }
0xad: {  	[dreg:$0x0] =	wrdreg $0x60  }
0xae: {  	[dreg:$0x2] =	wrdreg s2  }
0xaf: {  	[dreg:$0x3] =	wrdreg s24  }
0xb0: {  	[dreg:$0x4] =	wrdreg $0xA  }
0xb1: {  	_ =	task.clear_ibuf [dreg:s7], $0x5FFFF;
	_ =	strace $0x90000046  }
0xb2: {  	s29 =	simm.s32 $0xA;
	_ =	strace $0x80000048  }
0xb3: {  	_ =	swait.ge [sflag:s29], $0x1  }
0xb4: {  	[sflag:s29] =	ssyncadd.s32 $0xFFFFFFFF  }
0xb5: {  	_ =	strace $0x90000048  }
0xb6: {  	_ =	sfence  }
0xb7: {  	s30 =	sld [smem:$0x0];
	_ =	sdelay $0x2  }
0xb8: {  	s31 =	sshll.u32 s1, $0xD;
	s1 =	sshrl.u32 s1, $0x2  }
0xb9: {  	s3 =	sand.u32 $0x4000, s31;
	s1 =	sadd.s32 s1, s30  }
0xba: {  	s0 =	sor.u32 s3, s0;
	s1 =	sshll.u32 s1, $0x11  }
0xbb: {  	s0 =	sor.u32 s1, s0  }
0xbc: {  	s0 =	sadd.s32 $0x8F2B, s0  }
0xbd: {  	[sflag:s0] =	ssyncadd.remote.s32 $0x1  }
0xbe: {  	_ =	sfence.sel $0xFFFF  }
0xbf: {  	[dreg:$0x0] =	wrdreg $0xFFFFFFFF;
	(pc) =	sbr.abs _section_cstart, $3  }
0xc0: {  	[dreg:$0x1] =	wrdreg $0xFFFFFFFF  }
0xc1: {  	_ =	task.clear_ibuf [dreg:s7], $0x2FFFF;
	_ =	strace $0x9FFFFFFF  }
0xc2: {  	(tm) =	ssettm $0x7FFFFFFF  }
0xc3: {  	_ =	shalt  }
tec
execute0_lowered:
.L_overlay_start_1:
0x0: {  	(tag) =	ssettag $0x1  }
0x1: {  	s2 =	rddreg [dreg:$0x0]  }
0x2: {  	s6 =	rddreg [dreg:$0x1]  }
0x3: {  	s4 =	srdreg.scid;
	s0 =	stileid.u32  }
0x4: {  	s3 =	simm.s32 $0x0;
	s17 =	simm.s32 $0x4200;
	s18 =	simm.s32 $0x1  }
0x5: {  	s19 =	simm.s32 $0x100;
	s20 =	simm.s32 $0x8200;
	s21 =	simm.s32 $0x180  }
0x6: {  	s22 =	simm.s32 $0xC200;
	s23 =	simm.s32 $0x2;
	s24 =	simm.s32 $0x3  }
0x7: {  	s25 =	simm.s32 $0x4;
	s26 =	simm.s32 $0x0;
	s8 =	sand.u32 $0x1, s4  }
0x8: {  	s28 =	sshll.u32 s0, $0x1;
	[smem:$0x7FF] =	sst s3;
	s10 =	smul.u32 $0x140000, s0  }
0x9: {  	s5 =	sadd.s32 $0x8000, s6;
	s13 =	sadd.s32 $0x1C000, s6;
	s29 =	smul.u32 $0x2800, s0  }
0xa: {  	s14 =	sadd.s32 $0x29C000, s6;
	s4 =	sor.u32 s8, s28;
	s12 =	smul.u32 $0xA0000, s8  }
0xb: {  	_ =	strace $0x80000047;
	s9 =	ssub.s32 $0x2, s8;
	s7 =	smul.u32 $0x280, s4  }
0xc: {  	s31 =	smul.u32 $0x1400, s8;
	s4 =	sadd.s32 $0x3000, s6;
	s11 =	sshrl.u32 s9, $0x1  }
0xd: {  	s9 =	ssub.s32 s9, s11;
	s10 =	sadd.s32 s12, s10;
	s1 =	sadd.s32 s4, s7  }
0xe: {  	s30 =	sadd.s32 s5, s7;
	s15 =	sor.u32 $0x8000, s10;
	s8 =	smax.u32 s9, $0x1  }
0xf: {  	s16 =	sshrl.u32 s10, $0x3;
	s10 =	sadd.s32 s31, s29;
	[dreg:$0x3] =	wrdreg s1  }
0x10: {  	[dreg:$0x4] =	wrdreg s30;
	s15 =	sshrl.u32 s15, $0x3;
	s9 =	sadd.s32 s16, s13  }
0x11: {  	s12 =	sadd.s32 s16, s14;
	s16 =	simm.s32 $0x200;
	s11 =	sadd.s32 s15, s13  }
0x12: {  	s13 =	sadd.s32 s15, s14;
	s14 =	simm.s32 $0x5;
	s15 =	simm.s32 $0x80  }
.LBB2_1:
0x13: {  	s0 =	rddreg [dreg:$0x3]  }
0x14: {  	[tilespmem:s3], [sflag:$0x5] =	stream.linear.gather [hbm4b:s0+s3], $0x100, $0x38;
	[tilespmem:$0x10200] =	vst v63  }
0x15: {  	_ =	swait.ge [sflag:s14], $0x100  }
0x16: {  	[sflag:s14] =	ssyncset.done $0x0  }
0x17: {  	[sflag:s14] =	ssyncadd.s32 $0xFFFFFF00  }
0x18: {  	[tilespmem:s16], [sflag:$0x1] =	stream.indirect.gather [hbm4b:s2+s15], $0x80, s3, s15, $0xb8;
	[tilespmem:$0x10200] =	vst v63  }
0x19: {  	_ = 	snop  }
0x1a: {  	[tilespmem:s17], [sflag:$0x1] =	stream.indirect.gather [hbm4b:s2+s15], $0x80, s15, s15, $0xb8;
	[tilespmem:$0x10200] =	vst v63  }
0x1b: {  	_ =	swait.ge [sflag:s18], $0x4000  }
0x1c: {  	[sflag:s18] =	ssyncset.done $0x0  }
0x1d: {  	[sflag:s18] =	ssyncadd.s32 $0xFFFFC000  }
0x1e: {  	s28 =	sadd.s32 $0x0, s10;
	s29 =	simm.s32 $0x100;
	_ =	swait.ge [sflag:s18], $0x4000  }
0x1f: {  	p0 =	por $0x1, $0x1;
	s29 =	sand.u32 $0x300, s29;
	[sflag:s18] =	ssyncset.done $0x0  }
0x20: {  	s30 =	simm.s32 @!p0 $0x4;
	s28 =	sand.u32 $0x7FC00, s28;
	[sflag:s18] =	ssyncadd.s32 $0xFFFFC000  }
0x21: {  	s28 =	sor.u32 s28, s29;
	_ =	swait.ge @!p0 [sflag:s30], $0x8000  }
0x22: {  	s28 =	sshrl.u32 s28, $0x3;
	[sflag:s30] =	ssyncset.done @!p0 $0x0  }
0x23: {  	s28 =	sadd.s32 s4, s28;
	[sflag:s30] =	ssyncadd.s32 @!p0 $0xFFFF8000  }
0x24: {  	[tilespmem:s19], [sflag:$0x5] =	stream.linear.gather [hbm4b:s28+s3], $0x100, $0x38;
	[tilespmem:$0x10200] =	vst v63  }
0x25: {  	_ =	swait.ge [sflag:s14], $0x100  }
0x26: {  	[sflag:s14] =	ssyncset.done $0x0  }
0x27: {  	[sflag:s14] =	ssyncadd.s32 $0xFFFFFF00  }
0x28: {  	[tilespmem:s20], [sflag:$0x2] =	stream.indirect.gather [hbm4b:s2+s15], $0x80, s19, s15, $0xb8;
	[tilespmem:$0x10200] =	vst v63  }
0x29: {  	_ = 	snop  }
0x2a: {  	[tilespmem:s22], [sflag:$0x2] =	stream.indirect.gather [hbm4b:s2+s15], $0x80, s21, s15, $0xb8;
	[tilespmem:$0x10200] =	vst v63  }
0x2b: {  	_ = 	snop  }
0x2c: {  	[hbm4b:s9+s3] =	stream.linear.scatter [tilespmem:s16], [sflag:$0x3], $0x8000, $0x38;
	[tilespmem:$0x10200] =	vst v63  }
0x2d: {  	_ =	swait.ge [sflag:s23], $0x4000  }
0x2e: {  	[sflag:s23] =	ssyncset.done $0x0  }
0x2f: {  	p0 =	por $0x0, $0x0;
	[sflag:s23] =	ssyncadd.s32 $0xFFFFC000  }
0x30: {  	s28 =	sadd.s32 @!p0 $0x0, s10;
	_ =	swait.ge [sflag:s23], $0x4000  }
0x31: {  	s29 =	sxor.u32 @!p0 $0xFFFFFFFF, s3;
	s28 =	sadd.s32 @!p0 $0x200, s28;
	[sflag:s23] =	ssyncset.done $0x0  }
0x32: {  	s29 =	sand.u32 @!p0 $0x200, s29;
	s28 =	sand.u32 @!p0 $0x7FC00, s28;
	[sflag:s23] =	ssyncadd.s32 $0xFFFFC000  }
0x33: {  	s28 =	sor.u32 @!p0 s29, s28;
	_ =	swait.ge [sflag:s24], $0x8000  }
0x34: {  	s30 =	simm.s32 @!p0 $0x0;
	s28 =	sshrl.u32 @!p0 s28, $0x3;
	[sflag:s24] =	ssyncset.done $0x0  }
0x35: {  	s29 =	simm.s32 @!p0 $0x5;
	s28 =	sadd.s32 @!p0 s4, s28;
	[sflag:s24] =	ssyncadd.s32 $0xFFFF8000  }
0x36: {  	[tilespmem:s30], [sflag:$0x5] =	stream.linear.gather @!p0 [hbm4b:s28+s30], $0x100, $0x38;
	[tilespmem:$0x10200] =	vst v63  }
0x37: {  	_ =	swait.ge @!p0 [sflag:s29], $0x100  }
0x38: {  	[sflag:s29] =	ssyncset.done @!p0 $0x0  }
0x39: {  	s28 =	simm.s32 @!p0 $0x200;
	[sflag:s29] =	ssyncadd.s32 @!p0 $0xFFFFFF00;
	s29 =	simm.s32 @!p0 $0x80  }
0x3a: {  	[tilespmem:s28], [sflag:$0x1] =	stream.indirect.gather @!p0 [hbm4b:s2+s29], $0x80, s30, s29, $0xb8;
	[tilespmem:$0x10200] =	vst v63  }
0x3b: {  	s31 =	smov.u32 s11;
	s28 =	simm.s32 @!p0 $0x4200  }
0x3c: {  	[tilespmem:s28], [sflag:$0x1] =	stream.indirect.gather @!p0 [hbm4b:s2+s29], $0x80, s29, s29, $0xb8;
	[tilespmem:$0x10200] =	vst v63  }
0x3d: {  	s30 =	sadd.s32 $0x2000, s11;
	s28 =	simm.s32 $0x200;
	s29 =	sadd.s32 $0x2000, s9  }
.LBB2_2:
0x3e: {  	[hbm4b:s31+s3] =	stream.linear.scatter [tilespmem:s20], [sflag:$0x4], $0x8000, $0x38;
	[tilespmem:$0x10200] =	vst v63  }
0x3f: {  	s0 =	smov.u32 s28;
	s28 =	sadd.s32 $0x200, s28;
	_ =	swait.ge [sflag:s18], $0x4000  }
0x40: {  	s31 =	smov.u32 s30;
	p0 =	sne.s32 s28, $0x1400;
	[sflag:s18] =	ssyncset.done $0x0  }
0x41: {  	[sflag:s18] =	ssyncadd.s32 $0xFFFFC000  }
0x42: {  	s1 =	sadd.s32 s0, s10;
	s6 =	sadd.s32 $0x100, s0;
	_ =	swait.ge [sflag:s18], $0x4000  }
0x43: {  	p1 =	seq.s32 s0, $0x0;
	s6 =	sand.u32 $0x300, s6;
	[sflag:s18] =	ssyncset.done $0x0  }
0x44: {  	s7 =	simm.s32 @!p1 $0x4;
	s1 =	sand.u32 $0x7FC00, s1;
	[sflag:s18] =	ssyncadd.s32 $0xFFFFC000  }
0x45: {  	s1 =	sor.u32 s1, s6;
	_ =	swait.ge @!p1 [sflag:s7], $0x8000  }
0x46: {  	s1 =	sshrl.u32 s1, $0x3;
	[sflag:s7] =	ssyncset.done @!p1 $0x0  }
0x47: {  	s1 =	sadd.s32 s4, s1;
	[sflag:s7] =	ssyncadd.s32 @!p1 $0xFFFF8000  }
0x48: {  	[tilespmem:s19], [sflag:$0x5] =	stream.linear.gather [hbm4b:s1+s3], $0x100, $0x38;
	[tilespmem:$0x10200] =	vst v63  }
0x49: {  	_ =	swait.ge [sflag:s14], $0x100  }
0x4a: {  	[sflag:s14] =	ssyncset.done $0x0  }
0x4b: {  	[sflag:s14] =	ssyncadd.s32 $0xFFFFFF00  }
0x4c: {  	[tilespmem:s20], [sflag:$0x2] =	stream.indirect.gather [hbm4b:s2+s15], $0x80, s19, s15, $0xb8;
	[tilespmem:$0x10200] =	vst v63  }
0x4d: {  	_ = 	snop  }
0x4e: {  	[tilespmem:s22], [sflag:$0x2] =	stream.indirect.gather [hbm4b:s2+s15], $0x80, s21, s15, $0xb8;
	[tilespmem:$0x10200] =	vst v63  }
0x4f: {  	_ = 	snop  }
0x50: {  	[hbm4b:s29+s3] =	stream.linear.scatter [tilespmem:s16], [sflag:$0x3], $0x8000, $0x38;
	[tilespmem:$0x10200] =	vst v63  }
0x51: {  	_ =	swait.ge [sflag:s23], $0x4000  }
0x52: {  	[sflag:s23] =	ssyncset.done $0x0  }
0x53: {  	p1 =	seq.s32 s0, $0x1200;
	[sflag:s23] =	ssyncadd.s32 $0xFFFFC000  }
0x54: {  	s1 =	sadd.s32 @!p1 s0, s10;
	s0 =	sxor.u32 @!p1 $0xFFFFFFFF, s0;
	_ =	swait.ge [sflag:s23], $0x4000  }
0x55: {  	s1 =	sadd.s32 @!p1 $0x200, s1;
	s0 =	sand.u32 @!p1 $0x200, s0;
	[sflag:s23] =	ssyncset.done $0x0  }
0x56: {  	s1 =	sand.u32 @!p1 $0x7FC00, s1;
	[sflag:s23] =	ssyncadd.s32 $0xFFFFC000  }
0x57: {  	s0 =	sor.u32 @!p1 s0, s1;
	_ =	swait.ge [sflag:s24], $0x8000  }
0x58: {  	s1 =	simm.s32 @!p1 $0x5;
	s0 =	sshrl.u32 @!p1 s0, $0x3;
	[sflag:s24] =	ssyncset.done $0x0  }
0x59: {  	s6 =	simm.s32 @!p1 $0x0;
	s0 =	sadd.s32 @!p1 s4, s0;
	[sflag:s24] =	ssyncadd.s32 $0xFFFF8000  }
0x5a: {  	[tilespmem:s6], [sflag:$0x5] =	stream.linear.gather @!p1 [hbm4b:s0+s6], $0x100, $0x38;
	[tilespmem:$0x10200] =	vst v63  }
0x5b: {  	_ =	swait.ge @!p1 [sflag:s1], $0x100  }
0x5c: {  	s0 =	simm.s32 @!p1 $0x200;
	[sflag:s1] =	ssyncset.done @!p1 $0x0  }
.Ltmp0:
0x5d: {  	[sflag:s1] =	ssyncadd.s32 @!p1 $0xFFFFFF00;
	s1 =	simm.s32 @!p1 $0x80;
	(pc) =	sbr.rel @p0 .LBB2_2-.Ltmp0, $4  }
0x5e: {  	[tilespmem:s0], [sflag:$0x1] =	stream.indirect.gather @!p1 [hbm4b:s2+s1], $0x80, s6, s1, $0xb8;
	[tilespmem:$0x10200] =	vst v63  }
0x5f: {  	s0 =	simm.s32 @!p1 $0x4200  }
0x60: {  	[tilespmem:s0], [sflag:$0x1] =	stream.indirect.gather @!p1 [hbm4b:s2+s1], $0x80, s1, s1, $0xb8;
	[tilespmem:$0x10200] =	vst v63  }
0x61: {  	s30 =	sadd.s32 $0x2000, s30;
	s29 =	sadd.s32 $0x2000, s29  }
0x62: {  	[hbm4b:s31+s3] =	stream.linear.scatter [tilespmem:s20], [sflag:$0x4], $0x8000, $0x38;
	[tilespmem:$0x10200] =	vst v63  }
0x63: {  	_ =	swait.ge [sflag:s25], $0x8000  }
0x64: {  	[sflag:s25] =	ssyncset.done $0x0  }
0x65: {  	s0 =	simm.s32 $0x0;
	s1 =	rddreg [dreg:$0x4];
	[sflag:s25] =	ssyncadd.s32 $0xFFFF8000  }
0x66: {  	[tilespmem:s0], [sflag:$0x5] =	stream.linear.gather [hbm4b:s1+s0], $0x100, $0x38;
	[tilespmem:$0x10200] =	vst v63  }
0x67: {  	_ =	swait.ge [sflag:s14], $0x100  }
0x68: {  	[sflag:s14] =	ssyncset.done $0x0  }
0x69: {  	[sflag:s14] =	ssyncadd.s32 $0xFFFFFF00  }
0x6a: {  	[tilespmem:s16], [sflag:$0x1] =	stream.indirect.gather [hbm4b:s2+s15], $0x80, s0, s15, $0xb8;
	[tilespmem:$0x10200] =	vst v63  }
0x6b: {  	_ = 	snop  }
0x6c: {  	[tilespmem:s17], [sflag:$0x1] =	stream.indirect.gather [hbm4b:s2+s15], $0x80, s15, s15, $0xb8;
	[tilespmem:$0x10200] =	vst v63  }
0x6d: {  	_ =	swait.ge [sflag:s18], $0x4000  }
0x6e: {  	[sflag:s18] =	ssyncset.done $0x0  }
0x6f: {  	[sflag:s18] =	ssyncadd.s32 $0xFFFFC000  }
0x70: {  	s6 =	simm.s32 $0x100;
	p0 =	por $0x1, $0x1;
	_ =	swait.ge [sflag:s18], $0x4000  }
0x71: {  	s6 =	sand.u32 $0x300, s6;
	s1 =	sadd.s32 $0x0, s10;
	[sflag:s18] =	ssyncset.done $0x0  }
0x72: {  	s7 =	simm.s32 @!p0 $0x4;
	s1 =	sand.u32 $0x7FC00, s1;
	[sflag:s18] =	ssyncadd.s32 $0xFFFFC000  }
0x73: {  	s1 =	sor.u32 s1, s6;
	_ =	swait.ge @!p0 [sflag:s7], $0x8000  }
0x74: {  	s1 =	sshrl.u32 s1, $0x3;
	[sflag:s7] =	ssyncset.done @!p0 $0x0  }
0x75: {  	s1 =	sadd.s32 s5, s1;
	[sflag:s7] =	ssyncadd.s32 @!p0 $0xFFFF8000  }
0x76: {  	[tilespmem:s19], [sflag:$0x5] =	stream.linear.gather [hbm4b:s1+s3], $0x100, $0x38;
	[tilespmem:$0x10200] =	vst v63  }
0x77: {  	_ =	swait.ge [sflag:s14], $0x100  }
0x78: {  	[sflag:s14] =	ssyncset.done $0x0  }
0x79: {  	[sflag:s14] =	ssyncadd.s32 $0xFFFFFF00  }
0x7a: {  	[tilespmem:s20], [sflag:$0x2] =	stream.indirect.gather [hbm4b:s2+s15], $0x80, s19, s15, $0xb8;
	[tilespmem:$0x10200] =	vst v63  }
0x7b: {  	_ = 	snop  }
0x7c: {  	[tilespmem:s22], [sflag:$0x2] =	stream.indirect.gather [hbm4b:s2+s15], $0x80, s21, s15, $0xb8;
	[tilespmem:$0x10200] =	vst v63  }
0x7d: {  	_ = 	snop  }
0x7e: {  	[hbm4b:s12+s3] =	stream.linear.scatter [tilespmem:s16], [sflag:$0x3], $0x8000, $0x38;
	[tilespmem:$0x10200] =	vst v63  }
0x7f: {  	_ =	swait.ge [sflag:s23], $0x4000  }
0x80: {  	[sflag:s23] =	ssyncset.done $0x0  }
0x81: {  	p0 =	por $0x0, $0x0;
	[sflag:s23] =	ssyncadd.s32 $0xFFFFC000  }
0x82: {  	s1 =	sadd.s32 @!p0 $0x0, s10;
	_ =	swait.ge [sflag:s23], $0x4000  }
0x83: {  	s0 =	sxor.u32 @!p0 $0xFFFFFFFF, s0;
	s1 =	sadd.s32 @!p0 $0x200, s1;
	[sflag:s23] =	ssyncset.done $0x0  }
0x84: {  	s0 =	sand.u32 @!p0 $0x200, s0;
	s1 =	sand.u32 @!p0 $0x7FC00, s1;
	[sflag:s23] =	ssyncadd.s32 $0xFFFFC000  }
0x85: {  	s0 =	sor.u32 @!p0 s0, s1;
	_ =	swait.ge [sflag:s24], $0x8000  }
0x86: {  	s6 =	simm.s32 @!p0 $0x0;
	s0 =	sshrl.u32 @!p0 s0, $0x3;
	[sflag:s24] =	ssyncset.done $0x0  }
0x87: {  	s1 =	simm.s32 @!p0 $0x5;
	s0 =	sadd.s32 @!p0 s5, s0;
	[sflag:s24] =	ssyncadd.s32 $0xFFFF8000  }
0x88: {  	[tilespmem:s6], [sflag:$0x5] =	stream.linear.gather @!p0 [hbm4b:s0+s6], $0x100, $0x38;
	[tilespmem:$0x10200] =	vst v63  }
0x89: {  	_ =	swait.ge @!p0 [sflag:s1], $0x100  }
0x8a: {  	s28 =	simm.s32 $0x200;
	s29 =	sadd.s32 $0x2000, s12;
	[sflag:s1] =	ssyncset.done @!p0 $0x0  }
0x8b: {  	s0 =	simm.s32 @!p0 $0x200;
	[sflag:s1] =	ssyncadd.s32 @!p0 $0xFFFFFF00;
	s1 =	simm.s32 @!p0 $0x80  }
0x8c: {  	[tilespmem:s0], [sflag:$0x1] =	stream.indirect.gather @!p0 [hbm4b:s2+s1], $0x80, s6, s1, $0xb8;
	[tilespmem:$0x10200] =	vst v63  }
0x8d: {  	s30 =	sadd.s32 $0x2000, s13;
	s31 =	smov.u32 s13;
	s0 =	simm.s32 @!p0 $0x4200  }
0x8e: {  	[tilespmem:s0], [sflag:$0x1] =	stream.indirect.gather @!p0 [hbm4b:s2+s1], $0x80, s1, s1, $0xb8;
	[tilespmem:$0x10200] =	vst v63  }
.LBB2_4:
0x8f: {  	[hbm4b:s31+s3] =	stream.linear.scatter [tilespmem:s20], [sflag:$0x4], $0x8000, $0x38;
	[tilespmem:$0x10200] =	vst v63  }
0x90: {  	s0 =	smov.u32 s28;
	s28 =	sadd.s32 $0x200, s28;
	_ =	swait.ge [sflag:s18], $0x4000  }
0x91: {  	s31 =	smov.u32 s30;
	p0 =	sne.s32 s28, $0x1400;
	[sflag:s18] =	ssyncset.done $0x0  }
0x92: {  	[sflag:s18] =	ssyncadd.s32 $0xFFFFC000  }
0x93: {  	s1 =	sadd.s32 s0, s10;
	s6 =	sadd.s32 $0x100, s0;
	_ =	swait.ge [sflag:s18], $0x4000  }
0x94: {  	p1 =	seq.s32 s0, $0x0;
	s6 =	sand.u32 $0x300, s6;
	[sflag:s18] =	ssyncset.done $0x0  }
0x95: {  	s7 =	simm.s32 @!p1 $0x4;
	s1 =	sand.u32 $0x7FC00, s1;
	[sflag:s18] =	ssyncadd.s32 $0xFFFFC000  }
0x96: {  	s1 =	sor.u32 s1, s6;
	_ =	swait.ge @!p1 [sflag:s7], $0x8000  }
0x97: {  	s1 =	sshrl.u32 s1, $0x3;
	[sflag:s7] =	ssyncset.done @!p1 $0x0  }
0x98: {  	s1 =	sadd.s32 s5, s1;
	[sflag:s7] =	ssyncadd.s32 @!p1 $0xFFFF8000  }
0x99: {  	[tilespmem:s19], [sflag:$0x5] =	stream.linear.gather [hbm4b:s1+s3], $0x100, $0x38;
	[tilespmem:$0x10200] =	vst v63  }
0x9a: {  	_ =	swait.ge [sflag:s14], $0x100  }
0x9b: {  	[sflag:s14] =	ssyncset.done $0x0  }
0x9c: {  	[sflag:s14] =	ssyncadd.s32 $0xFFFFFF00  }
0x9d: {  	[tilespmem:s20], [sflag:$0x2] =	stream.indirect.gather [hbm4b:s2+s15], $0x80, s19, s15, $0xb8;
	[tilespmem:$0x10200] =	vst v63  }
0x9e: {  	_ = 	snop  }
0x9f: {  	[tilespmem:s22], [sflag:$0x2] =	stream.indirect.gather [hbm4b:s2+s15], $0x80, s21, s15, $0xb8;
	[tilespmem:$0x10200] =	vst v63  }
0xa0: {  	_ = 	snop  }
0xa1: {  	[hbm4b:s29+s3] =	stream.linear.scatter [tilespmem:s16], [sflag:$0x3], $0x8000, $0x38;
	[tilespmem:$0x10200] =	vst v63  }
0xa2: {  	_ =	swait.ge [sflag:s23], $0x4000  }
0xa3: {  	[sflag:s23] =	ssyncset.done $0x0  }
0xa4: {  	p1 =	seq.s32 s0, $0x1200;
	[sflag:s23] =	ssyncadd.s32 $0xFFFFC000  }
0xa5: {  	s1 =	sadd.s32 @!p1 s0, s10;
	s0 =	sxor.u32 @!p1 $0xFFFFFFFF, s0;
	_ =	swait.ge [sflag:s23], $0x4000  }
0xa6: {  	s1 =	sadd.s32 @!p1 $0x200, s1;
	s0 =	sand.u32 @!p1 $0x200, s0;
	[sflag:s23] =	ssyncset.done $0x0  }
0xa7: {  	s1 =	sand.u32 @!p1 $0x7FC00, s1;
	[sflag:s23] =	ssyncadd.s32 $0xFFFFC000  }
0xa8: {  	s0 =	sor.u32 @!p1 s0, s1;
	_ =	swait.ge [sflag:s24], $0x8000  }
0xa9: {  	s1 =	simm.s32 @!p1 $0x5;
	s0 =	sshrl.u32 @!p1 s0, $0x3;
	[sflag:s24] =	ssyncset.done $0x0  }
0xaa: {  	s6 =	simm.s32 @!p1 $0x0;
	s0 =	sadd.s32 @!p1 s5, s0;
	[sflag:s24] =	ssyncadd.s32 $0xFFFF8000  }
0xab: {  	[tilespmem:s6], [sflag:$0x5] =	stream.linear.gather @!p1 [hbm4b:s0+s6], $0x100, $0x38;
	[tilespmem:$0x10200] =	vst v63  }
0xac: {  	_ =	swait.ge @!p1 [sflag:s1], $0x100  }
0xad: {  	s0 =	simm.s32 @!p1 $0x200;
	[sflag:s1] =	ssyncset.done @!p1 $0x0  }
.Ltmp1:
0xae: {  	[sflag:s1] =	ssyncadd.s32 @!p1 $0xFFFFFF00;
	s1 =	simm.s32 @!p1 $0x80;
	(pc) =	sbr.rel @p0 .LBB2_4-.Ltmp1, $4  }
0xaf: {  	[tilespmem:s0], [sflag:$0x1] =	stream.indirect.gather @!p1 [hbm4b:s2+s1], $0x80, s6, s1, $0xb8;
	[tilespmem:$0x10200] =	vst v63  }
0xb0: {  	s0 =	simm.s32 @!p1 $0x4200  }
0xb1: {  	[tilespmem:s0], [sflag:$0x1] =	stream.indirect.gather @!p1 [hbm4b:s2+s1], $0x80, s1, s1, $0xb8;
	[tilespmem:$0x10200] =	vst v63  }
0xb2: {  	s30 =	sadd.s32 $0x2000, s30;
	s29 =	sadd.s32 $0x2000, s29  }
0xb3: {  	s26 =	sadd.s32 $0x1, s26  }
0xb4: {  	p0 =	sne.s32 s26, s8  }
.Ltmp2:
0xb5: {  	_ = 	snop;
	(pc) =	sbr.rel @p0 .LBB2_1-.Ltmp2, $4  }
0xb6: {  	[hbm4b:s31+s3] =	stream.linear.scatter [tilespmem:s20], [sflag:$0x4], $0x8000, $0x38;
	[tilespmem:$0x10200] =	vst v63  }
0xb7: {  	_ =	swait.ge [sflag:s25], $0x8000  }
0xb8: {  	[sflag:s25] =	ssyncset.done $0x0  }
0xb9: {  	[sflag:s25] =	ssyncadd.s32 $0xFFFF8000  }
0xba: {  	_ =	sfence.sel $0x180000  }
0xbb: {  	[bflag:$0x0] =	sbarrier.arrive $0xFFFF  }
0xbc: {  	_ =	strace $0x90000047  }
0xbd: {  	s0 =	stileid.u32;
	[bflag:$0x2] =	sbarrier.arrive $0xFFFF  }
0xbe: {  	p0 =	sne.s32 s0, $0x0;
	s0 =	rddreg [dreg:$0x2]  }
0xbf: {  	s0 =	sadd.s32 @!p0 $0x100000, s0  }
0xc0: {  	[sflag:s0] =	ssyncadd.tile.s32 @!p0 $0x1;
	_ =	shalt  }
.Lfunc_end2:
_tile_overlayer_lowered:
.L_overlay_start_2:
0xc1: {  	(tag) =	ssettag $0x2  }
0xc2: {  	s0 =	rddreg [dreg:$0x0];
	s2 =	stileid.u32  }
0xc3: {  	s1 =	rddreg [dreg:$0x1];
	p0 =	sne.s32 s2, $0x0  }
0xc4: {  	s3 =	rddreg [dreg:$0x2];
	[bflag:$0x3] =	sbarrier.arrive $0xFFFF;
	s2 =	simm.s32 @!p0 $0x1C05  }
0xc5: {  	[timem:s3], [sflag:s2] =	dma.local @!p0 [hbm:s0], s1  }
0xc6: {  	s0 =	simm.s32 @!p0 $0x5  }
0xc7: {  	_ =	swait.ge @!p0 [sflag:s0], s1  }
0xc8: {  	s1 =	ssub.s32 @!p0 $0x0, s1;
	[sflag:s0] =	ssyncset.done @!p0 $0x0  }
0xc9: {  	[sflag:s0] =	ssyncadd.s32 @!p0 s1  }
0xca: {  	[bflag:$0x3] =	sbarrier.arrive $0xFFFF  }
0xcb: {  	_ =	shalt  }

// kernel: kernel.17.cloned.1.call-start
scs
__scs_entry_jumppad:
0x0: {  	(pc) =	sbr.rel $0x88, $3  }
0x1: {  	(tag) =	ssettag $0x0;
	lr =	simm.s32 $0x1  }
0x2: {  	[smem:$0x3F98] =	sst lr;
	_ =	strace $0xD0000000  }
0x3: {  	_ = 	snop  }
0x4: {  	_ = 	snop  }
0x5: {  	_ = 	snop  }
0x6: {  	_ = 	snop  }
0x7: {  	_ = 	snop  }
__scs_overlays_trampoline_lowered:
0x8: {  	[smem:$0x3FA7] =	sst s0  }
0x9: {  	[smem:$0x3FA8] =	sst s1  }
0xa: {  	[smem:$0x3FA9] =	sst s2  }
0xb: {  	[smem:$0x3FAA] =	sst s3  }
0xc: {  	[smem:$0x3FAB] =	sst s4  }
0xd: {  	[smem:$0x3FAC] =	sst s5  }
0xe: {  	[smem:$0x3FAD] =	sst s6  }
0xf: {  	[smem:$0x3FAE] =	sst s7  }
0x10: {  	[smem:$0x3FAF] =	sst s8  }
0x11: {  	[smem:$0x3FB0] =	sst s9;
	s0 =	simm.s32 @!p0 $0x0  }
0x12: {  	s1 =	sld [smem:$0x3F96];
	s0 =	simm.s32 @p0 $0x1  }
0x13: {  	[smem:$0x3FB1] =	sst s0;
	s0 =	simm.s32 @!p1 $0x0  }
0x14: {  	s2 =	sld [smem:$0x3F95];
	s0 =	simm.s32 @p1 $0x1  }
0x15: {  	[smem:$0x3FB2] =	sst s0;
	s0 =	simm.s32 @!p2 $0x0  }
0x16: {  	s3 =	sld [smem:$0x3FDB];
	s0 =	simm.s32 @p2 $0x1  }
0x17: {  	s4 =	simm.s32 $0x1BF5;
	[smem:$0x3FB4] =	sst s0  }
0x18: {  	s0 =	sld [smem:$0x3F97];
	_ =	swait.ge [sflag:s4], $0x0  }
0x19: {  	s7 =	sld [smem:$0x3F98]  }
0x1a: {  	s8 =	sadd.s32 $0xFFFFE003, lr  }
0x1b: {  	s9 =	sadd.s32 $0xFFFFFEF7, lr;
	s5 =	simm.s32 $0xFFFFFFFF;
	p2 =	slt.u32 s8, $0xFFFFF086  }
0x1c: {  	p1 =	slt.u32 s9, $0xF7A;
	s5 =	simm.s32 @!p2 $0x0  }
0x1d: {  	s5 =	simm.s32 @p1 $0x1;
	p0 =	seq.s32 s7, s2  }
0x1e: {  	s7 =	smul.u32 @!p0 $0xF7A, s2;
	p2 =	seq.s32 @!p0 s5, $0x0  }
0x1f: {  	s9 =	smul.u32 $0xF7A, s1;
	s8 =	simm.s32 @!p0 $0x1BF5;
	p2 =	por !p2, p0  }
0x20: {  	[sflag:s8] =	ssyncset.s32 @!p0 $0xFFFFF086;
	s6 =	sadd.s32 @!p0 s3, s7;
	s7 =	simm.s32 @!p0 $0x108  }
0x21: {  	s3 =	sadd.s32 s3, s9;
	s6 =	sadd.s32 @!p0 $0x88, s6;
	s7 =	simm.s32 @p2 $0x1082  }
0x22: {  	[simem:s7], [sflag:s8] =	dma.local @!p0 [hbm:s6], $0xF7A  }
0x23: {  	s9 =	sor.u32 $0xD0000000, s2;
	s6 =	simm.s32 $0x108;
	_ =	swait.ge @!p0 [sflag:s8], $0x0  }
0x24: {  	s3 =	sadd.s32 $0x88, s3;
	s6 =	simm.s32 @!p1 $0x1082;
	[sflag:s4] =	ssyncset.s32 $0xFFFFF086  }
0x25: {  	[simem:s6], [sflag:s4] =	dma.local [hbm:s3], $0xF7A  }
0x26: {  	[smem:$0x3F98] =	sst s1;
	(tag) =	ssettag s2;
	_ =	strace s9  }
0x27: {  	s1 =	sld [smem:$0x3FA8]  }
0x28: {  	s2 =	sld [smem:$0x3FA9]  }
0x29: {  	s4 =	sld [smem:$0x3FAB]  }
0x2a: {  	p0 =	seq.s32 s5, $0x0;
	s5 =	sld [smem:$0x3FAC]  }
0x2b: {  	s6 =	sld [smem:$0x3FAD]  }
0x2c: {  	s7 =	sld [smem:$0x3FAE]  }
0x2d: {  	s3 =	simm.s32 $0x108;
	s8 =	sld [smem:$0x3FAF]  }
0x2e: {  	s3 =	simm.s32 @!p0 $0x1082;
	s9 =	sld [smem:$0x3FB0]  }
0x2f: {  	lr =	sadd.s32 s0, s3;
	s0 =	sld [smem:$0x3FA7]  }
0x30: {  	s3 =	sld [smem:$0x3FAA]  }
0x31: {  	[smem:$0x3FB3] =	sst s10  }
0x32: {  	s10 =	sld [smem:$0x3FB1];
	_ =	sdelay $0x3  }
0x33: {  	p0 =	seq.s32 s10, $0x1;
	s10 =	sld [smem:$0x3FB3];
	_ =	sdelay $0x3  }
0x34: {  	[smem:$0x3FB3] =	sst s10  }
0x35: {  	s10 =	sld [smem:$0x3FB2];
	_ =	sdelay $0x3  }
0x36: {  	p1 =	seq.s32 s10, $0x1;
	s10 =	sld [smem:$0x3FB3];
	_ =	sdelay $0x3  }
0x37: {  	[smem:$0x3FB3] =	sst s10  }
0x38: {  	s10 =	sld [smem:$0x3FB4]  }
0x39: {  	_ = 	snop;
	(pc) =	sbr.ind lr, $3  }
0x3a: {  	_ = 	snop  }
0x3b: {  	_ = 	snop  }
0x3c: {  	p2 =	seq.s32 s10, $0x1;
	s10 =	sld [smem:$0x3FB3]  }
0x3d: {  	_ =	shalt  }
0x3e: {  	_ =	shalt  }
0x3f: {  	_ =	shalt  }
0x40: {  	_ =	shalt  }
0x41: {  	_ =	shalt  }
0x42: {  	_ =	shalt  }
0x43: {  	_ =	shalt  }
0x44: {  	_ =	shalt  }
0x45: {  	_ =	shalt  }
0x46: {  	_ =	shalt  }
0x47: {  	_ =	shalt  }
0x48: {  	_ =	shalt  }
0x49: {  	_ =	shalt  }
0x4a: {  	_ =	shalt  }
0x4b: {  	_ =	shalt  }
0x4c: {  	_ =	shalt  }
0x4d: {  	_ =	shalt  }
0x4e: {  	_ =	shalt  }
0x4f: {  	_ =	shalt  }
0x50: {  	_ =	shalt  }
0x51: {  	_ =	shalt  }
0x52: {  	_ =	shalt  }
0x53: {  	_ =	shalt  }
0x54: {  	_ =	shalt  }
0x55: {  	_ =	shalt  }
0x56: {  	_ =	shalt  }
0x57: {  	_ =	shalt  }
0x58: {  	_ =	shalt  }
0x59: {  	_ =	shalt  }
0x5a: {  	_ =	shalt  }
0x5b: {  	_ =	shalt  }
0x5c: {  	_ =	shalt  }
0x5d: {  	_ =	shalt  }
0x5e: {  	_ =	shalt  }
0x5f: {  	_ =	shalt  }
0x60: {  	_ =	shalt  }
0x61: {  	_ =	shalt  }
0x62: {  	_ =	shalt  }
0x63: {  	_ =	shalt  }
0x64: {  	_ =	shalt  }
0x65: {  	_ =	shalt  }
0x66: {  	_ =	shalt  }
0x67: {  	_ =	shalt  }
0x68: {  	_ =	shalt  }
0x69: {  	_ =	shalt  }
0x6a: {  	_ =	shalt  }
0x6b: {  	_ =	shalt  }
0x6c: {  	_ =	shalt  }
0x6d: {  	_ =	shalt  }
0x6e: {  	_ =	shalt  }
0x6f: {  	_ =	shalt  }
0x70: {  	_ =	shalt  }
0x71: {  	_ =	shalt  }
0x72: {  	_ =	shalt  }
0x73: {  	_ =	shalt  }
0x74: {  	_ =	shalt  }
0x75: {  	_ =	shalt  }
0x76: {  	_ =	shalt  }
0x77: {  	_ =	shalt  }
0x78: {  	_ =	shalt  }
0x79: {  	_ =	shalt  }
0x7a: {  	_ =	shalt  }
0x7b: {  	_ =	shalt  }
0x7c: {  	_ =	shalt  }
0x7d: {  	_ =	shalt  }
0x7e: {  	_ =	shalt  }
0x7f: {  	_ =	shalt  }
0x80: {  	_ =	shalt  }
0x81: {  	_ =	shalt  }
0x82: {  	_ =	shalt  }
0x83: {  	_ =	shalt  }
0x84: {  	_ =	shalt  }
0x85: {  	_ =	shalt  }
0x86: {  	_ =	shalt  }
0x87: {  	_ =	shalt  }
.Lfunc_end0:
.L_simem_size_0:
called_computation.2_lowered:
.L_overlay_start_0:
0x88: {  	s2 =	sld [smem:$0x3FD9]  }
0x89: {  	s3 =	sld [smem:$0x3FFE];
	_ =	sdelay $0x1  }
0x8a: {  	s1 =	srdreg.scid  }
0x8b: {  	s0 =	sand.u32 $0x1, s1  }
0x8c: {  	s17 =	sshll.u32 s0, $0xA;
	s2 =	sadd.s32 s3, s2  }
0x8d: {  	s2 =	sadd.s32 s2, s17  }
0x8e: {  	[smem:$0x3FBF] =	sst s2  }
0x8f: {  	_ = 	snop  }
0x90: {  	s18 =	sld [smem:$0x3FD0];
	(tm) =	ssettm $0x1  }
0x91: {  	s19 =	sld [smem:$0x3FFB];
	_ =	sdelay $0x3  }
0x92: {  	_ =	strace s19  }
0x93: {  	s2 =	sld [smem:$0x3FFC];
	_ =	sdelay $0x3  }
0x94: {  	_ =	strace s2  }
0x95: {  	s2 =	sld [smem:$0x3FFD];
	_ =	sdelay $0x3  }
0x96: {  	_ =	strace s2  }
0x97: {  	_ =	strace $0x8FFFFFFF  }
0x98: {  	s20 =	sld [smem:$0x3FDB];
	_ =	sdelay $0x1  }
0x99: {  	s4 =	simm.s32 $_scs_section_size  }
0x9a: {  	s5 =	simm.s32 $_size__tile_overlayer_lowered;
	s6 =	simm.s32 $_tile_overlayer_lowered  }
0x9b: {  	s7 =	simm.s32 $0x1BFF;
	s21 =	sshll.u32 s6, $0x1;
	s4 =	sadd.s32 s4, s20  }
0x9c: {  	s22 =	simm.s32 $0x0;
	s5 =	sshll.u32 s5, $0x1;
	s6 =	sadd.s32 s21, s4  }
0x9d: {  	[timem:s22], [sflag:s7] =	dma.local [hbm:s6], s5  }
0x9e: {  	_ =	swait.ge [sflag:s7], s5  }
0x9f: {  	s5 =	ssub.s32 $0x0, s5;
	[sflag:s7] =	ssyncset.done $0x0  }
0xa0: {  	[sflag:s7] =	ssyncadd.s32 s5;
	_ =	sdelay $0x1  }
0xa1: {  	s23 =	simm.s32 $0x1B8B  }
0xa2: {  	_ =	swait.ge [sflag:s23], $0x1  }
0xa3: {  	[sflag:s23] =	ssyncset.done $0x0  }
0xa4: {  	[sflag:s23] =	ssyncadd.s32 $0xFFFFFFFF  }
0xa5: {  	s5 =	sld [smem:$0x0]  }
0xa6: {  	s6 =	sand.u32 $0xFFFFFFFE, s1  }
0xa7: {  	p0 =	sne.s32 s1, s6  }
0xa8: {  	s6 =	sshll.u32 @p0 s6, $0xE  }
0xa9: {  	s6 =	sadd.s32 @p0 $0x11B8D, s6;
	s7 =	sshll.u32 @p0 s5, $0x11  }
0xaa: {  	s6 =	sor.u32 @p0 s7, s6  }
0xab: {  	[sflag:s6] =	ssyncadd.remote.s32 @p0 $0x1;
	_ =	sdelay $0x1  }
0xac: {  	s6 =	simm.s32 @p0 $0x1B8D  }
0xad: {  	_ =	swait.eq @p0 [sflag:s6], $0x1  }
0xae: {  	[sflag:s6] =	ssyncadd.s32 @p0 $0xFFFFFFFF  }
0xaf: {  	s7 =	sshll.u32 @!p0 s1, $0xE  }
0xb0: {  	s7 =	sor.u32 @!p0 $0x4000, s7;
	s6 =	simm.s32 @!p0 $0x1B8D  }
0xb1: {  	s5 =	sshll.u32 @!p0 s5, $0x11;
	s7 =	sadd.s32 @!p0 $0x11B8D, s7;
	_ =	swait.eq @!p0 [sflag:s6], $0x1  }
0xb2: {  	s5 =	sor.u32 @!p0 s5, s7;
	[sflag:s6] =	ssyncadd.s32 @!p0 $0xFFFFFFFF  }
0xb3: {  	s25 =	simm.s32 $0x1B8E;
	s24 =	sld [smem:$0x3FFE];
	[sflag:s5] =	ssyncadd.remote.s32 @!p0 $0x1  }
0xb4: {  	s26 =	simm.s32 $execute0_lowered;
	[smem:$0x3FD2] =	sst s25  }
0xb5: {  	s6 =	sshll.u32 s26, $0x1;
	_ =	strace $0x8000004F;
	[dreg:$0x1] =	wrdreg $0xFFFFFFFF  }
0xb6: {  	s28 =	simm.s32 $_size_execute0_lowered;
	s4 =	sadd.s32 s4, s6;
	[dreg:$0x0] =	wrdreg $0x0  }
0xb7: {  	s6 =	sshll.u32 s28, $0x1;
	[dreg:$0x2] =	wrdreg s4  }
0xb8: {  	[dreg:$0x3] =	wrdreg s6  }
0xb9: {  	[dreg:$0x4] =	wrdreg $0xC0  }
0xba: {  	_ =	task [dreg:s22], $0x5FFFF  }
0xbb: {  	[dreg:$0x1] =	wrdreg $0xFFFFFFFF  }
0xbc: {  	[dreg:$0x0] =	wrdreg $0x60  }
0xbd: {  	[dreg:$0x2] =	wrdreg s24  }
0xbe: {  	[dreg:$0x3] =	wrdreg s18  }
0xbf: {  	[dreg:$0x4] =	wrdreg $0x81000  }
0xc0: {  	[dreg:$0x5] =	wrdreg $0x9  }
0xc1: {  	_ =	task.clear_ibuf [dreg:s22], $0x6FFFF;
	_ =	strace $0x9000004F  }
0xc2: {  	s29 =	simm.s32 $0x9;
	_ =	strace $0x80000051  }
0xc3: {  	_ =	swait.ge [sflag:s29], $0x1  }
0xc4: {  	[sflag:s29] =	ssyncadd.s32 $0xFFFFFFFF  }
0xc5: {  	_ =	strace $0x90000051  }
0xc6: {  	_ =	sfence  }
0xc7: {  	s30 =	sld [smem:$0x0];
	_ =	sdelay $0x2  }
0xc8: {  	s31 =	sshll.u32 s1, $0xD;
	s1 =	sshrl.u32 s1, $0x2  }
0xc9: {  	s4 =	sand.u32 $0x4000, s31;
	s1 =	sadd.s32 s1, s30  }
0xca: {  	s0 =	sor.u32 s4, s0;
	s1 =	sshll.u32 s1, $0x11  }
0xcb: {  	s0 =	sor.u32 s1, s0  }
0xcc: {  	s0 =	sadd.s32 $0x8F2B, s0  }
0xcd: {  	[sflag:s0] =	ssyncadd.remote.s32 $0x1  }
0xce: {  	_ =	sfence.sel $0xFFFF  }
0xcf: {  	[dreg:$0x0] =	wrdreg $0xFFFFFFFF;
	(pc) =	sbr.abs _section_cstart, $3  }
0xd0: {  	[dreg:$0x1] =	wrdreg $0xFFFFFFFF  }
0xd1: {  	_ =	task.clear_ibuf [dreg:s22], $0x2FFFF;
	_ =	strace $0x9FFFFFFF  }
0xd2: {  	(tm) =	ssettm $0x7FFFFFFF  }
0xd3: {  	_ =	shalt  }
tec
execute0_lowered:
.L_overlay_start_1:
0x0: {  	(tag) =	ssettag $0x1  }
0x1: {  	s5 =	rddreg [dreg:$0x0]  }
0x2: {  	s1 =	rddreg [dreg:$0x1]  }
0x3: {  	s2 =	rddreg [dreg:$0x2]  }
0x4: {  	s0 =	rddreg [dreg:$0x3]  }
0x5: {  	s3 =	simm.s32 $0x0;
	s4 =	srdreg.scid;
	s13 =	stileid.u32  }
0x6: {  	s17 =	simm.s32 $0x1;
	s18 =	simm.s32 $0x80;
	s26 =	smul.u32 $0x50, s13  }
0x7: {  	s19 =	simm.s32 $0x4100;
	s9 =	sand.u32 $0x1, s4;
	s29 =	smul.u32 $0x500, s13  }
0x8: {  	s20 =	simm.s32 $0x2;
	s21 =	simm.s32 $0x0;
	s6 =	smul.u32 $0x27100, s9  }
0x9: {  	[smem:$0x7FF] =	sst s3;
	s24 =	sshll.u32 s13, $0x1;
	s16 =	smul.u32 $0x28, s9  }
0xa: {  	s11 =	sadd.s32 $0xF0D000, s5;
	s7 =	sor.u32 s9, s24;
	s30 =	smul.u32 $0x280, s9  }
0xb: {  	s4 =	sadd.s32 $0xA1C000, s5;
	p0 =	sne.s32 s13, $0x0;
	s10 =	smul.u32 $0x28, s7  }
0xc: {  	_ =	strace $0x80000050;
	s8 =	ssub.s32 $0x2, s9;
	s14 =	smul.u32 $0x280, s7  }
0xd: {  	s12 =	sshrl.u32 s8, $0x1;
	s25 =	smul.u32 $0x14000, s7;
	s15 =	sadd.s32 s6, s5  }
0xe: {  	s8 =	ssub.s32 s8, s12;
	s12 =	sadd.s32 s16, s26;
	s16 =	simm.s32 $0x100  }
0xf: {  	s5 =	sadd.s32 s1, s14;
	s10 =	sadd.s32 $0x27, s10;
	s6 =	sadd.s32 s11, s25  }
0x10: {  	s7 =	sadd.s32 $0xA91400, s15;
	s8 =	smax.u32 s8, $0x1;
	s12 =	sshll.u32 s12, $0xB  }
0x11: {  	s15 =	simm.s32 $0x3;
	s28 =	sshll.u32 s10, $0x4;
	s10 =	sshll.u32 s10, $0xB  }
0x12: {  	s31 =	sadd.s32 s12, s11;
	s12 =	sadd.s32 s30, s29;
	s14 =	sand.u32 $0xFF80, s28  }
0x13: {  	s10 =	sadd.s32 s11, s10;
	s11 =	sadd.s32 $0x800, s31;
	s14 =	sadd.s32 s14, s1  }
0x14: {  	s13 =	sadd.s32 $0x1000, s31;
	s9 =	sadd.s32 $0x70, s14;
	s14 =	sshrl.u32 @!p0 s2, $0x3  }
.LBB2_1:
0x15: {  	s22 =	simm.s32 @!p0 $0x1C03  }
0x16: {  	[spmem:s14], [sflag:s22] =	dma.local @!p0 [hbm:s4], $0x27200  }
0x17: {  	s22 =	simm.s32 @!p0 $0x3  }
0x18: {  	_ =	swait.ge @!p0 [sflag:s22], $0x27200  }
0x19: {  	[sflag:s22] =	ssyncset.done @!p0 $0x0  }
0x1a: {  	[sflag:s22] =	ssyncadd.s32 @!p0 $0xFFFD8E00  }
0x1b: {  	[bflag:$0x0] =	sbarrier.arrive $0xFFFF  }
0x1c: {  	[tilespmem:s3], [sflag:$0x3] =	stream.linear.gather [hbm4b:s5+s3], $0x80, $0x38;
	[tilespmem:$0x1BA00] =	vst v63  }
0x1d: {  	_ =	swait.ge [sflag:s15], $0x80  }
0x1e: {  	[sflag:s15] =	ssyncset.done $0x0  }
0x1f: {  	s30 =	sadd.s32 $0x20, s12;
	s23 =	simm.s32 $0x10;
	[sflag:s15] =	ssyncadd.s32 $0xFFFFFF80  }
0x20: {  	[tilespmem:s16], [sflag:$0x1] =	stream.linear.gather [hbm4b:s6+s3], $0x4000, $0x38;
	[tilespmem:$0x1BA00] =	vst v63  }
0x21: {  	s24 =	sadd.s32 $0xFFFFFFF0, s30;
	s23 =	sand.u32 $0x70, s23;
	_ =	swait.ge [sflag:s17], $0x4000  }
0x22: {  	s24 =	sand.u32 $0xFFFFF80, s24;
	s23 =	sadd.s32 s1, s23;
	[sflag:s17] =	ssyncset.done $0x0  }
0x23: {  	s23 =	sadd.s32 s24, s23;
	[sflag:s17] =	ssyncadd.s32 $0xFFFFC000  }
0x24: {  	[tilespmem:s18], [sflag:$0x3] =	stream.linear.gather [hbm4b:s23+s3], $0x80, $0x38;
	[tilespmem:$0x1BA00] =	vst v63  }
0x25: {  	_ =	swait.ge [sflag:s15], $0x80  }
0x26: {  	[sflag:s15] =	ssyncset.done $0x0  }
0x27: {  	[sflag:s15] =	ssyncadd.s32 $0xFFFFFF80  }
0x28: {  	[tilespmem:s19], [sflag:$0x2] =	stream.linear.gather [hbm4b:s11+s3], $0x4000, $0x38;
	[tilespmem:$0x1BA00] =	vst v63  }
0x29: {  	_ = 	snop  }
0x2a: {  	[spmem:s2] =	stream.indirect.scatter.add.f32 [tilespmem:s16], [sflag:$0x3], $0x80, s3, s18, $0xb8;
	[tilespmem:$0x1BA00] =	vst v63  }
0x2b: {  	_ =	swait.ge [sflag:s15], $0x4000  }
0x2c: {  	[sflag:s15] =	ssyncset.done $0x0  }
0x2d: {  	s31 =	simm.s32 $0x20;
	[sflag:s15] =	ssyncadd.s32 $0xFFFFC000  }
0x2e: {  	s23 =	sand.u32 $0x60, s31;
	_ =	swait.ge [sflag:s20], $0x4000  }
0x2f: {  	s22 =	sand.u32 $0xFFFFF80, s30;
	s23 =	sadd.s32 s1, s23;
	[sflag:s20] =	ssyncset.done $0x0  }
0x30: {  	s22 =	sadd.s32 s22, s23;
	[sflag:s20] =	ssyncadd.s32 $0xFFFFC000  }
0x31: {  	[tilespmem:s3], [sflag:$0x3] =	stream.linear.gather [hbm4b:s22+s3], $0x80, $0x38;
	[tilespmem:$0x1BA00] =	vst v63  }
0x32: {  	_ =	swait.ge [sflag:s15], $0x80  }
0x33: {  	[sflag:s15] =	ssyncset.done $0x0  }
0x34: {  	[sflag:s15] =	ssyncadd.s32 $0xFFFFFF80  }
0x35: {  	[tilespmem:s16], [sflag:$0x1] =	stream.linear.gather [hbm4b:s13+s3], $0x4000, $0x38;
	[tilespmem:$0x1BA00] =	vst v63  }
0x36: {  	_ = 	snop  }
0x37: {  	[spmem:s2] =	stream.indirect.scatter.add.f32 [tilespmem:s19], [sflag:$0x3], $0x80, s18, s18, $0xb8;
	[tilespmem:$0x1BA00] =	vst v63  }
0x38: {  	s24 =	smov.u32 s13;
	_ =	swait.ge [sflag:s15], $0x4000  }
0x39: {  	s23 =	smov.u32 s11;
	s22 =	simm.s32 $0x40;
	[sflag:s15] =	ssyncset.done $0x0  }
.LBB2_2:
0x3a: {  	[sflag:s15] =	ssyncadd.s32 $0xFFFFC000;
	s23 =	sadd.s32 $0x1000, s23;
	s24 =	sadd.s32 $0x1000, s24  }
0x3b: {  	s25 =	sadd.s32 s22, s12;
	s26 =	sadd.s32 $0xFFFFFFF0, s22;
	p1 =	sne.s32 s22, $0x260  }
0x3c: {  	s28 =	sadd.s32 $0xFFFFFFF0, s25;
	s26 =	sand.u32 $0x70, s26;
	_ =	swait.ge [sflag:s17], $0x4000  }
0x3d: {  	s28 =	sand.u32 $0xFFFFF80, s28;
	s26 =	sadd.s32 s1, s26;
	[sflag:s17] =	ssyncset.done $0x0  }
0x3e: {  	s25 =	sand.u32 $0xFFFFF80, s25;
	s26 =	sadd.s32 s28, s26;
	[sflag:s17] =	ssyncadd.s32 $0xFFFFC000  }
0x3f: {  	[tilespmem:s18], [sflag:$0x3] =	stream.linear.gather [hbm4b:s26+s3], $0x80, $0x38;
	[tilespmem:$0x1BA00] =	vst v63  }
0x40: {  	s26 =	smov.u32 s22;
	s22 =	sadd.s32 $0x20, s22;
	_ =	swait.ge [sflag:s15], $0x80  }
0x41: {  	[sflag:s15] =	ssyncset.done $0x0  }
0x42: {  	[sflag:s15] =	ssyncadd.s32 $0xFFFFFF80  }
0x43: {  	[tilespmem:s19], [sflag:$0x2] =	stream.linear.gather [hbm4b:s23+s3], $0x4000, $0x38;
	[tilespmem:$0x1BA00] =	vst v63  }
0x44: {  	_ = 	snop  }
0x45: {  	[spmem:s2] =	stream.indirect.scatter.add.f32 [tilespmem:s16], [sflag:$0x3], $0x80, s3, s18, $0xb8;
	[tilespmem:$0x1BA00] =	vst v63  }
0x46: {  	_ =	swait.ge [sflag:s15], $0x4000  }
0x47: {  	[sflag:s15] =	ssyncset.done $0x0  }
0x48: {  	[sflag:s15] =	ssyncadd.s32 $0xFFFFC000  }
0x49: {  	s26 =	sand.u32 $0x60, s26;
	_ =	swait.ge [sflag:s20], $0x4000  }
0x4a: {  	s26 =	sadd.s32 s1, s26;
	[sflag:s20] =	ssyncset.done $0x0  }
0x4b: {  	s25 =	sadd.s32 s25, s26;
	[sflag:s20] =	ssyncadd.s32 $0xFFFFC000  }
0x4c: {  	[tilespmem:s3], [sflag:$0x3] =	stream.linear.gather [hbm4b:s25+s3], $0x80, $0x38;
	[tilespmem:$0x1BA00] =	vst v63  }
0x4d: {  	_ =	swait.ge [sflag:s15], $0x80  }
0x4e: {  	[sflag:s15] =	ssyncset.done $0x0  }
0x4f: {  	[sflag:s15] =	ssyncadd.s32 $0xFFFFFF80  }
0x50: {  	[tilespmem:s16], [sflag:$0x1] =	stream.linear.gather [hbm4b:s24+s3], $0x4000, $0x38;
	[tilespmem:$0x1BA00] =	vst v63  }
.Ltmp0:
0x51: {  	_ = 	snop;
	(pc) =	sbr.rel @p1 .LBB2_2-.Ltmp0, $4  }
0x52: {  	_ = 	snop  }
0x53: {  	[spmem:s2] =	stream.indirect.scatter.add.f32 [tilespmem:s19], [sflag:$0x3], $0x80, s18, s18, $0xb8;
	[tilespmem:$0x1BA00] =	vst v63  }
0x54: {  	_ =	swait.ge [sflag:s15], $0x4000  }
0x55: {  	[sflag:s15] =	ssyncset.done $0x0  }
0x56: {  	[sflag:s15] =	ssyncadd.s32 $0xFFFFC000  }
0x57: {  	_ =	swait.ge [sflag:s17], $0x4000  }
0x58: {  	[sflag:s17] =	ssyncset.done $0x0  }
0x59: {  	[sflag:s17] =	ssyncadd.s32 $0xFFFFC000  }
0x5a: {  	[tilespmem:s18], [sflag:$0x3] =	stream.linear.gather [hbm4b:s9+s3], $0x80, $0x38;
	[tilespmem:$0x1BA00] =	vst v63  }
0x5b: {  	_ =	swait.ge [sflag:s15], $0x80  }
0x5c: {  	[sflag:s15] =	ssyncset.done $0x0  }
0x5d: {  	[sflag:s15] =	ssyncadd.s32 $0xFFFFFF80  }
0x5e: {  	[tilespmem:s19], [sflag:$0x2] =	stream.linear.gather [hbm4b:s10+s3], $0x4000, $0x38;
	[tilespmem:$0x1BA00] =	vst v63  }
0x5f: {  	_ = 	snop  }
0x60: {  	[spmem:s2] =	stream.indirect.scatter.add.f32 [tilespmem:s16], [sflag:$0x3], $0x80, s3, s18, $0xb8;
	[tilespmem:$0x1BA00] =	vst v63  }
0x61: {  	_ =	swait.ge [sflag:s15], $0x4000  }
0x62: {  	[sflag:s15] =	ssyncset.done $0x0  }
0x63: {  	[sflag:s15] =	ssyncadd.s32 $0xFFFFC000  }
0x64: {  	_ =	swait.ge [sflag:s20], $0x4000  }
0x65: {  	[sflag:s20] =	ssyncset.done $0x0  }
0x66: {  	[sflag:s20] =	ssyncadd.s32 $0xFFFFC000  }
0x67: {  	[spmem:s2] =	stream.indirect.scatter.add.f32 [tilespmem:s19], [sflag:$0x3], $0x80, s18, s18, $0xb8;
	[tilespmem:$0x1BA00] =	vst v63  }
0x68: {  	_ =	swait.ge [sflag:s15], $0x4000  }
0x69: {  	[sflag:s15] =	ssyncset.done $0x0  }
0x6a: {  	s21 =	sadd.s32 $0x1, s21;
	[sflag:s15] =	ssyncadd.s32 $0xFFFFC000  }
0x6b: {  	s22 =	simm.s32 @!p0 $0x1C03;
	p1 =	sne.s32 s21, s8;
	[bflag:$0x0] =	sbarrier.arrive $0xFFFF  }
0x6c: {  	[hbm:s7], [sflag:s22] =	dma.local @!p0 [spmem:s14], $0x27100  }
.Ltmp1:
0x6d: {  	_ = 	snop;
	(pc) =	sbr.rel @p1 .LBB2_1-.Ltmp1, $4  }
0x6e: {  	s22 =	simm.s32 @!p0 $0x3  }
0x6f: {  	_ =	swait.ge @!p0 [sflag:s22], $0x27100  }
0x70: {  	[sflag:s22] =	ssyncset.done @!p0 $0x0  }
0x71: {  	[sflag:s22] =	ssyncadd.s32 @!p0 $0xFFFD8F00  }
0x72: {  	_ =	sfence.sel $0x180000  }
0x73: {  	[bflag:$0x0] =	sbarrier.arrive $0xFFFF  }
0x74: {  	_ =	strace $0x90000050  }
0x75: {  	s0 =	sadd.s32 @!p0 $0x100000, s0;
	[bflag:$0x2] =	sbarrier.arrive $0xFFFF  }
0x76: {  	[sflag:s0] =	ssyncadd.tile.s32 @!p0 $0x1;
	_ =	shalt  }
.Lfunc_end2:
_tile_overlayer_lowered:
.L_overlay_start_2:
0x77: {  	(tag) =	ssettag $0x2  }
0x78: {  	s0 =	rddreg [dreg:$0x0];
	s2 =	stileid.u32  }
0x79: {  	s1 =	rddreg [dreg:$0x1];
	p0 =	sne.s32 s2, $0x0  }
0x7a: {  	s3 =	rddreg [dreg:$0x2];
	[bflag:$0x3] =	sbarrier.arrive $0xFFFF;
	s2 =	simm.s32 @!p0 $0x1C03  }
0x7b: {  	[timem:s3], [sflag:s2] =	dma.local @!p0 [hbm:s0], s1  }
0x7c: {  	s0 =	simm.s32 @!p0 $0x3  }
0x7d: {  	_ =	swait.ge @!p0 [sflag:s0], s1  }
0x7e: {  	s1 =	ssub.s32 @!p0 $0x0, s1;
	[sflag:s0] =	ssyncset.done @!p0 $0x0  }
0x7f: {  	[sflag:s0] =	ssyncadd.s32 @!p0 s1  }
0x80: {  	[bflag:$0x3] =	sbarrier.arrive $0xFFFF  }
0x81: {  	_ =	shalt  }

// kernel: kernel.20.cloned.1.call-start
scs
__scs_entry_jumppad:
0x0: {  	(pc) =	sbr.rel $0x88, $3  }
0x1: {  	(tag) =	ssettag $0x0;
	lr =	simm.s32 $0x1  }
0x2: {  	[smem:$0x3F98] =	sst lr;
	_ =	strace $0xD0000000  }
0x3: {  	_ = 	snop  }
0x4: {  	_ = 	snop  }
0x5: {  	_ = 	snop  }
0x6: {  	_ = 	snop  }
0x7: {  	_ = 	snop  }
__scs_overlays_trampoline_lowered:
0x8: {  	[smem:$0x3FA7] =	sst s0  }
0x9: {  	[smem:$0x3FA8] =	sst s1  }
0xa: {  	[smem:$0x3FA9] =	sst s2  }
0xb: {  	[smem:$0x3FAA] =	sst s3  }
0xc: {  	[smem:$0x3FAB] =	sst s4  }
0xd: {  	[smem:$0x3FAC] =	sst s5  }
0xe: {  	[smem:$0x3FAD] =	sst s6  }
0xf: {  	[smem:$0x3FAE] =	sst s7  }
0x10: {  	[smem:$0x3FAF] =	sst s8  }
0x11: {  	[smem:$0x3FB0] =	sst s9;
	s0 =	simm.s32 @!p0 $0x0  }
0x12: {  	s1 =	sld [smem:$0x3F96];
	s0 =	simm.s32 @p0 $0x1  }
0x13: {  	[smem:$0x3FB1] =	sst s0;
	s0 =	simm.s32 @!p1 $0x0  }
0x14: {  	s2 =	sld [smem:$0x3F95];
	s0 =	simm.s32 @p1 $0x1  }
0x15: {  	[smem:$0x3FB2] =	sst s0;
	s0 =	simm.s32 @!p2 $0x0  }
0x16: {  	s3 =	sld [smem:$0x3FDB];
	s0 =	simm.s32 @p2 $0x1  }
0x17: {  	s4 =	simm.s32 $0x1BF5;
	[smem:$0x3FB4] =	sst s0  }
0x18: {  	s0 =	sld [smem:$0x3F97];
	_ =	swait.ge [sflag:s4], $0x0  }
0x19: {  	s7 =	sld [smem:$0x3F98]  }
0x1a: {  	s8 =	sadd.s32 $0xFFFFE003, lr  }
0x1b: {  	s9 =	sadd.s32 $0xFFFFFEF7, lr;
	s5 =	simm.s32 $0xFFFFFFFF;
	p2 =	slt.u32 s8, $0xFFFFF086  }
0x1c: {  	p1 =	slt.u32 s9, $0xF7A;
	s5 =	simm.s32 @!p2 $0x0  }
0x1d: {  	s5 =	simm.s32 @p1 $0x1;
	p0 =	seq.s32 s7, s2  }
0x1e: {  	s7 =	smul.u32 @!p0 $0xF7A, s2;
	p2 =	seq.s32 @!p0 s5, $0x0  }
0x1f: {  	s9 =	smul.u32 $0xF7A, s1;
	s8 =	simm.s32 @!p0 $0x1BF5;
	p2 =	por !p2, p0  }
0x20: {  	[sflag:s8] =	ssyncset.s32 @!p0 $0xFFFFF086;
	s6 =	sadd.s32 @!p0 s3, s7;
	s7 =	simm.s32 @!p0 $0x108  }
0x21: {  	s3 =	sadd.s32 s3, s9;
	s6 =	sadd.s32 @!p0 $0x88, s6;
	s7 =	simm.s32 @p2 $0x1082  }
0x22: {  	[simem:s7], [sflag:s8] =	dma.local @!p0 [hbm:s6], $0xF7A  }
0x23: {  	s9 =	sor.u32 $0xD0000000, s2;
	s6 =	simm.s32 $0x108;
	_ =	swait.ge @!p0 [sflag:s8], $0x0  }
0x24: {  	s3 =	sadd.s32 $0x88, s3;
	s6 =	simm.s32 @!p1 $0x1082;
	[sflag:s4] =	ssyncset.s32 $0xFFFFF086  }
0x25: {  	[simem:s6], [sflag:s4] =	dma.local [hbm:s3], $0xF7A  }
0x26: {  	[smem:$0x3F98] =	sst s1;
	(tag) =	ssettag s2;
	_ =	strace s9  }
0x27: {  	s1 =	sld [smem:$0x3FA8]  }
0x28: {  	s2 =	sld [smem:$0x3FA9]  }
0x29: {  	s4 =	sld [smem:$0x3FAB]  }
0x2a: {  	p0 =	seq.s32 s5, $0x0;
	s5 =	sld [smem:$0x3FAC]  }
0x2b: {  	s6 =	sld [smem:$0x3FAD]  }
0x2c: {  	s7 =	sld [smem:$0x3FAE]  }
0x2d: {  	s3 =	simm.s32 $0x108;
	s8 =	sld [smem:$0x3FAF]  }
0x2e: {  	s3 =	simm.s32 @!p0 $0x1082;
	s9 =	sld [smem:$0x3FB0]  }
0x2f: {  	lr =	sadd.s32 s0, s3;
	s0 =	sld [smem:$0x3FA7]  }
0x30: {  	s3 =	sld [smem:$0x3FAA]  }
0x31: {  	[smem:$0x3FB3] =	sst s10  }
0x32: {  	s10 =	sld [smem:$0x3FB1];
	_ =	sdelay $0x3  }
0x33: {  	p0 =	seq.s32 s10, $0x1;
	s10 =	sld [smem:$0x3FB3];
	_ =	sdelay $0x3  }
0x34: {  	[smem:$0x3FB3] =	sst s10  }
0x35: {  	s10 =	sld [smem:$0x3FB2];
	_ =	sdelay $0x3  }
0x36: {  	p1 =	seq.s32 s10, $0x1;
	s10 =	sld [smem:$0x3FB3];
	_ =	sdelay $0x3  }
0x37: {  	[smem:$0x3FB3] =	sst s10  }
0x38: {  	s10 =	sld [smem:$0x3FB4]  }
0x39: {  	_ = 	snop;
	(pc) =	sbr.ind lr, $3  }
0x3a: {  	_ = 	snop  }
0x3b: {  	_ = 	snop  }
0x3c: {  	p2 =	seq.s32 s10, $0x1;
	s10 =	sld [smem:$0x3FB3]  }
0x3d: {  	_ =	shalt  }
0x3e: {  	_ =	shalt  }
0x3f: {  	_ =	shalt  }
0x40: {  	_ =	shalt  }
0x41: {  	_ =	shalt  }
0x42: {  	_ =	shalt  }
0x43: {  	_ =	shalt  }
0x44: {  	_ =	shalt  }
0x45: {  	_ =	shalt  }
0x46: {  	_ =	shalt  }
0x47: {  	_ =	shalt  }
0x48: {  	_ =	shalt  }
0x49: {  	_ =	shalt  }
0x4a: {  	_ =	shalt  }
0x4b: {  	_ =	shalt  }
0x4c: {  	_ =	shalt  }
0x4d: {  	_ =	shalt  }
0x4e: {  	_ =	shalt  }
0x4f: {  	_ =	shalt  }
0x50: {  	_ =	shalt  }
0x51: {  	_ =	shalt  }
0x52: {  	_ =	shalt  }
0x53: {  	_ =	shalt  }
0x54: {  	_ =	shalt  }
0x55: {  	_ =	shalt  }
0x56: {  	_ =	shalt  }
0x57: {  	_ =	shalt  }
0x58: {  	_ =	shalt  }
0x59: {  	_ =	shalt  }
0x5a: {  	_ =	shalt  }
0x5b: {  	_ =	shalt  }
0x5c: {  	_ =	shalt  }
0x5d: {  	_ =	shalt  }
0x5e: {  	_ =	shalt  }
0x5f: {  	_ =	shalt  }
0x60: {  	_ =	shalt  }
0x61: {  	_ =	shalt  }
0x62: {  	_ =	shalt  }
0x63: {  	_ =	shalt  }
0x64: {  	_ =	shalt  }
0x65: {  	_ =	shalt  }
0x66: {  	_ =	shalt  }
0x67: {  	_ =	shalt  }
0x68: {  	_ =	shalt  }
0x69: {  	_ =	shalt  }
0x6a: {  	_ =	shalt  }
0x6b: {  	_ =	shalt  }
0x6c: {  	_ =	shalt  }
0x6d: {  	_ =	shalt  }
0x6e: {  	_ =	shalt  }
0x6f: {  	_ =	shalt  }
0x70: {  	_ =	shalt  }
0x71: {  	_ =	shalt  }
0x72: {  	_ =	shalt  }
0x73: {  	_ =	shalt  }
0x74: {  	_ =	shalt  }
0x75: {  	_ =	shalt  }
0x76: {  	_ =	shalt  }
0x77: {  	_ =	shalt  }
0x78: {  	_ =	shalt  }
0x79: {  	_ =	shalt  }
0x7a: {  	_ =	shalt  }
0x7b: {  	_ =	shalt  }
0x7c: {  	_ =	shalt  }
0x7d: {  	_ =	shalt  }
0x7e: {  	_ =	shalt  }
0x7f: {  	_ =	shalt  }
0x80: {  	_ =	shalt  }
0x81: {  	_ =	shalt  }
0x82: {  	_ =	shalt  }
0x83: {  	_ =	shalt  }
0x84: {  	_ =	shalt  }
0x85: {  	_ =	shalt  }
0x86: {  	_ =	shalt  }
0x87: {  	_ =	shalt  }
.Lfunc_end0:
.L_simem_size_0:
called_computation.3_lowered:
.L_overlay_start_0:
0x88: {  	s2 =	sld [smem:$0x3FD9]  }
0x89: {  	s3 =	sld [smem:$0x3FFE];
	_ =	sdelay $0x1  }
0x8a: {  	s1 =	srdreg.scid  }
0x8b: {  	s0 =	sand.u32 $0x1, s1  }
0x8c: {  	s16 =	sshll.u32 s0, $0xA;
	s2 =	sadd.s32 s3, s2  }
0x8d: {  	s2 =	sadd.s32 s2, s16  }
0x8e: {  	[smem:$0x3FBF] =	sst s2  }
0x8f: {  	_ = 	snop  }
0x90: {  	(tm) =	ssettm $0x1  }
0x91: {  	s17 =	sld [smem:$0x3FFB];
	_ =	sdelay $0x3  }
0x92: {  	_ =	strace s17  }
0x93: {  	s2 =	sld [smem:$0x3FFC];
	_ =	sdelay $0x3  }
0x94: {  	_ =	strace s2  }
0x95: {  	s2 =	sld [smem:$0x3FFD];
	_ =	sdelay $0x3  }
0x96: {  	_ =	strace s2  }
0x97: {  	_ =	strace $0x8FFFFFFF  }
0x98: {  	s18 =	sld [smem:$0x3FDB];
	_ =	sdelay $0x1  }
0x99: {  	s19 =	simm.s32 $_scs_section_size  }
0x9a: {  	s4 =	simm.s32 $_size__tile_overlayer_lowered;
	s5 =	simm.s32 $_tile_overlayer_lowered  }
0x9b: {  	s22 =	simm.s32 $0x1BFF;
	s21 =	sshll.u32 s5, $0x1;
	s2 =	sadd.s32 s19, s18  }
0x9c: {  	s6 =	simm.s32 $0x0;
	s20 =	sshll.u32 s4, $0x1;
	s4 =	sadd.s32 s21, s2  }
0x9d: {  	[timem:s6], [sflag:s22] =	dma.local [hbm:s4], s20  }
0x9e: {  	_ =	swait.ge [sflag:s22], s20  }
0x9f: {  	s3 =	ssub.s32 $0x0, s20;
	[sflag:s22] =	ssyncset.done $0x0  }
0xa0: {  	[sflag:s22] =	ssyncadd.s32 s3;
	_ =	sdelay $0x1  }
0xa1: {  	s23 =	simm.s32 $0x1B8B  }
0xa2: {  	_ =	swait.ge [sflag:s23], $0x1  }
0xa3: {  	[sflag:s23] =	ssyncset.done $0x0  }
0xa4: {  	s25 =	simm.s32 $0x1B8E;
	s24 =	sld [smem:$0x3FFE];
	[sflag:s23] =	ssyncadd.s32 $0xFFFFFFFF  }
0xa5: {  	s26 =	simm.s32 $execute0_lowered;
	[smem:$0x3FD2] =	sst s25  }
0xa6: {  	s4 =	sshll.u32 s26, $0x1;
	_ =	strace $0x8000004C;
	[dreg:$0x1] =	wrdreg $0xFFFFFFFF  }
0xa7: {  	s28 =	simm.s32 $_size_execute0_lowered;
	s2 =	sadd.s32 s2, s4;
	[dreg:$0x0] =	wrdreg $0x0  }
0xa8: {  	s4 =	sshll.u32 s28, $0x1;
	[dreg:$0x2] =	wrdreg s2  }
0xa9: {  	[dreg:$0x3] =	wrdreg s4  }
0xaa: {  	[dreg:$0x4] =	wrdreg $0xC0  }
0xab: {  	_ =	task [dreg:s6], $0x5FFFF  }
0xac: {  	[dreg:$0x1] =	wrdreg $0xFFFFFFFF  }
0xad: {  	[dreg:$0x0] =	wrdreg $0x60  }
0xae: {  	[dreg:$0x2] =	wrdreg s24  }
0xaf: {  	[dreg:$0x3] =	wrdreg $0x81000  }
0xb0: {  	[dreg:$0x4] =	wrdreg $0xA  }
0xb1: {  	_ =	task.clear_ibuf [dreg:s6], $0x5FFFF;
	_ =	strace $0x9000004C  }
0xb2: {  	s29 =	simm.s32 $0xA;
	_ =	strace $0x8000004E  }
0xb3: {  	_ =	swait.ge [sflag:s29], $0x1  }
0xb4: {  	[sflag:s29] =	ssyncadd.s32 $0xFFFFFFFF  }
0xb5: {  	_ =	strace $0x9000004E  }
0xb6: {  	_ =	sfence  }
0xb7: {  	s30 =	sld [smem:$0x0];
	_ =	sdelay $0x2  }
0xb8: {  	s31 =	sshll.u32 s1, $0xD;
	s1 =	sshrl.u32 s1, $0x2  }
0xb9: {  	s3 =	sand.u32 $0x4000, s31;
	s1 =	sadd.s32 s1, s30  }
0xba: {  	s0 =	sor.u32 s3, s0;
	s1 =	sshll.u32 s1, $0x11  }
0xbb: {  	s0 =	sor.u32 s1, s0  }
0xbc: {  	s0 =	sadd.s32 $0x8F2B, s0  }
0xbd: {  	[sflag:s0] =	ssyncadd.remote.s32 $0x1  }
0xbe: {  	_ =	sfence.sel $0xFFFF  }
0xbf: {  	[dreg:$0x0] =	wrdreg $0xFFFFFFFF;
	(pc) =	sbr.abs _section_cstart, $3  }
0xc0: {  	[dreg:$0x1] =	wrdreg $0xFFFFFFFF  }
0xc1: {  	_ =	task.clear_ibuf [dreg:s6], $0x2FFFF;
	_ =	strace $0x9FFFFFFF  }
0xc2: {  	(tm) =	ssettm $0x7FFFFFFF  }
0xc3: {  	_ =	shalt  }
tec
execute0_lowered:
.L_overlay_start_1:
0x0: {  	(tag) =	ssettag $0x1  }
0x1: {  	s5 =	rddreg [dreg:$0x0]  }
0x2: {  	s1 =	rddreg [dreg:$0x1]  }
0x3: {  	s0 =	rddreg [dreg:$0x2];
	s2 =	simm.s32 $0x0  }
0x4: {  	s3 =	srdreg.scid;
	s13 =	stileid.u32;
	s17 =	simm.s32 $0x1  }
0x5: {  	s18 =	simm.s32 $0x80;
	s19 =	simm.s32 $0x4100;
	s26 =	smul.u32 $0x50, s13  }
0x6: {  	s20 =	simm.s32 $0x2;
	s9 =	sand.u32 $0x1, s3;
	s29 =	smul.u32 $0x500, s13  }
0x7: {  	s21 =	simm.s32 $0x0;
	[smem:$0x7FF] =	sst s2;
	s6 =	smul.u32 $0x27100, s9  }
0x8: {  	s24 =	sshll.u32 s13, $0x1;
	s11 =	sadd.s32 $0x118D000, s5;
	s16 =	smul.u32 $0x28, s9  }
0x9: {  	s3 =	sadd.s32 $0x17000, s5;
	s7 =	sor.u32 s9, s24;
	s30 =	smul.u32 $0x280, s9  }
0xa: {  	s4 =	sadd.s32 $0xA1C000, s5;
	p0 =	sne.s32 s13, $0x0;
	s10 =	smul.u32 $0x28, s7  }
0xb: {  	_ =	strace $0x8000004D;
	s8 =	ssub.s32 $0x2, s9;
	s14 =	smul.u32 $0x280, s7  }
0xc: {  	s12 =	sshrl.u32 s8, $0x1;
	s25 =	smul.u32 $0x14000, s7;
	s15 =	sadd.s32 s6, s5  }
0xd: {  	s8 =	ssub.s32 s8, s12;
	s12 =	sadd.s32 s16, s26;
	s16 =	simm.s32 $0x100  }
0xe: {  	s5 =	sadd.s32 s3, s14;
	s10 =	sadd.s32 $0x27, s10;
	s6 =	sadd.s32 s11, s25  }
0xf: {  	s7 =	sadd.s32 $0xA43200, s15;
	s8 =	smax.u32 s8, $0x1;
	s12 =	sshll.u32 s12, $0xB  }
0x10: {  	s15 =	simm.s32 $0x3;
	s28 =	sshll.u32 s10, $0x4;
	s10 =	sshll.u32 s10, $0xB  }
0x11: {  	s31 =	sadd.s32 s12, s11;
	s12 =	sadd.s32 s30, s29;
	s14 =	sand.u32 $0xFF80, s28  }
0x12: {  	s10 =	sadd.s32 s11, s10;
	s11 =	sadd.s32 $0x800, s31;
	s14 =	sadd.s32 s14, s3  }
0x13: {  	s13 =	sadd.s32 $0x1000, s31;
	s9 =	sadd.s32 $0x70, s14;
	s14 =	sshrl.u32 @!p0 s1, $0x3  }
.LBB2_1:
0x14: {  	s22 =	simm.s32 @!p0 $0x1C03  }
0x15: {  	[spmem:s14], [sflag:s22] =	dma.local @!p0 [hbm:s4], $0x27200  }
0x16: {  	s22 =	simm.s32 @!p0 $0x3  }
0x17: {  	_ =	swait.ge @!p0 [sflag:s22], $0x27200  }
0x18: {  	[sflag:s22] =	ssyncset.done @!p0 $0x0  }
0x19: {  	[sflag:s22] =	ssyncadd.s32 @!p0 $0xFFFD8E00  }
0x1a: {  	[bflag:$0x0] =	sbarrier.arrive $0xFFFF  }
0x1b: {  	[tilespmem:s2], [sflag:$0x3] =	stream.linear.gather [hbm4b:s5+s2], $0x80, $0x38;
	[tilespmem:$0x1BA00] =	vst v63  }
0x1c: {  	_ =	swait.ge [sflag:s15], $0x80  }
0x1d: {  	[sflag:s15] =	ssyncset.done $0x0  }
0x1e: {  	s30 =	sadd.s32 $0x20, s12;
	s23 =	simm.s32 $0x10;
	[sflag:s15] =	ssyncadd.s32 $0xFFFFFF80  }
0x1f: {  	[tilespmem:s16], [sflag:$0x1] =	stream.linear.gather [hbm4b:s6+s2], $0x4000, $0x38;
	[tilespmem:$0x1BA00] =	vst v63  }
0x20: {  	s24 =	sadd.s32 $0xFFFFFFF0, s30;
	s23 =	sand.u32 $0x70, s23;
	_ =	swait.ge [sflag:s17], $0x4000  }
0x21: {  	s24 =	sand.u32 $0xFFFFF80, s24;
	s23 =	sadd.s32 s3, s23;
	[sflag:s17] =	ssyncset.done $0x0  }
0x22: {  	s23 =	sadd.s32 s24, s23;
	[sflag:s17] =	ssyncadd.s32 $0xFFFFC000  }
0x23: {  	[tilespmem:s18], [sflag:$0x3] =	stream.linear.gather [hbm4b:s23+s2], $0x80, $0x38;
	[tilespmem:$0x1BA00] =	vst v63  }
0x24: {  	_ =	swait.ge [sflag:s15], $0x80  }
0x25: {  	[sflag:s15] =	ssyncset.done $0x0  }
0x26: {  	[sflag:s15] =	ssyncadd.s32 $0xFFFFFF80  }
0x27: {  	[tilespmem:s19], [sflag:$0x2] =	stream.linear.gather [hbm4b:s11+s2], $0x4000, $0x38;
	[tilespmem:$0x1BA00] =	vst v63  }
0x28: {  	_ = 	snop  }
0x29: {  	[spmem:s1] =	stream.indirect.scatter.add.f32 [tilespmem:s16], [sflag:$0x3], $0x80, s2, s18, $0xb8;
	[tilespmem:$0x1BA00] =	vst v63  }
0x2a: {  	_ =	swait.ge [sflag:s15], $0x4000  }
0x2b: {  	[sflag:s15] =	ssyncset.done $0x0  }
0x2c: {  	s31 =	simm.s32 $0x20;
	[sflag:s15] =	ssyncadd.s32 $0xFFFFC000  }
0x2d: {  	s23 =	sand.u32 $0x60, s31;
	_ =	swait.ge [sflag:s20], $0x4000  }
0x2e: {  	s22 =	sand.u32 $0xFFFFF80, s30;
	s23 =	sadd.s32 s3, s23;
	[sflag:s20] =	ssyncset.done $0x0  }
0x2f: {  	s22 =	sadd.s32 s22, s23;
	[sflag:s20] =	ssyncadd.s32 $0xFFFFC000  }
0x30: {  	[tilespmem:s2], [sflag:$0x3] =	stream.linear.gather [hbm4b:s22+s2], $0x80, $0x38;
	[tilespmem:$0x1BA00] =	vst v63  }
0x31: {  	_ =	swait.ge [sflag:s15], $0x80  }
0x32: {  	[sflag:s15] =	ssyncset.done $0x0  }
0x33: {  	[sflag:s15] =	ssyncadd.s32 $0xFFFFFF80  }
0x34: {  	[tilespmem:s16], [sflag:$0x1] =	stream.linear.gather [hbm4b:s13+s2], $0x4000, $0x38;
	[tilespmem:$0x1BA00] =	vst v63  }
0x35: {  	_ = 	snop  }
0x36: {  	[spmem:s1] =	stream.indirect.scatter.add.f32 [tilespmem:s19], [sflag:$0x3], $0x80, s18, s18, $0xb8;
	[tilespmem:$0x1BA00] =	vst v63  }
0x37: {  	s24 =	smov.u32 s13;
	_ =	swait.ge [sflag:s15], $0x4000  }
0x38: {  	s23 =	smov.u32 s11;
	s22 =	simm.s32 $0x40;
	[sflag:s15] =	ssyncset.done $0x0  }
.LBB2_2:
0x39: {  	[sflag:s15] =	ssyncadd.s32 $0xFFFFC000;
	s23 =	sadd.s32 $0x1000, s23;
	s24 =	sadd.s32 $0x1000, s24  }
0x3a: {  	s25 =	sadd.s32 s22, s12;
	s26 =	sadd.s32 $0xFFFFFFF0, s22;
	p1 =	sne.s32 s22, $0x260  }
0x3b: {  	s28 =	sadd.s32 $0xFFFFFFF0, s25;
	s26 =	sand.u32 $0x70, s26;
	_ =	swait.ge [sflag:s17], $0x4000  }
0x3c: {  	s28 =	sand.u32 $0xFFFFF80, s28;
	s26 =	sadd.s32 s3, s26;
	[sflag:s17] =	ssyncset.done $0x0  }
0x3d: {  	s25 =	sand.u32 $0xFFFFF80, s25;
	s26 =	sadd.s32 s28, s26;
	[sflag:s17] =	ssyncadd.s32 $0xFFFFC000  }
0x3e: {  	[tilespmem:s18], [sflag:$0x3] =	stream.linear.gather [hbm4b:s26+s2], $0x80, $0x38;
	[tilespmem:$0x1BA00] =	vst v63  }
0x3f: {  	s26 =	smov.u32 s22;
	s22 =	sadd.s32 $0x20, s22;
	_ =	swait.ge [sflag:s15], $0x80  }
0x40: {  	[sflag:s15] =	ssyncset.done $0x0  }
0x41: {  	[sflag:s15] =	ssyncadd.s32 $0xFFFFFF80  }
0x42: {  	[tilespmem:s19], [sflag:$0x2] =	stream.linear.gather [hbm4b:s23+s2], $0x4000, $0x38;
	[tilespmem:$0x1BA00] =	vst v63  }
0x43: {  	_ = 	snop  }
0x44: {  	[spmem:s1] =	stream.indirect.scatter.add.f32 [tilespmem:s16], [sflag:$0x3], $0x80, s2, s18, $0xb8;
	[tilespmem:$0x1BA00] =	vst v63  }
0x45: {  	_ =	swait.ge [sflag:s15], $0x4000  }
0x46: {  	[sflag:s15] =	ssyncset.done $0x0  }
0x47: {  	[sflag:s15] =	ssyncadd.s32 $0xFFFFC000  }
0x48: {  	s26 =	sand.u32 $0x60, s26;
	_ =	swait.ge [sflag:s20], $0x4000  }
0x49: {  	s26 =	sadd.s32 s3, s26;
	[sflag:s20] =	ssyncset.done $0x0  }
0x4a: {  	s25 =	sadd.s32 s25, s26;
	[sflag:s20] =	ssyncadd.s32 $0xFFFFC000  }
0x4b: {  	[tilespmem:s2], [sflag:$0x3] =	stream.linear.gather [hbm4b:s25+s2], $0x80, $0x38;
	[tilespmem:$0x1BA00] =	vst v63  }
0x4c: {  	_ =	swait.ge [sflag:s15], $0x80  }
0x4d: {  	[sflag:s15] =	ssyncset.done $0x0  }
0x4e: {  	[sflag:s15] =	ssyncadd.s32 $0xFFFFFF80  }
0x4f: {  	[tilespmem:s16], [sflag:$0x1] =	stream.linear.gather [hbm4b:s24+s2], $0x4000, $0x38;
	[tilespmem:$0x1BA00] =	vst v63  }
.Ltmp0:
0x50: {  	_ = 	snop;
	(pc) =	sbr.rel @p1 .LBB2_2-.Ltmp0, $4  }
0x51: {  	_ = 	snop  }
0x52: {  	[spmem:s1] =	stream.indirect.scatter.add.f32 [tilespmem:s19], [sflag:$0x3], $0x80, s18, s18, $0xb8;
	[tilespmem:$0x1BA00] =	vst v63  }
0x53: {  	_ =	swait.ge [sflag:s15], $0x4000  }
0x54: {  	[sflag:s15] =	ssyncset.done $0x0  }
0x55: {  	[sflag:s15] =	ssyncadd.s32 $0xFFFFC000  }
0x56: {  	_ =	swait.ge [sflag:s17], $0x4000  }
0x57: {  	[sflag:s17] =	ssyncset.done $0x0  }
0x58: {  	[sflag:s17] =	ssyncadd.s32 $0xFFFFC000  }
0x59: {  	[tilespmem:s18], [sflag:$0x3] =	stream.linear.gather [hbm4b:s9+s2], $0x80, $0x38;
	[tilespmem:$0x1BA00] =	vst v63  }
0x5a: {  	_ =	swait.ge [sflag:s15], $0x80  }
0x5b: {  	[sflag:s15] =	ssyncset.done $0x0  }
0x5c: {  	[sflag:s15] =	ssyncadd.s32 $0xFFFFFF80  }
0x5d: {  	[tilespmem:s19], [sflag:$0x2] =	stream.linear.gather [hbm4b:s10+s2], $0x4000, $0x38;
	[tilespmem:$0x1BA00] =	vst v63  }
0x5e: {  	_ = 	snop  }
0x5f: {  	[spmem:s1] =	stream.indirect.scatter.add.f32 [tilespmem:s16], [sflag:$0x3], $0x80, s2, s18, $0xb8;
	[tilespmem:$0x1BA00] =	vst v63  }
0x60: {  	_ =	swait.ge [sflag:s15], $0x4000  }
0x61: {  	[sflag:s15] =	ssyncset.done $0x0  }
0x62: {  	[sflag:s15] =	ssyncadd.s32 $0xFFFFC000  }
0x63: {  	_ =	swait.ge [sflag:s20], $0x4000  }
0x64: {  	[sflag:s20] =	ssyncset.done $0x0  }
0x65: {  	[sflag:s20] =	ssyncadd.s32 $0xFFFFC000  }
0x66: {  	[spmem:s1] =	stream.indirect.scatter.add.f32 [tilespmem:s19], [sflag:$0x3], $0x80, s18, s18, $0xb8;
	[tilespmem:$0x1BA00] =	vst v63  }
0x67: {  	_ =	swait.ge [sflag:s15], $0x4000  }
0x68: {  	[sflag:s15] =	ssyncset.done $0x0  }
0x69: {  	s21 =	sadd.s32 $0x1, s21;
	[sflag:s15] =	ssyncadd.s32 $0xFFFFC000  }
0x6a: {  	s22 =	simm.s32 @!p0 $0x1C03;
	p1 =	sne.s32 s21, s8;
	[bflag:$0x0] =	sbarrier.arrive $0xFFFF  }
0x6b: {  	[hbm:s7], [sflag:s22] =	dma.local @!p0 [spmem:s14], $0x27100  }
.Ltmp1:
0x6c: {  	_ = 	snop;
	(pc) =	sbr.rel @p1 .LBB2_1-.Ltmp1, $4  }
0x6d: {  	s22 =	simm.s32 @!p0 $0x3  }
0x6e: {  	_ =	swait.ge @!p0 [sflag:s22], $0x27100  }
0x6f: {  	[sflag:s22] =	ssyncset.done @!p0 $0x0  }
0x70: {  	[sflag:s22] =	ssyncadd.s32 @!p0 $0xFFFD8F00  }
0x71: {  	_ =	sfence.sel $0x180000  }
0x72: {  	[bflag:$0x0] =	sbarrier.arrive $0xFFFF  }
0x73: {  	_ =	strace $0x9000004D  }
0x74: {  	s0 =	sadd.s32 @!p0 $0x100000, s0;
	[bflag:$0x2] =	sbarrier.arrive $0xFFFF  }
0x75: {  	[sflag:s0] =	ssyncadd.tile.s32 @!p0 $0x1;
	_ =	shalt  }
.Lfunc_end2:
_tile_overlayer_lowered:
.L_overlay_start_2:
0x76: {  	(tag) =	ssettag $0x2  }
0x77: {  	s0 =	rddreg [dreg:$0x0];
	s2 =	stileid.u32  }
0x78: {  	s1 =	rddreg [dreg:$0x1];
	p0 =	sne.s32 s2, $0x0  }
0x79: {  	s3 =	rddreg [dreg:$0x2];
	[bflag:$0x3] =	sbarrier.arrive $0xFFFF;
	s2 =	simm.s32 @!p0 $0x1C03  }
0x7a: {  	[timem:s3], [sflag:s2] =	dma.local @!p0 [hbm:s0], s1  }
0x7b: {  	s0 =	simm.s32 @!p0 $0x3  }
0x7c: {  	_ =	swait.ge @!p0 [sflag:s0], s1  }
0x7d: {  	s1 =	ssub.s32 @!p0 $0x0, s1;
	[sflag:s0] =	ssyncset.done @!p0 $0x0  }
0x7e: {  	[sflag:s0] =	ssyncadd.s32 @!p0 s1  }
0x7f: {  	[bflag:$0x3] =	sbarrier.arrive $0xFFFF  }
0x80: {  	_ =	shalt  }

</sc_bundles>
